<compile_context>
chip_gen: v7x
topology: tpu7x:2x2x1
jax: 0.10.2.dev20260603
libtpu: 0.0.44.dev20260713+nightly
codegen_flags: <defaults>
</compile_context>

<pallas_src>
import functools

import jax
import jax.numpy as jnp
from jax import lax
from jax.experimental import pallas as pl
from jax.experimental.pallas import tpu as pltpu
from jax.experimental.pallas import tpu_sc as plsc

H = 128
N = 10000
E = 320000
NUM_STEPS = 5

NC = 2
NS = 16
NW = NC * NS
CH = 128
EPW = 10112
NCHUNK = EPW // CH
EPAD = EPW * NW
NPAD = 10240
RPT = NPAD // NS
DW = 16

_sc_mesh = plsc.VectorSubcoreMesh(core_axis_name="c", subcore_axis_name="s")


def _seg_body(row_hbm, col_hbm, h_hbm, zeros_hbm, out_hbm,
              col_v, row_v, rows_v, acc_sh, gsem):
  c = lax.axis_index("c")
  s = lax.axis_index("s")
  wid = c * NS + s
  base = wid * EPW

  pltpu.sync_copy(zeros_hbm, rows_v)
  for k in range(RPT // CH):
    pltpu.sync_copy(rows_v, acc_sh.at[pl.ds(s * RPT + k * CH, CH)])
  plsc.subcore_barrier()

  def chunk(j, carry):
    off = pl.multiple_of(base + j * CH, 8)
    pltpu.sync_copy(col_hbm.at[pl.ds(off, CH)], col_v)
    pltpu.sync_copy(row_hbm.at[pl.ds(off, CH)], row_v)
    pltpu.async_copy(h_hbm.at[col_v], rows_v, gsem).wait()
    pltpu.sync_copy(rows_v, acc_sh.at[row_v], add=True)
    return carry

  lax.fori_loop(0, NCHUNK, chunk, 0)
  plsc.subcore_barrier()

  for k in range(RPT // CH):
    r0 = s * RPT + k * CH
    pltpu.sync_copy(acc_sh.at[pl.ds(r0, CH)], rows_v)
    pltpu.sync_copy(rows_v, out_hbm.at[c, pl.ds(r0, CH)])


_seg_call = functools.partial(
    pl.kernel,
    out_type=jax.ShapeDtypeStruct((NC, NPAD, H), jnp.float32),
    mesh=_sc_mesh,
    scratch_types=[
        pltpu.VMEM((CH,), jnp.int32),
        pltpu.VMEM((CH,), jnp.int32),
        pltpu.VMEM((CH, H), jnp.float32),
        pltpu.VMEM_SHARED((NPAD, H), jnp.float32),
        pltpu.SemaphoreType.DMA,
    ],
)(_seg_body)


def _deg_body(row_hbm, const_hbm, out_hbm, row_v, ones_v, deg_sh, gsem):
  c = lax.axis_index("c")
  s = lax.axis_index("s")
  wid = c * NS + s
  base = wid * EPW

  pltpu.sync_copy(const_hbm.at[pl.ds(0, CH)], ones_v)
  for k in range(RPT // CH):
    pltpu.sync_copy(ones_v, deg_sh.at[pl.ds(s * RPT + k * CH, CH)])
  pltpu.sync_copy(const_hbm.at[pl.ds(CH, CH)], ones_v)
  plsc.subcore_barrier()

  def chunk(j, carry):
    off = pl.multiple_of(base + j * CH, 8)
    pltpu.sync_copy(row_hbm.at[pl.ds(off, CH)], row_v)
    pltpu.sync_copy(ones_v, deg_sh.at[row_v], add=True)
    return carry

  lax.fori_loop(0, NCHUNK, chunk, 0)
  plsc.subcore_barrier()

  for k in range(RPT // CH):
    r0 = s * RPT + k * CH
    pltpu.sync_copy(deg_sh.at[pl.ds(r0, CH)], ones_v)
    pltpu.sync_copy(ones_v, out_hbm.at[c, pl.ds(r0, CH)])


_deg_call = functools.partial(
    pl.kernel,
    out_type=jax.ShapeDtypeStruct((NC, NPAD, DW), jnp.float32),
    mesh=_sc_mesh,
    scratch_types=[
        pltpu.VMEM((CH,), jnp.int32),
        pltpu.VMEM((CH, DW), jnp.float32),
        pltpu.VMEM_SHARED((NPAD, DW), jnp.float32),
        pltpu.SemaphoreType.DMA,
    ],
)(_deg_body)


BN = 1000


def _gru_block(sp_ref, dp_ref, h_ref, wm_ref, wih_ref, whh_ref,
               bm_ref, bih_ref, bhh_ref, out_ref):
  S = sp_ref[0] + sp_ref[1]
  deg = dp_ref[0, :, 0:1] + dp_ref[1, :, 0:1]
  h = h_ref[...]
  agg = jnp.dot(S, wm_ref[...], preferred_element_type=jnp.float32)
  agg = agg + deg * bm_ref[...]
  gi = jnp.dot(agg, wih_ref[...], preferred_element_type=jnp.float32)
  gi = gi + bih_ref[...]
  gh = jnp.dot(h, whh_ref[...], preferred_element_type=jnp.float32)
  gh = gh + bhh_ref[...]
  r = jax.nn.sigmoid(gi[:, :H] + gh[:, :H])
  z = jax.nn.sigmoid(gi[:, H:2 * H] + gh[:, H:2 * H])
  n = jnp.tanh(gi[:, 2 * H:] + r * gh[:, 2 * H:])
  out_ref[...] = (1.0 - z) * n + z * h


def _gru_call(Sp, degp, h, Wm_t, Wih_t, Whh_t, bm, bih, bhh):
  nb = N // BN
  full = lambda shape: pl.BlockSpec(shape, lambda i: (0,) * len(shape))
  return pl.pallas_call(
      _gru_block,
      grid=(nb,),
      in_specs=[
          pl.BlockSpec((NC, BN, H), lambda i: (0, i, 0)),
          pl.BlockSpec((NC, BN, DW), lambda i: (0, i, 0)),
          pl.BlockSpec((BN, H), lambda i: (i, 0)),
          full((H, H)),
          full((H, 3 * H)),
          full((H, 3 * H)),
          full((1, H)),
          full((1, 3 * H)),
          full((1, 3 * H)),
      ],
      out_specs=pl.BlockSpec((BN, H), lambda i: (i, 0)),
      out_shape=jax.ShapeDtypeStruct((N, H), jnp.float32),
  )(Sp, degp, h, Wm_t, Wih_t, Whh_t, bm, bih, bhh)


def kernel(x, edge_index, W_msg, b_msg, weight_ih, weight_hh, bias_ih, bias_hh):
  row = edge_index[0].astype(jnp.int32)
  col = edge_index[1].astype(jnp.int32)
  pad = EPAD - E
  rowp = jnp.concatenate([row, jnp.full((pad,), N, jnp.int32)])
  colp = jnp.concatenate([col, jnp.zeros((pad,), jnp.int32)])
  zeros_hbm = jnp.zeros((CH, H), jnp.float32)
  const16 = jnp.concatenate(
      [jnp.zeros((CH, DW), jnp.float32), jnp.ones((CH, DW), jnp.float32)])

  degp = _deg_call(rowp, const16)

  Wm_t = W_msg.T
  Wih_t = weight_ih.T
  Whh_t = weight_hh.T
  bm = b_msg.reshape(1, H)
  bih = bias_ih.reshape(1, 3 * H)
  bhh = bias_hh.reshape(1, 3 * H)

  h = x
  for _ in range(NUM_STEPS):
    Sp = _seg_call(rowp, colp, h, zeros_hbm)
    h = _gru_call(Sp, degp, h, Wm_t, Wih_t, Whh_t, bm, bih, bhh)
  return h

# --- scband reference (transcript-rebuilt; emitter-appended) ---
"""Pipeline reference for scband-gated-graph-neural-network-74491912781909 (READ-ONLY COPY).

The authoritative reference and input builder live on the scoring server;
editing this copy changes nothing except your own understanding.
"""

import jax, jax.numpy as jnp
import numpy as np

H = 128
N = 10000
E = 320000
NUM_STEPS = 5

def setup_inputs(seed: int = 0) -> dict:
    key = jax.random.key(seed)
    ks = jax.random.split(key, 8)
    x = jax.random.normal(ks[0], (N, H), dtype=jnp.float32)
    edge_index = jax.random.randint(ks[1], (2, E), 0, N, dtype=jnp.int64)
    s = 1.0 / np.sqrt(H)
    W_msg = jax.random.uniform(ks[2], (H, H), dtype=jnp.float32, minval=-s, maxval=s)
    b_msg = jax.random.uniform(ks[3], (H,), dtype=jnp.float32, minval=-s, maxval=s)
    weight_ih = jax.random.uniform(ks[4], (3 * H, H), dtype=jnp.float32, minval=-s, maxval=s)
    weight_hh = jax.random.uniform(ks[5], (3 * H, H), dtype=jnp.float32, minval=-s, maxval=s)
    bias_ih = jax.random.uniform(ks[6], (3 * H,), dtype=jnp.float32, minval=-s, maxval=s)
    bias_hh = jax.random.uniform(ks[7], (3 * H,), dtype=jnp.float32, minval=-s, maxval=s)
    return {"x": x, "edge_index": edge_index, "W_msg": W_msg, "b_msg": b_msg,
            "weight_ih": weight_ih, "weight_hh": weight_hh, "bias_ih": bias_ih, "bias_hh": bias_hh}

def _gru_cell(inp, h, weight_ih, weight_hh, bias_ih, bias_hh):
    gi = inp @ weight_ih.T + bias_ih
    gh = h @ weight_hh.T + bias_hh
    i_r, i_z, i_n = gi[:, :H], gi[:, H:2*H], gi[:, 2*H:]
    h_r, h_z, h_n = gh[:, :H], gh[:, H:2*H], gh[:, 2*H:]
    r = jax.nn.sigmoid(i_r + h_r)
    z = jax.nn.sigmoid(i_z + h_z)
    n = jnp.tanh(i_n + r * h_n)
    return (1.0 - z) * n + z * h

def reference(x, edge_index, W_msg, b_msg, weight_ih, weight_hh, bias_ih, bias_hh):
    row = edge_index[0]
    col = edge_index[1]
    h = x
    for _ in range(NUM_STEPS):
        messages = jnp.take(h, col, axis=0) @ W_msg.T + b_msg
        agg = jax.ops.segment_sum(messages, row, num_segments=N)
        h = _gru_cell(agg, h, weight_ih, weight_hh, bias_ih, bias_hh)
    return h

if __name__ == "__main__":
    import jax
    _d = setup_inputs()
    print(jax.jit(kernel)(*tuple(_d.values())))

</pallas_src>

<mosaic_0001>
#map = affine_map<(d0, d1) -> (0)>
#map1 = affine_map<(d0, d1) -> (0, 0)>
#map2 = affine_map<(d0, d1) -> (0, 0, 0)>
module attributes {stable_mosaic.version = 14 : i64} {
  func.func @_seg_body(%arg0: i32, %arg1: i32, %arg2: memref<323584xi32, #tpu.memory_space<hbm>>, %arg3: memref<323584xi32, #tpu.memory_space<hbm>>, %arg4: memref<10000x128xf32, #tpu.memory_space<hbm>>, %arg5: memref<128x128xf32, #tpu.memory_space<hbm>>, %arg6: memref<2x10240x128xf32, #tpu.memory_space<hbm>>, %arg7: memref<128xi32, #tpu.memory_space<vmem>>, %arg8: memref<128xi32, #tpu.memory_space<vmem>>, %arg9: memref<128x128xf32, #tpu.memory_space<vmem>>, %arg10: memref<10240x128xf32, #tpu.memory_space<vmem_shared>>, %arg11: memref<!tpu.dma_semaphore, #tpu.memory_space<semaphore_mem>>) attributes {dimension_semantics = [#tpu.dimension_semantics<core_parallel>, #tpu.dimension_semantics<subcore_parallel>], iteration_bounds = array<i64: 2, 16>, scalar_prefetch = 0 : i64, scratch_operands = 5 : i64, tpu.core_type = #tpu.core_type<sc_vector_subcore>, window_params = [{transform_indices = #map}, {transform_indices = #map}, {transform_indices = #map1}, {transform_indices = #map1}, {transform_indices = #map2}]} {
    %mul3A = arith.constant 16 : i32
    %mul3A_0 = arith.muli %arg0, %mul3A : i32
    %add3A = arith.addi %mul3A_0, %arg1 : i32
    %mul3A_1 = arith.constant 10112 : i32
    %mul3A_2 = arith.muli %add3A, %mul3A_1 : i32
    "tpu.region"() ({
      %run_scoped3A = tpu.sem_alloc : memref<!tpu.dma_semaphore, #tpu.memory_space<semaphore_mem>>
      tpu.enqueue_dma source(%arg5 : memref<128x128xf32, #tpu.memory_space<hbm>>) target(%arg9 : memref<128x128xf32, #tpu.memory_space<vmem>>) target_semaphore(%run_scoped3A : memref<!tpu.dma_semaphore, #tpu.memory_space<semaphore_mem>>)
      tpu.wait_dma2 semaphore(%run_scoped3A : memref<!tpu.dma_semaphore, #tpu.memory_space<semaphore_mem>>) src(%arg5 : memref<128x128xf32, #tpu.memory_space<hbm>>) dst(%arg9 : memref<128x128xf32, #tpu.memory_space<vmem>>)
      tpu.yield
    }) : () -> ()
    %mul3A_3 = arith.constant 640 : i32
    %mul3A_4 = arith.muli %arg1, %mul3A_3 : i32
    %add3A_5 = arith.constant 0 : i32
    %add3A_6 = arith.addi %mul3A_4, %add3A_5 : i32
    "tpu.region"() ({
      %run_scoped3A = tpu.sem_alloc : memref<!tpu.dma_semaphore, #tpu.memory_space<semaphore_mem>>
      %dma_start3A = arith.constant 0 : i32
      %dma_start3A_49 = tpu.memref_slice %arg10[%add3A_6, %dma_start3A] : memref<10240x128xf32, #tpu.memory_space<vmem_shared>> -> memref<128x128xf32, #tpu.memory_space<vmem_shared>>
      %dma_start3A_50 = arith.constant 0 : i32
      %dma_start3A_51 = tpu.memref_slice %arg10[%add3A_6, %dma_start3A_50] : memref<10240x128xf32, #tpu.memory_space<vmem_shared>> -> memref<128x128xf32, #tpu.memory_space<vmem_shared>>
      tpu.enqueue_dma source(%arg9 : memref<128x128xf32, #tpu.memory_space<vmem>>) target(%dma_start3A_51 : memref<128x128xf32, #tpu.memory_space<vmem_shared>>) target_semaphore(%run_scoped3A : memref<!tpu.dma_semaphore, #tpu.memory_space<semaphore_mem>>)
      %dma_wait3A = arith.constant 0 : i32
      %dma_wait3A_52 = tpu.memref_slice %arg10[%add3A_6, %dma_wait3A] : memref<10240x128xf32, #tpu.memory_space<vmem_shared>> -> memref<128x128xf32, #tpu.memory_space<vmem_shared>>
      %dma_wait3A_53 = arith.constant 0 : i32
      %dma_wait3A_54 = tpu.memref_slice %arg10[%add3A_6, %dma_wait3A_53] : memref<10240x128xf32, #tpu.memory_space<vmem_shared>> -> memref<128x128xf32, #tpu.memory_space<vmem_shared>>
      tpu.wait_dma2 semaphore(%run_scoped3A : memref<!tpu.dma_semaphore, #tpu.memory_space<semaphore_mem>>) src(%arg9 : memref<128x128xf32, #tpu.memory_space<vmem>>) dst(%dma_wait3A_54 : memref<128x128xf32, #tpu.memory_space<vmem_shared>>)
      tpu.yield
    }) : () -> ()
    %mul3A_7 = arith.constant 640 : i32
    %mul3A_8 = arith.muli %arg1, %mul3A_7 : i32
    %add3A_9 = arith.constant 128 : i32
    %add3A_10 = arith.addi %mul3A_8, %add3A_9 : i32
    "tpu.region"() ({
      %run_scoped3A = tpu.sem_alloc : memref<!tpu.dma_semaphore, #tpu.memory_space<semaphore_mem>>
      %dma_start3A = arith.constant 0 : i32
      %dma_start3A_49 = tpu.memref_slice %arg10[%add3A_10, %dma_start3A] : memref<10240x128xf32, #tpu.memory_space<vmem_shared>> -> memref<128x128xf32, #tpu.memory_space<vmem_shared>>
      %dma_start3A_50 = arith.constant 0 : i32
      %dma_start3A_51 = tpu.memref_slice %arg10[%add3A_10, %dma_start3A_50] : memref<10240x128xf32, #tpu.memory_space<vmem_shared>> -> memref<128x128xf32, #tpu.memory_space<vmem_shared>>
      tpu.enqueue_dma source(%arg9 : memref<128x128xf32, #tpu.memory_space<vmem>>) target(%dma_start3A_51 : memref<128x128xf32, #tpu.memory_space<vmem_shared>>) target_semaphore(%run_scoped3A : memref<!tpu.dma_semaphore, #tpu.memory_space<semaphore_mem>>)
      %dma_wait3A = arith.constant 0 : i32
      %dma_wait3A_52 = tpu.memref_slice %arg10[%add3A_10, %dma_wait3A] : memref<10240x128xf32, #tpu.memory_space<vmem_shared>> -> memref<128x128xf32, #tpu.memory_space<vmem_shared>>
      %dma_wait3A_53 = arith.constant 0 : i32
      %dma_wait3A_54 = tpu.memref_slice %arg10[%add3A_10, %dma_wait3A_53] : memref<10240x128xf32, #tpu.memory_space<vmem_shared>> -> memref<128x128xf32, #tpu.memory_space<vmem_shared>>
      tpu.wait_dma2 semaphore(%run_scoped3A : memref<!tpu.dma_semaphore, #tpu.memory_space<semaphore_mem>>) src(%arg9 : memref<128x128xf32, #tpu.memory_space<vmem>>) dst(%dma_wait3A_54 : memref<128x128xf32, #tpu.memory_space<vmem_shared>>)
      tpu.yield
    }) : () -> ()
    %mul3A_11 = arith.constant 640 : i32
    %mul3A_12 = arith.muli %arg1, %mul3A_11 : i32
    %add3A_13 = arith.constant 256 : i32
    %add3A_14 = arith.addi %mul3A_12, %add3A_13 : i32
    "tpu.region"() ({
      %run_scoped3A = tpu.sem_alloc : memref<!tpu.dma_semaphore, #tpu.memory_space<semaphore_mem>>
      %dma_start3A = arith.constant 0 : i32
      %dma_start3A_49 = tpu.memref_slice %arg10[%add3A_14, %dma_start3A] : memref<10240x128xf32, #tpu.memory_space<vmem_shared>> -> memref<128x128xf32, #tpu.memory_space<vmem_shared>>
      %dma_start3A_50 = arith.constant 0 : i32
      %dma_start3A_51 = tpu.memref_slice %arg10[%add3A_14, %dma_start3A_50] : memref<10240x128xf32, #tpu.memory_space<vmem_shared>> -> memref<128x128xf32, #tpu.memory_space<vmem_shared>>
      tpu.enqueue_dma source(%arg9 : memref<128x128xf32, #tpu.memory_space<vmem>>) target(%dma_start3A_51 : memref<128x128xf32, #tpu.memory_space<vmem_shared>>) target_semaphore(%run_scoped3A : memref<!tpu.dma_semaphore, #tpu.memory_space<semaphore_mem>>)
      %dma_wait3A = arith.constant 0 : i32
      %dma_wait3A_52 = tpu.memref_slice %arg10[%add3A_14, %dma_wait3A] : memref<10240x128xf32, #tpu.memory_space<vmem_shared>> -> memref<128x128xf32, #tpu.memory_space<vmem_shared>>
      %dma_wait3A_53 = arith.constant 0 : i32
      %dma_wait3A_54 = tpu.memref_slice %arg10[%add3A_14, %dma_wait3A_53] : memref<10240x128xf32, #tpu.memory_space<vmem_shared>> -> memref<128x128xf32, #tpu.memory_space<vmem_shared>>
      tpu.wait_dma2 semaphore(%run_scoped3A : memref<!tpu.dma_semaphore, #tpu.memory_space<semaphore_mem>>) src(%arg9 : memref<128x128xf32, #tpu.memory_space<vmem>>) dst(%dma_wait3A_54 : memref<128x128xf32, #tpu.memory_space<vmem_shared>>)
      tpu.yield
    }) : () -> ()
    %mul3A_15 = arith.constant 640 : i32
    %mul3A_16 = arith.muli %arg1, %mul3A_15 : i32
    %add3A_17 = arith.constant 384 : i32
    %add3A_18 = arith.addi %mul3A_16, %add3A_17 : i32
    "tpu.region"() ({
      %run_scoped3A = tpu.sem_alloc : memref<!tpu.dma_semaphore, #tpu.memory_space<semaphore_mem>>
      %dma_start3A = arith.constant 0 : i32
      %dma_start3A_49 = tpu.memref_slice %arg10[%add3A_18, %dma_start3A] : memref<10240x128xf32, #tpu.memory_space<vmem_shared>> -> memref<128x128xf32, #tpu.memory_space<vmem_shared>>
      %dma_start3A_50 = arith.constant 0 : i32
      %dma_start3A_51 = tpu.memref_slice %arg10[%add3A_18, %dma_start3A_50] : memref<10240x128xf32, #tpu.memory_space<vmem_shared>> -> memref<128x128xf32, #tpu.memory_space<vmem_shared>>
      tpu.enqueue_dma source(%arg9 : memref<128x128xf32, #tpu.memory_space<vmem>>) target(%dma_start3A_51 : memref<128x128xf32, #tpu.memory_space<vmem_shared>>) target_semaphore(%run_scoped3A : memref<!tpu.dma_semaphore, #tpu.memory_space<semaphore_mem>>)
      %dma_wait3A = arith.constant 0 : i32
      %dma_wait3A_52 = tpu.memref_slice %arg10[%add3A_18, %dma_wait3A] : memref<10240x128xf32, #tpu.memory_space<vmem_shared>> -> memref<128x128xf32, #tpu.memory_space<vmem_shared>>
      %dma_wait3A_53 = arith.constant 0 : i32
      %dma_wait3A_54 = tpu.memref_slice %arg10[%add3A_18, %dma_wait3A_53] : memref<10240x128xf32, #tpu.memory_space<vmem_shared>> -> memref<128x128xf32, #tpu.memory_space<vmem_shared>>
      tpu.wait_dma2 semaphore(%run_scoped3A : memref<!tpu.dma_semaphore, #tpu.memory_space<semaphore_mem>>) src(%arg9 : memref<128x128xf32, #tpu.memory_space<vmem>>) dst(%dma_wait3A_54 : memref<128x128xf32, #tpu.memory_space<vmem_shared>>)
      tpu.yield
    }) : () -> ()
    %mul3A_19 = arith.constant 640 : i32
    %mul3A_20 = arith.muli %arg1, %mul3A_19 : i32
    %add3A_21 = arith.constant 512 : i32
    %add3A_22 = arith.addi %mul3A_20, %add3A_21 : i32
    "tpu.region"() ({
      %run_scoped3A = tpu.sem_alloc : memref<!tpu.dma_semaphore, #tpu.memory_space<semaphore_mem>>
      %dma_start3A = arith.constant 0 : i32
      %dma_start3A_49 = tpu.memref_slice %arg10[%add3A_22, %dma_start3A] : memref<10240x128xf32, #tpu.memory_space<vmem_shared>> -> memref<128x128xf32, #tpu.memory_space<vmem_shared>>
      %dma_start3A_50 = arith.constant 0 : i32
      %dma_start3A_51 = tpu.memref_slice %arg10[%add3A_22, %dma_start3A_50] : memref<10240x128xf32, #tpu.memory_space<vmem_shared>> -> memref<128x128xf32, #tpu.memory_space<vmem_shared>>
      tpu.enqueue_dma source(%arg9 : memref<128x128xf32, #tpu.memory_space<vmem>>) target(%dma_start3A_51 : memref<128x128xf32, #tpu.memory_space<vmem_shared>>) target_semaphore(%run_scoped3A : memref<!tpu.dma_semaphore, #tpu.memory_space<semaphore_mem>>)
      %dma_wait3A = arith.constant 0 : i32
      %dma_wait3A_52 = tpu.memref_slice %arg10[%add3A_22, %dma_wait3A] : memref<10240x128xf32, #tpu.memory_space<vmem_shared>> -> memref<128x128xf32, #tpu.memory_space<vmem_shared>>
      %dma_wait3A_53 = arith.constant 0 : i32
      %dma_wait3A_54 = tpu.memref_slice %arg10[%add3A_22, %dma_wait3A_53] : memref<10240x128xf32, #tpu.memory_space<vmem_shared>> -> memref<128x128xf32, #tpu.memory_space<vmem_shared>>
      tpu.wait_dma2 semaphore(%run_scoped3A : memref<!tpu.dma_semaphore, #tpu.memory_space<semaphore_mem>>) src(%arg9 : memref<128x128xf32, #tpu.memory_space<vmem>>) dst(%dma_wait3A_54 : memref<128x128xf32, #tpu.memory_space<vmem_shared>>)
      tpu.yield
    }) : () -> ()
    %barrier3A = arith.constant 0 : index
    tpu.barrier barrier_id(%barrier3A)
    %scan3A = arith.constant 0 : i32
    %scan3A_23 = arith.constant 0 : i32
    %scan3A_24 = arith.constant 79 : i32
    %scan3A_25 = arith.addi %scan3A_23, %scan3A_24 : i32
    %scan3A_26 = arith.constant 1 : i32
    scf.for %scan3A_49 = %scan3A_23 to %scan3A_25 step %scan3A_26  : i32 {
      %mul3A_50 = arith.constant 128 : i32
      %mul3A_51 = arith.muli %scan3A_49, %mul3A_50 : i32
      %add3A_52 = arith.addi %mul3A_2, %mul3A_51 : i32
      %multiple_of3A = tpu.assume_multiple %add3A_52, 8 : i32
      "tpu.region"() ({
        %run_scoped3A = tpu.sem_alloc : memref<!tpu.dma_semaphore, #tpu.memory_space<semaphore_mem>>
        %dma_start3A_57 = tpu.memref_slice %arg3[%multiple_of3A] : memref<323584xi32, #tpu.memory_space<hbm>> -> memref<128xi32, #tpu.memory_space<hbm>>
        %dma_start3A_58 = tpu.memref_slice %arg3[%multiple_of3A] : memref<323584xi32, #tpu.memory_space<hbm>> -> memref<128xi32, #tpu.memory_space<hbm>>
        tpu.enqueue_dma source(%dma_start3A_58 : memref<128xi32, #tpu.memory_space<hbm>>) target(%arg7 : memref<128xi32, #tpu.memory_space<vmem>>) target_semaphore(%run_scoped3A : memref<!tpu.dma_semaphore, #tpu.memory_space<semaphore_mem>>)
        %dma_wait3A_59 = tpu.memref_slice %arg3[%multiple_of3A] : memref<323584xi32, #tpu.memory_space<hbm>> -> memref<128xi32, #tpu.memory_space<hbm>>
        %dma_wait3A_60 = tpu.memref_slice %arg3[%multiple_of3A] : memref<323584xi32, #tpu.memory_space<hbm>> -> memref<128xi32, #tpu.memory_space<hbm>>
        tpu.wait_dma2 semaphore(%run_scoped3A : memref<!tpu.dma_semaphore, #tpu.memory_space<semaphore_mem>>) src(%dma_wait3A_60 : memref<128xi32, #tpu.memory_space<hbm>>) dst(%arg7 : memref<128xi32, #tpu.memory_space<vmem>>)
        tpu.yield
      }) : () -> ()
      "tpu.region"() ({
        %run_scoped3A = tpu.sem_alloc : memref<!tpu.dma_semaphore, #tpu.memory_space<semaphore_mem>>
        %dma_start3A_57 = tpu.memref_slice %arg2[%multiple_of3A] : memref<323584xi32, #tpu.memory_space<hbm>> -> memref<128xi32, #tpu.memory_space<hbm>>
        %dma_start3A_58 = tpu.memref_slice %arg2[%multiple_of3A] : memref<323584xi32, #tpu.memory_space<hbm>> -> memref<128xi32, #tpu.memory_space<hbm>>
        tpu.enqueue_dma source(%dma_start3A_58 : memref<128xi32, #tpu.memory_space<hbm>>) target(%arg8 : memref<128xi32, #tpu.memory_space<vmem>>) target_semaphore(%run_scoped3A : memref<!tpu.dma_semaphore, #tpu.memory_space<semaphore_mem>>)
        %dma_wait3A_59 = tpu.memref_slice %arg2[%multiple_of3A] : memref<323584xi32, #tpu.memory_space<hbm>> -> memref<128xi32, #tpu.memory_space<hbm>>
        %dma_wait3A_60 = tpu.memref_slice %arg2[%multiple_of3A] : memref<323584xi32, #tpu.memory_space<hbm>> -> memref<128xi32, #tpu.memory_space<hbm>>
        tpu.wait_dma2 semaphore(%run_scoped3A : memref<!tpu.dma_semaphore, #tpu.memory_space<semaphore_mem>>) src(%dma_wait3A_60 : memref<128xi32, #tpu.memory_space<hbm>>) dst(%arg8 : memref<128xi32, #tpu.memory_space<vmem>>)
        tpu.yield
      }) : () -> ()
      %dma_start3A = arith.constant 0 : i32
      %dma_start3A_53 = arith.constant 0 : i32
      %dma_start3A_54 = tpu.memref_slice %arg4[%dma_start3A, %dma_start3A_53] : memref<10000x128xf32, #tpu.memory_space<hbm>> -> memref<10000x128xf32, #tpu.memory_space<hbm>>
      tpu.enqueue_indirect_dma source(%dma_start3A_54 : memref<10000x128xf32, #tpu.memory_space<hbm>>) target(%arg9 : memref<128x128xf32, #tpu.memory_space<vmem>>) offsets(%arg7 : memref<128xi32, #tpu.memory_space<vmem>>) semaphore(%arg11 : memref<!tpu.dma_semaphore, #tpu.memory_space<semaphore_mem>>)
      %dma_wait3A = arith.constant 0 : i32
      %dma_wait3A_55 = arith.constant 0 : i32
      %dma_wait3A_56 = tpu.memref_slice %arg4[%dma_wait3A, %dma_wait3A_55] : memref<10000x128xf32, #tpu.memory_space<hbm>> -> memref<10000x128xf32, #tpu.memory_space<hbm>>
      tpu.wait_indirect_dma semaphore(%arg11 : memref<!tpu.dma_semaphore, #tpu.memory_space<semaphore_mem>>) src(%dma_wait3A_56 : memref<10000x128xf32, #tpu.memory_space<hbm>>) dst(%arg9 : memref<128x128xf32, #tpu.memory_space<vmem>>)
      "tpu.region"() ({
        %run_scoped3A = tpu.sem_alloc : memref<!tpu.dma_semaphore, #tpu.memory_space<semaphore_mem>>
        %dma_start3A_57 = arith.constant 0 : i32
        %dma_start3A_58 = arith.constant 0 : i32
        %dma_start3A_59 = tpu.memref_slice %arg10[%dma_start3A_57, %dma_start3A_58] : memref<10240x128xf32, #tpu.memory_space<vmem_shared>> -> memref<10240x128xf32, #tpu.memory_space<vmem_shared>>
        tpu.enqueue_indirect_dma source(%arg9 : memref<128x128xf32, #tpu.memory_space<vmem>>) target(%dma_start3A_59 : memref<10240x128xf32, #tpu.memory_space<vmem_shared>>) offsets(%arg8 : memref<128xi32, #tpu.memory_space<vmem>>) semaphore(%run_scoped3A : memref<!tpu.dma_semaphore, #tpu.memory_space<semaphore_mem>>) {add = true}
        %dma_wait3A_60 = arith.constant 0 : i32
        %dma_wait3A_61 = arith.constant 0 : i32
        %dma_wait3A_62 = tpu.memref_slice %arg10[%dma_wait3A_60, %dma_wait3A_61] : memref<10240x128xf32, #tpu.memory_space<vmem_shared>> -> memref<10240x128xf32, #tpu.memory_space<vmem_shared>>
        tpu.wait_indirect_dma semaphore(%run_scoped3A : memref<!tpu.dma_semaphore, #tpu.memory_space<semaphore_mem>>) src(%arg9 : memref<128x128xf32, #tpu.memory_space<vmem>>) dst(%dma_wait3A_62 : memref<10240x128xf32, #tpu.memory_space<vmem_shared>>)
        tpu.yield
      }) : () -> ()
    }
    %scan3A_27 = arith.constant 79 : i32
    %barrier3A_28 = arith.constant 0 : index
    tpu.barrier barrier_id(%barrier3A_28)
    %mul3A_29 = arith.constant 640 : i32
    %mul3A_30 = arith.muli %arg1, %mul3A_29 : i32
    %add3A_31 = arith.constant 0 : i32
    %add3A_32 = arith.addi %mul3A_30, %add3A_31 : i32
    "tpu.region"() ({
      %run_scoped3A = tpu.sem_alloc : memref<!tpu.dma_semaphore, #tpu.memory_space<semaphore_mem>>
      %dma_start3A = arith.constant 0 : i32
      %dma_start3A_49 = tpu.memref_slice %arg10[%add3A_32, %dma_start3A] : memref<10240x128xf32, #tpu.memory_space<vmem_shared>> -> memref<128x128xf32, #tpu.memory_space<vmem_shared>>
      %dma_start3A_50 = arith.constant 0 : i32
      %dma_start3A_51 = tpu.memref_slice %arg10[%add3A_32, %dma_start3A_50] : memref<10240x128xf32, #tpu.memory_space<vmem_shared>> -> memref<128x128xf32, #tpu.memory_space<vmem_shared>>
      tpu.enqueue_dma source(%dma_start3A_51 : memref<128x128xf32, #tpu.memory_space<vmem_shared>>) target(%arg9 : memref<128x128xf32, #tpu.memory_space<vmem>>) target_semaphore(%run_scoped3A : memref<!tpu.dma_semaphore, #tpu.memory_space<semaphore_mem>>)
      %dma_wait3A = arith.constant 0 : i32
      %dma_wait3A_52 = tpu.memref_slice %arg10[%add3A_32, %dma_wait3A] : memref<10240x128xf32, #tpu.memory_space<vmem_shared>> -> memref<128x128xf32, #tpu.memory_space<vmem_shared>>
      %dma_wait3A_53 = arith.constant 0 : i32
      %dma_wait3A_54 = tpu.memref_slice %arg10[%add3A_32, %dma_wait3A_53] : memref<10240x128xf32, #tpu.memory_space<vmem_shared>> -> memref<128x128xf32, #tpu.memory_space<vmem_shared>>
      tpu.wait_dma2 semaphore(%run_scoped3A : memref<!tpu.dma_semaphore, #tpu.memory_space<semaphore_mem>>) src(%dma_wait3A_54 : memref<128x128xf32, #tpu.memory_space<vmem_shared>>) dst(%arg9 : memref<128x128xf32, #tpu.memory_space<vmem>>)
      tpu.yield
    }) : () -> ()
    "tpu.region"() ({
      %run_scoped3A = tpu.sem_alloc : memref<!tpu.dma_semaphore, #tpu.memory_space<semaphore_mem>>
      %dma_start3A = arith.constant 0 : i32
      %dma_start3A_49 = tpu.memref_slice %arg6[%arg0, %add3A_32, %dma_start3A] : memref<2x10240x128xf32, #tpu.memory_space<hbm>> -> memref<1x128x128xf32, #tpu.memory_space<hbm>>
      %dma_start3A_50 = tpu.memref_squeeze %dma_start3A_49 : memref<1x128x128xf32, #tpu.memory_space<hbm>> -> memref<128x128xf32, #tpu.memory_space<hbm>>
      %dma_start3A_51 = arith.constant 0 : i32
      %dma_start3A_52 = tpu.memref_slice %arg6[%arg0, %add3A_32, %dma_start3A_51] : memref<2x10240x128xf32, #tpu.memory_space<hbm>> -> memref<1x128x128xf32, #tpu.memory_space<hbm>>
      %dma_start3A_53 = tpu.memref_squeeze %dma_start3A_52 : memref<1x128x128xf32, #tpu.memory_space<hbm>> -> memref<128x128xf32, #tpu.memory_space<hbm>>
      tpu.enqueue_dma source(%arg9 : memref<128x128xf32, #tpu.memory_space<vmem>>) target(%dma_start3A_53 : memref<128x128xf32, #tpu.memory_space<hbm>>) target_semaphore(%run_scoped3A : memref<!tpu.dma_semaphore, #tpu.memory_space<semaphore_mem>>)
      %dma_wait3A = arith.constant 0 : i32
      %dma_wait3A_54 = tpu.memref_slice %arg6[%arg0, %add3A_32, %dma_wait3A] : memref<2x10240x128xf32, #tpu.memory_space<hbm>> -> memref<1x128x128xf32, #tpu.memory_space<hbm>>
      %dma_wait3A_55 = tpu.memref_squeeze %dma_wait3A_54 : memref<1x128x128xf32, #tpu.memory_space<hbm>> -> memref<128x128xf32, #tpu.memory_space<hbm>>
      %dma_wait3A_56 = arith.constant 0 : i32
      %dma_wait3A_57 = tpu.memref_slice %arg6[%arg0, %add3A_32, %dma_wait3A_56] : memref<2x10240x128xf32, #tpu.memory_space<hbm>> -> memref<1x128x128xf32, #tpu.memory_space<hbm>>
      %dma_wait3A_58 = tpu.memref_squeeze %dma_wait3A_57 : memref<1x128x128xf32, #tpu.memory_space<hbm>> -> memref<128x128xf32, #tpu.memory_space<hbm>>
      tpu.wait_dma2 semaphore(%run_scoped3A : memref<!tpu.dma_semaphore, #tpu.memory_space<semaphore_mem>>) src(%arg9 : memref<128x128xf32, #tpu.memory_space<vmem>>) dst(%dma_wait3A_58 : memref<128x128xf32, #tpu.memory_space<hbm>>)
      tpu.yield
    }) : () -> ()
    %mul3A_33 = arith.constant 640 : i32
    %mul3A_34 = arith.muli %arg1, %mul3A_33 : i32
    %add3A_35 = arith.constant 128 : i32
    %add3A_36 = arith.addi %mul3A_34, %add3A_35 : i32
    "tpu.region"() ({
      %run_scoped3A = tpu.sem_alloc : memref<!tpu.dma_semaphore, #tpu.memory_space<semaphore_mem>>
      %dma_start3A = arith.constant 0 : i32
      %dma_start3A_49 = tpu.memref_slice %arg10[%add3A_36, %dma_start3A] : memref<10240x128xf32, #tpu.memory_space<vmem_shared>> -> memref<128x128xf32, #tpu.memory_space<vmem_shared>>
      %dma_start3A_50 = arith.constant 0 : i32
      %dma_start3A_51 = tpu.memref_slice %arg10[%add3A_36, %dma_start3A_50] : memref<10240x128xf32, #tpu.memory_space<vmem_shared>> -> memref<128x128xf32, #tpu.memory_space<vmem_shared>>
      tpu.enqueue_dma source(%dma_start3A_51 : memref<128x128xf32, #tpu.memory_space<vmem_shared>>) target(%arg9 : memref<128x128xf32, #tpu.memory_space<vmem>>) target_semaphore(%run_scoped3A : memref<!tpu.dma_semaphore, #tpu.memory_space<semaphore_mem>>)
      %dma_wait3A = arith.constant 0 : i32
      %dma_wait3A_52 = tpu.memref_slice %arg10[%add3A_36, %dma_wait3A] : memref<10240x128xf32, #tpu.memory_space<vmem_shared>> -> memref<128x128xf32, #tpu.memory_space<vmem_shared>>
      %dma_wait3A_53 = arith.constant 0 : i32
      %dma_wait3A_54 = tpu.memref_slice %arg10[%add3A_36, %dma_wait3A_53] : memref<10240x128xf32, #tpu.memory_space<vmem_shared>> -> memref<128x128xf32, #tpu.memory_space<vmem_shared>>
      tpu.wait_dma2 semaphore(%run_scoped3A : memref<!tpu.dma_semaphore, #tpu.memory_space<semaphore_mem>>) src(%dma_wait3A_54 : memref<128x128xf32, #tpu.memory_space<vmem_shared>>) dst(%arg9 : memref<128x128xf32, #tpu.memory_space<vmem>>)
      tpu.yield
    }) : () -> ()
    "tpu.region"() ({
      %run_scoped3A = tpu.sem_alloc : memref<!tpu.dma_semaphore, #tpu.memory_space<semaphore_mem>>
      %dma_start3A = arith.constant 0 : i32
      %dma_start3A_49 = tpu.memref_slice %arg6[%arg0, %add3A_36, %dma_start3A] : memref<2x10240x128xf32, #tpu.memory_space<hbm>> -> memref<1x128x128xf32, #tpu.memory_space<hbm>>
      %dma_start3A_50 = tpu.memref_squeeze %dma_start3A_49 : memref<1x128x128xf32, #tpu.memory_space<hbm>> -> memref<128x128xf32, #tpu.memory_space<hbm>>
      %dma_start3A_51 = arith.constant 0 : i32
      %dma_start3A_52 = tpu.memref_slice %arg6[%arg0, %add3A_36, %dma_start3A_51] : memref<2x10240x128xf32, #tpu.memory_space<hbm>> -> memref<1x128x128xf32, #tpu.memory_space<hbm>>
      %dma_start3A_53 = tpu.memref_squeeze %dma_start3A_52 : memref<1x128x128xf32, #tpu.memory_space<hbm>> -> memref<128x128xf32, #tpu.memory_space<hbm>>
      tpu.enqueue_dma source(%arg9 : memref<128x128xf32, #tpu.memory_space<vmem>>) target(%dma_start3A_53 : memref<128x128xf32, #tpu.memory_space<hbm>>) target_semaphore(%run_scoped3A : memref<!tpu.dma_semaphore, #tpu.memory_space<semaphore_mem>>)
      %dma_wait3A = arith.constant 0 : i32
      %dma_wait3A_54 = tpu.memref_slice %arg6[%arg0, %add3A_36, %dma_wait3A] : memref<2x10240x128xf32, #tpu.memory_space<hbm>> -> memref<1x128x128xf32, #tpu.memory_space<hbm>>
      %dma_wait3A_55 = tpu.memref_squeeze %dma_wait3A_54 : memref<1x128x128xf32, #tpu.memory_space<hbm>> -> memref<128x128xf32, #tpu.memory_space<hbm>>
      %dma_wait3A_56 = arith.constant 0 : i32
      %dma_wait3A_57 = tpu.memref_slice %arg6[%arg0, %add3A_36, %dma_wait3A_56] : memref<2x10240x128xf32, #tpu.memory_space<hbm>> -> memref<1x128x128xf32, #tpu.memory_space<hbm>>
      %dma_wait3A_58 = tpu.memref_squeeze %dma_wait3A_57 : memref<1x128x128xf32, #tpu.memory_space<hbm>> -> memref<128x128xf32, #tpu.memory_space<hbm>>
      tpu.wait_dma2 semaphore(%run_scoped3A : memref<!tpu.dma_semaphore, #tpu.memory_space<semaphore_mem>>) src(%arg9 : memref<128x128xf32, #tpu.memory_space<vmem>>) dst(%dma_wait3A_58 : memref<128x128xf32, #tpu.memory_space<hbm>>)
      tpu.yield
    }) : () -> ()
    %mul3A_37 = arith.constant 640 : i32
    %mul3A_38 = arith.muli %arg1, %mul3A_37 : i32
    %add3A_39 = arith.constant 256 : i32
    %add3A_40 = arith.addi %mul3A_38, %add3A_39 : i32
    "tpu.region"() ({
      %run_scoped3A = tpu.sem_alloc : memref<!tpu.dma_semaphore, #tpu.memory_space<semaphore_mem>>
      %dma_start3A = arith.constant 0 : i32
      %dma_start3A_49 = tpu.memref_slice %arg10[%add3A_40, %dma_start3A] : memref<10240x128xf32, #tpu.memory_space<vmem_shared>> -> memref<128x128xf32, #tpu.memory_space<vmem_shared>>
      %dma_start3A_50 = arith.constant 0 : i32
      %dma_start3A_51 = tpu.memref_slice %arg10[%add3A_40, %dma_start3A_50] : memref<10240x128xf32, #tpu.memory_space<vmem_shared>> -> memref<128x128xf32, #tpu.memory_space<vmem_shared>>
      tpu.enqueue_dma source(%dma_start3A_51 : memref<128x128xf32, #tpu.memory_space<vmem_shared>>) target(%arg9 : memref<128x128xf32, #tpu.memory_space<vmem>>) target_semaphore(%run_scoped3A : memref<!tpu.dma_semaphore, #tpu.memory_space<semaphore_mem>>)
      %dma_wait3A = arith.constant 0 : i32
      %dma_wait3A_52 = tpu.memref_slice %arg10[%add3A_40, %dma_wait3A] : memref<10240x128xf32, #tpu.memory_space<vmem_shared>> -> memref<128x128xf32, #tpu.memory_space<vmem_shared>>
      %dma_wait3A_53 = arith.constant 0 : i32
      %dma_wait3A_54 = tpu.memref_slice %arg10[%add3A_40, %dma_wait3A_53] : memref<10240x128xf32, #tpu.memory_space<vmem_shared>> -> memref<128x128xf32, #tpu.memory_space<vmem_shared>>
      tpu.wait_dma2 semaphore(%run_scoped3A : memref<!tpu.dma_semaphore, #tpu.memory_space<semaphore_mem>>) src(%dma_wait3A_54 : memref<128x128xf32, #tpu.memory_space<vmem_shared>>) dst(%arg9 : memref<128x128xf32, #tpu.memory_space<vmem>>)
      tpu.yield
    }) : () -> ()
    "tpu.region"() ({
      %run_scoped3A = tpu.sem_alloc : memref<!tpu.dma_semaphore, #tpu.memory_space<semaphore_mem>>
      %dma_start3A = arith.constant 0 : i32
      %dma_start3A_49 = tpu.memref_slice %arg6[%arg0, %add3A_40, %dma_start3A] : memref<2x10240x128xf32, #tpu.memory_space<hbm>> -> memref<1x128x128xf32, #tpu.memory_space<hbm>>
      %dma_start3A_50 = tpu.memref_squeeze %dma_start3A_49 : memref<1x128x128xf32, #tpu.memory_space<hbm>> -> memref<128x128xf32, #tpu.memory_space<hbm>>
      %dma_start3A_51 = arith.constant 0 : i32
      %dma_start3A_52 = tpu.memref_slice %arg6[%arg0, %add3A_40, %dma_start3A_51] : memref<2x10240x128xf32, #tpu.memory_space<hbm>> -> memref<1x128x128xf32, #tpu.memory_space<hbm>>
      %dma_start3A_53 = tpu.memref_squeeze %dma_start3A_52 : memref<1x128x128xf32, #tpu.memory_space<hbm>> -> memref<128x128xf32, #tpu.memory_space<hbm>>
      tpu.enqueue_dma source(%arg9 : memref<128x128xf32, #tpu.memory_space<vmem>>) target(%dma_start3A_53 : memref<128x128xf32, #tpu.memory_space<hbm>>) target_semaphore(%run_scoped3A : memref<!tpu.dma_semaphore, #tpu.memory_space<semaphore_mem>>)
      %dma_wait3A = arith.constant 0 : i32
      %dma_wait3A_54 = tpu.memref_slice %arg6[%arg0, %add3A_40, %dma_wait3A] : memref<2x10240x128xf32, #tpu.memory_space<hbm>> -> memref<1x128x128xf32, #tpu.memory_space<hbm>>
      %dma_wait3A_55 = tpu.memref_squeeze %dma_wait3A_54 : memref<1x128x128xf32, #tpu.memory_space<hbm>> -> memref<128x128xf32, #tpu.memory_space<hbm>>
      %dma_wait3A_56 = arith.constant 0 : i32
      %dma_wait3A_57 = tpu.memref_slice %arg6[%arg0, %add3A_40, %dma_wait3A_56] : memref<2x10240x128xf32, #tpu.memory_space<hbm>> -> memref<1x128x128xf32, #tpu.memory_space<hbm>>
      %dma_wait3A_58 = tpu.memref_squeeze %dma_wait3A_57 : memref<1x128x128xf32, #tpu.memory_space<hbm>> -> memref<128x128xf32, #tpu.memory_space<hbm>>
      tpu.wait_dma2 semaphore(%run_scoped3A : memref<!tpu.dma_semaphore, #tpu.memory_space<semaphore_mem>>) src(%arg9 : memref<128x128xf32, #tpu.memory_space<vmem>>) dst(%dma_wait3A_58 : memref<128x128xf32, #tpu.memory_space<hbm>>)
      tpu.yield
    }) : () -> ()
    %mul3A_41 = arith.constant 640 : i32
    %mul3A_42 = arith.muli %arg1, %mul3A_41 : i32
    %add3A_43 = arith.constant 384 : i32
    %add3A_44 = arith.addi %mul3A_42, %add3A_43 : i32
    "tpu.region"() ({
      %run_scoped3A = tpu.sem_alloc : memref<!tpu.dma_semaphore, #tpu.memory_space<semaphore_mem>>
      %dma_start3A = arith.constant 0 : i32
      %dma_start3A_49 = tpu.memref_slice %arg10[%add3A_44, %dma_start3A] : memref<10240x128xf32, #tpu.memory_space<vmem_shared>> -> memref<128x128xf32, #tpu.memory_space<vmem_shared>>
      %dma_start3A_50 = arith.constant 0 : i32
      %dma_start3A_51 = tpu.memref_slice %arg10[%add3A_44, %dma_start3A_50] : memref<10240x128xf32, #tpu.memory_space<vmem_shared>> -> memref<128x128xf32, #tpu.memory_space<vmem_shared>>
      tpu.enqueue_dma source(%dma_start3A_51 : memref<128x128xf32, #tpu.memory_space<vmem_shared>>) target(%arg9 : memref<128x128xf32, #tpu.memory_space<vmem>>) target_semaphore(%run_scoped3A : memref<!tpu.dma_semaphore, #tpu.memory_space<semaphore_mem>>)
      %dma_wait3A = arith.constant 0 : i32
      %dma_wait3A_52 = tpu.memref_slice %arg10[%add3A_44, %dma_wait3A] : memref<10240x128xf32, #tpu.memory_space<vmem_shared>> -> memref<128x128xf32, #tpu.memory_space<vmem_shared>>
      %dma_wait3A_53 = arith.constant 0 : i32
      %dma_wait3A_54 = tpu.memref_slice %arg10[%add3A_44, %dma_wait3A_53] : memref<10240x128xf32, #tpu.memory_space<vmem_shared>> -> memref<128x128xf32, #tpu.memory_space<vmem_shared>>
      tpu.wait_dma2 semaphore(%run_scoped3A : memref<!tpu.dma_semaphore, #tpu.memory_space<semaphore_mem>>) src(%dma_wait3A_54 : memref<128x128xf32, #tpu.memory_space<vmem_shared>>) dst(%arg9 : memref<128x128xf32, #tpu.memory_space<vmem>>)
      tpu.yield
    }) : () -> ()
    "tpu.region"() ({
      %run_scoped3A = tpu.sem_alloc : memref<!tpu.dma_semaphore, #tpu.memory_space<semaphore_mem>>
      %dma_start3A = arith.constant 0 : i32
      %dma_start3A_49 = tpu.memref_slice %arg6[%arg0, %add3A_44, %dma_start3A] : memref<2x10240x128xf32, #tpu.memory_space<hbm>> -> memref<1x128x128xf32, #tpu.memory_space<hbm>>
      %dma_start3A_50 = tpu.memref_squeeze %dma_start3A_49 : memref<1x128x128xf32, #tpu.memory_space<hbm>> -> memref<128x128xf32, #tpu.memory_space<hbm>>
      %dma_start3A_51 = arith.constant 0 : i32
      %dma_start3A_52 = tpu.memref_slice %arg6[%arg0, %add3A_44, %dma_start3A_51] : memref<2x10240x128xf32, #tpu.memory_space<hbm>> -> memref<1x128x128xf32, #tpu.memory_space<hbm>>
      %dma_start3A_53 = tpu.memref_squeeze %dma_start3A_52 : memref<1x128x128xf32, #tpu.memory_space<hbm>> -> memref<128x128xf32, #tpu.memory_space<hbm>>
      tpu.enqueue_dma source(%arg9 : memref<128x128xf32, #tpu.memory_space<vmem>>) target(%dma_start3A_53 : memref<128x128xf32, #tpu.memory_space<hbm>>) target_semaphore(%run_scoped3A : memref<!tpu.dma_semaphore, #tpu.memory_space<semaphore_mem>>)
      %dma_wait3A = arith.constant 0 : i32
      %dma_wait3A_54 = tpu.memref_slice %arg6[%arg0, %add3A_44, %dma_wait3A] : memref<2x10240x128xf32, #tpu.memory_space<hbm>> -> memref<1x128x128xf32, #tpu.memory_space<hbm>>
      %dma_wait3A_55 = tpu.memref_squeeze %dma_wait3A_54 : memref<1x128x128xf32, #tpu.memory_space<hbm>> -> memref<128x128xf32, #tpu.memory_space<hbm>>
      %dma_wait3A_56 = arith.constant 0 : i32
      %dma_wait3A_57 = tpu.memref_slice %arg6[%arg0, %add3A_44, %dma_wait3A_56] : memref<2x10240x128xf32, #tpu.memory_space<hbm>> -> memref<1x128x128xf32, #tpu.memory_space<hbm>>
      %dma_wait3A_58 = tpu.memref_squeeze %dma_wait3A_57 : memref<1x128x128xf32, #tpu.memory_space<hbm>> -> memref<128x128xf32, #tpu.memory_space<hbm>>
      tpu.wait_dma2 semaphore(%run_scoped3A : memref<!tpu.dma_semaphore, #tpu.memory_space<semaphore_mem>>) src(%arg9 : memref<128x128xf32, #tpu.memory_space<vmem>>) dst(%dma_wait3A_58 : memref<128x128xf32, #tpu.memory_space<hbm>>)
      tpu.yield
    }) : () -> ()
    %mul3A_45 = arith.constant 640 : i32
    %mul3A_46 = arith.muli %arg1, %mul3A_45 : i32
    %add3A_47 = arith.constant 512 : i32
    %add3A_48 = arith.addi %mul3A_46, %add3A_47 : i32
    "tpu.region"() ({
      %run_scoped3A = tpu.sem_alloc : memref<!tpu.dma_semaphore, #tpu.memory_space<semaphore_mem>>
      %dma_start3A = arith.constant 0 : i32
      %dma_start3A_49 = tpu.memref_slice %arg10[%add3A_48, %dma_start3A] : memref<10240x128xf32, #tpu.memory_space<vmem_shared>> -> memref<128x128xf32, #tpu.memory_space<vmem_shared>>
      %dma_start3A_50 = arith.constant 0 : i32
      %dma_start3A_51 = tpu.memref_slice %arg10[%add3A_48, %dma_start3A_50] : memref<10240x128xf32, #tpu.memory_space<vmem_shared>> -> memref<128x128xf32, #tpu.memory_space<vmem_shared>>
      tpu.enqueue_dma source(%dma_start3A_51 : memref<128x128xf32, #tpu.memory_space<vmem_shared>>) target(%arg9 : memref<128x128xf32, #tpu.memory_space<vmem>>) target_semaphore(%run_scoped3A : memref<!tpu.dma_semaphore, #tpu.memory_space<semaphore_mem>>)
      %dma_wait3A = arith.constant 0 : i32
      %dma_wait3A_52 = tpu.memref_slice %arg10[%add3A_48, %dma_wait3A] : memref<10240x128xf32, #tpu.memory_space<vmem_shared>> -> memref<128x128xf32, #tpu.memory_space<vmem_shared>>
      %dma_wait3A_53 = arith.constant 0 : i32
      %dma_wait3A_54 = tpu.memref_slice %arg10[%add3A_48, %dma_wait3A_53] : memref<10240x128xf32, #tpu.memory_space<vmem_shared>> -> memref<128x128xf32, #tpu.memory_space<vmem_shared>>
      tpu.wait_dma2 semaphore(%run_scoped3A : memref<!tpu.dma_semaphore, #tpu.memory_space<semaphore_mem>>) src(%dma_wait3A_54 : memref<128x128xf32, #tpu.memory_space<vmem_shared>>) dst(%arg9 : memref<128x128xf32, #tpu.memory_space<vmem>>)
      tpu.yield
    }) : () -> ()
    "tpu.region"() ({
      %run_scoped3A = tpu.sem_alloc : memref<!tpu.dma_semaphore, #tpu.memory_space<semaphore_mem>>
      %dma_start3A = arith.constant 0 : i32
      %dma_start3A_49 = tpu.memref_slice %arg6[%arg0, %add3A_48, %dma_start3A] : memref<2x10240x128xf32, #tpu.memory_space<hbm>> -> memref<1x128x128xf32, #tpu.memory_space<hbm>>
      %dma_start3A_50 = tpu.memref_squeeze %dma_start3A_49 : memref<1x128x128xf32, #tpu.memory_space<hbm>> -> memref<128x128xf32, #tpu.memory_space<hbm>>
      %dma_start3A_51 = arith.constant 0 : i32
      %dma_start3A_52 = tpu.memref_slice %arg6[%arg0, %add3A_48, %dma_start3A_51] : memref<2x10240x128xf32, #tpu.memory_space<hbm>> -> memref<1x128x128xf32, #tpu.memory_space<hbm>>
      %dma_start3A_53 = tpu.memref_squeeze %dma_start3A_52 : memref<1x128x128xf32, #tpu.memory_space<hbm>> -> memref<128x128xf32, #tpu.memory_space<hbm>>
      tpu.enqueue_dma source(%arg9 : memref<128x128xf32, #tpu.memory_space<vmem>>) target(%dma_start3A_53 : memref<128x128xf32, #tpu.memory_space<hbm>>) target_semaphore(%run_scoped3A : memref<!tpu.dma_semaphore, #tpu.memory_space<semaphore_mem>>)
      %dma_wait3A = arith.constant 0 : i32
      %dma_wait3A_54 = tpu.memref_slice %arg6[%arg0, %add3A_48, %dma_wait3A] : memref<2x10240x128xf32, #tpu.memory_space<hbm>> -> memref<1x128x128xf32, #tpu.memory_space<hbm>>
      %dma_wait3A_55 = tpu.memref_squeeze %dma_wait3A_54 : memref<1x128x128xf32, #tpu.memory_space<hbm>> -> memref<128x128xf32, #tpu.memory_space<hbm>>
      %dma_wait3A_56 = arith.constant 0 : i32
      %dma_wait3A_57 = tpu.memref_slice %arg6[%arg0, %add3A_48, %dma_wait3A_56] : memref<2x10240x128xf32, #tpu.memory_space<hbm>> -> memref<1x128x128xf32, #tpu.memory_space<hbm>>
      %dma_wait3A_58 = tpu.memref_squeeze %dma_wait3A_57 : memref<1x128x128xf32, #tpu.memory_space<hbm>> -> memref<128x128xf32, #tpu.memory_space<hbm>>
      tpu.wait_dma2 semaphore(%run_scoped3A : memref<!tpu.dma_semaphore, #tpu.memory_space<semaphore_mem>>) src(%arg9 : memref<128x128xf32, #tpu.memory_space<vmem>>) dst(%dma_wait3A_58 : memref<128x128xf32, #tpu.memory_space<hbm>>)
      tpu.yield
    }) : () -> ()
    return
  }
}

#map = affine_map<(d0, d1) -> (0)>
#map1 = affine_map<(d0, d1) -> (0, 0)>
#map2 = affine_map<(d0, d1) -> (0, 0, 0)>
module attributes {stable_mosaic.version = 14 : i64} {
  func.func @_deg_body(%arg0: i32, %arg1: i32, %arg2: memref<323584xi32, #tpu.memory_space<hbm>>, %arg3: memref<256x16xf32, #tpu.memory_space<hbm>>, %arg4: memref<2x10240x16xf32, #tpu.memory_space<hbm>>, %arg5: memref<128xi32, #tpu.memory_space<vmem>>, %arg6: memref<128x16xf32, #tpu.memory_space<vmem>>, %arg7: memref<10240x16xf32, #tpu.memory_space<vmem_shared>>, %arg8: memref<!tpu.dma_semaphore, #tpu.memory_space<semaphore_mem>>) attributes {dimension_semantics = [#tpu.dimension_semantics<core_parallel>, #tpu.dimension_semantics<subcore_parallel>], iteration_bounds = array<i64: 2, 16>, scalar_prefetch = 0 : i64, scratch_operands = 4 : i64, tpu.core_type = #tpu.core_type<sc_vector_subcore>, window_params = [{transform_indices = #map}, {transform_indices = #map1}, {transform_indices = #map2}]} {
    %mul3A = arith.constant 16 : i32
    %mul3A_0 = arith.muli %arg0, %mul3A : i32
    %add3A = arith.addi %mul3A_0, %arg1 : i32
    %mul3A_1 = arith.constant 10112 : i32
    %mul3A_2 = arith.muli %add3A, %mul3A_1 : i32
    "tpu.region"() ({
      %run_scoped3A = tpu.sem_alloc : memref<!tpu.dma_semaphore, #tpu.memory_space<semaphore_mem>>
      %dma_start3A = arith.constant 0 : i32
      %dma_start3A_49 = arith.constant 0 : i32
      %dma_start3A_50 = tpu.memref_slice %arg3[%dma_start3A, %dma_start3A_49] : memref<256x16xf32, #tpu.memory_space<hbm>> -> memref<128x16xf32, #tpu.memory_space<hbm>>
      %dma_start3A_51 = arith.constant 0 : i32
      %dma_start3A_52 = arith.constant 0 : i32
      %dma_start3A_53 = tpu.memref_slice %arg3[%dma_start3A_51, %dma_start3A_52] : memref<256x16xf32, #tpu.memory_space<hbm>> -> memref<128x16xf32, #tpu.memory_space<hbm>>
      tpu.enqueue_dma source(%dma_start3A_53 : memref<128x16xf32, #tpu.memory_space<hbm>>) target(%arg6 : memref<128x16xf32, #tpu.memory_space<vmem>>) target_semaphore(%run_scoped3A : memref<!tpu.dma_semaphore, #tpu.memory_space<semaphore_mem>>)
      %dma_wait3A = arith.constant 0 : i32
      %dma_wait3A_54 = arith.constant 0 : i32
      %dma_wait3A_55 = tpu.memref_slice %arg3[%dma_wait3A, %dma_wait3A_54] : memref<256x16xf32, #tpu.memory_space<hbm>> -> memref<128x16xf32, #tpu.memory_space<hbm>>
      %dma_wait3A_56 = arith.constant 0 : i32
      %dma_wait3A_57 = arith.constant 0 : i32
      %dma_wait3A_58 = tpu.memref_slice %arg3[%dma_wait3A_56, %dma_wait3A_57] : memref<256x16xf32, #tpu.memory_space<hbm>> -> memref<128x16xf32, #tpu.memory_space<hbm>>
      tpu.wait_dma2 semaphore(%run_scoped3A : memref<!tpu.dma_semaphore, #tpu.memory_space<semaphore_mem>>) src(%dma_wait3A_58 : memref<128x16xf32, #tpu.memory_space<hbm>>) dst(%arg6 : memref<128x16xf32, #tpu.memory_space<vmem>>)
      tpu.yield
    }) : () -> ()
    %mul3A_3 = arith.constant 640 : i32
    %mul3A_4 = arith.muli %arg1, %mul3A_3 : i32
    %add3A_5 = arith.constant 0 : i32
    %add3A_6 = arith.addi %mul3A_4, %add3A_5 : i32
    "tpu.region"() ({
      %run_scoped3A = tpu.sem_alloc : memref<!tpu.dma_semaphore, #tpu.memory_space<semaphore_mem>>
      %dma_start3A = arith.constant 0 : i32
      %dma_start3A_49 = tpu.memref_slice %arg7[%add3A_6, %dma_start3A] : memref<10240x16xf32, #tpu.memory_space<vmem_shared>> -> memref<128x16xf32, #tpu.memory_space<vmem_shared>>
      %dma_start3A_50 = arith.constant 0 : i32
      %dma_start3A_51 = tpu.memref_slice %arg7[%add3A_6, %dma_start3A_50] : memref<10240x16xf32, #tpu.memory_space<vmem_shared>> -> memref<128x16xf32, #tpu.memory_space<vmem_shared>>
      tpu.enqueue_dma source(%arg6 : memref<128x16xf32, #tpu.memory_space<vmem>>) target(%dma_start3A_51 : memref<128x16xf32, #tpu.memory_space<vmem_shared>>) target_semaphore(%run_scoped3A : memref<!tpu.dma_semaphore, #tpu.memory_space<semaphore_mem>>)
      %dma_wait3A = arith.constant 0 : i32
      %dma_wait3A_52 = tpu.memref_slice %arg7[%add3A_6, %dma_wait3A] : memref<10240x16xf32, #tpu.memory_space<vmem_shared>> -> memref<128x16xf32, #tpu.memory_space<vmem_shared>>
      %dma_wait3A_53 = arith.constant 0 : i32
      %dma_wait3A_54 = tpu.memref_slice %arg7[%add3A_6, %dma_wait3A_53] : memref<10240x16xf32, #tpu.memory_space<vmem_shared>> -> memref<128x16xf32, #tpu.memory_space<vmem_shared>>
      tpu.wait_dma2 semaphore(%run_scoped3A : memref<!tpu.dma_semaphore, #tpu.memory_space<semaphore_mem>>) src(%arg6 : memref<128x16xf32, #tpu.memory_space<vmem>>) dst(%dma_wait3A_54 : memref<128x16xf32, #tpu.memory_space<vmem_shared>>)
      tpu.yield
    }) : () -> ()
    %mul3A_7 = arith.constant 640 : i32
    %mul3A_8 = arith.muli %arg1, %mul3A_7 : i32
    %add3A_9 = arith.constant 128 : i32
    %add3A_10 = arith.addi %mul3A_8, %add3A_9 : i32
    "tpu.region"() ({
      %run_scoped3A = tpu.sem_alloc : memref<!tpu.dma_semaphore, #tpu.memory_space<semaphore_mem>>
      %dma_start3A = arith.constant 0 : i32
      %dma_start3A_49 = tpu.memref_slice %arg7[%add3A_10, %dma_start3A] : memref<10240x16xf32, #tpu.memory_space<vmem_shared>> -> memref<128x16xf32, #tpu.memory_space<vmem_shared>>
      %dma_start3A_50 = arith.constant 0 : i32
      %dma_start3A_51 = tpu.memref_slice %arg7[%add3A_10, %dma_start3A_50] : memref<10240x16xf32, #tpu.memory_space<vmem_shared>> -> memref<128x16xf32, #tpu.memory_space<vmem_shared>>
      tpu.enqueue_dma source(%arg6 : memref<128x16xf32, #tpu.memory_space<vmem>>) target(%dma_start3A_51 : memref<128x16xf32, #tpu.memory_space<vmem_shared>>) target_semaphore(%run_scoped3A : memref<!tpu.dma_semaphore, #tpu.memory_space<semaphore_mem>>)
      %dma_wait3A = arith.constant 0 : i32
      %dma_wait3A_52 = tpu.memref_slice %arg7[%add3A_10, %dma_wait3A] : memref<10240x16xf32, #tpu.memory_space<vmem_shared>> -> memref<128x16xf32, #tpu.memory_space<vmem_shared>>
      %dma_wait3A_53 = arith.constant 0 : i32
      %dma_wait3A_54 = tpu.memref_slice %arg7[%add3A_10, %dma_wait3A_53] : memref<10240x16xf32, #tpu.memory_space<vmem_shared>> -> memref<128x16xf32, #tpu.memory_space<vmem_shared>>
      tpu.wait_dma2 semaphore(%run_scoped3A : memref<!tpu.dma_semaphore, #tpu.memory_space<semaphore_mem>>) src(%arg6 : memref<128x16xf32, #tpu.memory_space<vmem>>) dst(%dma_wait3A_54 : memref<128x16xf32, #tpu.memory_space<vmem_shared>>)
      tpu.yield
    }) : () -> ()
    %mul3A_11 = arith.constant 640 : i32
    %mul3A_12 = arith.muli %arg1, %mul3A_11 : i32
    %add3A_13 = arith.constant 256 : i32
    %add3A_14 = arith.addi %mul3A_12, %add3A_13 : i32
    "tpu.region"() ({
      %run_scoped3A = tpu.sem_alloc : memref<!tpu.dma_semaphore, #tpu.memory_space<semaphore_mem>>
      %dma_start3A = arith.constant 0 : i32
      %dma_start3A_49 = tpu.memref_slice %arg7[%add3A_14, %dma_start3A] : memref<10240x16xf32, #tpu.memory_space<vmem_shared>> -> memref<128x16xf32, #tpu.memory_space<vmem_shared>>
      %dma_start3A_50 = arith.constant 0 : i32
      %dma_start3A_51 = tpu.memref_slice %arg7[%add3A_14, %dma_start3A_50] : memref<10240x16xf32, #tpu.memory_space<vmem_shared>> -> memref<128x16xf32, #tpu.memory_space<vmem_shared>>
      tpu.enqueue_dma source(%arg6 : memref<128x16xf32, #tpu.memory_space<vmem>>) target(%dma_start3A_51 : memref<128x16xf32, #tpu.memory_space<vmem_shared>>) target_semaphore(%run_scoped3A : memref<!tpu.dma_semaphore, #tpu.memory_space<semaphore_mem>>)
      %dma_wait3A = arith.constant 0 : i32
      %dma_wait3A_52 = tpu.memref_slice %arg7[%add3A_14, %dma_wait3A] : memref<10240x16xf32, #tpu.memory_space<vmem_shared>> -> memref<128x16xf32, #tpu.memory_space<vmem_shared>>
      %dma_wait3A_53 = arith.constant 0 : i32
      %dma_wait3A_54 = tpu.memref_slice %arg7[%add3A_14, %dma_wait3A_53] : memref<10240x16xf32, #tpu.memory_space<vmem_shared>> -> memref<128x16xf32, #tpu.memory_space<vmem_shared>>
      tpu.wait_dma2 semaphore(%run_scoped3A : memref<!tpu.dma_semaphore, #tpu.memory_space<semaphore_mem>>) src(%arg6 : memref<128x16xf32, #tpu.memory_space<vmem>>) dst(%dma_wait3A_54 : memref<128x16xf32, #tpu.memory_space<vmem_shared>>)
      tpu.yield
    }) : () -> ()
    %mul3A_15 = arith.constant 640 : i32
    %mul3A_16 = arith.muli %arg1, %mul3A_15 : i32
    %add3A_17 = arith.constant 384 : i32
    %add3A_18 = arith.addi %mul3A_16, %add3A_17 : i32
    "tpu.region"() ({
      %run_scoped3A = tpu.sem_alloc : memref<!tpu.dma_semaphore, #tpu.memory_space<semaphore_mem>>
      %dma_start3A = arith.constant 0 : i32
      %dma_start3A_49 = tpu.memref_slice %arg7[%add3A_18, %dma_start3A] : memref<10240x16xf32, #tpu.memory_space<vmem_shared>> -> memref<128x16xf32, #tpu.memory_space<vmem_shared>>
      %dma_start3A_50 = arith.constant 0 : i32
      %dma_start3A_51 = tpu.memref_slice %arg7[%add3A_18, %dma_start3A_50] : memref<10240x16xf32, #tpu.memory_space<vmem_shared>> -> memref<128x16xf32, #tpu.memory_space<vmem_shared>>
      tpu.enqueue_dma source(%arg6 : memref<128x16xf32, #tpu.memory_space<vmem>>) target(%dma_start3A_51 : memref<128x16xf32, #tpu.memory_space<vmem_shared>>) target_semaphore(%run_scoped3A : memref<!tpu.dma_semaphore, #tpu.memory_space<semaphore_mem>>)
      %dma_wait3A = arith.constant 0 : i32
      %dma_wait3A_52 = tpu.memref_slice %arg7[%add3A_18, %dma_wait3A] : memref<10240x16xf32, #tpu.memory_space<vmem_shared>> -> memref<128x16xf32, #tpu.memory_space<vmem_shared>>
      %dma_wait3A_53 = arith.constant 0 : i32
      %dma_wait3A_54 = tpu.memref_slice %arg7[%add3A_18, %dma_wait3A_53] : memref<10240x16xf32, #tpu.memory_space<vmem_shared>> -> memref<128x16xf32, #tpu.memory_space<vmem_shared>>
      tpu.wait_dma2 semaphore(%run_scoped3A : memref<!tpu.dma_semaphore, #tpu.memory_space<semaphore_mem>>) src(%arg6 : memref<128x16xf32, #tpu.memory_space<vmem>>) dst(%dma_wait3A_54 : memref<128x16xf32, #tpu.memory_space<vmem_shared>>)
      tpu.yield
    }) : () -> ()
    %mul3A_19 = arith.constant 640 : i32
    %mul3A_20 = arith.muli %arg1, %mul3A_19 : i32
    %add3A_21 = arith.constant 512 : i32
    %add3A_22 = arith.addi %mul3A_20, %add3A_21 : i32
    "tpu.region"() ({
      %run_scoped3A = tpu.sem_alloc : memref<!tpu.dma_semaphore, #tpu.memory_space<semaphore_mem>>
      %dma_start3A = arith.constant 0 : i32
      %dma_start3A_49 = tpu.memref_slice %arg7[%add3A_22, %dma_start3A] : memref<10240x16xf32, #tpu.memory_space<vmem_shared>> -> memref<128x16xf32, #tpu.memory_space<vmem_shared>>
      %dma_start3A_50 = arith.constant 0 : i32
      %dma_start3A_51 = tpu.memref_slice %arg7[%add3A_22, %dma_start3A_50] : memref<10240x16xf32, #tpu.memory_space<vmem_shared>> -> memref<128x16xf32, #tpu.memory_space<vmem_shared>>
      tpu.enqueue_dma source(%arg6 : memref<128x16xf32, #tpu.memory_space<vmem>>) target(%dma_start3A_51 : memref<128x16xf32, #tpu.memory_space<vmem_shared>>) target_semaphore(%run_scoped3A : memref<!tpu.dma_semaphore, #tpu.memory_space<semaphore_mem>>)
      %dma_wait3A = arith.constant 0 : i32
      %dma_wait3A_52 = tpu.memref_slice %arg7[%add3A_22, %dma_wait3A] : memref<10240x16xf32, #tpu.memory_space<vmem_shared>> -> memref<128x16xf32, #tpu.memory_space<vmem_shared>>
      %dma_wait3A_53 = arith.constant 0 : i32
      %dma_wait3A_54 = tpu.memref_slice %arg7[%add3A_22, %dma_wait3A_53] : memref<10240x16xf32, #tpu.memory_space<vmem_shared>> -> memref<128x16xf32, #tpu.memory_space<vmem_shared>>
      tpu.wait_dma2 semaphore(%run_scoped3A : memref<!tpu.dma_semaphore, #tpu.memory_space<semaphore_mem>>) src(%arg6 : memref<128x16xf32, #tpu.memory_space<vmem>>) dst(%dma_wait3A_54 : memref<128x16xf32, #tpu.memory_space<vmem_shared>>)
      tpu.yield
    }) : () -> ()
    "tpu.region"() ({
      %run_scoped3A = tpu.sem_alloc : memref<!tpu.dma_semaphore, #tpu.memory_space<semaphore_mem>>
      %dma_start3A = arith.constant 128 : i32
      %dma_start3A_49 = arith.constant 0 : i32
      %dma_start3A_50 = tpu.memref_slice %arg3[%dma_start3A, %dma_start3A_49] : memref<256x16xf32, #tpu.memory_space<hbm>> -> memref<128x16xf32, #tpu.memory_space<hbm>>
      %dma_start3A_51 = arith.constant 128 : i32
      %dma_start3A_52 = arith.constant 0 : i32
      %dma_start3A_53 = tpu.memref_slice %arg3[%dma_start3A_51, %dma_start3A_52] : memref<256x16xf32, #tpu.memory_space<hbm>> -> memref<128x16xf32, #tpu.memory_space<hbm>>
      tpu.enqueue_dma source(%dma_start3A_53 : memref<128x16xf32, #tpu.memory_space<hbm>>) target(%arg6 : memref<128x16xf32, #tpu.memory_space<vmem>>) target_semaphore(%run_scoped3A : memref<!tpu.dma_semaphore, #tpu.memory_space<semaphore_mem>>)
      %dma_wait3A = arith.constant 128 : i32
      %dma_wait3A_54 = arith.constant 0 : i32
      %dma_wait3A_55 = tpu.memref_slice %arg3[%dma_wait3A, %dma_wait3A_54] : memref<256x16xf32, #tpu.memory_space<hbm>> -> memref<128x16xf32, #tpu.memory_space<hbm>>
      %dma_wait3A_56 = arith.constant 128 : i32
      %dma_wait3A_57 = arith.constant 0 : i32
      %dma_wait3A_58 = tpu.memref_slice %arg3[%dma_wait3A_56, %dma_wait3A_57] : memref<256x16xf32, #tpu.memory_space<hbm>> -> memref<128x16xf32, #tpu.memory_space<hbm>>
      tpu.wait_dma2 semaphore(%run_scoped3A : memref<!tpu.dma_semaphore, #tpu.memory_space<semaphore_mem>>) src(%dma_wait3A_58 : memref<128x16xf32, #tpu.memory_space<hbm>>) dst(%arg6 : memref<128x16xf32, #tpu.memory_space<vmem>>)
      tpu.yield
    }) : () -> ()
    %barrier3A = arith.constant 0 : index
    tpu.barrier barrier_id(%barrier3A)
    %scan3A = arith.constant 0 : i32
    %scan3A_23 = arith.constant 0 : i32
    %scan3A_24 = arith.constant 79 : i32
    %scan3A_25 = arith.addi %scan3A_23, %scan3A_24 : i32
    %scan3A_26 = arith.constant 1 : i32
    scf.for %scan3A_49 = %scan3A_23 to %scan3A_25 step %scan3A_26  : i32 {
      %mul3A_50 = arith.constant 128 : i32
      %mul3A_51 = arith.muli %scan3A_49, %mul3A_50 : i32
      %add3A_52 = arith.addi %mul3A_2, %mul3A_51 : i32
      %multiple_of3A = tpu.assume_multiple %add3A_52, 8 : i32
      "tpu.region"() ({
        %run_scoped3A = tpu.sem_alloc : memref<!tpu.dma_semaphore, #tpu.memory_space<semaphore_mem>>
        %dma_start3A = tpu.memref_slice %arg2[%multiple_of3A] : memref<323584xi32, #tpu.memory_space<hbm>> -> memref<128xi32, #tpu.memory_space<hbm>>
        %dma_start3A_53 = tpu.memref_slice %arg2[%multiple_of3A] : memref<323584xi32, #tpu.memory_space<hbm>> -> memref<128xi32, #tpu.memory_space<hbm>>
        tpu.enqueue_dma source(%dma_start3A_53 : memref<128xi32, #tpu.memory_space<hbm>>) target(%arg5 : memref<128xi32, #tpu.memory_space<vmem>>) target_semaphore(%run_scoped3A : memref<!tpu.dma_semaphore, #tpu.memory_space<semaphore_mem>>)
        %dma_wait3A = tpu.memref_slice %arg2[%multiple_of3A] : memref<323584xi32, #tpu.memory_space<hbm>> -> memref<128xi32, #tpu.memory_space<hbm>>
        %dma_wait3A_54 = tpu.memref_slice %arg2[%multiple_of3A] : memref<323584xi32, #tpu.memory_space<hbm>> -> memref<128xi32, #tpu.memory_space<hbm>>
        tpu.wait_dma2 semaphore(%run_scoped3A : memref<!tpu.dma_semaphore, #tpu.memory_space<semaphore_mem>>) src(%dma_wait3A_54 : memref<128xi32, #tpu.memory_space<hbm>>) dst(%arg5 : memref<128xi32, #tpu.memory_space<vmem>>)
        tpu.yield
      }) : () -> ()
      "tpu.region"() ({
        %run_scoped3A = tpu.sem_alloc : memref<!tpu.dma_semaphore, #tpu.memory_space<semaphore_mem>>
        %dma_start3A = arith.constant 0 : i32
        %dma_start3A_53 = arith.constant 0 : i32
        %dma_start3A_54 = tpu.memref_slice %arg7[%dma_start3A, %dma_start3A_53] : memref<10240x16xf32, #tpu.memory_space<vmem_shared>> -> memref<10240x16xf32, #tpu.memory_space<vmem_shared>>
        tpu.enqueue_indirect_dma source(%arg6 : memref<128x16xf32, #tpu.memory_space<vmem>>) target(%dma_start3A_54 : memref<10240x16xf32, #tpu.memory_space<vmem_shared>>) offsets(%arg5 : memref<128xi32, #tpu.memory_space<vmem>>) semaphore(%run_scoped3A : memref<!tpu.dma_semaphore, #tpu.memory_space<semaphore_mem>>) {add = true}
        %dma_wait3A = arith.constant 0 : i32
        %dma_wait3A_55 = arith.constant 0 : i32
        %dma_wait3A_56 = tpu.memref_slice %arg7[%dma_wait3A, %dma_wait3A_55] : memref<10240x16xf32, #tpu.memory_space<vmem_shared>> -> memref<10240x16xf32, #tpu.memory_space<vmem_shared>>
        tpu.wait_indirect_dma semaphore(%run_scoped3A : memref<!tpu.dma_semaphore, #tpu.memory_space<semaphore_mem>>) src(%arg6 : memref<128x16xf32, #tpu.memory_space<vmem>>) dst(%dma_wait3A_56 : memref<10240x16xf32, #tpu.memory_space<vmem_shared>>)
        tpu.yield
      }) : () -> ()
    }
    %scan3A_27 = arith.constant 79 : i32
    %barrier3A_28 = arith.constant 0 : index
    tpu.barrier barrier_id(%barrier3A_28)
    %mul3A_29 = arith.constant 640 : i32
    %mul3A_30 = arith.muli %arg1, %mul3A_29 : i32
    %add3A_31 = arith.constant 0 : i32
    %add3A_32 = arith.addi %mul3A_30, %add3A_31 : i32
    "tpu.region"() ({
      %run_scoped3A = tpu.sem_alloc : memref<!tpu.dma_semaphore, #tpu.memory_space<semaphore_mem>>
      %dma_start3A = arith.constant 0 : i32
      %dma_start3A_49 = tpu.memref_slice %arg7[%add3A_32, %dma_start3A] : memref<10240x16xf32, #tpu.memory_space<vmem_shared>> -> memref<128x16xf32, #tpu.memory_space<vmem_shared>>
      %dma_start3A_50 = arith.constant 0 : i32
      %dma_start3A_51 = tpu.memref_slice %arg7[%add3A_32, %dma_start3A_50] : memref<10240x16xf32, #tpu.memory_space<vmem_shared>> -> memref<128x16xf32, #tpu.memory_space<vmem_shared>>
      tpu.enqueue_dma source(%dma_start3A_51 : memref<128x16xf32, #tpu.memory_space<vmem_shared>>) target(%arg6 : memref<128x16xf32, #tpu.memory_space<vmem>>) target_semaphore(%run_scoped3A : memref<!tpu.dma_semaphore, #tpu.memory_space<semaphore_mem>>)
      %dma_wait3A = arith.constant 0 : i32
      %dma_wait3A_52 = tpu.memref_slice %arg7[%add3A_32, %dma_wait3A] : memref<10240x16xf32, #tpu.memory_space<vmem_shared>> -> memref<128x16xf32, #tpu.memory_space<vmem_shared>>
      %dma_wait3A_53 = arith.constant 0 : i32
      %dma_wait3A_54 = tpu.memref_slice %arg7[%add3A_32, %dma_wait3A_53] : memref<10240x16xf32, #tpu.memory_space<vmem_shared>> -> memref<128x16xf32, #tpu.memory_space<vmem_shared>>
      tpu.wait_dma2 semaphore(%run_scoped3A : memref<!tpu.dma_semaphore, #tpu.memory_space<semaphore_mem>>) src(%dma_wait3A_54 : memref<128x16xf32, #tpu.memory_space<vmem_shared>>) dst(%arg6 : memref<128x16xf32, #tpu.memory_space<vmem>>)
      tpu.yield
    }) : () -> ()
    "tpu.region"() ({
      %run_scoped3A = tpu.sem_alloc : memref<!tpu.dma_semaphore, #tpu.memory_space<semaphore_mem>>
      %dma_start3A = arith.constant 0 : i32
      %dma_start3A_49 = tpu.memref_slice %arg4[%arg0, %add3A_32, %dma_start3A] : memref<2x10240x16xf32, #tpu.memory_space<hbm>> -> memref<1x128x16xf32, #tpu.memory_space<hbm>>
      %dma_start3A_50 = tpu.memref_squeeze %dma_start3A_49 : memref<1x128x16xf32, #tpu.memory_space<hbm>> -> memref<128x16xf32, #tpu.memory_space<hbm>>
      %dma_start3A_51 = arith.constant 0 : i32
      %dma_start3A_52 = tpu.memref_slice %arg4[%arg0, %add3A_32, %dma_start3A_51] : memref<2x10240x16xf32, #tpu.memory_space<hbm>> -> memref<1x128x16xf32, #tpu.memory_space<hbm>>
      %dma_start3A_53 = tpu.memref_squeeze %dma_start3A_52 : memref<1x128x16xf32, #tpu.memory_space<hbm>> -> memref<128x16xf32, #tpu.memory_space<hbm>>
      tpu.enqueue_dma source(%arg6 : memref<128x16xf32, #tpu.memory_space<vmem>>) target(%dma_start3A_53 : memref<128x16xf32, #tpu.memory_space<hbm>>) target_semaphore(%run_scoped3A : memref<!tpu.dma_semaphore, #tpu.memory_space<semaphore_mem>>)
      %dma_wait3A = arith.constant 0 : i32
      %dma_wait3A_54 = tpu.memref_slice %arg4[%arg0, %add3A_32, %dma_wait3A] : memref<2x10240x16xf32, #tpu.memory_space<hbm>> -> memref<1x128x16xf32, #tpu.memory_space<hbm>>
      %dma_wait3A_55 = tpu.memref_squeeze %dma_wait3A_54 : memref<1x128x16xf32, #tpu.memory_space<hbm>> -> memref<128x16xf32, #tpu.memory_space<hbm>>
      %dma_wait3A_56 = arith.constant 0 : i32
      %dma_wait3A_57 = tpu.memref_slice %arg4[%arg0, %add3A_32, %dma_wait3A_56] : memref<2x10240x16xf32, #tpu.memory_space<hbm>> -> memref<1x128x16xf32, #tpu.memory_space<hbm>>
      %dma_wait3A_58 = tpu.memref_squeeze %dma_wait3A_57 : memref<1x128x16xf32, #tpu.memory_space<hbm>> -> memref<128x16xf32, #tpu.memory_space<hbm>>
      tpu.wait_dma2 semaphore(%run_scoped3A : memref<!tpu.dma_semaphore, #tpu.memory_space<semaphore_mem>>) src(%arg6 : memref<128x16xf32, #tpu.memory_space<vmem>>) dst(%dma_wait3A_58 : memref<128x16xf32, #tpu.memory_space<hbm>>)
      tpu.yield
    }) : () -> ()
    %mul3A_33 = arith.constant 640 : i32
    %mul3A_34 = arith.muli %arg1, %mul3A_33 : i32
    %add3A_35 = arith.constant 128 : i32
    %add3A_36 = arith.addi %mul3A_34, %add3A_35 : i32
    "tpu.region"() ({
      %run_scoped3A = tpu.sem_alloc : memref<!tpu.dma_semaphore, #tpu.memory_space<semaphore_mem>>
      %dma_start3A = arith.constant 0 : i32
      %dma_start3A_49 = tpu.memref_slice %arg7[%add3A_36, %dma_start3A] : memref<10240x16xf32, #tpu.memory_space<vmem_shared>> -> memref<128x16xf32, #tpu.memory_space<vmem_shared>>
      %dma_start3A_50 = arith.constant 0 : i32
      %dma_start3A_51 = tpu.memref_slice %arg7[%add3A_36, %dma_start3A_50] : memref<10240x16xf32, #tpu.memory_space<vmem_shared>> -> memref<128x16xf32, #tpu.memory_space<vmem_shared>>
      tpu.enqueue_dma source(%dma_start3A_51 : memref<128x16xf32, #tpu.memory_space<vmem_shared>>) target(%arg6 : memref<128x16xf32, #tpu.memory_space<vmem>>) target_semaphore(%run_scoped3A : memref<!tpu.dma_semaphore, #tpu.memory_space<semaphore_mem>>)
      %dma_wait3A = arith.constant 0 : i32
      %dma_wait3A_52 = tpu.memref_slice %arg7[%add3A_36, %dma_wait3A] : memref<10240x16xf32, #tpu.memory_space<vmem_shared>> -> memref<128x16xf32, #tpu.memory_space<vmem_shared>>
      %dma_wait3A_53 = arith.constant 0 : i32
      %dma_wait3A_54 = tpu.memref_slice %arg7[%add3A_36, %dma_wait3A_53] : memref<10240x16xf32, #tpu.memory_space<vmem_shared>> -> memref<128x16xf32, #tpu.memory_space<vmem_shared>>
      tpu.wait_dma2 semaphore(%run_scoped3A : memref<!tpu.dma_semaphore, #tpu.memory_space<semaphore_mem>>) src(%dma_wait3A_54 : memref<128x16xf32, #tpu.memory_space<vmem_shared>>) dst(%arg6 : memref<128x16xf32, #tpu.memory_space<vmem>>)
      tpu.yield
    }) : () -> ()
    "tpu.region"() ({
      %run_scoped3A = tpu.sem_alloc : memref<!tpu.dma_semaphore, #tpu.memory_space<semaphore_mem>>
      %dma_start3A = arith.constant 0 : i32
      %dma_start3A_49 = tpu.memref_slice %arg4[%arg0, %add3A_36, %dma_start3A] : memref<2x10240x16xf32, #tpu.memory_space<hbm>> -> memref<1x128x16xf32, #tpu.memory_space<hbm>>
      %dma_start3A_50 = tpu.memref_squeeze %dma_start3A_49 : memref<1x128x16xf32, #tpu.memory_space<hbm>> -> memref<128x16xf32, #tpu.memory_space<hbm>>
      %dma_start3A_51 = arith.constant 0 : i32
      %dma_start3A_52 = tpu.memref_slice %arg4[%arg0, %add3A_36, %dma_start3A_51] : memref<2x10240x16xf32, #tpu.memory_space<hbm>> -> memref<1x128x16xf32, #tpu.memory_space<hbm>>
      %dma_start3A_53 = tpu.memref_squeeze %dma_start3A_52 : memref<1x128x16xf32, #tpu.memory_space<hbm>> -> memref<128x16xf32, #tpu.memory_space<hbm>>
      tpu.enqueue_dma source(%arg6 : memref<128x16xf32, #tpu.memory_space<vmem>>) target(%dma_start3A_53 : memref<128x16xf32, #tpu.memory_space<hbm>>) target_semaphore(%run_scoped3A : memref<!tpu.dma_semaphore, #tpu.memory_space<semaphore_mem>>)
      %dma_wait3A = arith.constant 0 : i32
      %dma_wait3A_54 = tpu.memref_slice %arg4[%arg0, %add3A_36, %dma_wait3A] : memref<2x10240x16xf32, #tpu.memory_space<hbm>> -> memref<1x128x16xf32, #tpu.memory_space<hbm>>
      %dma_wait3A_55 = tpu.memref_squeeze %dma_wait3A_54 : memref<1x128x16xf32, #tpu.memory_space<hbm>> -> memref<128x16xf32, #tpu.memory_space<hbm>>
      %dma_wait3A_56 = arith.constant 0 : i32
      %dma_wait3A_57 = tpu.memref_slice %arg4[%arg0, %add3A_36, %dma_wait3A_56] : memref<2x10240x16xf32, #tpu.memory_space<hbm>> -> memref<1x128x16xf32, #tpu.memory_space<hbm>>
      %dma_wait3A_58 = tpu.memref_squeeze %dma_wait3A_57 : memref<1x128x16xf32, #tpu.memory_space<hbm>> -> memref<128x16xf32, #tpu.memory_space<hbm>>
      tpu.wait_dma2 semaphore(%run_scoped3A : memref<!tpu.dma_semaphore, #tpu.memory_space<semaphore_mem>>) src(%arg6 : memref<128x16xf32, #tpu.memory_space<vmem>>) dst(%dma_wait3A_58 : memref<128x16xf32, #tpu.memory_space<hbm>>)
      tpu.yield
    }) : () -> ()
    %mul3A_37 = arith.constant 640 : i32
    %mul3A_38 = arith.muli %arg1, %mul3A_37 : i32
    %add3A_39 = arith.constant 256 : i32
    %add3A_40 = arith.addi %mul3A_38, %add3A_39 : i32
    "tpu.region"() ({
      %run_scoped3A = tpu.sem_alloc : memref<!tpu.dma_semaphore, #tpu.memory_space<semaphore_mem>>
      %dma_start3A = arith.constant 0 : i32
      %dma_start3A_49 = tpu.memref_slice %arg7[%add3A_40, %dma_start3A] : memref<10240x16xf32, #tpu.memory_space<vmem_shared>> -> memref<128x16xf32, #tpu.memory_space<vmem_shared>>
      %dma_start3A_50 = arith.constant 0 : i32
      %dma_start3A_51 = tpu.memref_slice %arg7[%add3A_40, %dma_start3A_50] : memref<10240x16xf32, #tpu.memory_space<vmem_shared>> -> memref<128x16xf32, #tpu.memory_space<vmem_shared>>
      tpu.enqueue_dma source(%dma_start3A_51 : memref<128x16xf32, #tpu.memory_space<vmem_shared>>) target(%arg6 : memref<128x16xf32, #tpu.memory_space<vmem>>) target_semaphore(%run_scoped3A : memref<!tpu.dma_semaphore, #tpu.memory_space<semaphore_mem>>)
      %dma_wait3A = arith.constant 0 : i32
      %dma_wait3A_52 = tpu.memref_slice %arg7[%add3A_40, %dma_wait3A] : memref<10240x16xf32, #tpu.memory_space<vmem_shared>> -> memref<128x16xf32, #tpu.memory_space<vmem_shared>>
      %dma_wait3A_53 = arith.constant 0 : i32
      %dma_wait3A_54 = tpu.memref_slice %arg7[%add3A_40, %dma_wait3A_53] : memref<10240x16xf32, #tpu.memory_space<vmem_shared>> -> memref<128x16xf32, #tpu.memory_space<vmem_shared>>
      tpu.wait_dma2 semaphore(%run_scoped3A : memref<!tpu.dma_semaphore, #tpu.memory_space<semaphore_mem>>) src(%dma_wait3A_54 : memref<128x16xf32, #tpu.memory_space<vmem_shared>>) dst(%arg6 : memref<128x16xf32, #tpu.memory_space<vmem>>)
      tpu.yield
    }) : () -> ()
    "tpu.region"() ({
      %run_scoped3A = tpu.sem_alloc : memref<!tpu.dma_semaphore, #tpu.memory_space<semaphore_mem>>
      %dma_start3A = arith.constant 0 : i32
      %dma_start3A_49 = tpu.memref_slice %arg4[%arg0, %add3A_40, %dma_start3A] : memref<2x10240x16xf32, #tpu.memory_space<hbm>> -> memref<1x128x16xf32, #tpu.memory_space<hbm>>
      %dma_start3A_50 = tpu.memref_squeeze %dma_start3A_49 : memref<1x128x16xf32, #tpu.memory_space<hbm>> -> memref<128x16xf32, #tpu.memory_space<hbm>>
      %dma_start3A_51 = arith.constant 0 : i32
      %dma_start3A_52 = tpu.memref_slice %arg4[%arg0, %add3A_40, %dma_start3A_51] : memref<2x10240x16xf32, #tpu.memory_space<hbm>> -> memref<1x128x16xf32, #tpu.memory_space<hbm>>
      %dma_start3A_53 = tpu.memref_squeeze %dma_start3A_52 : memref<1x128x16xf32, #tpu.memory_space<hbm>> -> memref<128x16xf32, #tpu.memory_space<hbm>>
      tpu.enqueue_dma source(%arg6 : memref<128x16xf32, #tpu.memory_space<vmem>>) target(%dma_start3A_53 : memref<128x16xf32, #tpu.memory_space<hbm>>) target_semaphore(%run_scoped3A : memref<!tpu.dma_semaphore, #tpu.memory_space<semaphore_mem>>)
      %dma_wait3A = arith.constant 0 : i32
      %dma_wait3A_54 = tpu.memref_slice %arg4[%arg0, %add3A_40, %dma_wait3A] : memref<2x10240x16xf32, #tpu.memory_space<hbm>> -> memref<1x128x16xf32, #tpu.memory_space<hbm>>
      %dma_wait3A_55 = tpu.memref_squeeze %dma_wait3A_54 : memref<1x128x16xf32, #tpu.memory_space<hbm>> -> memref<128x16xf32, #tpu.memory_space<hbm>>
      %dma_wait3A_56 = arith.constant 0 : i32
      %dma_wait3A_57 = tpu.memref_slice %arg4[%arg0, %add3A_40, %dma_wait3A_56] : memref<2x10240x16xf32, #tpu.memory_space<hbm>> -> memref<1x128x16xf32, #tpu.memory_space<hbm>>
      %dma_wait3A_58 = tpu.memref_squeeze %dma_wait3A_57 : memref<1x128x16xf32, #tpu.memory_space<hbm>> -> memref<128x16xf32, #tpu.memory_space<hbm>>
      tpu.wait_dma2 semaphore(%run_scoped3A : memref<!tpu.dma_semaphore, #tpu.memory_space<semaphore_mem>>) src(%arg6 : memref<128x16xf32, #tpu.memory_space<vmem>>) dst(%dma_wait3A_58 : memref<128x16xf32, #tpu.memory_space<hbm>>)
      tpu.yield
    }) : () -> ()
    %mul3A_41 = arith.constant 640 : i32
    %mul3A_42 = arith.muli %arg1, %mul3A_41 : i32
    %add3A_43 = arith.constant 384 : i32
    %add3A_44 = arith.addi %mul3A_42, %add3A_43 : i32
    "tpu.region"() ({
      %run_scoped3A = tpu.sem_alloc : memref<!tpu.dma_semaphore, #tpu.memory_space<semaphore_mem>>
      %dma_start3A = arith.constant 0 : i32
      %dma_start3A_49 = tpu.memref_slice %arg7[%add3A_44, %dma_start3A] : memref<10240x16xf32, #tpu.memory_space<vmem_shared>> -> memref<128x16xf32, #tpu.memory_space<vmem_shared>>
      %dma_start3A_50 = arith.constant 0 : i32
      %dma_start3A_51 = tpu.memref_slice %arg7[%add3A_44, %dma_start3A_50] : memref<10240x16xf32, #tpu.memory_space<vmem_shared>> -> memref<128x16xf32, #tpu.memory_space<vmem_shared>>
      tpu.enqueue_dma source(%dma_start3A_51 : memref<128x16xf32, #tpu.memory_space<vmem_shared>>) target(%arg6 : memref<128x16xf32, #tpu.memory_space<vmem>>) target_semaphore(%run_scoped3A : memref<!tpu.dma_semaphore, #tpu.memory_space<semaphore_mem>>)
      %dma_wait3A = arith.constant 0 : i32
      %dma_wait3A_52 = tpu.memref_slice %arg7[%add3A_44, %dma_wait3A] : memref<10240x16xf32, #tpu.memory_space<vmem_shared>> -> memref<128x16xf32, #tpu.memory_space<vmem_shared>>
      %dma_wait3A_53 = arith.constant 0 : i32
      %dma_wait3A_54 = tpu.memref_slice %arg7[%add3A_44, %dma_wait3A_53] : memref<10240x16xf32, #tpu.memory_space<vmem_shared>> -> memref<128x16xf32, #tpu.memory_space<vmem_shared>>
      tpu.wait_dma2 semaphore(%run_scoped3A : memref<!tpu.dma_semaphore, #tpu.memory_space<semaphore_mem>>) src(%dma_wait3A_54 : memref<128x16xf32, #tpu.memory_space<vmem_shared>>) dst(%arg6 : memref<128x16xf32, #tpu.memory_space<vmem>>)
      tpu.yield
    }) : () -> ()
    "tpu.region"() ({
      %run_scoped3A = tpu.sem_alloc : memref<!tpu.dma_semaphore, #tpu.memory_space<semaphore_mem>>
      %dma_start3A = arith.constant 0 : i32
      %dma_start3A_49 = tpu.memref_slice %arg4[%arg0, %add3A_44, %dma_start3A] : memref<2x10240x16xf32, #tpu.memory_space<hbm>> -> memref<1x128x16xf32, #tpu.memory_space<hbm>>
      %dma_start3A_50 = tpu.memref_squeeze %dma_start3A_49 : memref<1x128x16xf32, #tpu.memory_space<hbm>> -> memref<128x16xf32, #tpu.memory_space<hbm>>
      %dma_start3A_51 = arith.constant 0 : i32
      %dma_start3A_52 = tpu.memref_slice %arg4[%arg0, %add3A_44, %dma_start3A_51] : memref<2x10240x16xf32, #tpu.memory_space<hbm>> -> memref<1x128x16xf32, #tpu.memory_space<hbm>>
      %dma_start3A_53 = tpu.memref_squeeze %dma_start3A_52 : memref<1x128x16xf32, #tpu.memory_space<hbm>> -> memref<128x16xf32, #tpu.memory_space<hbm>>
      tpu.enqueue_dma source(%arg6 : memref<128x16xf32, #tpu.memory_space<vmem>>) target(%dma_start3A_53 : memref<128x16xf32, #tpu.memory_space<hbm>>) target_semaphore(%run_scoped3A : memref<!tpu.dma_semaphore, #tpu.memory_space<semaphore_mem>>)
      %dma_wait3A = arith.constant 0 : i32
      %dma_wait3A_54 = tpu.memref_slice %arg4[%arg0, %add3A_44, %dma_wait3A] : memref<2x10240x16xf32, #tpu.memory_space<hbm>> -> memref<1x128x16xf32, #tpu.memory_space<hbm>>
      %dma_wait3A_55 = tpu.memref_squeeze %dma_wait3A_54 : memref<1x128x16xf32, #tpu.memory_space<hbm>> -> memref<128x16xf32, #tpu.memory_space<hbm>>
      %dma_wait3A_56 = arith.constant 0 : i32
      %dma_wait3A_57 = tpu.memref_slice %arg4[%arg0, %add3A_44, %dma_wait3A_56] : memref<2x10240x16xf32, #tpu.memory_space<hbm>> -> memref<1x128x16xf32, #tpu.memory_space<hbm>>
      %dma_wait3A_58 = tpu.memref_squeeze %dma_wait3A_57 : memref<1x128x16xf32, #tpu.memory_space<hbm>> -> memref<128x16xf32, #tpu.memory_space<hbm>>
      tpu.wait_dma2 semaphore(%run_scoped3A : memref<!tpu.dma_semaphore, #tpu.memory_space<semaphore_mem>>) src(%arg6 : memref<128x16xf32, #tpu.memory_space<vmem>>) dst(%dma_wait3A_58 : memref<128x16xf32, #tpu.memory_space<hbm>>)
      tpu.yield
    }) : () -> ()
    %mul3A_45 = arith.constant 640 : i32
    %mul3A_46 = arith.muli %arg1, %mul3A_45 : i32
    %add3A_47 = arith.constant 512 : i32
    %add3A_48 = arith.addi %mul3A_46, %add3A_47 : i32
    "tpu.region"() ({
      %run_scoped3A = tpu.sem_alloc : memref<!tpu.dma_semaphore, #tpu.memory_space<semaphore_mem>>
      %dma_start3A = arith.constant 0 : i32
      %dma_start3A_49 = tpu.memref_slice %arg7[%add3A_48, %dma_start3A] : memref<10240x16xf32, #tpu.memory_space<vmem_shared>> -> memref<128x16xf32, #tpu.memory_space<vmem_shared>>
      %dma_start3A_50 = arith.constant 0 : i32
      %dma_start3A_51 = tpu.memref_slice %arg7[%add3A_48, %dma_start3A_50] : memref<10240x16xf32, #tpu.memory_space<vmem_shared>> -> memref<128x16xf32, #tpu.memory_space<vmem_shared>>
      tpu.enqueue_dma source(%dma_start3A_51 : memref<128x16xf32, #tpu.memory_space<vmem_shared>>) target(%arg6 : memref<128x16xf32, #tpu.memory_space<vmem>>) target_semaphore(%run_scoped3A : memref<!tpu.dma_semaphore, #tpu.memory_space<semaphore_mem>>)
      %dma_wait3A = arith.constant 0 : i32
      %dma_wait3A_52 = tpu.memref_slice %arg7[%add3A_48, %dma_wait3A] : memref<10240x16xf32, #tpu.memory_space<vmem_shared>> -> memref<128x16xf32, #tpu.memory_space<vmem_shared>>
      %dma_wait3A_53 = arith.constant 0 : i32
      %dma_wait3A_54 = tpu.memref_slice %arg7[%add3A_48, %dma_wait3A_53] : memref<10240x16xf32, #tpu.memory_space<vmem_shared>> -> memref<128x16xf32, #tpu.memory_space<vmem_shared>>
      tpu.wait_dma2 semaphore(%run_scoped3A : memref<!tpu.dma_semaphore, #tpu.memory_space<semaphore_mem>>) src(%dma_wait3A_54 : memref<128x16xf32, #tpu.memory_space<vmem_shared>>) dst(%arg6 : memref<128x16xf32, #tpu.memory_space<vmem>>)
      tpu.yield
    }) : () -> ()
    "tpu.region"() ({
      %run_scoped3A = tpu.sem_alloc : memref<!tpu.dma_semaphore, #tpu.memory_space<semaphore_mem>>
      %dma_start3A = arith.constant 0 : i32
      %dma_start3A_49 = tpu.memref_slice %arg4[%arg0, %add3A_48, %dma_start3A] : memref<2x10240x16xf32, #tpu.memory_space<hbm>> -> memref<1x128x16xf32, #tpu.memory_space<hbm>>
      %dma_start3A_50 = tpu.memref_squeeze %dma_start3A_49 : memref<1x128x16xf32, #tpu.memory_space<hbm>> -> memref<128x16xf32, #tpu.memory_space<hbm>>
      %dma_start3A_51 = arith.constant 0 : i32
      %dma_start3A_52 = tpu.memref_slice %arg4[%arg0, %add3A_48, %dma_start3A_51] : memref<2x10240x16xf32, #tpu.memory_space<hbm>> -> memref<1x128x16xf32, #tpu.memory_space<hbm>>
      %dma_start3A_53 = tpu.memref_squeeze %dma_start3A_52 : memref<1x128x16xf32, #tpu.memory_space<hbm>> -> memref<128x16xf32, #tpu.memory_space<hbm>>
      tpu.enqueue_dma source(%arg6 : memref<128x16xf32, #tpu.memory_space<vmem>>) target(%dma_start3A_53 : memref<128x16xf32, #tpu.memory_space<hbm>>) target_semaphore(%run_scoped3A : memref<!tpu.dma_semaphore, #tpu.memory_space<semaphore_mem>>)
      %dma_wait3A = arith.constant 0 : i32
      %dma_wait3A_54 = tpu.memref_slice %arg4[%arg0, %add3A_48, %dma_wait3A] : memref<2x10240x16xf32, #tpu.memory_space<hbm>> -> memref<1x128x16xf32, #tpu.memory_space<hbm>>
      %dma_wait3A_55 = tpu.memref_squeeze %dma_wait3A_54 : memref<1x128x16xf32, #tpu.memory_space<hbm>> -> memref<128x16xf32, #tpu.memory_space<hbm>>
      %dma_wait3A_56 = arith.constant 0 : i32
      %dma_wait3A_57 = tpu.memref_slice %arg4[%arg0, %add3A_48, %dma_wait3A_56] : memref<2x10240x16xf32, #tpu.memory_space<hbm>> -> memref<1x128x16xf32, #tpu.memory_space<hbm>>
      %dma_wait3A_58 = tpu.memref_squeeze %dma_wait3A_57 : memref<1x128x16xf32, #tpu.memory_space<hbm>> -> memref<128x16xf32, #tpu.memory_space<hbm>>
      tpu.wait_dma2 semaphore(%run_scoped3A : memref<!tpu.dma_semaphore, #tpu.memory_space<semaphore_mem>>) src(%arg6 : memref<128x16xf32, #tpu.memory_space<vmem>>) dst(%dma_wait3A_58 : memref<128x16xf32, #tpu.memory_space<hbm>>)
      tpu.yield
    }) : () -> ()
    return
  }
}

#map = affine_map<(d0, d1) -> (0)>
#map1 = affine_map<(d0, d1) -> (0, 0)>
#map2 = affine_map<(d0, d1) -> (0, 0, 0)>
module attributes {stable_mosaic.version = 14 : i64} {
  func.func @_seg_body(%arg0: i32, %arg1: i32, %arg2: memref<323584xi32, #tpu.memory_space<hbm>>, %arg3: memref<323584xi32, #tpu.memory_space<hbm>>, %arg4: memref<10000x128xf32, #tpu.memory_space<hbm>>, %arg5: memref<128x128xf32, #tpu.memory_space<hbm>>, %arg6: memref<2x10240x128xf32, #tpu.memory_space<hbm>>, %arg7: memref<128xi32, #tpu.memory_space<vmem>>, %arg8: memref<128xi32, #tpu.memory_space<vmem>>, %arg9: memref<128x128xf32, #tpu.memory_space<vmem>>, %arg10: memref<10240x128xf32, #tpu.memory_space<vmem_shared>>, %arg11: memref<!tpu.dma_semaphore, #tpu.memory_space<semaphore_mem>>) attributes {dimension_semantics = [#tpu.dimension_semantics<core_parallel>, #tpu.dimension_semantics<subcore_parallel>], iteration_bounds = array<i64: 2, 16>, scalar_prefetch = 0 : i64, scratch_operands = 5 : i64, tpu.core_type = #tpu.core_type<sc_vector_subcore>, window_params = [{transform_indices = #map}, {transform_indices = #map}, {transform_indices = #map1}, {transform_indices = #map1}, {transform_indices = #map2}]} {
    %mul3A = arith.constant 16 : i32
    %mul3A_0 = arith.muli %arg0, %mul3A : i32
    %add3A = arith.addi %mul3A_0, %arg1 : i32
    %mul3A_1 = arith.constant 10112 : i32
    %mul3A_2 = arith.muli %add3A, %mul3A_1 : i32
    "tpu.region"() ({
      %run_scoped3A = tpu.sem_alloc : memref<!tpu.dma_semaphore, #tpu.memory_space<semaphore_mem>>
      tpu.enqueue_dma source(%arg5 : memref<128x128xf32, #tpu.memory_space<hbm>>) target(%arg9 : memref<128x128xf32, #tpu.memory_space<vmem>>) target_semaphore(%run_scoped3A : memref<!tpu.dma_semaphore, #tpu.memory_space<semaphore_mem>>)
      tpu.wait_dma2 semaphore(%run_scoped3A : memref<!tpu.dma_semaphore, #tpu.memory_space<semaphore_mem>>) src(%arg5 : memref<128x128xf32, #tpu.memory_space<hbm>>) dst(%arg9 : memref<128x128xf32, #tpu.memory_space<vmem>>)
      tpu.yield
    }) : () -> ()
    %mul3A_3 = arith.constant 640 : i32
    %mul3A_4 = arith.muli %arg1, %mul3A_3 : i32
    %add3A_5 = arith.constant 0 : i32
    %add3A_6 = arith.addi %mul3A_4, %add3A_5 : i32
    "tpu.region"() ({
      %run_scoped3A = tpu.sem_alloc : memref<!tpu.dma_semaphore, #tpu.memory_space<semaphore_mem>>
      %dma_start3A = arith.constant 0 : i32
      %dma_start3A_49 = tpu.memref_slice %arg10[%add3A_6, %dma_start3A] : memref<10240x128xf32, #tpu.memory_space<vmem_shared>> -> memref<128x128xf32, #tpu.memory_space<vmem_shared>>
      %dma_start3A_50 = arith.constant 0 : i32
      %dma_start3A_51 = tpu.memref_slice %arg10[%add3A_6, %dma_start3A_50] : memref<10240x128xf32, #tpu.memory_space<vmem_shared>> -> memref<128x128xf32, #tpu.memory_space<vmem_shared>>
      tpu.enqueue_dma source(%arg9 : memref<128x128xf32, #tpu.memory_space<vmem>>) target(%dma_start3A_51 : memref<128x128xf32, #tpu.memory_space<vmem_shared>>) target_semaphore(%run_scoped3A : memref<!tpu.dma_semaphore, #tpu.memory_space<semaphore_mem>>)
      %dma_wait3A = arith.constant 0 : i32
      %dma_wait3A_52 = tpu.memref_slice %arg10[%add3A_6, %dma_wait3A] : memref<10240x128xf32, #tpu.memory_space<vmem_shared>> -> memref<128x128xf32, #tpu.memory_space<vmem_shared>>
      %dma_wait3A_53 = arith.constant 0 : i32
      %dma_wait3A_54 = tpu.memref_slice %arg10[%add3A_6, %dma_wait3A_53] : memref<10240x128xf32, #tpu.memory_space<vmem_shared>> -> memref<128x128xf32, #tpu.memory_space<vmem_shared>>
      tpu.wait_dma2 semaphore(%run_scoped3A : memref<!tpu.dma_semaphore, #tpu.memory_space<semaphore_mem>>) src(%arg9 : memref<128x128xf32, #tpu.memory_space<vmem>>) dst(%dma_wait3A_54 : memref<128x128xf32, #tpu.memory_space<vmem_shared>>)
      tpu.yield
    }) : () -> ()
    %mul3A_7 = arith.constant 640 : i32
    %mul3A_8 = arith.muli %arg1, %mul3A_7 : i32
    %add3A_9 = arith.constant 128 : i32
    %add3A_10 = arith.addi %mul3A_8, %add3A_9 : i32
    "tpu.region"() ({
      %run_scoped3A = tpu.sem_alloc : memref<!tpu.dma_semaphore, #tpu.memory_space<semaphore_mem>>
      %dma_start3A = arith.constant 0 : i32
      %dma_start3A_49 = tpu.memref_slice %arg10[%add3A_10, %dma_start3A] : memref<10240x128xf32, #tpu.memory_space<vmem_shared>> -> memref<128x128xf32, #tpu.memory_space<vmem_shared>>
      %dma_start3A_50 = arith.constant 0 : i32
      %dma_start3A_51 = tpu.memref_slice %arg10[%add3A_10, %dma_start3A_50] : memref<10240x128xf32, #tpu.memory_space<vmem_shared>> -> memref<128x128xf32, #tpu.memory_space<vmem_shared>>
      tpu.enqueue_dma source(%arg9 : memref<128x128xf32, #tpu.memory_space<vmem>>) target(%dma_start3A_51 : memref<128x128xf32, #tpu.memory_space<vmem_shared>>) target_semaphore(%run_scoped3A : memref<!tpu.dma_semaphore, #tpu.memory_space<semaphore_mem>>)
      %dma_wait3A = arith.constant 0 : i32
      %dma_wait3A_52 = tpu.memref_slice %arg10[%add3A_10, %dma_wait3A] : memref<10240x128xf32, #tpu.memory_space<vmem_shared>> -> memref<128x128xf32, #tpu.memory_space<vmem_shared>>
      %dma_wait3A_53 = arith.constant 0 : i32
      %dma_wait3A_54 = tpu.memref_slice %arg10[%add3A_10, %dma_wait3A_53] : memref<10240x128xf32, #tpu.memory_space<vmem_shared>> -> memref<128x128xf32, #tpu.memory_space<vmem_shared>>
      tpu.wait_dma2 semaphore(%run_scoped3A : memref<!tpu.dma_semaphore, #tpu.memory_space<semaphore_mem>>) src(%arg9 : memref<128x128xf32, #tpu.memory_space<vmem>>) dst(%dma_wait3A_54 : memref<128x128xf32, #tpu.memory_space<vmem_shared>>)
      tpu.yield
    }) : () -> ()
    %mul3A_11 = arith.constant 640 : i32
    %mul3A_12 = arith.muli %arg1, %mul3A_11 : i32
    %add3A_13 = arith.constant 256 : i32
    %add3A_14 = arith.addi %mul3A_12, %add3A_13 : i32
    "tpu.region"() ({
      %run_scoped3A = tpu.sem_alloc : memref<!tpu.dma_semaphore, #tpu.memory_space<semaphore_mem>>
      %dma_start3A = arith.constant 0 : i32
      %dma_start3A_49 = tpu.memref_slice %arg10[%add3A_14, %dma_start3A] : memref<10240x128xf32, #tpu.memory_space<vmem_shared>> -> memref<128x128xf32, #tpu.memory_space<vmem_shared>>
      %dma_start3A_50 = arith.constant 0 : i32
      %dma_start3A_51 = tpu.memref_slice %arg10[%add3A_14, %dma_start3A_50] : memref<10240x128xf32, #tpu.memory_space<vmem_shared>> -> memref<128x128xf32, #tpu.memory_space<vmem_shared>>
      tpu.enqueue_dma source(%arg9 : memref<128x128xf32, #tpu.memory_space<vmem>>) target(%dma_start3A_51 : memref<128x128xf32, #tpu.memory_space<vmem_shared>>) target_semaphore(%run_scoped3A : memref<!tpu.dma_semaphore, #tpu.memory_space<semaphore_mem>>)
      %dma_wait3A = arith.constant 0 : i32
      %dma_wait3A_52 = tpu.memref_slice %arg10[%add3A_14, %dma_wait3A] : memref<10240x128xf32, #tpu.memory_space<vmem_shared>> -> memref<128x128xf32, #tpu.memory_space<vmem_shared>>
      %dma_wait3A_53 = arith.constant 0 : i32
      %dma_wait3A_54 = tpu.memref_slice %arg10[%add3A_14, %dma_wait3A_53] : memref<10240x128xf32, #tpu.memory_space<vmem_shared>> -> memref<128x128xf32, #tpu.memory_space<vmem_shared>>
      tpu.wait_dma2 semaphore(%run_scoped3A : memref<!tpu.dma_semaphore, #tpu.memory_space<semaphore_mem>>) src(%arg9 : memref<128x128xf32, #tpu.memory_space<vmem>>) dst(%dma_wait3A_54 : memref<128x128xf32, #tpu.memory_space<vmem_shared>>)
      tpu.yield
    }) : () -> ()
    %mul3A_15 = arith.constant 640 : i32
    %mul3A_16 = arith.muli %arg1, %mul3A_15 : i32
    %add3A_17 = arith.constant 384 : i32
    %add3A_18 = arith.addi %mul3A_16, %add3A_17 : i32
    "tpu.region"() ({
      %run_scoped3A = tpu.sem_alloc : memref<!tpu.dma_semaphore, #tpu.memory_space<semaphore_mem>>
      %dma_start3A = arith.constant 0 : i32
      %dma_start3A_49 = tpu.memref_slice %arg10[%add3A_18, %dma_start3A] : memref<10240x128xf32, #tpu.memory_space<vmem_shared>> -> memref<128x128xf32, #tpu.memory_space<vmem_shared>>
      %dma_start3A_50 = arith.constant 0 : i32
      %dma_start3A_51 = tpu.memref_slice %arg10[%add3A_18, %dma_start3A_50] : memref<10240x128xf32, #tpu.memory_space<vmem_shared>> -> memref<128x128xf32, #tpu.memory_space<vmem_shared>>
      tpu.enqueue_dma source(%arg9 : memref<128x128xf32, #tpu.memory_space<vmem>>) target(%dma_start3A_51 : memref<128x128xf32, #tpu.memory_space<vmem_shared>>) target_semaphore(%run_scoped3A : memref<!tpu.dma_semaphore, #tpu.memory_space<semaphore_mem>>)
      %dma_wait3A = arith.constant 0 : i32
      %dma_wait3A_52 = tpu.memref_slice %arg10[%add3A_18, %dma_wait3A] : memref<10240x128xf32, #tpu.memory_space<vmem_shared>> -> memref<128x128xf32, #tpu.memory_space<vmem_shared>>
      %dma_wait3A_53 = arith.constant 0 : i32
      %dma_wait3A_54 = tpu.memref_slice %arg10[%add3A_18, %dma_wait3A_53] : memref<10240x128xf32, #tpu.memory_space<vmem_shared>> -> memref<128x128xf32, #tpu.memory_space<vmem_shared>>
      tpu.wait_dma2 semaphore(%run_scoped3A : memref<!tpu.dma_semaphore, #tpu.memory_space<semaphore_mem>>) src(%arg9 : memref<128x128xf32, #tpu.memory_space<vmem>>) dst(%dma_wait3A_54 : memref<128x128xf32, #tpu.memory_space<vmem_shared>>)
      tpu.yield
    }) : () -> ()
    %mul3A_19 = arith.constant 640 : i32
    %mul3A_20 = arith.muli %arg1, %mul3A_19 : i32
    %add3A_21 = arith.constant 512 : i32
    %add3A_22 = arith.addi %mul3A_20, %add3A_21 : i32
    "tpu.region"() ({
      %run_scoped3A = tpu.sem_alloc : memref<!tpu.dma_semaphore, #tpu.memory_space<semaphore_mem>>
      %dma_start3A = arith.constant 0 : i32
      %dma_start3A_49 = tpu.memref_slice %arg10[%add3A_22, %dma_start3A] : memref<10240x128xf32, #tpu.memory_space<vmem_shared>> -> memref<128x128xf32, #tpu.memory_space<vmem_shared>>
      %dma_start3A_50 = arith.constant 0 : i32
      %dma_start3A_51 = tpu.memref_slice %arg10[%add3A_22, %dma_start3A_50] : memref<10240x128xf32, #tpu.memory_space<vmem_shared>> -> memref<128x128xf32, #tpu.memory_space<vmem_shared>>
      tpu.enqueue_dma source(%arg9 : memref<128x128xf32, #tpu.memory_space<vmem>>) target(%dma_start3A_51 : memref<128x128xf32, #tpu.memory_space<vmem_shared>>) target_semaphore(%run_scoped3A : memref<!tpu.dma_semaphore, #tpu.memory_space<semaphore_mem>>)
      %dma_wait3A = arith.constant 0 : i32
      %dma_wait3A_52 = tpu.memref_slice %arg10[%add3A_22, %dma_wait3A] : memref<10240x128xf32, #tpu.memory_space<vmem_shared>> -> memref<128x128xf32, #tpu.memory_space<vmem_shared>>
      %dma_wait3A_53 = arith.constant 0 : i32
      %dma_wait3A_54 = tpu.memref_slice %arg10[%add3A_22, %dma_wait3A_53] : memref<10240x128xf32, #tpu.memory_space<vmem_shared>> -> memref<128x128xf32, #tpu.memory_space<vmem_shared>>
      tpu.wait_dma2 semaphore(%run_scoped3A : memref<!tpu.dma_semaphore, #tpu.memory_space<semaphore_mem>>) src(%arg9 : memref<128x128xf32, #tpu.memory_space<vmem>>) dst(%dma_wait3A_54 : memref<128x128xf32, #tpu.memory_space<vmem_shared>>)
      tpu.yield
    }) : () -> ()
    %barrier3A = arith.constant 0 : index
    tpu.barrier barrier_id(%barrier3A)
    %scan3A = arith.constant 0 : i32
    %scan3A_23 = arith.constant 0 : i32
    %scan3A_24 = arith.constant 79 : i32
    %scan3A_25 = arith.addi %scan3A_23, %scan3A_24 : i32
    %scan3A_26 = arith.constant 1 : i32
    scf.for %scan3A_49 = %scan3A_23 to %scan3A_25 step %scan3A_26  : i32 {
      %mul3A_50 = arith.constant 128 : i32
      %mul3A_51 = arith.muli %scan3A_49, %mul3A_50 : i32
      %add3A_52 = arith.addi %mul3A_2, %mul3A_51 : i32
      %multiple_of3A = tpu.assume_multiple %add3A_52, 8 : i32
      "tpu.region"() ({
        %run_scoped3A = tpu.sem_alloc : memref<!tpu.dma_semaphore, #tpu.memory_space<semaphore_mem>>
        %dma_start3A_57 = tpu.memref_slice %arg3[%multiple_of3A] : memref<323584xi32, #tpu.memory_space<hbm>> -> memref<128xi32, #tpu.memory_space<hbm>>
        %dma_start3A_58 = tpu.memref_slice %arg3[%multiple_of3A] : memref<323584xi32, #tpu.memory_space<hbm>> -> memref<128xi32, #tpu.memory_space<hbm>>
        tpu.enqueue_dma source(%dma_start3A_58 : memref<128xi32, #tpu.memory_space<hbm>>) target(%arg7 : memref<128xi32, #tpu.memory_space<vmem>>) target_semaphore(%run_scoped3A : memref<!tpu.dma_semaphore, #tpu.memory_space<semaphore_mem>>)
        %dma_wait3A_59 = tpu.memref_slice %arg3[%multiple_of3A] : memref<323584xi32, #tpu.memory_space<hbm>> -> memref<128xi32, #tpu.memory_space<hbm>>
        %dma_wait3A_60 = tpu.memref_slice %arg3[%multiple_of3A] : memref<323584xi32, #tpu.memory_space<hbm>> -> memref<128xi32, #tpu.memory_space<hbm>>
        tpu.wait_dma2 semaphore(%run_scoped3A : memref<!tpu.dma_semaphore, #tpu.memory_space<semaphore_mem>>) src(%dma_wait3A_60 : memref<128xi32, #tpu.memory_space<hbm>>) dst(%arg7 : memref<128xi32, #tpu.memory_space<vmem>>)
        tpu.yield
      }) : () -> ()
      "tpu.region"() ({
        %run_scoped3A = tpu.sem_alloc : memref<!tpu.dma_semaphore, #tpu.memory_space<semaphore_mem>>
        %dma_start3A_57 = tpu.memref_slice %arg2[%multiple_of3A] : memref<323584xi32, #tpu.memory_space<hbm>> -> memref<128xi32, #tpu.memory_space<hbm>>
        %dma_start3A_58 = tpu.memref_slice %arg2[%multiple_of3A] : memref<323584xi32, #tpu.memory_space<hbm>> -> memref<128xi32, #tpu.memory_space<hbm>>
        tpu.enqueue_dma source(%dma_start3A_58 : memref<128xi32, #tpu.memory_space<hbm>>) target(%arg8 : memref<128xi32, #tpu.memory_space<vmem>>) target_semaphore(%run_scoped3A : memref<!tpu.dma_semaphore, #tpu.memory_space<semaphore_mem>>)
        %dma_wait3A_59 = tpu.memref_slice %arg2[%multiple_of3A] : memref<323584xi32, #tpu.memory_space<hbm>> -> memref<128xi32, #tpu.memory_space<hbm>>
        %dma_wait3A_60 = tpu.memref_slice %arg2[%multiple_of3A] : memref<323584xi32, #tpu.memory_space<hbm>> -> memref<128xi32, #tpu.memory_space<hbm>>
        tpu.wait_dma2 semaphore(%run_scoped3A : memref<!tpu.dma_semaphore, #tpu.memory_space<semaphore_mem>>) src(%dma_wait3A_60 : memref<128xi32, #tpu.memory_space<hbm>>) dst(%arg8 : memref<128xi32, #tpu.memory_space<vmem>>)
        tpu.yield
      }) : () -> ()
      %dma_start3A = arith.constant 0 : i32
      %dma_start3A_53 = arith.constant 0 : i32
      %dma_start3A_54 = tpu.memref_slice %arg4[%dma_start3A, %dma_start3A_53] : memref<10000x128xf32, #tpu.memory_space<hbm>> -> memref<10000x128xf32, #tpu.memory_space<hbm>>
      tpu.enqueue_indirect_dma source(%dma_start3A_54 : memref<10000x128xf32, #tpu.memory_space<hbm>>) target(%arg9 : memref<128x128xf32, #tpu.memory_space<vmem>>) offsets(%arg7 : memref<128xi32, #tpu.memory_space<vmem>>) semaphore(%arg11 : memref<!tpu.dma_semaphore, #tpu.memory_space<semaphore_mem>>)
      %dma_wait3A = arith.constant 0 : i32
      %dma_wait3A_55 = arith.constant 0 : i32
      %dma_wait3A_56 = tpu.memref_slice %arg4[%dma_wait3A, %dma_wait3A_55] : memref<10000x128xf32, #tpu.memory_space<hbm>> -> memref<10000x128xf32, #tpu.memory_space<hbm>>
      tpu.wait_indirect_dma semaphore(%arg11 : memref<!tpu.dma_semaphore, #tpu.memory_space<semaphore_mem>>) src(%dma_wait3A_56 : memref<10000x128xf32, #tpu.memory_space<hbm>>) dst(%arg9 : memref<128x128xf32, #tpu.memory_space<vmem>>)
      "tpu.region"() ({
        %run_scoped3A = tpu.sem_alloc : memref<!tpu.dma_semaphore, #tpu.memory_space<semaphore_mem>>
        %dma_start3A_57 = arith.constant 0 : i32
        %dma_start3A_58 = arith.constant 0 : i32
        %dma_start3A_59 = tpu.memref_slice %arg10[%dma_start3A_57, %dma_start3A_58] : memref<10240x128xf32, #tpu.memory_space<vmem_shared>> -> memref<10240x128xf32, #tpu.memory_space<vmem_shared>>
        tpu.enqueue_indirect_dma source(%arg9 : memref<128x128xf32, #tpu.memory_space<vmem>>) target(%dma_start3A_59 : memref<10240x128xf32, #tpu.memory_space<vmem_shared>>) offsets(%arg8 : memref<128xi32, #tpu.memory_space<vmem>>) semaphore(%run_scoped3A : memref<!tpu.dma_semaphore, #tpu.memory_space<semaphore_mem>>) {add = true}
        %dma_wait3A_60 = arith.constant 0 : i32
        %dma_wait3A_61 = arith.constant 0 : i32
        %dma_wait3A_62 = tpu.memref_slice %arg10[%dma_wait3A_60, %dma_wait3A_61] : memref<10240x128xf32, #tpu.memory_space<vmem_shared>> -> memref<10240x128xf32, #tpu.memory_space<vmem_shared>>
        tpu.wait_indirect_dma semaphore(%run_scoped3A : memref<!tpu.dma_semaphore, #tpu.memory_space<semaphore_mem>>) src(%arg9 : memref<128x128xf32, #tpu.memory_space<vmem>>) dst(%dma_wait3A_62 : memref<10240x128xf32, #tpu.memory_space<vmem_shared>>)
        tpu.yield
      }) : () -> ()
    }
    %scan3A_27 = arith.constant 79 : i32
    %barrier3A_28 = arith.constant 0 : index
    tpu.barrier barrier_id(%barrier3A_28)
    %mul3A_29 = arith.constant 640 : i32
    %mul3A_30 = arith.muli %arg1, %mul3A_29 : i32
    %add3A_31 = arith.constant 0 : i32
    %add3A_32 = arith.addi %mul3A_30, %add3A_31 : i32
    "tpu.region"() ({
      %run_scoped3A = tpu.sem_alloc : memref<!tpu.dma_semaphore, #tpu.memory_space<semaphore_mem>>
      %dma_start3A = arith.constant 0 : i32
      %dma_start3A_49 = tpu.memref_slice %arg10[%add3A_32, %dma_start3A] : memref<10240x128xf32, #tpu.memory_space<vmem_shared>> -> memref<128x128xf32, #tpu.memory_space<vmem_shared>>
      %dma_start3A_50 = arith.constant 0 : i32
      %dma_start3A_51 = tpu.memref_slice %arg10[%add3A_32, %dma_start3A_50] : memref<10240x128xf32, #tpu.memory_space<vmem_shared>> -> memref<128x128xf32, #tpu.memory_space<vmem_shared>>
      tpu.enqueue_dma source(%dma_start3A_51 : memref<128x128xf32, #tpu.memory_space<vmem_shared>>) target(%arg9 : memref<128x128xf32, #tpu.memory_space<vmem>>) target_semaphore(%run_scoped3A : memref<!tpu.dma_semaphore, #tpu.memory_space<semaphore_mem>>)
      %dma_wait3A = arith.constant 0 : i32
      %dma_wait3A_52 = tpu.memref_slice %arg10[%add3A_32, %dma_wait3A] : memref<10240x128xf32, #tpu.memory_space<vmem_shared>> -> memref<128x128xf32, #tpu.memory_space<vmem_shared>>
      %dma_wait3A_53 = arith.constant 0 : i32
      %dma_wait3A_54 = tpu.memref_slice %arg10[%add3A_32, %dma_wait3A_53] : memref<10240x128xf32, #tpu.memory_space<vmem_shared>> -> memref<128x128xf32, #tpu.memory_space<vmem_shared>>
      tpu.wait_dma2 semaphore(%run_scoped3A : memref<!tpu.dma_semaphore, #tpu.memory_space<semaphore_mem>>) src(%dma_wait3A_54 : memref<128x128xf32, #tpu.memory_space<vmem_shared>>) dst(%arg9 : memref<128x128xf32, #tpu.memory_space<vmem>>)
      tpu.yield
    }) : () -> ()
    "tpu.region"() ({
      %run_scoped3A = tpu.sem_alloc : memref<!tpu.dma_semaphore, #tpu.memory_space<semaphore_mem>>
      %dma_start3A = arith.constant 0 : i32
      %dma_start3A_49 = tpu.memref_slice %arg6[%arg0, %add3A_32, %dma_start3A] : memref<2x10240x128xf32, #tpu.memory_space<hbm>> -> memref<1x128x128xf32, #tpu.memory_space<hbm>>
      %dma_start3A_50 = tpu.memref_squeeze %dma_start3A_49 : memref<1x128x128xf32, #tpu.memory_space<hbm>> -> memref<128x128xf32, #tpu.memory_space<hbm>>
      %dma_start3A_51 = arith.constant 0 : i32
      %dma_start3A_52 = tpu.memref_slice %arg6[%arg0, %add3A_32, %dma_start3A_51] : memref<2x10240x128xf32, #tpu.memory_space<hbm>> -> memref<1x128x128xf32, #tpu.memory_space<hbm>>
      %dma_start3A_53 = tpu.memref_squeeze %dma_start3A_52 : memref<1x128x128xf32, #tpu.memory_space<hbm>> -> memref<128x128xf32, #tpu.memory_space<hbm>>
      tpu.enqueue_dma source(%arg9 : memref<128x128xf32, #tpu.memory_space<vmem>>) target(%dma_start3A_53 : memref<128x128xf32, #tpu.memory_space<hbm>>) target_semaphore(%run_scoped3A : memref<!tpu.dma_semaphore, #tpu.memory_space<semaphore_mem>>)
      %dma_wait3A = arith.constant 0 : i32
      %dma_wait3A_54 = tpu.memref_slice %arg6[%arg0, %add3A_32, %dma_wait3A] : memref<2x10240x128xf32, #tpu.memory_space<hbm>> -> memref<1x128x128xf32, #tpu.memory_space<hbm>>
      %dma_wait3A_55 = tpu.memref_squeeze %dma_wait3A_54 : memref<1x128x128xf32, #tpu.memory_space<hbm>> -> memref<128x128xf32, #tpu.memory_space<hbm>>
      %dma_wait3A_56 = arith.constant 0 : i32
      %dma_wait3A_57 = tpu.memref_slice %arg6[%arg0, %add3A_32, %dma_wait3A_56] : memref<2x10240x128xf32, #tpu.memory_space<hbm>> -> memref<1x128x128xf32, #tpu.memory_space<hbm>>
      %dma_wait3A_58 = tpu.memref_squeeze %dma_wait3A_57 : memref<1x128x128xf32, #tpu.memory_space<hbm>> -> memref<128x128xf32, #tpu.memory_space<hbm>>
      tpu.wait_dma2 semaphore(%run_scoped3A : memref<!tpu.dma_semaphore, #tpu.memory_space<semaphore_mem>>) src(%arg9 : memref<128x128xf32, #tpu.memory_space<vmem>>) dst(%dma_wait3A_58 : memref<128x128xf32, #tpu.memory_space<hbm>>)
      tpu.yield
    }) : () -> ()
    %mul3A_33 = arith.constant 640 : i32
    %mul3A_34 = arith.muli %arg1, %mul3A_33 : i32
    %add3A_35 = arith.constant 128 : i32
    %add3A_36 = arith.addi %mul3A_34, %add3A_35 : i32
    "tpu.region"() ({
      %run_scoped3A = tpu.sem_alloc : memref<!tpu.dma_semaphore, #tpu.memory_space<semaphore_mem>>
      %dma_start3A = arith.constant 0 : i32
      %dma_start3A_49 = tpu.memref_slice %arg10[%add3A_36, %dma_start3A] : memref<10240x128xf32, #tpu.memory_space<vmem_shared>> -> memref<128x128xf32, #tpu.memory_space<vmem_shared>>
      %dma_start3A_50 = arith.constant 0 : i32
      %dma_start3A_51 = tpu.memref_slice %arg10[%add3A_36, %dma_start3A_50] : memref<10240x128xf32, #tpu.memory_space<vmem_shared>> -> memref<128x128xf32, #tpu.memory_space<vmem_shared>>
      tpu.enqueue_dma source(%dma_start3A_51 : memref<128x128xf32, #tpu.memory_space<vmem_shared>>) target(%arg9 : memref<128x128xf32, #tpu.memory_space<vmem>>) target_semaphore(%run_scoped3A : memref<!tpu.dma_semaphore, #tpu.memory_space<semaphore_mem>>)
      %dma_wait3A = arith.constant 0 : i32
      %dma_wait3A_52 = tpu.memref_slice %arg10[%add3A_36, %dma_wait3A] : memref<10240x128xf32, #tpu.memory_space<vmem_shared>> -> memref<128x128xf32, #tpu.memory_space<vmem_shared>>
      %dma_wait3A_53 = arith.constant 0 : i32
      %dma_wait3A_54 = tpu.memref_slice %arg10[%add3A_36, %dma_wait3A_53] : memref<10240x128xf32, #tpu.memory_space<vmem_shared>> -> memref<128x128xf32, #tpu.memory_space<vmem_shared>>
      tpu.wait_dma2 semaphore(%run_scoped3A : memref<!tpu.dma_semaphore, #tpu.memory_space<semaphore_mem>>) src(%dma_wait3A_54 : memref<128x128xf32, #tpu.memory_space<vmem_shared>>) dst(%arg9 : memref<128x128xf32, #tpu.memory_space<vmem>>)
      tpu.yield
    }) : () -> ()
    "tpu.region"() ({
      %run_scoped3A = tpu.sem_alloc : memref<!tpu.dma_semaphore, #tpu.memory_space<semaphore_mem>>
      %dma_start3A = arith.constant 0 : i32
      %dma_start3A_49 = tpu.memref_slice %arg6[%arg0, %add3A_36, %dma_start3A] : memref<2x10240x128xf32, #tpu.memory_space<hbm>> -> memref<1x128x128xf32, #tpu.memory_space<hbm>>
      %dma_start3A_50 = tpu.memref_squeeze %dma_start3A_49 : memref<1x128x128xf32, #tpu.memory_space<hbm>> -> memref<128x128xf32, #tpu.memory_space<hbm>>
      %dma_start3A_51 = arith.constant 0 : i32
      %dma_start3A_52 = tpu.memref_slice %arg6[%arg0, %add3A_36, %dma_start3A_51] : memref<2x10240x128xf32, #tpu.memory_space<hbm>> -> memref<1x128x128xf32, #tpu.memory_space<hbm>>
      %dma_start3A_53 = tpu.memref_squeeze %dma_start3A_52 : memref<1x128x128xf32, #tpu.memory_space<hbm>> -> memref<128x128xf32, #tpu.memory_space<hbm>>
      tpu.enqueue_dma source(%arg9 : memref<128x128xf32, #tpu.memory_space<vmem>>) target(%dma_start3A_53 : memref<128x128xf32, #tpu.memory_space<hbm>>) target_semaphore(%run_scoped3A : memref<!tpu.dma_semaphore, #tpu.memory_space<semaphore_mem>>)
      %dma_wait3A = arith.constant 0 : i32
      %dma_wait3A_54 = tpu.memref_slice %arg6[%arg0, %add3A_36, %dma_wait3A] : memref<2x10240x128xf32, #tpu.memory_space<hbm>> -> memref<1x128x128xf32, #tpu.memory_space<hbm>>
      %dma_wait3A_55 = tpu.memref_squeeze %dma_wait3A_54 : memref<1x128x128xf32, #tpu.memory_space<hbm>> -> memref<128x128xf32, #tpu.memory_space<hbm>>
      %dma_wait3A_56 = arith.constant 0 : i32
      %dma_wait3A_57 = tpu.memref_slice %arg6[%arg0, %add3A_36, %dma_wait3A_56] : memref<2x10240x128xf32, #tpu.memory_space<hbm>> -> memref<1x128x128xf32, #tpu.memory_space<hbm>>
      %dma_wait3A_58 = tpu.memref_squeeze %dma_wait3A_57 : memref<1x128x128xf32, #tpu.memory_space<hbm>> -> memref<128x128xf32, #tpu.memory_space<hbm>>
      tpu.wait_dma2 semaphore(%run_scoped3A : memref<!tpu.dma_semaphore, #tpu.memory_space<semaphore_mem>>) src(%arg9 : memref<128x128xf32, #tpu.memory_space<vmem>>) dst(%dma_wait3A_58 : memref<128x128xf32, #tpu.memory_space<hbm>>)
      tpu.yield
    }) : () -> ()
    %mul3A_37 = arith.constant 640 : i32
    %mul3A_38 = arith.muli %arg1, %mul3A_37 : i32
    %add3A_39 = arith.constant 256 : i32
    %add3A_40 = arith.addi %mul3A_38, %add3A_39 : i32
    "tpu.region"() ({
      %run_scoped3A = tpu.sem_alloc : memref<!tpu.dma_semaphore, #tpu.memory_space<semaphore_mem>>
      %dma_start3A = arith.constant 0 : i32
      %dma_start3A_49 = tpu.memref_slice %arg10[%add3A_40, %dma_start3A] : memref<10240x128xf32, #tpu.memory_space<vmem_shared>> -> memref<128x128xf32, #tpu.memory_space<vmem_shared>>
      %dma_start3A_50 = arith.constant 0 : i32
      %dma_start3A_51 = tpu.memref_slice %arg10[%add3A_40, %dma_start3A_50] : memref<10240x128xf32, #tpu.memory_space<vmem_shared>> -> memref<128x128xf32, #tpu.memory_space<vmem_shared>>
      tpu.enqueue_dma source(%dma_start3A_51 : memref<128x128xf32, #tpu.memory_space<vmem_shared>>) target(%arg9 : memref<128x128xf32, #tpu.memory_space<vmem>>) target_semaphore(%run_scoped3A : memref<!tpu.dma_semaphore, #tpu.memory_space<semaphore_mem>>)
      %dma_wait3A = arith.constant 0 : i32
      %dma_wait3A_52 = tpu.memref_slice %arg10[%add3A_40, %dma_wait3A] : memref<10240x128xf32, #tpu.memory_space<vmem_shared>> -> memref<128x128xf32, #tpu.memory_space<vmem_shared>>
      %dma_wait3A_53 = arith.constant 0 : i32
      %dma_wait3A_54 = tpu.memref_slice %arg10[%add3A_40, %dma_wait3A_53] : memref<10240x128xf32, #tpu.memory_space<vmem_shared>> -> memref<128x128xf32, #tpu.memory_space<vmem_shared>>
      tpu.wait_dma2 semaphore(%run_scoped3A : memref<!tpu.dma_semaphore, #tpu.memory_space<semaphore_mem>>) src(%dma_wait3A_54 : memref<128x128xf32, #tpu.memory_space<vmem_shared>>) dst(%arg9 : memref<128x128xf32, #tpu.memory_space<vmem>>)
      tpu.yield
    }) : () -> ()
    "tpu.region"() ({
      %run_scoped3A = tpu.sem_alloc : memref<!tpu.dma_semaphore, #tpu.memory_space<semaphore_mem>>
      %dma_start3A = arith.constant 0 : i32
      %dma_start3A_49 = tpu.memref_slice %arg6[%arg0, %add3A_40, %dma_start3A] : memref<2x10240x128xf32, #tpu.memory_space<hbm>> -> memref<1x128x128xf32, #tpu.memory_space<hbm>>
      %dma_start3A_50 = tpu.memref_squeeze %dma_start3A_49 : memref<1x128x128xf32, #tpu.memory_space<hbm>> -> memref<128x128xf32, #tpu.memory_space<hbm>>
      %dma_start3A_51 = arith.constant 0 : i32
      %dma_start3A_52 = tpu.memref_slice %arg6[%arg0, %add3A_40, %dma_start3A_51] : memref<2x10240x128xf32, #tpu.memory_space<hbm>> -> memref<1x128x128xf32, #tpu.memory_space<hbm>>
      %dma_start3A_53 = tpu.memref_squeeze %dma_start3A_52 : memref<1x128x128xf32, #tpu.memory_space<hbm>> -> memref<128x128xf32, #tpu.memory_space<hbm>>
      tpu.enqueue_dma source(%arg9 : memref<128x128xf32, #tpu.memory_space<vmem>>) target(%dma_start3A_53 : memref<128x128xf32, #tpu.memory_space<hbm>>) target_semaphore(%run_scoped3A : memref<!tpu.dma_semaphore, #tpu.memory_space<semaphore_mem>>)
      %dma_wait3A = arith.constant 0 : i32
      %dma_wait3A_54 = tpu.memref_slice %arg6[%arg0, %add3A_40, %dma_wait3A] : memref<2x10240x128xf32, #tpu.memory_space<hbm>> -> memref<1x128x128xf32, #tpu.memory_space<hbm>>
      %dma_wait3A_55 = tpu.memref_squeeze %dma_wait3A_54 : memref<1x128x128xf32, #tpu.memory_space<hbm>> -> memref<128x128xf32, #tpu.memory_space<hbm>>
      %dma_wait3A_56 = arith.constant 0 : i32
      %dma_wait3A_57 = tpu.memref_slice %arg6[%arg0, %add3A_40, %dma_wait3A_56] : memref<2x10240x128xf32, #tpu.memory_space<hbm>> -> memref<1x128x128xf32, #tpu.memory_space<hbm>>
      %dma_wait3A_58 = tpu.memref_squeeze %dma_wait3A_57 : memref<1x128x128xf32, #tpu.memory_space<hbm>> -> memref<128x128xf32, #tpu.memory_space<hbm>>
      tpu.wait_dma2 semaphore(%run_scoped3A : memref<!tpu.dma_semaphore, #tpu.memory_space<semaphore_mem>>) src(%arg9 : memref<128x128xf32, #tpu.memory_space<vmem>>) dst(%dma_wait3A_58 : memref<128x128xf32, #tpu.memory_space<hbm>>)
      tpu.yield
    }) : () -> ()
    %mul3A_41 = arith.constant 640 : i32
    %mul3A_42 = arith.muli %arg1, %mul3A_41 : i32
    %add3A_43 = arith.constant 384 : i32
    %add3A_44 = arith.addi %mul3A_42, %add3A_43 : i32
    "tpu.region"() ({
      %run_scoped3A = tpu.sem_alloc : memref<!tpu.dma_semaphore, #tpu.memory_space<semaphore_mem>>
      %dma_start3A = arith.constant 0 : i32
      %dma_start3A_49 = tpu.memref_slice %arg10[%add3A_44, %dma_start3A] : memref<10240x128xf32, #tpu.memory_space<vmem_shared>> -> memref<128x128xf32, #tpu.memory_space<vmem_shared>>
      %dma_start3A_50 = arith.constant 0 : i32
      %dma_start3A_51 = tpu.memref_slice %arg10[%add3A_44, %dma_start3A_50] : memref<10240x128xf32, #tpu.memory_space<vmem_shared>> -> memref<128x128xf32, #tpu.memory_space<vmem_shared>>
      tpu.enqueue_dma source(%dma_start3A_51 : memref<128x128xf32, #tpu.memory_space<vmem_shared>>) target(%arg9 : memref<128x128xf32, #tpu.memory_space<vmem>>) target_semaphore(%run_scoped3A : memref<!tpu.dma_semaphore, #tpu.memory_space<semaphore_mem>>)
      %dma_wait3A = arith.constant 0 : i32
      %dma_wait3A_52 = tpu.memref_slice %arg10[%add3A_44, %dma_wait3A] : memref<10240x128xf32, #tpu.memory_space<vmem_shared>> -> memref<128x128xf32, #tpu.memory_space<vmem_shared>>
      %dma_wait3A_53 = arith.constant 0 : i32
      %dma_wait3A_54 = tpu.memref_slice %arg10[%add3A_44, %dma_wait3A_53] : memref<10240x128xf32, #tpu.memory_space<vmem_shared>> -> memref<128x128xf32, #tpu.memory_space<vmem_shared>>
      tpu.wait_dma2 semaphore(%run_scoped3A : memref<!tpu.dma_semaphore, #tpu.memory_space<semaphore_mem>>) src(%dma_wait3A_54 : memref<128x128xf32, #tpu.memory_space<vmem_shared>>) dst(%arg9 : memref<128x128xf32, #tpu.memory_space<vmem>>)
      tpu.yield
    }) : () -> ()
    "tpu.region"() ({
      %run_scoped3A = tpu.sem_alloc : memref<!tpu.dma_semaphore, #tpu.memory_space<semaphore_mem>>
      %dma_start3A = arith.constant 0 : i32
      %dma_start3A_49 = tpu.memref_slice %arg6[%arg0, %add3A_44, %dma_start3A] : memref<2x10240x128xf32, #tpu.memory_space<hbm>> -> memref<1x128x128xf32, #tpu.memory_space<hbm>>
      %dma_start3A_50 = tpu.memref_squeeze %dma_start3A_49 : memref<1x128x128xf32, #tpu.memory_space<hbm>> -> memref<128x128xf32, #tpu.memory_space<hbm>>
      %dma_start3A_51 = arith.constant 0 : i32
      %dma_start3A_52 = tpu.memref_slice %arg6[%arg0, %add3A_44, %dma_start3A_51] : memref<2x10240x128xf32, #tpu.memory_space<hbm>> -> memref<1x128x128xf32, #tpu.memory_space<hbm>>
      %dma_start3A_53 = tpu.memref_squeeze %dma_start3A_52 : memref<1x128x128xf32, #tpu.memory_space<hbm>> -> memref<128x128xf32, #tpu.memory_space<hbm>>
      tpu.enqueue_dma source(%arg9 : memref<128x128xf32, #tpu.memory_space<vmem>>) target(%dma_start3A_53 : memref<128x128xf32, #tpu.memory_space<hbm>>) target_semaphore(%run_scoped3A : memref<!tpu.dma_semaphore, #tpu.memory_space<semaphore_mem>>)
      %dma_wait3A = arith.constant 0 : i32
      %dma_wait3A_54 = tpu.memref_slice %arg6[%arg0, %add3A_44, %dma_wait3A] : memref<2x10240x128xf32, #tpu.memory_space<hbm>> -> memref<1x128x128xf32, #tpu.memory_space<hbm>>
      %dma_wait3A_55 = tpu.memref_squeeze %dma_wait3A_54 : memref<1x128x128xf32, #tpu.memory_space<hbm>> -> memref<128x128xf32, #tpu.memory_space<hbm>>
      %dma_wait3A_56 = arith.constant 0 : i32
      %dma_wait3A_57 = tpu.memref_slice %arg6[%arg0, %add3A_44, %dma_wait3A_56] : memref<2x10240x128xf32, #tpu.memory_space<hbm>> -> memref<1x128x128xf32, #tpu.memory_space<hbm>>
      %dma_wait3A_58 = tpu.memref_squeeze %dma_wait3A_57 : memref<1x128x128xf32, #tpu.memory_space<hbm>> -> memref<128x128xf32, #tpu.memory_space<hbm>>
      tpu.wait_dma2 semaphore(%run_scoped3A : memref<!tpu.dma_semaphore, #tpu.memory_space<semaphore_mem>>) src(%arg9 : memref<128x128xf32, #tpu.memory_space<vmem>>) dst(%dma_wait3A_58 : memref<128x128xf32, #tpu.memory_space<hbm>>)
      tpu.yield
    }) : () -> ()
    %mul3A_45 = arith.constant 640 : i32
    %mul3A_46 = arith.muli %arg1, %mul3A_45 : i32
    %add3A_47 = arith.constant 512 : i32
    %add3A_48 = arith.addi %mul3A_46, %add3A_47 : i32
    "tpu.region"() ({
      %run_scoped3A = tpu.sem_alloc : memref<!tpu.dma_semaphore, #tpu.memory_space<semaphore_mem>>
      %dma_start3A = arith.constant 0 : i32
      %dma_start3A_49 = tpu.memref_slice %arg10[%add3A_48, %dma_start3A] : memref<10240x128xf32, #tpu.memory_space<vmem_shared>> -> memref<128x128xf32, #tpu.memory_space<vmem_shared>>
      %dma_start3A_50 = arith.constant 0 : i32
      %dma_start3A_51 = tpu.memref_slice %arg10[%add3A_48, %dma_start3A_50] : memref<10240x128xf32, #tpu.memory_space<vmem_shared>> -> memref<128x128xf32, #tpu.memory_space<vmem_shared>>
      tpu.enqueue_dma source(%dma_start3A_51 : memref<128x128xf32, #tpu.memory_space<vmem_shared>>) target(%arg9 : memref<128x128xf32, #tpu.memory_space<vmem>>) target_semaphore(%run_scoped3A : memref<!tpu.dma_semaphore, #tpu.memory_space<semaphore_mem>>)
      %dma_wait3A = arith.constant 0 : i32
      %dma_wait3A_52 = tpu.memref_slice %arg10[%add3A_48, %dma_wait3A] : memref<10240x128xf32, #tpu.memory_space<vmem_shared>> -> memref<128x128xf32, #tpu.memory_space<vmem_shared>>
      %dma_wait3A_53 = arith.constant 0 : i32
      %dma_wait3A_54 = tpu.memref_slice %arg10[%add3A_48, %dma_wait3A_53] : memref<10240x128xf32, #tpu.memory_space<vmem_shared>> -> memref<128x128xf32, #tpu.memory_space<vmem_shared>>
      tpu.wait_dma2 semaphore(%run_scoped3A : memref<!tpu.dma_semaphore, #tpu.memory_space<semaphore_mem>>) src(%dma_wait3A_54 : memref<128x128xf32, #tpu.memory_space<vmem_shared>>) dst(%arg9 : memref<128x128xf32, #tpu.memory_space<vmem>>)
      tpu.yield
    }) : () -> ()
    "tpu.region"() ({
      %run_scoped3A = tpu.sem_alloc : memref<!tpu.dma_semaphore, #tpu.memory_space<semaphore_mem>>
      %dma_start3A = arith.constant 0 : i32
      %dma_start3A_49 = tpu.memref_slice %arg6[%arg0, %add3A_48, %dma_start3A] : memref<2x10240x128xf32, #tpu.memory_space<hbm>> -> memref<1x128x128xf32, #tpu.memory_space<hbm>>
      %dma_start3A_50 = tpu.memref_squeeze %dma_start3A_49 : memref<1x128x128xf32, #tpu.memory_space<hbm>> -> memref<128x128xf32, #tpu.memory_space<hbm>>
      %dma_start3A_51 = arith.constant 0 : i32
      %dma_start3A_52 = tpu.memref_slice %arg6[%arg0, %add3A_48, %dma_start3A_51] : memref<2x10240x128xf32, #tpu.memory_space<hbm>> -> memref<1x128x128xf32, #tpu.memory_space<hbm>>
      %dma_start3A_53 = tpu.memref_squeeze %dma_start3A_52 : memref<1x128x128xf32, #tpu.memory_space<hbm>> -> memref<128x128xf32, #tpu.memory_space<hbm>>
      tpu.enqueue_dma source(%arg9 : memref<128x128xf32, #tpu.memory_space<vmem>>) target(%dma_start3A_53 : memref<128x128xf32, #tpu.memory_space<hbm>>) target_semaphore(%run_scoped3A : memref<!tpu.dma_semaphore, #tpu.memory_space<semaphore_mem>>)
      %dma_wait3A = arith.constant 0 : i32
      %dma_wait3A_54 = tpu.memref_slice %arg6[%arg0, %add3A_48, %dma_wait3A] : memref<2x10240x128xf32, #tpu.memory_space<hbm>> -> memref<1x128x128xf32, #tpu.memory_space<hbm>>
      %dma_wait3A_55 = tpu.memref_squeeze %dma_wait3A_54 : memref<1x128x128xf32, #tpu.memory_space<hbm>> -> memref<128x128xf32, #tpu.memory_space<hbm>>
      %dma_wait3A_56 = arith.constant 0 : i32
      %dma_wait3A_57 = tpu.memref_slice %arg6[%arg0, %add3A_48, %dma_wait3A_56] : memref<2x10240x128xf32, #tpu.memory_space<hbm>> -> memref<1x128x128xf32, #tpu.memory_space<hbm>>
      %dma_wait3A_58 = tpu.memref_squeeze %dma_wait3A_57 : memref<1x128x128xf32, #tpu.memory_space<hbm>> -> memref<128x128xf32, #tpu.memory_space<hbm>>
      tpu.wait_dma2 semaphore(%run_scoped3A : memref<!tpu.dma_semaphore, #tpu.memory_space<semaphore_mem>>) src(%arg9 : memref<128x128xf32, #tpu.memory_space<vmem>>) dst(%dma_wait3A_58 : memref<128x128xf32, #tpu.memory_space<hbm>>)
      tpu.yield
    }) : () -> ()
    return
  }
}

#map = affine_map<(d0, d1) -> (0)>
#map1 = affine_map<(d0, d1) -> (0, 0)>
#map2 = affine_map<(d0, d1) -> (0, 0, 0)>
module attributes {stable_mosaic.version = 14 : i64} {
  func.func @_seg_body(%arg0: i32, %arg1: i32, %arg2: memref<323584xi32, #tpu.memory_space<hbm>>, %arg3: memref<323584xi32, #tpu.memory_space<hbm>>, %arg4: memref<10000x128xf32, #tpu.memory_space<hbm>>, %arg5: memref<128x128xf32, #tpu.memory_space<hbm>>, %arg6: memref<2x10240x128xf32, #tpu.memory_space<hbm>>, %arg7: memref<128xi32, #tpu.memory_space<vmem>>, %arg8: memref<128xi32, #tpu.memory_space<vmem>>, %arg9: memref<128x128xf32, #tpu.memory_space<vmem>>, %arg10: memref<10240x128xf32, #tpu.memory_space<vmem_shared>>, %arg11: memref<!tpu.dma_semaphore, #tpu.memory_space<semaphore_mem>>) attributes {dimension_semantics = [#tpu.dimension_semantics<core_parallel>, #tpu.dimension_semantics<subcore_parallel>], iteration_bounds = array<i64: 2, 16>, scalar_prefetch = 0 : i64, scratch_operands = 5 : i64, tpu.core_type = #tpu.core_type<sc_vector_subcore>, window_params = [{transform_indices = #map}, {transform_indices = #map}, {transform_indices = #map1}, {transform_indices = #map1}, {transform_indices = #map2}]} {
    %mul3A = arith.constant 16 : i32
    %mul3A_0 = arith.muli %arg0, %mul3A : i32
    %add3A = arith.addi %mul3A_0, %arg1 : i32
    %mul3A_1 = arith.constant 10112 : i32
    %mul3A_2 = arith.muli %add3A, %mul3A_1 : i32
    "tpu.region"() ({
      %run_scoped3A = tpu.sem_alloc : memref<!tpu.dma_semaphore, #tpu.memory_space<semaphore_mem>>
      tpu.enqueue_dma source(%arg5 : memref<128x128xf32, #tpu.memory_space<hbm>>) target(%arg9 : memref<128x128xf32, #tpu.memory_space<vmem>>) target_semaphore(%run_scoped3A : memref<!tpu.dma_semaphore, #tpu.memory_space<semaphore_mem>>)
      tpu.wait_dma2 semaphore(%run_scoped3A : memref<!tpu.dma_semaphore, #tpu.memory_space<semaphore_mem>>) src(%arg5 : memref<128x128xf32, #tpu.memory_space<hbm>>) dst(%arg9 : memref<128x128xf32, #tpu.memory_space<vmem>>)
      tpu.yield
    }) : () -> ()
    %mul3A_3 = arith.constant 640 : i32
    %mul3A_4 = arith.muli %arg1, %mul3A_3 : i32
    %add3A_5 = arith.constant 0 : i32
    %add3A_6 = arith.addi %mul3A_4, %add3A_5 : i32
    "tpu.region"() ({
      %run_scoped3A = tpu.sem_alloc : memref<!tpu.dma_semaphore, #tpu.memory_space<semaphore_mem>>
      %dma_start3A = arith.constant 0 : i32
      %dma_start3A_49 = tpu.memref_slice %arg10[%add3A_6, %dma_start3A] : memref<10240x128xf32, #tpu.memory_space<vmem_shared>> -> memref<128x128xf32, #tpu.memory_space<vmem_shared>>
      %dma_start3A_50 = arith.constant 0 : i32
      %dma_start3A_51 = tpu.memref_slice %arg10[%add3A_6, %dma_start3A_50] : memref<10240x128xf32, #tpu.memory_space<vmem_shared>> -> memref<128x128xf32, #tpu.memory_space<vmem_shared>>
      tpu.enqueue_dma source(%arg9 : memref<128x128xf32, #tpu.memory_space<vmem>>) target(%dma_start3A_51 : memref<128x128xf32, #tpu.memory_space<vmem_shared>>) target_semaphore(%run_scoped3A : memref<!tpu.dma_semaphore, #tpu.memory_space<semaphore_mem>>)
      %dma_wait3A = arith.constant 0 : i32
      %dma_wait3A_52 = tpu.memref_slice %arg10[%add3A_6, %dma_wait3A] : memref<10240x128xf32, #tpu.memory_space<vmem_shared>> -> memref<128x128xf32, #tpu.memory_space<vmem_shared>>
      %dma_wait3A_53 = arith.constant 0 : i32
      %dma_wait3A_54 = tpu.memref_slice %arg10[%add3A_6, %dma_wait3A_53] : memref<10240x128xf32, #tpu.memory_space<vmem_shared>> -> memref<128x128xf32, #tpu.memory_space<vmem_shared>>
      tpu.wait_dma2 semaphore(%run_scoped3A : memref<!tpu.dma_semaphore, #tpu.memory_space<semaphore_mem>>) src(%arg9 : memref<128x128xf32, #tpu.memory_space<vmem>>) dst(%dma_wait3A_54 : memref<128x128xf32, #tpu.memory_space<vmem_shared>>)
      tpu.yield
    }) : () -> ()
    %mul3A_7 = arith.constant 640 : i32
    %mul3A_8 = arith.muli %arg1, %mul3A_7 : i32
    %add3A_9 = arith.constant 128 : i32
    %add3A_10 = arith.addi %mul3A_8, %add3A_9 : i32
    "tpu.region"() ({
      %run_scoped3A = tpu.sem_alloc : memref<!tpu.dma_semaphore, #tpu.memory_space<semaphore_mem>>
      %dma_start3A = arith.constant 0 : i32
      %dma_start3A_49 = tpu.memref_slice %arg10[%add3A_10, %dma_start3A] : memref<10240x128xf32, #tpu.memory_space<vmem_shared>> -> memref<128x128xf32, #tpu.memory_space<vmem_shared>>
      %dma_start3A_50 = arith.constant 0 : i32
      %dma_start3A_51 = tpu.memref_slice %arg10[%add3A_10, %dma_start3A_50] : memref<10240x128xf32, #tpu.memory_space<vmem_shared>> -> memref<128x128xf32, #tpu.memory_space<vmem_shared>>
      tpu.enqueue_dma source(%arg9 : memref<128x128xf32, #tpu.memory_space<vmem>>) target(%dma_start3A_51 : memref<128x128xf32, #tpu.memory_space<vmem_shared>>) target_semaphore(%run_scoped3A : memref<!tpu.dma_semaphore, #tpu.memory_space<semaphore_mem>>)
      %dma_wait3A = arith.constant 0 : i32
      %dma_wait3A_52 = tpu.memref_slice %arg10[%add3A_10, %dma_wait3A] : memref<10240x128xf32, #tpu.memory_space<vmem_shared>> -> memref<128x128xf32, #tpu.memory_space<vmem_shared>>
      %dma_wait3A_53 = arith.constant 0 : i32
      %dma_wait3A_54 = tpu.memref_slice %arg10[%add3A_10, %dma_wait3A_53] : memref<10240x128xf32, #tpu.memory_space<vmem_shared>> -> memref<128x128xf32, #tpu.memory_space<vmem_shared>>
      tpu.wait_dma2 semaphore(%run_scoped3A : memref<!tpu.dma_semaphore, #tpu.memory_space<semaphore_mem>>) src(%arg9 : memref<128x128xf32, #tpu.memory_space<vmem>>) dst(%dma_wait3A_54 : memref<128x128xf32, #tpu.memory_space<vmem_shared>>)
      tpu.yield
    }) : () -> ()
    %mul3A_11 = arith.constant 640 : i32
    %mul3A_12 = arith.muli %arg1, %mul3A_11 : i32
    %add3A_13 = arith.constant 256 : i32
    %add3A_14 = arith.addi %mul3A_12, %add3A_13 : i32
    "tpu.region"() ({
      %run_scoped3A = tpu.sem_alloc : memref<!tpu.dma_semaphore, #tpu.memory_space<semaphore_mem>>
      %dma_start3A = arith.constant 0 : i32
      %dma_start3A_49 = tpu.memref_slice %arg10[%add3A_14, %dma_start3A] : memref<10240x128xf32, #tpu.memory_space<vmem_shared>> -> memref<128x128xf32, #tpu.memory_space<vmem_shared>>
      %dma_start3A_50 = arith.constant 0 : i32
      %dma_start3A_51 = tpu.memref_slice %arg10[%add3A_14, %dma_start3A_50] : memref<10240x128xf32, #tpu.memory_space<vmem_shared>> -> memref<128x128xf32, #tpu.memory_space<vmem_shared>>
      tpu.enqueue_dma source(%arg9 : memref<128x128xf32, #tpu.memory_space<vmem>>) target(%dma_start3A_51 : memref<128x128xf32, #tpu.memory_space<vmem_shared>>) target_semaphore(%run_scoped3A : memref<!tpu.dma_semaphore, #tpu.memory_space<semaphore_mem>>)
      %dma_wait3A = arith.constant 0 : i32
      %dma_wait3A_52 = tpu.memref_slice %arg10[%add3A_14, %dma_wait3A] : memref<10240x128xf32, #tpu.memory_space<vmem_shared>> -> memref<128x128xf32, #tpu.memory_space<vmem_shared>>
      %dma_wait3A_53 = arith.constant 0 : i32
      %dma_wait3A_54 = tpu.memref_slice %arg10[%add3A_14, %dma_wait3A_53] : memref<10240x128xf32, #tpu.memory_space<vmem_shared>> -> memref<128x128xf32, #tpu.memory_space<vmem_shared>>
      tpu.wait_dma2 semaphore(%run_scoped3A : memref<!tpu.dma_semaphore, #tpu.memory_space<semaphore_mem>>) src(%arg9 : memref<128x128xf32, #tpu.memory_space<vmem>>) dst(%dma_wait3A_54 : memref<128x128xf32, #tpu.memory_space<vmem_shared>>)
      tpu.yield
    }) : () -> ()
    %mul3A_15 = arith.constant 640 : i32
    %mul3A_16 = arith.muli %arg1, %mul3A_15 : i32
    %add3A_17 = arith.constant 384 : i32
    %add3A_18 = arith.addi %mul3A_16, %add3A_17 : i32
    "tpu.region"() ({
      %run_scoped3A = tpu.sem_alloc : memref<!tpu.dma_semaphore, #tpu.memory_space<semaphore_mem>>
      %dma_start3A = arith.constant 0 : i32
      %dma_start3A_49 = tpu.memref_slice %arg10[%add3A_18, %dma_start3A] : memref<10240x128xf32, #tpu.memory_space<vmem_shared>> -> memref<128x128xf32, #tpu.memory_space<vmem_shared>>
      %dma_start3A_50 = arith.constant 0 : i32
      %dma_start3A_51 = tpu.memref_slice %arg10[%add3A_18, %dma_start3A_50] : memref<10240x128xf32, #tpu.memory_space<vmem_shared>> -> memref<128x128xf32, #tpu.memory_space<vmem_shared>>
      tpu.enqueue_dma source(%arg9 : memref<128x128xf32, #tpu.memory_space<vmem>>) target(%dma_start3A_51 : memref<128x128xf32, #tpu.memory_space<vmem_shared>>) target_semaphore(%run_scoped3A : memref<!tpu.dma_semaphore, #tpu.memory_space<semaphore_mem>>)
      %dma_wait3A = arith.constant 0 : i32
      %dma_wait3A_52 = tpu.memref_slice %arg10[%add3A_18, %dma_wait3A] : memref<10240x128xf32, #tpu.memory_space<vmem_shared>> -> memref<128x128xf32, #tpu.memory_space<vmem_shared>>
      %dma_wait3A_53 = arith.constant 0 : i32
      %dma_wait3A_54 = tpu.memref_slice %arg10[%add3A_18, %dma_wait3A_53] : memref<10240x128xf32, #tpu.memory_space<vmem_shared>> -> memref<128x128xf32, #tpu.memory_space<vmem_shared>>
      tpu.wait_dma2 semaphore(%run_scoped3A : memref<!tpu.dma_semaphore, #tpu.memory_space<semaphore_mem>>) src(%arg9 : memref<128x128xf32, #tpu.memory_space<vmem>>) dst(%dma_wait3A_54 : memref<128x128xf32, #tpu.memory_space<vmem_shared>>)
      tpu.yield
    }) : () -> ()
    %mul3A_19 = arith.constant 640 : i32
    %mul3A_20 = arith.muli %arg1, %mul3A_19 : i32
    %add3A_21 = arith.constant 512 : i32
    %add3A_22 = arith.addi %mul3A_20, %add3A_21 : i32
    "tpu.region"() ({
      %run_scoped3A = tpu.sem_alloc : memref<!tpu.dma_semaphore, #tpu.memory_space<semaphore_mem>>
      %dma_start3A = arith.constant 0 : i32
      %dma_start3A_49 = tpu.memref_slice %arg10[%add3A_22, %dma_start3A] : memref<10240x128xf32, #tpu.memory_space<vmem_shared>> -> memref<128x128xf32, #tpu.memory_space<vmem_shared>>
      %dma_start3A_50 = arith.constant 0 : i32
      %dma_start3A_51 = tpu.memref_slice %arg10[%add3A_22, %dma_start3A_50] : memref<10240x128xf32, #tpu.memory_space<vmem_shared>> -> memref<128x128xf32, #tpu.memory_space<vmem_shared>>
      tpu.enqueue_dma source(%arg9 : memref<128x128xf32, #tpu.memory_space<vmem>>) target(%dma_start3A_51 : memref<128x128xf32, #tpu.memory_space<vmem_shared>>) target_semaphore(%run_scoped3A : memref<!tpu.dma_semaphore, #tpu.memory_space<semaphore_mem>>)
      %dma_wait3A = arith.constant 0 : i32
      %dma_wait3A_52 = tpu.memref_slice %arg10[%add3A_22, %dma_wait3A] : memref<10240x128xf32, #tpu.memory_space<vmem_shared>> -> memref<128x128xf32, #tpu.memory_space<vmem_shared>>
      %dma_wait3A_53 = arith.constant 0 : i32
      %dma_wait3A_54 = tpu.memref_slice %arg10[%add3A_22, %dma_wait3A_53] : memref<10240x128xf32, #tpu.memory_space<vmem_shared>> -> memref<128x128xf32, #tpu.memory_space<vmem_shared>>
      tpu.wait_dma2 semaphore(%run_scoped3A : memref<!tpu.dma_semaphore, #tpu.memory_space<semaphore_mem>>) src(%arg9 : memref<128x128xf32, #tpu.memory_space<vmem>>) dst(%dma_wait3A_54 : memref<128x128xf32, #tpu.memory_space<vmem_shared>>)
      tpu.yield
    }) : () -> ()
    %barrier3A = arith.constant 0 : index
    tpu.barrier barrier_id(%barrier3A)
    %scan3A = arith.constant 0 : i32
    %scan3A_23 = arith.constant 0 : i32
    %scan3A_24 = arith.constant 79 : i32
    %scan3A_25 = arith.addi %scan3A_23, %scan3A_24 : i32
    %scan3A_26 = arith.constant 1 : i32
    scf.for %scan3A_49 = %scan3A_23 to %scan3A_25 step %scan3A_26  : i32 {
      %mul3A_50 = arith.constant 128 : i32
      %mul3A_51 = arith.muli %scan3A_49, %mul3A_50 : i32
      %add3A_52 = arith.addi %mul3A_2, %mul3A_51 : i32
      %multiple_of3A = tpu.assume_multiple %add3A_52, 8 : i32
      "tpu.region"() ({
        %run_scoped3A = tpu.sem_alloc : memref<!tpu.dma_semaphore, #tpu.memory_space<semaphore_mem>>
        %dma_start3A_57 = tpu.memref_slice %arg3[%multiple_of3A] : memref<323584xi32, #tpu.memory_space<hbm>> -> memref<128xi32, #tpu.memory_space<hbm>>
        %dma_start3A_58 = tpu.memref_slice %arg3[%multiple_of3A] : memref<323584xi32, #tpu.memory_space<hbm>> -> memref<128xi32, #tpu.memory_space<hbm>>
        tpu.enqueue_dma source(%dma_start3A_58 : memref<128xi32, #tpu.memory_space<hbm>>) target(%arg7 : memref<128xi32, #tpu.memory_space<vmem>>) target_semaphore(%run_scoped3A : memref<!tpu.dma_semaphore, #tpu.memory_space<semaphore_mem>>)
        %dma_wait3A_59 = tpu.memref_slice %arg3[%multiple_of3A] : memref<323584xi32, #tpu.memory_space<hbm>> -> memref<128xi32, #tpu.memory_space<hbm>>
        %dma_wait3A_60 = tpu.memref_slice %arg3[%multiple_of3A] : memref<323584xi32, #tpu.memory_space<hbm>> -> memref<128xi32, #tpu.memory_space<hbm>>
        tpu.wait_dma2 semaphore(%run_scoped3A : memref<!tpu.dma_semaphore, #tpu.memory_space<semaphore_mem>>) src(%dma_wait3A_60 : memref<128xi32, #tpu.memory_space<hbm>>) dst(%arg7 : memref<128xi32, #tpu.memory_space<vmem>>)
        tpu.yield
      }) : () -> ()
      "tpu.region"() ({
        %run_scoped3A = tpu.sem_alloc : memref<!tpu.dma_semaphore, #tpu.memory_space<semaphore_mem>>
        %dma_start3A_57 = tpu.memref_slice %arg2[%multiple_of3A] : memref<323584xi32, #tpu.memory_space<hbm>> -> memref<128xi32, #tpu.memory_space<hbm>>
        %dma_start3A_58 = tpu.memref_slice %arg2[%multiple_of3A] : memref<323584xi32, #tpu.memory_space<hbm>> -> memref<128xi32, #tpu.memory_space<hbm>>
        tpu.enqueue_dma source(%dma_start3A_58 : memref<128xi32, #tpu.memory_space<hbm>>) target(%arg8 : memref<128xi32, #tpu.memory_space<vmem>>) target_semaphore(%run_scoped3A : memref<!tpu.dma_semaphore, #tpu.memory_space<semaphore_mem>>)
        %dma_wait3A_59 = tpu.memref_slice %arg2[%multiple_of3A] : memref<323584xi32, #tpu.memory_space<hbm>> -> memref<128xi32, #tpu.memory_space<hbm>>
        %dma_wait3A_60 = tpu.memref_slice %arg2[%multiple_of3A] : memref<323584xi32, #tpu.memory_space<hbm>> -> memref<128xi32, #tpu.memory_space<hbm>>
        tpu.wait_dma2 semaphore(%run_scoped3A : memref<!tpu.dma_semaphore, #tpu.memory_space<semaphore_mem>>) src(%dma_wait3A_60 : memref<128xi32, #tpu.memory_space<hbm>>) dst(%arg8 : memref<128xi32, #tpu.memory_space<vmem>>)
        tpu.yield
      }) : () -> ()
      %dma_start3A = arith.constant 0 : i32
      %dma_start3A_53 = arith.constant 0 : i32
      %dma_start3A_54 = tpu.memref_slice %arg4[%dma_start3A, %dma_start3A_53] : memref<10000x128xf32, #tpu.memory_space<hbm>> -> memref<10000x128xf32, #tpu.memory_space<hbm>>
      tpu.enqueue_indirect_dma source(%dma_start3A_54 : memref<10000x128xf32, #tpu.memory_space<hbm>>) target(%arg9 : memref<128x128xf32, #tpu.memory_space<vmem>>) offsets(%arg7 : memref<128xi32, #tpu.memory_space<vmem>>) semaphore(%arg11 : memref<!tpu.dma_semaphore, #tpu.memory_space<semaphore_mem>>)
      %dma_wait3A = arith.constant 0 : i32
      %dma_wait3A_55 = arith.constant 0 : i32
      %dma_wait3A_56 = tpu.memref_slice %arg4[%dma_wait3A, %dma_wait3A_55] : memref<10000x128xf32, #tpu.memory_space<hbm>> -> memref<10000x128xf32, #tpu.memory_space<hbm>>
      tpu.wait_indirect_dma semaphore(%arg11 : memref<!tpu.dma_semaphore, #tpu.memory_space<semaphore_mem>>) src(%dma_wait3A_56 : memref<10000x128xf32, #tpu.memory_space<hbm>>) dst(%arg9 : memref<128x128xf32, #tpu.memory_space<vmem>>)
      "tpu.region"() ({
        %run_scoped3A = tpu.sem_alloc : memref<!tpu.dma_semaphore, #tpu.memory_space<semaphore_mem>>
        %dma_start3A_57 = arith.constant 0 : i32
        %dma_start3A_58 = arith.constant 0 : i32
        %dma_start3A_59 = tpu.memref_slice %arg10[%dma_start3A_57, %dma_start3A_58] : memref<10240x128xf32, #tpu.memory_space<vmem_shared>> -> memref<10240x128xf32, #tpu.memory_space<vmem_shared>>
        tpu.enqueue_indirect_dma source(%arg9 : memref<128x128xf32, #tpu.memory_space<vmem>>) target(%dma_start3A_59 : memref<10240x128xf32, #tpu.memory_space<vmem_shared>>) offsets(%arg8 : memref<128xi32, #tpu.memory_space<vmem>>) semaphore(%run_scoped3A : memref<!tpu.dma_semaphore, #tpu.memory_space<semaphore_mem>>) {add = true}
        %dma_wait3A_60 = arith.constant 0 : i32
        %dma_wait3A_61 = arith.constant 0 : i32
        %dma_wait3A_62 = tpu.memref_slice %arg10[%dma_wait3A_60, %dma_wait3A_61] : memref<10240x128xf32, #tpu.memory_space<vmem_shared>> -> memref<10240x128xf32, #tpu.memory_space<vmem_shared>>
        tpu.wait_indirect_dma semaphore(%run_scoped3A : memref<!tpu.dma_semaphore, #tpu.memory_space<semaphore_mem>>) src(%arg9 : memref<128x128xf32, #tpu.memory_space<vmem>>) dst(%dma_wait3A_62 : memref<10240x128xf32, #tpu.memory_space<vmem_shared>>)
        tpu.yield
      }) : () -> ()
    }
    %scan3A_27 = arith.constant 79 : i32
    %barrier3A_28 = arith.constant 0 : index
    tpu.barrier barrier_id(%barrier3A_28)
    %mul3A_29 = arith.constant 640 : i32
    %mul3A_30 = arith.muli %arg1, %mul3A_29 : i32
    %add3A_31 = arith.constant 0 : i32
    %add3A_32 = arith.addi %mul3A_30, %add3A_31 : i32
    "tpu.region"() ({
      %run_scoped3A = tpu.sem_alloc : memref<!tpu.dma_semaphore, #tpu.memory_space<semaphore_mem>>
      %dma_start3A = arith.constant 0 : i32
      %dma_start3A_49 = tpu.memref_slice %arg10[%add3A_32, %dma_start3A] : memref<10240x128xf32, #tpu.memory_space<vmem_shared>> -> memref<128x128xf32, #tpu.memory_space<vmem_shared>>
      %dma_start3A_50 = arith.constant 0 : i32
      %dma_start3A_51 = tpu.memref_slice %arg10[%add3A_32, %dma_start3A_50] : memref<10240x128xf32, #tpu.memory_space<vmem_shared>> -> memref<128x128xf32, #tpu.memory_space<vmem_shared>>
      tpu.enqueue_dma source(%dma_start3A_51 : memref<128x128xf32, #tpu.memory_space<vmem_shared>>) target(%arg9 : memref<128x128xf32, #tpu.memory_space<vmem>>) target_semaphore(%run_scoped3A : memref<!tpu.dma_semaphore, #tpu.memory_space<semaphore_mem>>)
      %dma_wait3A = arith.constant 0 : i32
      %dma_wait3A_52 = tpu.memref_slice %arg10[%add3A_32, %dma_wait3A] : memref<10240x128xf32, #tpu.memory_space<vmem_shared>> -> memref<128x128xf32, #tpu.memory_space<vmem_shared>>
      %dma_wait3A_53 = arith.constant 0 : i32
      %dma_wait3A_54 = tpu.memref_slice %arg10[%add3A_32, %dma_wait3A_53] : memref<10240x128xf32, #tpu.memory_space<vmem_shared>> -> memref<128x128xf32, #tpu.memory_space<vmem_shared>>
      tpu.wait_dma2 semaphore(%run_scoped3A : memref<!tpu.dma_semaphore, #tpu.memory_space<semaphore_mem>>) src(%dma_wait3A_54 : memref<128x128xf32, #tpu.memory_space<vmem_shared>>) dst(%arg9 : memref<128x128xf32, #tpu.memory_space<vmem>>)
      tpu.yield
    }) : () -> ()
    "tpu.region"() ({
      %run_scoped3A = tpu.sem_alloc : memref<!tpu.dma_semaphore, #tpu.memory_space<semaphore_mem>>
      %dma_start3A = arith.constant 0 : i32
      %dma_start3A_49 = tpu.memref_slice %arg6[%arg0, %add3A_32, %dma_start3A] : memref<2x10240x128xf32, #tpu.memory_space<hbm>> -> memref<1x128x128xf32, #tpu.memory_space<hbm>>
      %dma_start3A_50 = tpu.memref_squeeze %dma_start3A_49 : memref<1x128x128xf32, #tpu.memory_space<hbm>> -> memref<128x128xf32, #tpu.memory_space<hbm>>
      %dma_start3A_51 = arith.constant 0 : i32
      %dma_start3A_52 = tpu.memref_slice %arg6[%arg0, %add3A_32, %dma_start3A_51] : memref<2x10240x128xf32, #tpu.memory_space<hbm>> -> memref<1x128x128xf32, #tpu.memory_space<hbm>>
      %dma_start3A_53 = tpu.memref_squeeze %dma_start3A_52 : memref<1x128x128xf32, #tpu.memory_space<hbm>> -> memref<128x128xf32, #tpu.memory_space<hbm>>
      tpu.enqueue_dma source(%arg9 : memref<128x128xf32, #tpu.memory_space<vmem>>) target(%dma_start3A_53 : memref<128x128xf32, #tpu.memory_space<hbm>>) target_semaphore(%run_scoped3A : memref<!tpu.dma_semaphore, #tpu.memory_space<semaphore_mem>>)
      %dma_wait3A = arith.constant 0 : i32
      %dma_wait3A_54 = tpu.memref_slice %arg6[%arg0, %add3A_32, %dma_wait3A] : memref<2x10240x128xf32, #tpu.memory_space<hbm>> -> memref<1x128x128xf32, #tpu.memory_space<hbm>>
      %dma_wait3A_55 = tpu.memref_squeeze %dma_wait3A_54 : memref<1x128x128xf32, #tpu.memory_space<hbm>> -> memref<128x128xf32, #tpu.memory_space<hbm>>
      %dma_wait3A_56 = arith.constant 0 : i32
      %dma_wait3A_57 = tpu.memref_slice %arg6[%arg0, %add3A_32, %dma_wait3A_56] : memref<2x10240x128xf32, #tpu.memory_space<hbm>> -> memref<1x128x128xf32, #tpu.memory_space<hbm>>
      %dma_wait3A_58 = tpu.memref_squeeze %dma_wait3A_57 : memref<1x128x128xf32, #tpu.memory_space<hbm>> -> memref<128x128xf32, #tpu.memory_space<hbm>>
      tpu.wait_dma2 semaphore(%run_scoped3A : memref<!tpu.dma_semaphore, #tpu.memory_space<semaphore_mem>>) src(%arg9 : memref<128x128xf32, #tpu.memory_space<vmem>>) dst(%dma_wait3A_58 : memref<128x128xf32, #tpu.memory_space<hbm>>)
      tpu.yield
    }) : () -> ()
    %mul3A_33 = arith.constant 640 : i32
    %mul3A_34 = arith.muli %arg1, %mul3A_33 : i32
    %add3A_35 = arith.constant 128 : i32
    %add3A_36 = arith.addi %mul3A_34, %add3A_35 : i32
    "tpu.region"() ({
      %run_scoped3A = tpu.sem_alloc : memref<!tpu.dma_semaphore, #tpu.memory_space<semaphore_mem>>
      %dma_start3A = arith.constant 0 : i32
      %dma_start3A_49 = tpu.memref_slice %arg10[%add3A_36, %dma_start3A] : memref<10240x128xf32, #tpu.memory_space<vmem_shared>> -> memref<128x128xf32, #tpu.memory_space<vmem_shared>>
      %dma_start3A_50 = arith.constant 0 : i32
      %dma_start3A_51 = tpu.memref_slice %arg10[%add3A_36, %dma_start3A_50] : memref<10240x128xf32, #tpu.memory_space<vmem_shared>> -> memref<128x128xf32, #tpu.memory_space<vmem_shared>>
      tpu.enqueue_dma source(%dma_start3A_51 : memref<128x128xf32, #tpu.memory_space<vmem_shared>>) target(%arg9 : memref<128x128xf32, #tpu.memory_space<vmem>>) target_semaphore(%run_scoped3A : memref<!tpu.dma_semaphore, #tpu.memory_space<semaphore_mem>>)
      %dma_wait3A = arith.constant 0 : i32
      %dma_wait3A_52 = tpu.memref_slice %arg10[%add3A_36, %dma_wait3A] : memref<10240x128xf32, #tpu.memory_space<vmem_shared>> -> memref<128x128xf32, #tpu.memory_space<vmem_shared>>
      %dma_wait3A_53 = arith.constant 0 : i32
      %dma_wait3A_54 = tpu.memref_slice %arg10[%add3A_36, %dma_wait3A_53] : memref<10240x128xf32, #tpu.memory_space<vmem_shared>> -> memref<128x128xf32, #tpu.memory_space<vmem_shared>>
      tpu.wait_dma2 semaphore(%run_scoped3A : memref<!tpu.dma_semaphore, #tpu.memory_space<semaphore_mem>>) src(%dma_wait3A_54 : memref<128x128xf32, #tpu.memory_space<vmem_shared>>) dst(%arg9 : memref<128x128xf32, #tpu.memory_space<vmem>>)
      tpu.yield
    }) : () -> ()
    "tpu.region"() ({
      %run_scoped3A = tpu.sem_alloc : memref<!tpu.dma_semaphore, #tpu.memory_space<semaphore_mem>>
      %dma_start3A = arith.constant 0 : i32
      %dma_start3A_49 = tpu.memref_slice %arg6[%arg0, %add3A_36, %dma_start3A] : memref<2x10240x128xf32, #tpu.memory_space<hbm>> -> memref<1x128x128xf32, #tpu.memory_space<hbm>>
      %dma_start3A_50 = tpu.memref_squeeze %dma_start3A_49 : memref<1x128x128xf32, #tpu.memory_space<hbm>> -> memref<128x128xf32, #tpu.memory_space<hbm>>
      %dma_start3A_51 = arith.constant 0 : i32
      %dma_start3A_52 = tpu.memref_slice %arg6[%arg0, %add3A_36, %dma_start3A_51] : memref<2x10240x128xf32, #tpu.memory_space<hbm>> -> memref<1x128x128xf32, #tpu.memory_space<hbm>>
      %dma_start3A_53 = tpu.memref_squeeze %dma_start3A_52 : memref<1x128x128xf32, #tpu.memory_space<hbm>> -> memref<128x128xf32, #tpu.memory_space<hbm>>
      tpu.enqueue_dma source(%arg9 : memref<128x128xf32, #tpu.memory_space<vmem>>) target(%dma_start3A_53 : memref<128x128xf32, #tpu.memory_space<hbm>>) target_semaphore(%run_scoped3A : memref<!tpu.dma_semaphore, #tpu.memory_space<semaphore_mem>>)
      %dma_wait3A = arith.constant 0 : i32
      %dma_wait3A_54 = tpu.memref_slice %arg6[%arg0, %add3A_36, %dma_wait3A] : memref<2x10240x128xf32, #tpu.memory_space<hbm>> -> memref<1x128x128xf32, #tpu.memory_space<hbm>>
      %dma_wait3A_55 = tpu.memref_squeeze %dma_wait3A_54 : memref<1x128x128xf32, #tpu.memory_space<hbm>> -> memref<128x128xf32, #tpu.memory_space<hbm>>
      %dma_wait3A_56 = arith.constant 0 : i32
      %dma_wait3A_57 = tpu.memref_slice %arg6[%arg0, %add3A_36, %dma_wait3A_56] : memref<2x10240x128xf32, #tpu.memory_space<hbm>> -> memref<1x128x128xf32, #tpu.memory_space<hbm>>
      %dma_wait3A_58 = tpu.memref_squeeze %dma_wait3A_57 : memref<1x128x128xf32, #tpu.memory_space<hbm>> -> memref<128x128xf32, #tpu.memory_space<hbm>>
      tpu.wait_dma2 semaphore(%run_scoped3A : memref<!tpu.dma_semaphore, #tpu.memory_space<semaphore_mem>>) src(%arg9 : memref<128x128xf32, #tpu.memory_space<vmem>>) dst(%dma_wait3A_58 : memref<128x128xf32, #tpu.memory_space<hbm>>)
      tpu.yield
    }) : () -> ()
    %mul3A_37 = arith.constant 640 : i32
    %mul3A_38 = arith.muli %arg1, %mul3A_37 : i32
    %add3A_39 = arith.constant 256 : i32
    %add3A_40 = arith.addi %mul3A_38, %add3A_39 : i32
    "tpu.region"() ({
      %run_scoped3A = tpu.sem_alloc : memref<!tpu.dma_semaphore, #tpu.memory_space<semaphore_mem>>
      %dma_start3A = arith.constant 0 : i32
      %dma_start3A_49 = tpu.memref_slice %arg10[%add3A_40, %dma_start3A] : memref<10240x128xf32, #tpu.memory_space<vmem_shared>> -> memref<128x128xf32, #tpu.memory_space<vmem_shared>>
      %dma_start3A_50 = arith.constant 0 : i32
      %dma_start3A_51 = tpu.memref_slice %arg10[%add3A_40, %dma_start3A_50] : memref<10240x128xf32, #tpu.memory_space<vmem_shared>> -> memref<128x128xf32, #tpu.memory_space<vmem_shared>>
      tpu.enqueue_dma source(%dma_start3A_51 : memref<128x128xf32, #tpu.memory_space<vmem_shared>>) target(%arg9 : memref<128x128xf32, #tpu.memory_space<vmem>>) target_semaphore(%run_scoped3A : memref<!tpu.dma_semaphore, #tpu.memory_space<semaphore_mem>>)
      %dma_wait3A = arith.constant 0 : i32
      %dma_wait3A_52 = tpu.memref_slice %arg10[%add3A_40, %dma_wait3A] : memref<10240x128xf32, #tpu.memory_space<vmem_shared>> -> memref<128x128xf32, #tpu.memory_space<vmem_shared>>
      %dma_wait3A_53 = arith.constant 0 : i32
      %dma_wait3A_54 = tpu.memref_slice %arg10[%add3A_40, %dma_wait3A_53] : memref<10240x128xf32, #tpu.memory_space<vmem_shared>> -> memref<128x128xf32, #tpu.memory_space<vmem_shared>>
      tpu.wait_dma2 semaphore(%run_scoped3A : memref<!tpu.dma_semaphore, #tpu.memory_space<semaphore_mem>>) src(%dma_wait3A_54 : memref<128x128xf32, #tpu.memory_space<vmem_shared>>) dst(%arg9 : memref<128x128xf32, #tpu.memory_space<vmem>>)
      tpu.yield
    }) : () -> ()
    "tpu.region"() ({
      %run_scoped3A = tpu.sem_alloc : memref<!tpu.dma_semaphore, #tpu.memory_space<semaphore_mem>>
      %dma_start3A = arith.constant 0 : i32
      %dma_start3A_49 = tpu.memref_slice %arg6[%arg0, %add3A_40, %dma_start3A] : memref<2x10240x128xf32, #tpu.memory_space<hbm>> -> memref<1x128x128xf32, #tpu.memory_space<hbm>>
      %dma_start3A_50 = tpu.memref_squeeze %dma_start3A_49 : memref<1x128x128xf32, #tpu.memory_space<hbm>> -> memref<128x128xf32, #tpu.memory_space<hbm>>
      %dma_start3A_51 = arith.constant 0 : i32
      %dma_start3A_52 = tpu.memref_slice %arg6[%arg0, %add3A_40, %dma_start3A_51] : memref<2x10240x128xf32, #tpu.memory_space<hbm>> -> memref<1x128x128xf32, #tpu.memory_space<hbm>>
      %dma_start3A_53 = tpu.memref_squeeze %dma_start3A_52 : memref<1x128x128xf32, #tpu.memory_space<hbm>> -> memref<128x128xf32, #tpu.memory_space<hbm>>
      tpu.enqueue_dma source(%arg9 : memref<128x128xf32, #tpu.memory_space<vmem>>) target(%dma_start3A_53 : memref<128x128xf32, #tpu.memory_space<hbm>>) target_semaphore(%run_scoped3A : memref<!tpu.dma_semaphore, #tpu.memory_space<semaphore_mem>>)
      %dma_wait3A = arith.constant 0 : i32
      %dma_wait3A_54 = tpu.memref_slice %arg6[%arg0, %add3A_40, %dma_wait3A] : memref<2x10240x128xf32, #tpu.memory_space<hbm>> -> memref<1x128x128xf32, #tpu.memory_space<hbm>>
      %dma_wait3A_55 = tpu.memref_squeeze %dma_wait3A_54 : memref<1x128x128xf32, #tpu.memory_space<hbm>> -> memref<128x128xf32, #tpu.memory_space<hbm>>
      %dma_wait3A_56 = arith.constant 0 : i32
      %dma_wait3A_57 = tpu.memref_slice %arg6[%arg0, %add3A_40, %dma_wait3A_56] : memref<2x10240x128xf32, #tpu.memory_space<hbm>> -> memref<1x128x128xf32, #tpu.memory_space<hbm>>
      %dma_wait3A_58 = tpu.memref_squeeze %dma_wait3A_57 : memref<1x128x128xf32, #tpu.memory_space<hbm>> -> memref<128x128xf32, #tpu.memory_space<hbm>>
      tpu.wait_dma2 semaphore(%run_scoped3A : memref<!tpu.dma_semaphore, #tpu.memory_space<semaphore_mem>>) src(%arg9 : memref<128x128xf32, #tpu.memory_space<vmem>>) dst(%dma_wait3A_58 : memref<128x128xf32, #tpu.memory_space<hbm>>)
      tpu.yield
    }) : () -> ()
    %mul3A_41 = arith.constant 640 : i32
    %mul3A_42 = arith.muli %arg1, %mul3A_41 : i32
    %add3A_43 = arith.constant 384 : i32
    %add3A_44 = arith.addi %mul3A_42, %add3A_43 : i32
    "tpu.region"() ({
      %run_scoped3A = tpu.sem_alloc : memref<!tpu.dma_semaphore, #tpu.memory_space<semaphore_mem>>
      %dma_start3A = arith.constant 0 : i32
      %dma_start3A_49 = tpu.memref_slice %arg10[%add3A_44, %dma_start3A] : memref<10240x128xf32, #tpu.memory_space<vmem_shared>> -> memref<128x128xf32, #tpu.memory_space<vmem_shared>>
      %dma_start3A_50 = arith.constant 0 : i32
      %dma_start3A_51 = tpu.memref_slice %arg10[%add3A_44, %dma_start3A_50] : memref<10240x128xf32, #tpu.memory_space<vmem_shared>> -> memref<128x128xf32, #tpu.memory_space<vmem_shared>>
      tpu.enqueue_dma source(%dma_start3A_51 : memref<128x128xf32, #tpu.memory_space<vmem_shared>>) target(%arg9 : memref<128x128xf32, #tpu.memory_space<vmem>>) target_semaphore(%run_scoped3A : memref<!tpu.dma_semaphore, #tpu.memory_space<semaphore_mem>>)
      %dma_wait3A = arith.constant 0 : i32
      %dma_wait3A_52 = tpu.memref_slice %arg10[%add3A_44, %dma_wait3A] : memref<10240x128xf32, #tpu.memory_space<vmem_shared>> -> memref<128x128xf32, #tpu.memory_space<vmem_shared>>
      %dma_wait3A_53 = arith.constant 0 : i32
      %dma_wait3A_54 = tpu.memref_slice %arg10[%add3A_44, %dma_wait3A_53] : memref<10240x128xf32, #tpu.memory_space<vmem_shared>> -> memref<128x128xf32, #tpu.memory_space<vmem_shared>>
      tpu.wait_dma2 semaphore(%run_scoped3A : memref<!tpu.dma_semaphore, #tpu.memory_space<semaphore_mem>>) src(%dma_wait3A_54 : memref<128x128xf32, #tpu.memory_space<vmem_shared>>) dst(%arg9 : memref<128x128xf32, #tpu.memory_space<vmem>>)
      tpu.yield
    }) : () -> ()
    "tpu.region"() ({
      %run_scoped3A = tpu.sem_alloc : memref<!tpu.dma_semaphore, #tpu.memory_space<semaphore_mem>>
      %dma_start3A = arith.constant 0 : i32
      %dma_start3A_49 = tpu.memref_slice %arg6[%arg0, %add3A_44, %dma_start3A] : memref<2x10240x128xf32, #tpu.memory_space<hbm>> -> memref<1x128x128xf32, #tpu.memory_space<hbm>>
      %dma_start3A_50 = tpu.memref_squeeze %dma_start3A_49 : memref<1x128x128xf32, #tpu.memory_space<hbm>> -> memref<128x128xf32, #tpu.memory_space<hbm>>
      %dma_start3A_51 = arith.constant 0 : i32
      %dma_start3A_52 = tpu.memref_slice %arg6[%arg0, %add3A_44, %dma_start3A_51] : memref<2x10240x128xf32, #tpu.memory_space<hbm>> -> memref<1x128x128xf32, #tpu.memory_space<hbm>>
      %dma_start3A_53 = tpu.memref_squeeze %dma_start3A_52 : memref<1x128x128xf32, #tpu.memory_space<hbm>> -> memref<128x128xf32, #tpu.memory_space<hbm>>
      tpu.enqueue_dma source(%arg9 : memref<128x128xf32, #tpu.memory_space<vmem>>) target(%dma_start3A_53 : memref<128x128xf32, #tpu.memory_space<hbm>>) target_semaphore(%run_scoped3A : memref<!tpu.dma_semaphore, #tpu.memory_space<semaphore_mem>>)
      %dma_wait3A = arith.constant 0 : i32
      %dma_wait3A_54 = tpu.memref_slice %arg6[%arg0, %add3A_44, %dma_wait3A] : memref<2x10240x128xf32, #tpu.memory_space<hbm>> -> memref<1x128x128xf32, #tpu.memory_space<hbm>>
      %dma_wait3A_55 = tpu.memref_squeeze %dma_wait3A_54 : memref<1x128x128xf32, #tpu.memory_space<hbm>> -> memref<128x128xf32, #tpu.memory_space<hbm>>
      %dma_wait3A_56 = arith.constant 0 : i32
      %dma_wait3A_57 = tpu.memref_slice %arg6[%arg0, %add3A_44, %dma_wait3A_56] : memref<2x10240x128xf32, #tpu.memory_space<hbm>> -> memref<1x128x128xf32, #tpu.memory_space<hbm>>
      %dma_wait3A_58 = tpu.memref_squeeze %dma_wait3A_57 : memref<1x128x128xf32, #tpu.memory_space<hbm>> -> memref<128x128xf32, #tpu.memory_space<hbm>>
      tpu.wait_dma2 semaphore(%run_scoped3A : memref<!tpu.dma_semaphore, #tpu.memory_space<semaphore_mem>>) src(%arg9 : memref<128x128xf32, #tpu.memory_space<vmem>>) dst(%dma_wait3A_58 : memref<128x128xf32, #tpu.memory_space<hbm>>)
      tpu.yield
    }) : () -> ()
    %mul3A_45 = arith.constant 640 : i32
    %mul3A_46 = arith.muli %arg1, %mul3A_45 : i32
    %add3A_47 = arith.constant 512 : i32
    %add3A_48 = arith.addi %mul3A_46, %add3A_47 : i32
    "tpu.region"() ({
      %run_scoped3A = tpu.sem_alloc : memref<!tpu.dma_semaphore, #tpu.memory_space<semaphore_mem>>
      %dma_start3A = arith.constant 0 : i32
      %dma_start3A_49 = tpu.memref_slice %arg10[%add3A_48, %dma_start3A] : memref<10240x128xf32, #tpu.memory_space<vmem_shared>> -> memref<128x128xf32, #tpu.memory_space<vmem_shared>>
      %dma_start3A_50 = arith.constant 0 : i32
      %dma_start3A_51 = tpu.memref_slice %arg10[%add3A_48, %dma_start3A_50] : memref<10240x128xf32, #tpu.memory_space<vmem_shared>> -> memref<128x128xf32, #tpu.memory_space<vmem_shared>>
      tpu.enqueue_dma source(%dma_start3A_51 : memref<128x128xf32, #tpu.memory_space<vmem_shared>>) target(%arg9 : memref<128x128xf32, #tpu.memory_space<vmem>>) target_semaphore(%run_scoped3A : memref<!tpu.dma_semaphore, #tpu.memory_space<semaphore_mem>>)
      %dma_wait3A = arith.constant 0 : i32
      %dma_wait3A_52 = tpu.memref_slice %arg10[%add3A_48, %dma_wait3A] : memref<10240x128xf32, #tpu.memory_space<vmem_shared>> -> memref<128x128xf32, #tpu.memory_space<vmem_shared>>
      %dma_wait3A_53 = arith.constant 0 : i32
      %dma_wait3A_54 = tpu.memref_slice %arg10[%add3A_48, %dma_wait3A_53] : memref<10240x128xf32, #tpu.memory_space<vmem_shared>> -> memref<128x128xf32, #tpu.memory_space<vmem_shared>>
      tpu.wait_dma2 semaphore(%run_scoped3A : memref<!tpu.dma_semaphore, #tpu.memory_space<semaphore_mem>>) src(%dma_wait3A_54 : memref<128x128xf32, #tpu.memory_space<vmem_shared>>) dst(%arg9 : memref<128x128xf32, #tpu.memory_space<vmem>>)
      tpu.yield
    }) : () -> ()
    "tpu.region"() ({
      %run_scoped3A = tpu.sem_alloc : memref<!tpu.dma_semaphore, #tpu.memory_space<semaphore_mem>>
      %dma_start3A = arith.constant 0 : i32
      %dma_start3A_49 = tpu.memref_slice %arg6[%arg0, %add3A_48, %dma_start3A] : memref<2x10240x128xf32, #tpu.memory_space<hbm>> -> memref<1x128x128xf32, #tpu.memory_space<hbm>>
      %dma_start3A_50 = tpu.memref_squeeze %dma_start3A_49 : memref<1x128x128xf32, #tpu.memory_space<hbm>> -> memref<128x128xf32, #tpu.memory_space<hbm>>
      %dma_start3A_51 = arith.constant 0 : i32
      %dma_start3A_52 = tpu.memref_slice %arg6[%arg0, %add3A_48, %dma_start3A_51] : memref<2x10240x128xf32, #tpu.memory_space<hbm>> -> memref<1x128x128xf32, #tpu.memory_space<hbm>>
      %dma_start3A_53 = tpu.memref_squeeze %dma_start3A_52 : memref<1x128x128xf32, #tpu.memory_space<hbm>> -> memref<128x128xf32, #tpu.memory_space<hbm>>
      tpu.enqueue_dma source(%arg9 : memref<128x128xf32, #tpu.memory_space<vmem>>) target(%dma_start3A_53 : memref<128x128xf32, #tpu.memory_space<hbm>>) target_semaphore(%run_scoped3A : memref<!tpu.dma_semaphore, #tpu.memory_space<semaphore_mem>>)
      %dma_wait3A = arith.constant 0 : i32
      %dma_wait3A_54 = tpu.memref_slice %arg6[%arg0, %add3A_48, %dma_wait3A] : memref<2x10240x128xf32, #tpu.memory_space<hbm>> -> memref<1x128x128xf32, #tpu.memory_space<hbm>>
      %dma_wait3A_55 = tpu.memref_squeeze %dma_wait3A_54 : memref<1x128x128xf32, #tpu.memory_space<hbm>> -> memref<128x128xf32, #tpu.memory_space<hbm>>
      %dma_wait3A_56 = arith.constant 0 : i32
      %dma_wait3A_57 = tpu.memref_slice %arg6[%arg0, %add3A_48, %dma_wait3A_56] : memref<2x10240x128xf32, #tpu.memory_space<hbm>> -> memref<1x128x128xf32, #tpu.memory_space<hbm>>
      %dma_wait3A_58 = tpu.memref_squeeze %dma_wait3A_57 : memref<1x128x128xf32, #tpu.memory_space<hbm>> -> memref<128x128xf32, #tpu.memory_space<hbm>>
      tpu.wait_dma2 semaphore(%run_scoped3A : memref<!tpu.dma_semaphore, #tpu.memory_space<semaphore_mem>>) src(%arg9 : memref<128x128xf32, #tpu.memory_space<vmem>>) dst(%dma_wait3A_58 : memref<128x128xf32, #tpu.memory_space<hbm>>)
      tpu.yield
    }) : () -> ()
    return
  }
}

#map = affine_map<(d0, d1) -> (0)>
#map1 = affine_map<(d0, d1) -> (0, 0)>
#map2 = affine_map<(d0, d1) -> (0, 0, 0)>
module attributes {stable_mosaic.version = 14 : i64} {
  func.func @_seg_body(%arg0: i32, %arg1: i32, %arg2: memref<323584xi32, #tpu.memory_space<hbm>>, %arg3: memref<323584xi32, #tpu.memory_space<hbm>>, %arg4: memref<10000x128xf32, #tpu.memory_space<hbm>>, %arg5: memref<128x128xf32, #tpu.memory_space<hbm>>, %arg6: memref<2x10240x128xf32, #tpu.memory_space<hbm>>, %arg7: memref<128xi32, #tpu.memory_space<vmem>>, %arg8: memref<128xi32, #tpu.memory_space<vmem>>, %arg9: memref<128x128xf32, #tpu.memory_space<vmem>>, %arg10: memref<10240x128xf32, #tpu.memory_space<vmem_shared>>, %arg11: memref<!tpu.dma_semaphore, #tpu.memory_space<semaphore_mem>>) attributes {dimension_semantics = [#tpu.dimension_semantics<core_parallel>, #tpu.dimension_semantics<subcore_parallel>], iteration_bounds = array<i64: 2, 16>, scalar_prefetch = 0 : i64, scratch_operands = 5 : i64, tpu.core_type = #tpu.core_type<sc_vector_subcore>, window_params = [{transform_indices = #map}, {transform_indices = #map}, {transform_indices = #map1}, {transform_indices = #map1}, {transform_indices = #map2}]} {
    %mul3A = arith.constant 16 : i32
    %mul3A_0 = arith.muli %arg0, %mul3A : i32
    %add3A = arith.addi %mul3A_0, %arg1 : i32
    %mul3A_1 = arith.constant 10112 : i32
    %mul3A_2 = arith.muli %add3A, %mul3A_1 : i32
    "tpu.region"() ({
      %run_scoped3A = tpu.sem_alloc : memref<!tpu.dma_semaphore, #tpu.memory_space<semaphore_mem>>
      tpu.enqueue_dma source(%arg5 : memref<128x128xf32, #tpu.memory_space<hbm>>) target(%arg9 : memref<128x128xf32, #tpu.memory_space<vmem>>) target_semaphore(%run_scoped3A : memref<!tpu.dma_semaphore, #tpu.memory_space<semaphore_mem>>)
      tpu.wait_dma2 semaphore(%run_scoped3A : memref<!tpu.dma_semaphore, #tpu.memory_space<semaphore_mem>>) src(%arg5 : memref<128x128xf32, #tpu.memory_space<hbm>>) dst(%arg9 : memref<128x128xf32, #tpu.memory_space<vmem>>)
      tpu.yield
    }) : () -> ()
    %mul3A_3 = arith.constant 640 : i32
    %mul3A_4 = arith.muli %arg1, %mul3A_3 : i32
    %add3A_5 = arith.constant 0 : i32
    %add3A_6 = arith.addi %mul3A_4, %add3A_5 : i32
    "tpu.region"() ({
      %run_scoped3A = tpu.sem_alloc : memref<!tpu.dma_semaphore, #tpu.memory_space<semaphore_mem>>
      %dma_start3A = arith.constant 0 : i32
      %dma_start3A_49 = tpu.memref_slice %arg10[%add3A_6, %dma_start3A] : memref<10240x128xf32, #tpu.memory_space<vmem_shared>> -> memref<128x128xf32, #tpu.memory_space<vmem_shared>>
      %dma_start3A_50 = arith.constant 0 : i32
      %dma_start3A_51 = tpu.memref_slice %arg10[%add3A_6, %dma_start3A_50] : memref<10240x128xf32, #tpu.memory_space<vmem_shared>> -> memref<128x128xf32, #tpu.memory_space<vmem_shared>>
      tpu.enqueue_dma source(%arg9 : memref<128x128xf32, #tpu.memory_space<vmem>>) target(%dma_start3A_51 : memref<128x128xf32, #tpu.memory_space<vmem_shared>>) target_semaphore(%run_scoped3A : memref<!tpu.dma_semaphore, #tpu.memory_space<semaphore_mem>>)
      %dma_wait3A = arith.constant 0 : i32
      %dma_wait3A_52 = tpu.memref_slice %arg10[%add3A_6, %dma_wait3A] : memref<10240x128xf32, #tpu.memory_space<vmem_shared>> -> memref<128x128xf32, #tpu.memory_space<vmem_shared>>
      %dma_wait3A_53 = arith.constant 0 : i32
      %dma_wait3A_54 = tpu.memref_slice %arg10[%add3A_6, %dma_wait3A_53] : memref<10240x128xf32, #tpu.memory_space<vmem_shared>> -> memref<128x128xf32, #tpu.memory_space<vmem_shared>>
      tpu.wait_dma2 semaphore(%run_scoped3A : memref<!tpu.dma_semaphore, #tpu.memory_space<semaphore_mem>>) src(%arg9 : memref<128x128xf32, #tpu.memory_space<vmem>>) dst(%dma_wait3A_54 : memref<128x128xf32, #tpu.memory_space<vmem_shared>>)
      tpu.yield
    }) : () -> ()
    %mul3A_7 = arith.constant 640 : i32
    %mul3A_8 = arith.muli %arg1, %mul3A_7 : i32
    %add3A_9 = arith.constant 128 : i32
    %add3A_10 = arith.addi %mul3A_8, %add3A_9 : i32
    "tpu.region"() ({
      %run_scoped3A = tpu.sem_alloc : memref<!tpu.dma_semaphore, #tpu.memory_space<semaphore_mem>>
      %dma_start3A = arith.constant 0 : i32
      %dma_start3A_49 = tpu.memref_slice %arg10[%add3A_10, %dma_start3A] : memref<10240x128xf32, #tpu.memory_space<vmem_shared>> -> memref<128x128xf32, #tpu.memory_space<vmem_shared>>
      %dma_start3A_50 = arith.constant 0 : i32
      %dma_start3A_51 = tpu.memref_slice %arg10[%add3A_10, %dma_start3A_50] : memref<10240x128xf32, #tpu.memory_space<vmem_shared>> -> memref<128x128xf32, #tpu.memory_space<vmem_shared>>
      tpu.enqueue_dma source(%arg9 : memref<128x128xf32, #tpu.memory_space<vmem>>) target(%dma_start3A_51 : memref<128x128xf32, #tpu.memory_space<vmem_shared>>) target_semaphore(%run_scoped3A : memref<!tpu.dma_semaphore, #tpu.memory_space<semaphore_mem>>)
      %dma_wait3A = arith.constant 0 : i32
      %dma_wait3A_52 = tpu.memref_slice %arg10[%add3A_10, %dma_wait3A] : memref<10240x128xf32, #tpu.memory_space<vmem_shared>> -> memref<128x128xf32, #tpu.memory_space<vmem_shared>>
      %dma_wait3A_53 = arith.constant 0 : i32
      %dma_wait3A_54 = tpu.memref_slice %arg10[%add3A_10, %dma_wait3A_53] : memref<10240x128xf32, #tpu.memory_space<vmem_shared>> -> memref<128x128xf32, #tpu.memory_space<vmem_shared>>
      tpu.wait_dma2 semaphore(%run_scoped3A : memref<!tpu.dma_semaphore, #tpu.memory_space<semaphore_mem>>) src(%arg9 : memref<128x128xf32, #tpu.memory_space<vmem>>) dst(%dma_wait3A_54 : memref<128x128xf32, #tpu.memory_space<vmem_shared>>)
      tpu.yield
    }) : () -> ()
    %mul3A_11 = arith.constant 640 : i32
    %mul3A_12 = arith.muli %arg1, %mul3A_11 : i32
    %add3A_13 = arith.constant 256 : i32
    %add3A_14 = arith.addi %mul3A_12, %add3A_13 : i32
    "tpu.region"() ({
      %run_scoped3A = tpu.sem_alloc : memref<!tpu.dma_semaphore, #tpu.memory_space<semaphore_mem>>
      %dma_start3A = arith.constant 0 : i32
      %dma_start3A_49 = tpu.memref_slice %arg10[%add3A_14, %dma_start3A] : memref<10240x128xf32, #tpu.memory_space<vmem_shared>> -> memref<128x128xf32, #tpu.memory_space<vmem_shared>>
      %dma_start3A_50 = arith.constant 0 : i32
      %dma_start3A_51 = tpu.memref_slice %arg10[%add3A_14, %dma_start3A_50] : memref<10240x128xf32, #tpu.memory_space<vmem_shared>> -> memref<128x128xf32, #tpu.memory_space<vmem_shared>>
      tpu.enqueue_dma source(%arg9 : memref<128x128xf32, #tpu.memory_space<vmem>>) target(%dma_start3A_51 : memref<128x128xf32, #tpu.memory_space<vmem_shared>>) target_semaphore(%run_scoped3A : memref<!tpu.dma_semaphore, #tpu.memory_space<semaphore_mem>>)
      %dma_wait3A = arith.constant 0 : i32
      %dma_wait3A_52 = tpu.memref_slice %arg10[%add3A_14, %dma_wait3A] : memref<10240x128xf32, #tpu.memory_space<vmem_shared>> -> memref<128x128xf32, #tpu.memory_space<vmem_shared>>
      %dma_wait3A_53 = arith.constant 0 : i32
      %dma_wait3A_54 = tpu.memref_slice %arg10[%add3A_14, %dma_wait3A_53] : memref<10240x128xf32, #tpu.memory_space<vmem_shared>> -> memref<128x128xf32, #tpu.memory_space<vmem_shared>>
      tpu.wait_dma2 semaphore(%run_scoped3A : memref<!tpu.dma_semaphore, #tpu.memory_space<semaphore_mem>>) src(%arg9 : memref<128x128xf32, #tpu.memory_space<vmem>>) dst(%dma_wait3A_54 : memref<128x128xf32, #tpu.memory_space<vmem_shared>>)
      tpu.yield
    }) : () -> ()
    %mul3A_15 = arith.constant 640 : i32
    %mul3A_16 = arith.muli %arg1, %mul3A_15 : i32
    %add3A_17 = arith.constant 384 : i32
    %add3A_18 = arith.addi %mul3A_16, %add3A_17 : i32
    "tpu.region"() ({
      %run_scoped3A = tpu.sem_alloc : memref<!tpu.dma_semaphore, #tpu.memory_space<semaphore_mem>>
      %dma_start3A = arith.constant 0 : i32
      %dma_start3A_49 = tpu.memref_slice %arg10[%add3A_18, %dma_start3A] : memref<10240x128xf32, #tpu.memory_space<vmem_shared>> -> memref<128x128xf32, #tpu.memory_space<vmem_shared>>
      %dma_start3A_50 = arith.constant 0 : i32
      %dma_start3A_51 = tpu.memref_slice %arg10[%add3A_18, %dma_start3A_50] : memref<10240x128xf32, #tpu.memory_space<vmem_shared>> -> memref<128x128xf32, #tpu.memory_space<vmem_shared>>
      tpu.enqueue_dma source(%arg9 : memref<128x128xf32, #tpu.memory_space<vmem>>) target(%dma_start3A_51 : memref<128x128xf32, #tpu.memory_space<vmem_shared>>) target_semaphore(%run_scoped3A : memref<!tpu.dma_semaphore, #tpu.memory_space<semaphore_mem>>)
      %dma_wait3A = arith.constant 0 : i32
      %dma_wait3A_52 = tpu.memref_slice %arg10[%add3A_18, %dma_wait3A] : memref<10240x128xf32, #tpu.memory_space<vmem_shared>> -> memref<128x128xf32, #tpu.memory_space<vmem_shared>>
      %dma_wait3A_53 = arith.constant 0 : i32
      %dma_wait3A_54 = tpu.memref_slice %arg10[%add3A_18, %dma_wait3A_53] : memref<10240x128xf32, #tpu.memory_space<vmem_shared>> -> memref<128x128xf32, #tpu.memory_space<vmem_shared>>
      tpu.wait_dma2 semaphore(%run_scoped3A : memref<!tpu.dma_semaphore, #tpu.memory_space<semaphore_mem>>) src(%arg9 : memref<128x128xf32, #tpu.memory_space<vmem>>) dst(%dma_wait3A_54 : memref<128x128xf32, #tpu.memory_space<vmem_shared>>)
      tpu.yield
    }) : () -> ()
    %mul3A_19 = arith.constant 640 : i32
    %mul3A_20 = arith.muli %arg1, %mul3A_19 : i32
    %add3A_21 = arith.constant 512 : i32
    %add3A_22 = arith.addi %mul3A_20, %add3A_21 : i32
    "tpu.region"() ({
      %run_scoped3A = tpu.sem_alloc : memref<!tpu.dma_semaphore, #tpu.memory_space<semaphore_mem>>
      %dma_start3A = arith.constant 0 : i32
      %dma_start3A_49 = tpu.memref_slice %arg10[%add3A_22, %dma_start3A] : memref<10240x128xf32, #tpu.memory_space<vmem_shared>> -> memref<128x128xf32, #tpu.memory_space<vmem_shared>>
      %dma_start3A_50 = arith.constant 0 : i32
      %dma_start3A_51 = tpu.memref_slice %arg10[%add3A_22, %dma_start3A_50] : memref<10240x128xf32, #tpu.memory_space<vmem_shared>> -> memref<128x128xf32, #tpu.memory_space<vmem_shared>>
      tpu.enqueue_dma source(%arg9 : memref<128x128xf32, #tpu.memory_space<vmem>>) target(%dma_start3A_51 : memref<128x128xf32, #tpu.memory_space<vmem_shared>>) target_semaphore(%run_scoped3A : memref<!tpu.dma_semaphore, #tpu.memory_space<semaphore_mem>>)
      %dma_wait3A = arith.constant 0 : i32
      %dma_wait3A_52 = tpu.memref_slice %arg10[%add3A_22, %dma_wait3A] : memref<10240x128xf32, #tpu.memory_space<vmem_shared>> -> memref<128x128xf32, #tpu.memory_space<vmem_shared>>
      %dma_wait3A_53 = arith.constant 0 : i32
      %dma_wait3A_54 = tpu.memref_slice %arg10[%add3A_22, %dma_wait3A_53] : memref<10240x128xf32, #tpu.memory_space<vmem_shared>> -> memref<128x128xf32, #tpu.memory_space<vmem_shared>>
      tpu.wait_dma2 semaphore(%run_scoped3A : memref<!tpu.dma_semaphore, #tpu.memory_space<semaphore_mem>>) src(%arg9 : memref<128x128xf32, #tpu.memory_space<vmem>>) dst(%dma_wait3A_54 : memref<128x128xf32, #tpu.memory_space<vmem_shared>>)
      tpu.yield
    }) : () -> ()
    %barrier3A = arith.constant 0 : index
    tpu.barrier barrier_id(%barrier3A)
    %scan3A = arith.constant 0 : i32
    %scan3A_23 = arith.constant 0 : i32
    %scan3A_24 = arith.constant 79 : i32
    %scan3A_25 = arith.addi %scan3A_23, %scan3A_24 : i32
    %scan3A_26 = arith.constant 1 : i32
    scf.for %scan3A_49 = %scan3A_23 to %scan3A_25 step %scan3A_26  : i32 {
      %mul3A_50 = arith.constant 128 : i32
      %mul3A_51 = arith.muli %scan3A_49, %mul3A_50 : i32
      %add3A_52 = arith.addi %mul3A_2, %mul3A_51 : i32
      %multiple_of3A = tpu.assume_multiple %add3A_52, 8 : i32
      "tpu.region"() ({
        %run_scoped3A = tpu.sem_alloc : memref<!tpu.dma_semaphore, #tpu.memory_space<semaphore_mem>>
        %dma_start3A_57 = tpu.memref_slice %arg3[%multiple_of3A] : memref<323584xi32, #tpu.memory_space<hbm>> -> memref<128xi32, #tpu.memory_space<hbm>>
        %dma_start3A_58 = tpu.memref_slice %arg3[%multiple_of3A] : memref<323584xi32, #tpu.memory_space<hbm>> -> memref<128xi32, #tpu.memory_space<hbm>>
        tpu.enqueue_dma source(%dma_start3A_58 : memref<128xi32, #tpu.memory_space<hbm>>) target(%arg7 : memref<128xi32, #tpu.memory_space<vmem>>) target_semaphore(%run_scoped3A : memref<!tpu.dma_semaphore, #tpu.memory_space<semaphore_mem>>)
        %dma_wait3A_59 = tpu.memref_slice %arg3[%multiple_of3A] : memref<323584xi32, #tpu.memory_space<hbm>> -> memref<128xi32, #tpu.memory_space<hbm>>
        %dma_wait3A_60 = tpu.memref_slice %arg3[%multiple_of3A] : memref<323584xi32, #tpu.memory_space<hbm>> -> memref<128xi32, #tpu.memory_space<hbm>>
        tpu.wait_dma2 semaphore(%run_scoped3A : memref<!tpu.dma_semaphore, #tpu.memory_space<semaphore_mem>>) src(%dma_wait3A_60 : memref<128xi32, #tpu.memory_space<hbm>>) dst(%arg7 : memref<128xi32, #tpu.memory_space<vmem>>)
        tpu.yield
      }) : () -> ()
      "tpu.region"() ({
        %run_scoped3A = tpu.sem_alloc : memref<!tpu.dma_semaphore, #tpu.memory_space<semaphore_mem>>
        %dma_start3A_57 = tpu.memref_slice %arg2[%multiple_of3A] : memref<323584xi32, #tpu.memory_space<hbm>> -> memref<128xi32, #tpu.memory_space<hbm>>
        %dma_start3A_58 = tpu.memref_slice %arg2[%multiple_of3A] : memref<323584xi32, #tpu.memory_space<hbm>> -> memref<128xi32, #tpu.memory_space<hbm>>
        tpu.enqueue_dma source(%dma_start3A_58 : memref<128xi32, #tpu.memory_space<hbm>>) target(%arg8 : memref<128xi32, #tpu.memory_space<vmem>>) target_semaphore(%run_scoped3A : memref<!tpu.dma_semaphore, #tpu.memory_space<semaphore_mem>>)
        %dma_wait3A_59 = tpu.memref_slice %arg2[%multiple_of3A] : memref<323584xi32, #tpu.memory_space<hbm>> -> memref<128xi32, #tpu.memory_space<hbm>>
        %dma_wait3A_60 = tpu.memref_slice %arg2[%multiple_of3A] : memref<323584xi32, #tpu.memory_space<hbm>> -> memref<128xi32, #tpu.memory_space<hbm>>
        tpu.wait_dma2 semaphore(%run_scoped3A : memref<!tpu.dma_semaphore, #tpu.memory_space<semaphore_mem>>) src(%dma_wait3A_60 : memref<128xi32, #tpu.memory_space<hbm>>) dst(%arg8 : memref<128xi32, #tpu.memory_space<vmem>>)
        tpu.yield
      }) : () -> ()
      %dma_start3A = arith.constant 0 : i32
      %dma_start3A_53 = arith.constant 0 : i32
      %dma_start3A_54 = tpu.memref_slice %arg4[%dma_start3A, %dma_start3A_53] : memref<10000x128xf32, #tpu.memory_space<hbm>> -> memref<10000x128xf32, #tpu.memory_space<hbm>>
      tpu.enqueue_indirect_dma source(%dma_start3A_54 : memref<10000x128xf32, #tpu.memory_space<hbm>>) target(%arg9 : memref<128x128xf32, #tpu.memory_space<vmem>>) offsets(%arg7 : memref<128xi32, #tpu.memory_space<vmem>>) semaphore(%arg11 : memref<!tpu.dma_semaphore, #tpu.memory_space<semaphore_mem>>)
      %dma_wait3A = arith.constant 0 : i32
      %dma_wait3A_55 = arith.constant 0 : i32
      %dma_wait3A_56 = tpu.memref_slice %arg4[%dma_wait3A, %dma_wait3A_55] : memref<10000x128xf32, #tpu.memory_space<hbm>> -> memref<10000x128xf32, #tpu.memory_space<hbm>>
      tpu.wait_indirect_dma semaphore(%arg11 : memref<!tpu.dma_semaphore, #tpu.memory_space<semaphore_mem>>) src(%dma_wait3A_56 : memref<10000x128xf32, #tpu.memory_space<hbm>>) dst(%arg9 : memref<128x128xf32, #tpu.memory_space<vmem>>)
      "tpu.region"() ({
        %run_scoped3A = tpu.sem_alloc : memref<!tpu.dma_semaphore, #tpu.memory_space<semaphore_mem>>
        %dma_start3A_57 = arith.constant 0 : i32
        %dma_start3A_58 = arith.constant 0 : i32
        %dma_start3A_59 = tpu.memref_slice %arg10[%dma_start3A_57, %dma_start3A_58] : memref<10240x128xf32, #tpu.memory_space<vmem_shared>> -> memref<10240x128xf32, #tpu.memory_space<vmem_shared>>
        tpu.enqueue_indirect_dma source(%arg9 : memref<128x128xf32, #tpu.memory_space<vmem>>) target(%dma_start3A_59 : memref<10240x128xf32, #tpu.memory_space<vmem_shared>>) offsets(%arg8 : memref<128xi32, #tpu.memory_space<vmem>>) semaphore(%run_scoped3A : memref<!tpu.dma_semaphore, #tpu.memory_space<semaphore_mem>>) {add = true}
        %dma_wait3A_60 = arith.constant 0 : i32
        %dma_wait3A_61 = arith.constant 0 : i32
        %dma_wait3A_62 = tpu.memref_slice %arg10[%dma_wait3A_60, %dma_wait3A_61] : memref<10240x128xf32, #tpu.memory_space<vmem_shared>> -> memref<10240x128xf32, #tpu.memory_space<vmem_shared>>
        tpu.wait_indirect_dma semaphore(%run_scoped3A : memref<!tpu.dma_semaphore, #tpu.memory_space<semaphore_mem>>) src(%arg9 : memref<128x128xf32, #tpu.memory_space<vmem>>) dst(%dma_wait3A_62 : memref<10240x128xf32, #tpu.memory_space<vmem_shared>>)
        tpu.yield
      }) : () -> ()
    }
    %scan3A_27 = arith.constant 79 : i32
    %barrier3A_28 = arith.constant 0 : index
    tpu.barrier barrier_id(%barrier3A_28)
    %mul3A_29 = arith.constant 640 : i32
    %mul3A_30 = arith.muli %arg1, %mul3A_29 : i32
    %add3A_31 = arith.constant 0 : i32
    %add3A_32 = arith.addi %mul3A_30, %add3A_31 : i32
    "tpu.region"() ({
      %run_scoped3A = tpu.sem_alloc : memref<!tpu.dma_semaphore, #tpu.memory_space<semaphore_mem>>
      %dma_start3A = arith.constant 0 : i32
      %dma_start3A_49 = tpu.memref_slice %arg10[%add3A_32, %dma_start3A] : memref<10240x128xf32, #tpu.memory_space<vmem_shared>> -> memref<128x128xf32, #tpu.memory_space<vmem_shared>>
      %dma_start3A_50 = arith.constant 0 : i32
      %dma_start3A_51 = tpu.memref_slice %arg10[%add3A_32, %dma_start3A_50] : memref<10240x128xf32, #tpu.memory_space<vmem_shared>> -> memref<128x128xf32, #tpu.memory_space<vmem_shared>>
      tpu.enqueue_dma source(%dma_start3A_51 : memref<128x128xf32, #tpu.memory_space<vmem_shared>>) target(%arg9 : memref<128x128xf32, #tpu.memory_space<vmem>>) target_semaphore(%run_scoped3A : memref<!tpu.dma_semaphore, #tpu.memory_space<semaphore_mem>>)
      %dma_wait3A = arith.constant 0 : i32
      %dma_wait3A_52 = tpu.memref_slice %arg10[%add3A_32, %dma_wait3A] : memref<10240x128xf32, #tpu.memory_space<vmem_shared>> -> memref<128x128xf32, #tpu.memory_space<vmem_shared>>
      %dma_wait3A_53 = arith.constant 0 : i32
      %dma_wait3A_54 = tpu.memref_slice %arg10[%add3A_32, %dma_wait3A_53] : memref<10240x128xf32, #tpu.memory_space<vmem_shared>> -> memref<128x128xf32, #tpu.memory_space<vmem_shared>>
      tpu.wait_dma2 semaphore(%run_scoped3A : memref<!tpu.dma_semaphore, #tpu.memory_space<semaphore_mem>>) src(%dma_wait3A_54 : memref<128x128xf32, #tpu.memory_space<vmem_shared>>) dst(%arg9 : memref<128x128xf32, #tpu.memory_space<vmem>>)
      tpu.yield
    }) : () -> ()
    "tpu.region"() ({
      %run_scoped3A = tpu.sem_alloc : memref<!tpu.dma_semaphore, #tpu.memory_space<semaphore_mem>>
      %dma_start3A = arith.constant 0 : i32
      %dma_start3A_49 = tpu.memref_slice %arg6[%arg0, %add3A_32, %dma_start3A] : memref<2x10240x128xf32, #tpu.memory_space<hbm>> -> memref<1x128x128xf32, #tpu.memory_space<hbm>>
      %dma_start3A_50 = tpu.memref_squeeze %dma_start3A_49 : memref<1x128x128xf32, #tpu.memory_space<hbm>> -> memref<128x128xf32, #tpu.memory_space<hbm>>
      %dma_start3A_51 = arith.constant 0 : i32
      %dma_start3A_52 = tpu.memref_slice %arg6[%arg0, %add3A_32, %dma_start3A_51] : memref<2x10240x128xf32, #tpu.memory_space<hbm>> -> memref<1x128x128xf32, #tpu.memory_space<hbm>>
      %dma_start3A_53 = tpu.memref_squeeze %dma_start3A_52 : memref<1x128x128xf32, #tpu.memory_space<hbm>> -> memref<128x128xf32, #tpu.memory_space<hbm>>
      tpu.enqueue_dma source(%arg9 : memref<128x128xf32, #tpu.memory_space<vmem>>) target(%dma_start3A_53 : memref<128x128xf32, #tpu.memory_space<hbm>>) target_semaphore(%run_scoped3A : memref<!tpu.dma_semaphore, #tpu.memory_space<semaphore_mem>>)
      %dma_wait3A = arith.constant 0 : i32
      %dma_wait3A_54 = tpu.memref_slice %arg6[%arg0, %add3A_32, %dma_wait3A] : memref<2x10240x128xf32, #tpu.memory_space<hbm>> -> memref<1x128x128xf32, #tpu.memory_space<hbm>>
      %dma_wait3A_55 = tpu.memref_squeeze %dma_wait3A_54 : memref<1x128x128xf32, #tpu.memory_space<hbm>> -> memref<128x128xf32, #tpu.memory_space<hbm>>
      %dma_wait3A_56 = arith.constant 0 : i32
      %dma_wait3A_57 = tpu.memref_slice %arg6[%arg0, %add3A_32, %dma_wait3A_56] : memref<2x10240x128xf32, #tpu.memory_space<hbm>> -> memref<1x128x128xf32, #tpu.memory_space<hbm>>
      %dma_wait3A_58 = tpu.memref_squeeze %dma_wait3A_57 : memref<1x128x128xf32, #tpu.memory_space<hbm>> -> memref<128x128xf32, #tpu.memory_space<hbm>>
      tpu.wait_dma2 semaphore(%run_scoped3A : memref<!tpu.dma_semaphore, #tpu.memory_space<semaphore_mem>>) src(%arg9 : memref<128x128xf32, #tpu.memory_space<vmem>>) dst(%dma_wait3A_58 : memref<128x128xf32, #tpu.memory_space<hbm>>)
      tpu.yield
    }) : () -> ()
    %mul3A_33 = arith.constant 640 : i32
    %mul3A_34 = arith.muli %arg1, %mul3A_33 : i32
    %add3A_35 = arith.constant 128 : i32
    %add3A_36 = arith.addi %mul3A_34, %add3A_35 : i32
    "tpu.region"() ({
      %run_scoped3A = tpu.sem_alloc : memref<!tpu.dma_semaphore, #tpu.memory_space<semaphore_mem>>
      %dma_start3A = arith.constant 0 : i32
      %dma_start3A_49 = tpu.memref_slice %arg10[%add3A_36, %dma_start3A] : memref<10240x128xf32, #tpu.memory_space<vmem_shared>> -> memref<128x128xf32, #tpu.memory_space<vmem_shared>>
      %dma_start3A_50 = arith.constant 0 : i32
      %dma_start3A_51 = tpu.memref_slice %arg10[%add3A_36, %dma_start3A_50] : memref<10240x128xf32, #tpu.memory_space<vmem_shared>> -> memref<128x128xf32, #tpu.memory_space<vmem_shared>>
      tpu.enqueue_dma source(%dma_start3A_51 : memref<128x128xf32, #tpu.memory_space<vmem_shared>>) target(%arg9 : memref<128x128xf32, #tpu.memory_space<vmem>>) target_semaphore(%run_scoped3A : memref<!tpu.dma_semaphore, #tpu.memory_space<semaphore_mem>>)
      %dma_wait3A = arith.constant 0 : i32
      %dma_wait3A_52 = tpu.memref_slice %arg10[%add3A_36, %dma_wait3A] : memref<10240x128xf32, #tpu.memory_space<vmem_shared>> -> memref<128x128xf32, #tpu.memory_space<vmem_shared>>
      %dma_wait3A_53 = arith.constant 0 : i32
      %dma_wait3A_54 = tpu.memref_slice %arg10[%add3A_36, %dma_wait3A_53] : memref<10240x128xf32, #tpu.memory_space<vmem_shared>> -> memref<128x128xf32, #tpu.memory_space<vmem_shared>>
      tpu.wait_dma2 semaphore(%run_scoped3A : memref<!tpu.dma_semaphore, #tpu.memory_space<semaphore_mem>>) src(%dma_wait3A_54 : memref<128x128xf32, #tpu.memory_space<vmem_shared>>) dst(%arg9 : memref<128x128xf32, #tpu.memory_space<vmem>>)
      tpu.yield
    }) : () -> ()
    "tpu.region"() ({
      %run_scoped3A = tpu.sem_alloc : memref<!tpu.dma_semaphore, #tpu.memory_space<semaphore_mem>>
      %dma_start3A = arith.constant 0 : i32
      %dma_start3A_49 = tpu.memref_slice %arg6[%arg0, %add3A_36, %dma_start3A] : memref<2x10240x128xf32, #tpu.memory_space<hbm>> -> memref<1x128x128xf32, #tpu.memory_space<hbm>>
      %dma_start3A_50 = tpu.memref_squeeze %dma_start3A_49 : memref<1x128x128xf32, #tpu.memory_space<hbm>> -> memref<128x128xf32, #tpu.memory_space<hbm>>
      %dma_start3A_51 = arith.constant 0 : i32
      %dma_start3A_52 = tpu.memref_slice %arg6[%arg0, %add3A_36, %dma_start3A_51] : memref<2x10240x128xf32, #tpu.memory_space<hbm>> -> memref<1x128x128xf32, #tpu.memory_space<hbm>>
      %dma_start3A_53 = tpu.memref_squeeze %dma_start3A_52 : memref<1x128x128xf32, #tpu.memory_space<hbm>> -> memref<128x128xf32, #tpu.memory_space<hbm>>
      tpu.enqueue_dma source(%arg9 : memref<128x128xf32, #tpu.memory_space<vmem>>) target(%dma_start3A_53 : memref<128x128xf32, #tpu.memory_space<hbm>>) target_semaphore(%run_scoped3A : memref<!tpu.dma_semaphore, #tpu.memory_space<semaphore_mem>>)
      %dma_wait3A = arith.constant 0 : i32
      %dma_wait3A_54 = tpu.memref_slice %arg6[%arg0, %add3A_36, %dma_wait3A] : memref<2x10240x128xf32, #tpu.memory_space<hbm>> -> memref<1x128x128xf32, #tpu.memory_space<hbm>>
      %dma_wait3A_55 = tpu.memref_squeeze %dma_wait3A_54 : memref<1x128x128xf32, #tpu.memory_space<hbm>> -> memref<128x128xf32, #tpu.memory_space<hbm>>
      %dma_wait3A_56 = arith.constant 0 : i32
      %dma_wait3A_57 = tpu.memref_slice %arg6[%arg0, %add3A_36, %dma_wait3A_56] : memref<2x10240x128xf32, #tpu.memory_space<hbm>> -> memref<1x128x128xf32, #tpu.memory_space<hbm>>
      %dma_wait3A_58 = tpu.memref_squeeze %dma_wait3A_57 : memref<1x128x128xf32, #tpu.memory_space<hbm>> -> memref<128x128xf32, #tpu.memory_space<hbm>>
      tpu.wait_dma2 semaphore(%run_scoped3A : memref<!tpu.dma_semaphore, #tpu.memory_space<semaphore_mem>>) src(%arg9 : memref<128x128xf32, #tpu.memory_space<vmem>>) dst(%dma_wait3A_58 : memref<128x128xf32, #tpu.memory_space<hbm>>)
      tpu.yield
    }) : () -> ()
    %mul3A_37 = arith.constant 640 : i32
    %mul3A_38 = arith.muli %arg1, %mul3A_37 : i32
    %add3A_39 = arith.constant 256 : i32
    %add3A_40 = arith.addi %mul3A_38, %add3A_39 : i32
    "tpu.region"() ({
      %run_scoped3A = tpu.sem_alloc : memref<!tpu.dma_semaphore, #tpu.memory_space<semaphore_mem>>
      %dma_start3A = arith.constant 0 : i32
      %dma_start3A_49 = tpu.memref_slice %arg10[%add3A_40, %dma_start3A] : memref<10240x128xf32, #tpu.memory_space<vmem_shared>> -> memref<128x128xf32, #tpu.memory_space<vmem_shared>>
      %dma_start3A_50 = arith.constant 0 : i32
      %dma_start3A_51 = tpu.memref_slice %arg10[%add3A_40, %dma_start3A_50] : memref<10240x128xf32, #tpu.memory_space<vmem_shared>> -> memref<128x128xf32, #tpu.memory_space<vmem_shared>>
      tpu.enqueue_dma source(%dma_start3A_51 : memref<128x128xf32, #tpu.memory_space<vmem_shared>>) target(%arg9 : memref<128x128xf32, #tpu.memory_space<vmem>>) target_semaphore(%run_scoped3A : memref<!tpu.dma_semaphore, #tpu.memory_space<semaphore_mem>>)
      %dma_wait3A = arith.constant 0 : i32
      %dma_wait3A_52 = tpu.memref_slice %arg10[%add3A_40, %dma_wait3A] : memref<10240x128xf32, #tpu.memory_space<vmem_shared>> -> memref<128x128xf32, #tpu.memory_space<vmem_shared>>
      %dma_wait3A_53 = arith.constant 0 : i32
      %dma_wait3A_54 = tpu.memref_slice %arg10[%add3A_40, %dma_wait3A_53] : memref<10240x128xf32, #tpu.memory_space<vmem_shared>> -> memref<128x128xf32, #tpu.memory_space<vmem_shared>>
      tpu.wait_dma2 semaphore(%run_scoped3A : memref<!tpu.dma_semaphore, #tpu.memory_space<semaphore_mem>>) src(%dma_wait3A_54 : memref<128x128xf32, #tpu.memory_space<vmem_shared>>) dst(%arg9 : memref<128x128xf32, #tpu.memory_space<vmem>>)
      tpu.yield
    }) : () -> ()
    "tpu.region"() ({
      %run_scoped3A = tpu.sem_alloc : memref<!tpu.dma_semaphore, #tpu.memory_space<semaphore_mem>>
      %dma_start3A = arith.constant 0 : i32
      %dma_start3A_49 = tpu.memref_slice %arg6[%arg0, %add3A_40, %dma_start3A] : memref<2x10240x128xf32, #tpu.memory_space<hbm>> -> memref<1x128x128xf32, #tpu.memory_space<hbm>>
      %dma_start3A_50 = tpu.memref_squeeze %dma_start3A_49 : memref<1x128x128xf32, #tpu.memory_space<hbm>> -> memref<128x128xf32, #tpu.memory_space<hbm>>
      %dma_start3A_51 = arith.constant 0 : i32
      %dma_start3A_52 = tpu.memref_slice %arg6[%arg0, %add3A_40, %dma_start3A_51] : memref<2x10240x128xf32, #tpu.memory_space<hbm>> -> memref<1x128x128xf32, #tpu.memory_space<hbm>>
      %dma_start3A_53 = tpu.memref_squeeze %dma_start3A_52 : memref<1x128x128xf32, #tpu.memory_space<hbm>> -> memref<128x128xf32, #tpu.memory_space<hbm>>
      tpu.enqueue_dma source(%arg9 : memref<128x128xf32, #tpu.memory_space<vmem>>) target(%dma_start3A_53 : memref<128x128xf32, #tpu.memory_space<hbm>>) target_semaphore(%run_scoped3A : memref<!tpu.dma_semaphore, #tpu.memory_space<semaphore_mem>>)
      %dma_wait3A = arith.constant 0 : i32
      %dma_wait3A_54 = tpu.memref_slice %arg6[%arg0, %add3A_40, %dma_wait3A] : memref<2x10240x128xf32, #tpu.memory_space<hbm>> -> memref<1x128x128xf32, #tpu.memory_space<hbm>>
      %dma_wait3A_55 = tpu.memref_squeeze %dma_wait3A_54 : memref<1x128x128xf32, #tpu.memory_space<hbm>> -> memref<128x128xf32, #tpu.memory_space<hbm>>
      %dma_wait3A_56 = arith.constant 0 : i32
      %dma_wait3A_57 = tpu.memref_slice %arg6[%arg0, %add3A_40, %dma_wait3A_56] : memref<2x10240x128xf32, #tpu.memory_space<hbm>> -> memref<1x128x128xf32, #tpu.memory_space<hbm>>
      %dma_wait3A_58 = tpu.memref_squeeze %dma_wait3A_57 : memref<1x128x128xf32, #tpu.memory_space<hbm>> -> memref<128x128xf32, #tpu.memory_space<hbm>>
      tpu.wait_dma2 semaphore(%run_scoped3A : memref<!tpu.dma_semaphore, #tpu.memory_space<semaphore_mem>>) src(%arg9 : memref<128x128xf32, #tpu.memory_space<vmem>>) dst(%dma_wait3A_58 : memref<128x128xf32, #tpu.memory_space<hbm>>)
      tpu.yield
    }) : () -> ()
    %mul3A_41 = arith.constant 640 : i32
    %mul3A_42 = arith.muli %arg1, %mul3A_41 : i32
    %add3A_43 = arith.constant 384 : i32
    %add3A_44 = arith.addi %mul3A_42, %add3A_43 : i32
    "tpu.region"() ({
      %run_scoped3A = tpu.sem_alloc : memref<!tpu.dma_semaphore, #tpu.memory_space<semaphore_mem>>
      %dma_start3A = arith.constant 0 : i32
      %dma_start3A_49 = tpu.memref_slice %arg10[%add3A_44, %dma_start3A] : memref<10240x128xf32, #tpu.memory_space<vmem_shared>> -> memref<128x128xf32, #tpu.memory_space<vmem_shared>>
      %dma_start3A_50 = arith.constant 0 : i32
      %dma_start3A_51 = tpu.memref_slice %arg10[%add3A_44, %dma_start3A_50] : memref<10240x128xf32, #tpu.memory_space<vmem_shared>> -> memref<128x128xf32, #tpu.memory_space<vmem_shared>>
      tpu.enqueue_dma source(%dma_start3A_51 : memref<128x128xf32, #tpu.memory_space<vmem_shared>>) target(%arg9 : memref<128x128xf32, #tpu.memory_space<vmem>>) target_semaphore(%run_scoped3A : memref<!tpu.dma_semaphore, #tpu.memory_space<semaphore_mem>>)
      %dma_wait3A = arith.constant 0 : i32
      %dma_wait3A_52 = tpu.memref_slice %arg10[%add3A_44, %dma_wait3A] : memref<10240x128xf32, #tpu.memory_space<vmem_shared>> -> memref<128x128xf32, #tpu.memory_space<vmem_shared>>
      %dma_wait3A_53 = arith.constant 0 : i32
      %dma_wait3A_54 = tpu.memref_slice %arg10[%add3A_44, %dma_wait3A_53] : memref<10240x128xf32, #tpu.memory_space<vmem_shared>> -> memref<128x128xf32, #tpu.memory_space<vmem_shared>>
      tpu.wait_dma2 semaphore(%run_scoped3A : memref<!tpu.dma_semaphore, #tpu.memory_space<semaphore_mem>>) src(%dma_wait3A_54 : memref<128x128xf32, #tpu.memory_space<vmem_shared>>) dst(%arg9 : memref<128x128xf32, #tpu.memory_space<vmem>>)
      tpu.yield
    }) : () -> ()
    "tpu.region"() ({
      %run_scoped3A = tpu.sem_alloc : memref<!tpu.dma_semaphore, #tpu.memory_space<semaphore_mem>>
      %dma_start3A = arith.constant 0 : i32
      %dma_start3A_49 = tpu.memref_slice %arg6[%arg0, %add3A_44, %dma_start3A] : memref<2x10240x128xf32, #tpu.memory_space<hbm>> -> memref<1x128x128xf32, #tpu.memory_space<hbm>>
      %dma_start3A_50 = tpu.memref_squeeze %dma_start3A_49 : memref<1x128x128xf32, #tpu.memory_space<hbm>> -> memref<128x128xf32, #tpu.memory_space<hbm>>
      %dma_start3A_51 = arith.constant 0 : i32
      %dma_start3A_52 = tpu.memref_slice %arg6[%arg0, %add3A_44, %dma_start3A_51] : memref<2x10240x128xf32, #tpu.memory_space<hbm>> -> memref<1x128x128xf32, #tpu.memory_space<hbm>>
      %dma_start3A_53 = tpu.memref_squeeze %dma_start3A_52 : memref<1x128x128xf32, #tpu.memory_space<hbm>> -> memref<128x128xf32, #tpu.memory_space<hbm>>
      tpu.enqueue_dma source(%arg9 : memref<128x128xf32, #tpu.memory_space<vmem>>) target(%dma_start3A_53 : memref<128x128xf32, #tpu.memory_space<hbm>>) target_semaphore(%run_scoped3A : memref<!tpu.dma_semaphore, #tpu.memory_space<semaphore_mem>>)
      %dma_wait3A = arith.constant 0 : i32
      %dma_wait3A_54 = tpu.memref_slice %arg6[%arg0, %add3A_44, %dma_wait3A] : memref<2x10240x128xf32, #tpu.memory_space<hbm>> -> memref<1x128x128xf32, #tpu.memory_space<hbm>>
      %dma_wait3A_55 = tpu.memref_squeeze %dma_wait3A_54 : memref<1x128x128xf32, #tpu.memory_space<hbm>> -> memref<128x128xf32, #tpu.memory_space<hbm>>
      %dma_wait3A_56 = arith.constant 0 : i32
      %dma_wait3A_57 = tpu.memref_slice %arg6[%arg0, %add3A_44, %dma_wait3A_56] : memref<2x10240x128xf32, #tpu.memory_space<hbm>> -> memref<1x128x128xf32, #tpu.memory_space<hbm>>
      %dma_wait3A_58 = tpu.memref_squeeze %dma_wait3A_57 : memref<1x128x128xf32, #tpu.memory_space<hbm>> -> memref<128x128xf32, #tpu.memory_space<hbm>>
      tpu.wait_dma2 semaphore(%run_scoped3A : memref<!tpu.dma_semaphore, #tpu.memory_space<semaphore_mem>>) src(%arg9 : memref<128x128xf32, #tpu.memory_space<vmem>>) dst(%dma_wait3A_58 : memref<128x128xf32, #tpu.memory_space<hbm>>)
      tpu.yield
    }) : () -> ()
    %mul3A_45 = arith.constant 640 : i32
    %mul3A_46 = arith.muli %arg1, %mul3A_45 : i32
    %add3A_47 = arith.constant 512 : i32
    %add3A_48 = arith.addi %mul3A_46, %add3A_47 : i32
    "tpu.region"() ({
      %run_scoped3A = tpu.sem_alloc : memref<!tpu.dma_semaphore, #tpu.memory_space<semaphore_mem>>
      %dma_start3A = arith.constant 0 : i32
      %dma_start3A_49 = tpu.memref_slice %arg10[%add3A_48, %dma_start3A] : memref<10240x128xf32, #tpu.memory_space<vmem_shared>> -> memref<128x128xf32, #tpu.memory_space<vmem_shared>>
      %dma_start3A_50 = arith.constant 0 : i32
      %dma_start3A_51 = tpu.memref_slice %arg10[%add3A_48, %dma_start3A_50] : memref<10240x128xf32, #tpu.memory_space<vmem_shared>> -> memref<128x128xf32, #tpu.memory_space<vmem_shared>>
      tpu.enqueue_dma source(%dma_start3A_51 : memref<128x128xf32, #tpu.memory_space<vmem_shared>>) target(%arg9 : memref<128x128xf32, #tpu.memory_space<vmem>>) target_semaphore(%run_scoped3A : memref<!tpu.dma_semaphore, #tpu.memory_space<semaphore_mem>>)
      %dma_wait3A = arith.constant 0 : i32
      %dma_wait3A_52 = tpu.memref_slice %arg10[%add3A_48, %dma_wait3A] : memref<10240x128xf32, #tpu.memory_space<vmem_shared>> -> memref<128x128xf32, #tpu.memory_space<vmem_shared>>
      %dma_wait3A_53 = arith.constant 0 : i32
      %dma_wait3A_54 = tpu.memref_slice %arg10[%add3A_48, %dma_wait3A_53] : memref<10240x128xf32, #tpu.memory_space<vmem_shared>> -> memref<128x128xf32, #tpu.memory_space<vmem_shared>>
      tpu.wait_dma2 semaphore(%run_scoped3A : memref<!tpu.dma_semaphore, #tpu.memory_space<semaphore_mem>>) src(%dma_wait3A_54 : memref<128x128xf32, #tpu.memory_space<vmem_shared>>) dst(%arg9 : memref<128x128xf32, #tpu.memory_space<vmem>>)
      tpu.yield
    }) : () -> ()
    "tpu.region"() ({
      %run_scoped3A = tpu.sem_alloc : memref<!tpu.dma_semaphore, #tpu.memory_space<semaphore_mem>>
      %dma_start3A = arith.constant 0 : i32
      %dma_start3A_49 = tpu.memref_slice %arg6[%arg0, %add3A_48, %dma_start3A] : memref<2x10240x128xf32, #tpu.memory_space<hbm>> -> memref<1x128x128xf32, #tpu.memory_space<hbm>>
      %dma_start3A_50 = tpu.memref_squeeze %dma_start3A_49 : memref<1x128x128xf32, #tpu.memory_space<hbm>> -> memref<128x128xf32, #tpu.memory_space<hbm>>
      %dma_start3A_51 = arith.constant 0 : i32
      %dma_start3A_52 = tpu.memref_slice %arg6[%arg0, %add3A_48, %dma_start3A_51] : memref<2x10240x128xf32, #tpu.memory_space<hbm>> -> memref<1x128x128xf32, #tpu.memory_space<hbm>>
      %dma_start3A_53 = tpu.memref_squeeze %dma_start3A_52 : memref<1x128x128xf32, #tpu.memory_space<hbm>> -> memref<128x128xf32, #tpu.memory_space<hbm>>
      tpu.enqueue_dma source(%arg9 : memref<128x128xf32, #tpu.memory_space<vmem>>) target(%dma_start3A_53 : memref<128x128xf32, #tpu.memory_space<hbm>>) target_semaphore(%run_scoped3A : memref<!tpu.dma_semaphore, #tpu.memory_space<semaphore_mem>>)
      %dma_wait3A = arith.constant 0 : i32
      %dma_wait3A_54 = tpu.memref_slice %arg6[%arg0, %add3A_48, %dma_wait3A] : memref<2x10240x128xf32, #tpu.memory_space<hbm>> -> memref<1x128x128xf32, #tpu.memory_space<hbm>>
      %dma_wait3A_55 = tpu.memref_squeeze %dma_wait3A_54 : memref<1x128x128xf32, #tpu.memory_space<hbm>> -> memref<128x128xf32, #tpu.memory_space<hbm>>
      %dma_wait3A_56 = arith.constant 0 : i32
      %dma_wait3A_57 = tpu.memref_slice %arg6[%arg0, %add3A_48, %dma_wait3A_56] : memref<2x10240x128xf32, #tpu.memory_space<hbm>> -> memref<1x128x128xf32, #tpu.memory_space<hbm>>
      %dma_wait3A_58 = tpu.memref_squeeze %dma_wait3A_57 : memref<1x128x128xf32, #tpu.memory_space<hbm>> -> memref<128x128xf32, #tpu.memory_space<hbm>>
      tpu.wait_dma2 semaphore(%run_scoped3A : memref<!tpu.dma_semaphore, #tpu.memory_space<semaphore_mem>>) src(%arg9 : memref<128x128xf32, #tpu.memory_space<vmem>>) dst(%dma_wait3A_58 : memref<128x128xf32, #tpu.memory_space<hbm>>)
      tpu.yield
    }) : () -> ()
    return
  }
}

#map = affine_map<(d0, d1) -> (0)>
#map1 = affine_map<(d0, d1) -> (0, 0)>
#map2 = affine_map<(d0, d1) -> (0, 0, 0)>
module attributes {stable_mosaic.version = 14 : i64} {
  func.func @_seg_body(%arg0: i32, %arg1: i32, %arg2: memref<323584xi32, #tpu.memory_space<hbm>>, %arg3: memref<323584xi32, #tpu.memory_space<hbm>>, %arg4: memref<10000x128xf32, #tpu.memory_space<hbm>>, %arg5: memref<128x128xf32, #tpu.memory_space<hbm>>, %arg6: memref<2x10240x128xf32, #tpu.memory_space<hbm>>, %arg7: memref<128xi32, #tpu.memory_space<vmem>>, %arg8: memref<128xi32, #tpu.memory_space<vmem>>, %arg9: memref<128x128xf32, #tpu.memory_space<vmem>>, %arg10: memref<10240x128xf32, #tpu.memory_space<vmem_shared>>, %arg11: memref<!tpu.dma_semaphore, #tpu.memory_space<semaphore_mem>>) attributes {dimension_semantics = [#tpu.dimension_semantics<core_parallel>, #tpu.dimension_semantics<subcore_parallel>], iteration_bounds = array<i64: 2, 16>, scalar_prefetch = 0 : i64, scratch_operands = 5 : i64, tpu.core_type = #tpu.core_type<sc_vector_subcore>, window_params = [{transform_indices = #map}, {transform_indices = #map}, {transform_indices = #map1}, {transform_indices = #map1}, {transform_indices = #map2}]} {
    %mul3A = arith.constant 16 : i32
    %mul3A_0 = arith.muli %arg0, %mul3A : i32
    %add3A = arith.addi %mul3A_0, %arg1 : i32
    %mul3A_1 = arith.constant 10112 : i32
    %mul3A_2 = arith.muli %add3A, %mul3A_1 : i32
    "tpu.region"() ({
      %run_scoped3A = tpu.sem_alloc : memref<!tpu.dma_semaphore, #tpu.memory_space<semaphore_mem>>
      tpu.enqueue_dma source(%arg5 : memref<128x128xf32, #tpu.memory_space<hbm>>) target(%arg9 : memref<128x128xf32, #tpu.memory_space<vmem>>) target_semaphore(%run_scoped3A : memref<!tpu.dma_semaphore, #tpu.memory_space<semaphore_mem>>)
      tpu.wait_dma2 semaphore(%run_scoped3A : memref<!tpu.dma_semaphore, #tpu.memory_space<semaphore_mem>>) src(%arg5 : memref<128x128xf32, #tpu.memory_space<hbm>>) dst(%arg9 : memref<128x128xf32, #tpu.memory_space<vmem>>)
      tpu.yield
    }) : () -> ()
    %mul3A_3 = arith.constant 640 : i32
    %mul3A_4 = arith.muli %arg1, %mul3A_3 : i32
    %add3A_5 = arith.constant 0 : i32
    %add3A_6 = arith.addi %mul3A_4, %add3A_5 : i32
    "tpu.region"() ({
      %run_scoped3A = tpu.sem_alloc : memref<!tpu.dma_semaphore, #tpu.memory_space<semaphore_mem>>
      %dma_start3A = arith.constant 0 : i32
      %dma_start3A_49 = tpu.memref_slice %arg10[%add3A_6, %dma_start3A] : memref<10240x128xf32, #tpu.memory_space<vmem_shared>> -> memref<128x128xf32, #tpu.memory_space<vmem_shared>>
      %dma_start3A_50 = arith.constant 0 : i32
      %dma_start3A_51 = tpu.memref_slice %arg10[%add3A_6, %dma_start3A_50] : memref<10240x128xf32, #tpu.memory_space<vmem_shared>> -> memref<128x128xf32, #tpu.memory_space<vmem_shared>>
      tpu.enqueue_dma source(%arg9 : memref<128x128xf32, #tpu.memory_space<vmem>>) target(%dma_start3A_51 : memref<128x128xf32, #tpu.memory_space<vmem_shared>>) target_semaphore(%run_scoped3A : memref<!tpu.dma_semaphore, #tpu.memory_space<semaphore_mem>>)
      %dma_wait3A = arith.constant 0 : i32
      %dma_wait3A_52 = tpu.memref_slice %arg10[%add3A_6, %dma_wait3A] : memref<10240x128xf32, #tpu.memory_space<vmem_shared>> -> memref<128x128xf32, #tpu.memory_space<vmem_shared>>
      %dma_wait3A_53 = arith.constant 0 : i32
      %dma_wait3A_54 = tpu.memref_slice %arg10[%add3A_6, %dma_wait3A_53] : memref<10240x128xf32, #tpu.memory_space<vmem_shared>> -> memref<128x128xf32, #tpu.memory_space<vmem_shared>>
      tpu.wait_dma2 semaphore(%run_scoped3A : memref<!tpu.dma_semaphore, #tpu.memory_space<semaphore_mem>>) src(%arg9 : memref<128x128xf32, #tpu.memory_space<vmem>>) dst(%dma_wait3A_54 : memref<128x128xf32, #tpu.memory_space<vmem_shared>>)
      tpu.yield
    }) : () -> ()
    %mul3A_7 = arith.constant 640 : i32
    %mul3A_8 = arith.muli %arg1, %mul3A_7 : i32
    %add3A_9 = arith.constant 128 : i32
    %add3A_10 = arith.addi %mul3A_8, %add3A_9 : i32
    "tpu.region"() ({
      %run_scoped3A = tpu.sem_alloc : memref<!tpu.dma_semaphore, #tpu.memory_space<semaphore_mem>>
      %dma_start3A = arith.constant 0 : i32
      %dma_start3A_49 = tpu.memref_slice %arg10[%add3A_10, %dma_start3A] : memref<10240x128xf32, #tpu.memory_space<vmem_shared>> -> memref<128x128xf32, #tpu.memory_space<vmem_shared>>
      %dma_start3A_50 = arith.constant 0 : i32
      %dma_start3A_51 = tpu.memref_slice %arg10[%add3A_10, %dma_start3A_50] : memref<10240x128xf32, #tpu.memory_space<vmem_shared>> -> memref<128x128xf32, #tpu.memory_space<vmem_shared>>
      tpu.enqueue_dma source(%arg9 : memref<128x128xf32, #tpu.memory_space<vmem>>) target(%dma_start3A_51 : memref<128x128xf32, #tpu.memory_space<vmem_shared>>) target_semaphore(%run_scoped3A : memref<!tpu.dma_semaphore, #tpu.memory_space<semaphore_mem>>)
      %dma_wait3A = arith.constant 0 : i32
      %dma_wait3A_52 = tpu.memref_slice %arg10[%add3A_10, %dma_wait3A] : memref<10240x128xf32, #tpu.memory_space<vmem_shared>> -> memref<128x128xf32, #tpu.memory_space<vmem_shared>>
      %dma_wait3A_53 = arith.constant 0 : i32
      %dma_wait3A_54 = tpu.memref_slice %arg10[%add3A_10, %dma_wait3A_53] : memref<10240x128xf32, #tpu.memory_space<vmem_shared>> -> memref<128x128xf32, #tpu.memory_space<vmem_shared>>
      tpu.wait_dma2 semaphore(%run_scoped3A : memref<!tpu.dma_semaphore, #tpu.memory_space<semaphore_mem>>) src(%arg9 : memref<128x128xf32, #tpu.memory_space<vmem>>) dst(%dma_wait3A_54 : memref<128x128xf32, #tpu.memory_space<vmem_shared>>)
      tpu.yield
    }) : () -> ()
    %mul3A_11 = arith.constant 640 : i32
    %mul3A_12 = arith.muli %arg1, %mul3A_11 : i32
    %add3A_13 = arith.constant 256 : i32
    %add3A_14 = arith.addi %mul3A_12, %add3A_13 : i32
    "tpu.region"() ({
      %run_scoped3A = tpu.sem_alloc : memref<!tpu.dma_semaphore, #tpu.memory_space<semaphore_mem>>
      %dma_start3A = arith.constant 0 : i32
      %dma_start3A_49 = tpu.memref_slice %arg10[%add3A_14, %dma_start3A] : memref<10240x128xf32, #tpu.memory_space<vmem_shared>> -> memref<128x128xf32, #tpu.memory_space<vmem_shared>>
      %dma_start3A_50 = arith.constant 0 : i32
      %dma_start3A_51 = tpu.memref_slice %arg10[%add3A_14, %dma_start3A_50] : memref<10240x128xf32, #tpu.memory_space<vmem_shared>> -> memref<128x128xf32, #tpu.memory_space<vmem_shared>>
      tpu.enqueue_dma source(%arg9 : memref<128x128xf32, #tpu.memory_space<vmem>>) target(%dma_start3A_51 : memref<128x128xf32, #tpu.memory_space<vmem_shared>>) target_semaphore(%run_scoped3A : memref<!tpu.dma_semaphore, #tpu.memory_space<semaphore_mem>>)
      %dma_wait3A = arith.constant 0 : i32
      %dma_wait3A_52 = tpu.memref_slice %arg10[%add3A_14, %dma_wait3A] : memref<10240x128xf32, #tpu.memory_space<vmem_shared>> -> memref<128x128xf32, #tpu.memory_space<vmem_shared>>
      %dma_wait3A_53 = arith.constant 0 : i32
      %dma_wait3A_54 = tpu.memref_slice %arg10[%add3A_14, %dma_wait3A_53] : memref<10240x128xf32, #tpu.memory_space<vmem_shared>> -> memref<128x128xf32, #tpu.memory_space<vmem_shared>>
      tpu.wait_dma2 semaphore(%run_scoped3A : memref<!tpu.dma_semaphore, #tpu.memory_space<semaphore_mem>>) src(%arg9 : memref<128x128xf32, #tpu.memory_space<vmem>>) dst(%dma_wait3A_54 : memref<128x128xf32, #tpu.memory_space<vmem_shared>>)
      tpu.yield
    }) : () -> ()
    %mul3A_15 = arith.constant 640 : i32
    %mul3A_16 = arith.muli %arg1, %mul3A_15 : i32
    %add3A_17 = arith.constant 384 : i32
    %add3A_18 = arith.addi %mul3A_16, %add3A_17 : i32
    "tpu.region"() ({
      %run_scoped3A = tpu.sem_alloc : memref<!tpu.dma_semaphore, #tpu.memory_space<semaphore_mem>>
      %dma_start3A = arith.constant 0 : i32
      %dma_start3A_49 = tpu.memref_slice %arg10[%add3A_18, %dma_start3A] : memref<10240x128xf32, #tpu.memory_space<vmem_shared>> -> memref<128x128xf32, #tpu.memory_space<vmem_shared>>
      %dma_start3A_50 = arith.constant 0 : i32
      %dma_start3A_51 = tpu.memref_slice %arg10[%add3A_18, %dma_start3A_50] : memref<10240x128xf32, #tpu.memory_space<vmem_shared>> -> memref<128x128xf32, #tpu.memory_space<vmem_shared>>
      tpu.enqueue_dma source(%arg9 : memref<128x128xf32, #tpu.memory_space<vmem>>) target(%dma_start3A_51 : memref<128x128xf32, #tpu.memory_space<vmem_shared>>) target_semaphore(%run_scoped3A : memref<!tpu.dma_semaphore, #tpu.memory_space<semaphore_mem>>)
      %dma_wait3A = arith.constant 0 : i32
      %dma_wait3A_52 = tpu.memref_slice %arg10[%add3A_18, %dma_wait3A] : memref<10240x128xf32, #tpu.memory_space<vmem_shared>> -> memref<128x128xf32, #tpu.memory_space<vmem_shared>>
      %dma_wait3A_53 = arith.constant 0 : i32
      %dma_wait3A_54 = tpu.memref_slice %arg10[%add3A_18, %dma_wait3A_53] : memref<10240x128xf32, #tpu.memory_space<vmem_shared>> -> memref<128x128xf32, #tpu.memory_space<vmem_shared>>
      tpu.wait_dma2 semaphore(%run_scoped3A : memref<!tpu.dma_semaphore, #tpu.memory_space<semaphore_mem>>) src(%arg9 : memref<128x128xf32, #tpu.memory_space<vmem>>) dst(%dma_wait3A_54 : memref<128x128xf32, #tpu.memory_space<vmem_shared>>)
      tpu.yield
    }) : () -> ()
    %mul3A_19 = arith.constant 640 : i32
    %mul3A_20 = arith.muli %arg1, %mul3A_19 : i32
    %add3A_21 = arith.constant 512 : i32
    %add3A_22 = arith.addi %mul3A_20, %add3A_21 : i32
    "tpu.region"() ({
      %run_scoped3A = tpu.sem_alloc : memref<!tpu.dma_semaphore, #tpu.memory_space<semaphore_mem>>
      %dma_start3A = arith.constant 0 : i32
      %dma_start3A_49 = tpu.memref_slice %arg10[%add3A_22, %dma_start3A] : memref<10240x128xf32, #tpu.memory_space<vmem_shared>> -> memref<128x128xf32, #tpu.memory_space<vmem_shared>>
      %dma_start3A_50 = arith.constant 0 : i32
      %dma_start3A_51 = tpu.memref_slice %arg10[%add3A_22, %dma_start3A_50] : memref<10240x128xf32, #tpu.memory_space<vmem_shared>> -> memref<128x128xf32, #tpu.memory_space<vmem_shared>>
      tpu.enqueue_dma source(%arg9 : memref<128x128xf32, #tpu.memory_space<vmem>>) target(%dma_start3A_51 : memref<128x128xf32, #tpu.memory_space<vmem_shared>>) target_semaphore(%run_scoped3A : memref<!tpu.dma_semaphore, #tpu.memory_space<semaphore_mem>>)
      %dma_wait3A = arith.constant 0 : i32
      %dma_wait3A_52 = tpu.memref_slice %arg10[%add3A_22, %dma_wait3A] : memref<10240x128xf32, #tpu.memory_space<vmem_shared>> -> memref<128x128xf32, #tpu.memory_space<vmem_shared>>
      %dma_wait3A_53 = arith.constant 0 : i32
      %dma_wait3A_54 = tpu.memref_slice %arg10[%add3A_22, %dma_wait3A_53] : memref<10240x128xf32, #tpu.memory_space<vmem_shared>> -> memref<128x128xf32, #tpu.memory_space<vmem_shared>>
      tpu.wait_dma2 semaphore(%run_scoped3A : memref<!tpu.dma_semaphore, #tpu.memory_space<semaphore_mem>>) src(%arg9 : memref<128x128xf32, #tpu.memory_space<vmem>>) dst(%dma_wait3A_54 : memref<128x128xf32, #tpu.memory_space<vmem_shared>>)
      tpu.yield
    }) : () -> ()
    %barrier3A = arith.constant 0 : index
    tpu.barrier barrier_id(%barrier3A)
    %scan3A = arith.constant 0 : i32
    %scan3A_23 = arith.constant 0 : i32
    %scan3A_24 = arith.constant 79 : i32
    %scan3A_25 = arith.addi %scan3A_23, %scan3A_24 : i32
    %scan3A_26 = arith.constant 1 : i32
    scf.for %scan3A_49 = %scan3A_23 to %scan3A_25 step %scan3A_26  : i32 {
      %mul3A_50 = arith.constant 128 : i32
      %mul3A_51 = arith.muli %scan3A_49, %mul3A_50 : i32
      %add3A_52 = arith.addi %mul3A_2, %mul3A_51 : i32
      %multiple_of3A = tpu.assume_multiple %add3A_52, 8 : i32
      "tpu.region"() ({
        %run_scoped3A = tpu.sem_alloc : memref<!tpu.dma_semaphore, #tpu.memory_space<semaphore_mem>>
        %dma_start3A_57 = tpu.memref_slice %arg3[%multiple_of3A] : memref<323584xi32, #tpu.memory_space<hbm>> -> memref<128xi32, #tpu.memory_space<hbm>>
        %dma_start3A_58 = tpu.memref_slice %arg3[%multiple_of3A] : memref<323584xi32, #tpu.memory_space<hbm>> -> memref<128xi32, #tpu.memory_space<hbm>>
        tpu.enqueue_dma source(%dma_start3A_58 : memref<128xi32, #tpu.memory_space<hbm>>) target(%arg7 : memref<128xi32, #tpu.memory_space<vmem>>) target_semaphore(%run_scoped3A : memref<!tpu.dma_semaphore, #tpu.memory_space<semaphore_mem>>)
        %dma_wait3A_59 = tpu.memref_slice %arg3[%multiple_of3A] : memref<323584xi32, #tpu.memory_space<hbm>> -> memref<128xi32, #tpu.memory_space<hbm>>
        %dma_wait3A_60 = tpu.memref_slice %arg3[%multiple_of3A] : memref<323584xi32, #tpu.memory_space<hbm>> -> memref<128xi32, #tpu.memory_space<hbm>>
        tpu.wait_dma2 semaphore(%run_scoped3A : memref<!tpu.dma_semaphore, #tpu.memory_space<semaphore_mem>>) src(%dma_wait3A_60 : memref<128xi32, #tpu.memory_space<hbm>>) dst(%arg7 : memref<128xi32, #tpu.memory_space<vmem>>)
        tpu.yield
      }) : () -> ()
      "tpu.region"() ({
        %run_scoped3A = tpu.sem_alloc : memref<!tpu.dma_semaphore, #tpu.memory_space<semaphore_mem>>
        %dma_start3A_57 = tpu.memref_slice %arg2[%multiple_of3A] : memref<323584xi32, #tpu.memory_space<hbm>> -> memref<128xi32, #tpu.memory_space<hbm>>
        %dma_start3A_58 = tpu.memref_slice %arg2[%multiple_of3A] : memref<323584xi32, #tpu.memory_space<hbm>> -> memref<128xi32, #tpu.memory_space<hbm>>
        tpu.enqueue_dma source(%dma_start3A_58 : memref<128xi32, #tpu.memory_space<hbm>>) target(%arg8 : memref<128xi32, #tpu.memory_space<vmem>>) target_semaphore(%run_scoped3A : memref<!tpu.dma_semaphore, #tpu.memory_space<semaphore_mem>>)
        %dma_wait3A_59 = tpu.memref_slice %arg2[%multiple_of3A] : memref<323584xi32, #tpu.memory_space<hbm>> -> memref<128xi32, #tpu.memory_space<hbm>>
        %dma_wait3A_60 = tpu.memref_slice %arg2[%multiple_of3A] : memref<323584xi32, #tpu.memory_space<hbm>> -> memref<128xi32, #tpu.memory_space<hbm>>
        tpu.wait_dma2 semaphore(%run_scoped3A : memref<!tpu.dma_semaphore, #tpu.memory_space<semaphore_mem>>) src(%dma_wait3A_60 : memref<128xi32, #tpu.memory_space<hbm>>) dst(%arg8 : memref<128xi32, #tpu.memory_space<vmem>>)
        tpu.yield
      }) : () -> ()
      %dma_start3A = arith.constant 0 : i32
      %dma_start3A_53 = arith.constant 0 : i32
      %dma_start3A_54 = tpu.memref_slice %arg4[%dma_start3A, %dma_start3A_53] : memref<10000x128xf32, #tpu.memory_space<hbm>> -> memref<10000x128xf32, #tpu.memory_space<hbm>>
      tpu.enqueue_indirect_dma source(%dma_start3A_54 : memref<10000x128xf32, #tpu.memory_space<hbm>>) target(%arg9 : memref<128x128xf32, #tpu.memory_space<vmem>>) offsets(%arg7 : memref<128xi32, #tpu.memory_space<vmem>>) semaphore(%arg11 : memref<!tpu.dma_semaphore, #tpu.memory_space<semaphore_mem>>)
      %dma_wait3A = arith.constant 0 : i32
      %dma_wait3A_55 = arith.constant 0 : i32
      %dma_wait3A_56 = tpu.memref_slice %arg4[%dma_wait3A, %dma_wait3A_55] : memref<10000x128xf32, #tpu.memory_space<hbm>> -> memref<10000x128xf32, #tpu.memory_space<hbm>>
      tpu.wait_indirect_dma semaphore(%arg11 : memref<!tpu.dma_semaphore, #tpu.memory_space<semaphore_mem>>) src(%dma_wait3A_56 : memref<10000x128xf32, #tpu.memory_space<hbm>>) dst(%arg9 : memref<128x128xf32, #tpu.memory_space<vmem>>)
      "tpu.region"() ({
        %run_scoped3A = tpu.sem_alloc : memref<!tpu.dma_semaphore, #tpu.memory_space<semaphore_mem>>
        %dma_start3A_57 = arith.constant 0 : i32
        %dma_start3A_58 = arith.constant 0 : i32
        %dma_start3A_59 = tpu.memref_slice %arg10[%dma_start3A_57, %dma_start3A_58] : memref<10240x128xf32, #tpu.memory_space<vmem_shared>> -> memref<10240x128xf32, #tpu.memory_space<vmem_shared>>
        tpu.enqueue_indirect_dma source(%arg9 : memref<128x128xf32, #tpu.memory_space<vmem>>) target(%dma_start3A_59 : memref<10240x128xf32, #tpu.memory_space<vmem_shared>>) offsets(%arg8 : memref<128xi32, #tpu.memory_space<vmem>>) semaphore(%run_scoped3A : memref<!tpu.dma_semaphore, #tpu.memory_space<semaphore_mem>>) {add = true}
        %dma_wait3A_60 = arith.constant 0 : i32
        %dma_wait3A_61 = arith.constant 0 : i32
        %dma_wait3A_62 = tpu.memref_slice %arg10[%dma_wait3A_60, %dma_wait3A_61] : memref<10240x128xf32, #tpu.memory_space<vmem_shared>> -> memref<10240x128xf32, #tpu.memory_space<vmem_shared>>
        tpu.wait_indirect_dma semaphore(%run_scoped3A : memref<!tpu.dma_semaphore, #tpu.memory_space<semaphore_mem>>) src(%arg9 : memref<128x128xf32, #tpu.memory_space<vmem>>) dst(%dma_wait3A_62 : memref<10240x128xf32, #tpu.memory_space<vmem_shared>>)
        tpu.yield
      }) : () -> ()
    }
    %scan3A_27 = arith.constant 79 : i32
    %barrier3A_28 = arith.constant 0 : index
    tpu.barrier barrier_id(%barrier3A_28)
    %mul3A_29 = arith.constant 640 : i32
    %mul3A_30 = arith.muli %arg1, %mul3A_29 : i32
    %add3A_31 = arith.constant 0 : i32
    %add3A_32 = arith.addi %mul3A_30, %add3A_31 : i32
    "tpu.region"() ({
      %run_scoped3A = tpu.sem_alloc : memref<!tpu.dma_semaphore, #tpu.memory_space<semaphore_mem>>
      %dma_start3A = arith.constant 0 : i32
      %dma_start3A_49 = tpu.memref_slice %arg10[%add3A_32, %dma_start3A] : memref<10240x128xf32, #tpu.memory_space<vmem_shared>> -> memref<128x128xf32, #tpu.memory_space<vmem_shared>>
      %dma_start3A_50 = arith.constant 0 : i32
      %dma_start3A_51 = tpu.memref_slice %arg10[%add3A_32, %dma_start3A_50] : memref<10240x128xf32, #tpu.memory_space<vmem_shared>> -> memref<128x128xf32, #tpu.memory_space<vmem_shared>>
      tpu.enqueue_dma source(%dma_start3A_51 : memref<128x128xf32, #tpu.memory_space<vmem_shared>>) target(%arg9 : memref<128x128xf32, #tpu.memory_space<vmem>>) target_semaphore(%run_scoped3A : memref<!tpu.dma_semaphore, #tpu.memory_space<semaphore_mem>>)
      %dma_wait3A = arith.constant 0 : i32
      %dma_wait3A_52 = tpu.memref_slice %arg10[%add3A_32, %dma_wait3A] : memref<10240x128xf32, #tpu.memory_space<vmem_shared>> -> memref<128x128xf32, #tpu.memory_space<vmem_shared>>
      %dma_wait3A_53 = arith.constant 0 : i32
      %dma_wait3A_54 = tpu.memref_slice %arg10[%add3A_32, %dma_wait3A_53] : memref<10240x128xf32, #tpu.memory_space<vmem_shared>> -> memref<128x128xf32, #tpu.memory_space<vmem_shared>>
      tpu.wait_dma2 semaphore(%run_scoped3A : memref<!tpu.dma_semaphore, #tpu.memory_space<semaphore_mem>>) src(%dma_wait3A_54 : memref<128x128xf32, #tpu.memory_space<vmem_shared>>) dst(%arg9 : memref<128x128xf32, #tpu.memory_space<vmem>>)
      tpu.yield
    }) : () -> ()
    "tpu.region"() ({
      %run_scoped3A = tpu.sem_alloc : memref<!tpu.dma_semaphore, #tpu.memory_space<semaphore_mem>>
      %dma_start3A = arith.constant 0 : i32
      %dma_start3A_49 = tpu.memref_slice %arg6[%arg0, %add3A_32, %dma_start3A] : memref<2x10240x128xf32, #tpu.memory_space<hbm>> -> memref<1x128x128xf32, #tpu.memory_space<hbm>>
      %dma_start3A_50 = tpu.memref_squeeze %dma_start3A_49 : memref<1x128x128xf32, #tpu.memory_space<hbm>> -> memref<128x128xf32, #tpu.memory_space<hbm>>
      %dma_start3A_51 = arith.constant 0 : i32
      %dma_start3A_52 = tpu.memref_slice %arg6[%arg0, %add3A_32, %dma_start3A_51] : memref<2x10240x128xf32, #tpu.memory_space<hbm>> -> memref<1x128x128xf32, #tpu.memory_space<hbm>>
      %dma_start3A_53 = tpu.memref_squeeze %dma_start3A_52 : memref<1x128x128xf32, #tpu.memory_space<hbm>> -> memref<128x128xf32, #tpu.memory_space<hbm>>
      tpu.enqueue_dma source(%arg9 : memref<128x128xf32, #tpu.memory_space<vmem>>) target(%dma_start3A_53 : memref<128x128xf32, #tpu.memory_space<hbm>>) target_semaphore(%run_scoped3A : memref<!tpu.dma_semaphore, #tpu.memory_space<semaphore_mem>>)
      %dma_wait3A = arith.constant 0 : i32
      %dma_wait3A_54 = tpu.memref_slice %arg6[%arg0, %add3A_32, %dma_wait3A] : memref<2x10240x128xf32, #tpu.memory_space<hbm>> -> memref<1x128x128xf32, #tpu.memory_space<hbm>>
      %dma_wait3A_55 = tpu.memref_squeeze %dma_wait3A_54 : memref<1x128x128xf32, #tpu.memory_space<hbm>> -> memref<128x128xf32, #tpu.memory_space<hbm>>
      %dma_wait3A_56 = arith.constant 0 : i32
      %dma_wait3A_57 = tpu.memref_slice %arg6[%arg0, %add3A_32, %dma_wait3A_56] : memref<2x10240x128xf32, #tpu.memory_space<hbm>> -> memref<1x128x128xf32, #tpu.memory_space<hbm>>
      %dma_wait3A_58 = tpu.memref_squeeze %dma_wait3A_57 : memref<1x128x128xf32, #tpu.memory_space<hbm>> -> memref<128x128xf32, #tpu.memory_space<hbm>>
      tpu.wait_dma2 semaphore(%run_scoped3A : memref<!tpu.dma_semaphore, #tpu.memory_space<semaphore_mem>>) src(%arg9 : memref<128x128xf32, #tpu.memory_space<vmem>>) dst(%dma_wait3A_58 : memref<128x128xf32, #tpu.memory_space<hbm>>)
      tpu.yield
    }) : () -> ()
    %mul3A_33 = arith.constant 640 : i32
    %mul3A_34 = arith.muli %arg1, %mul3A_33 : i32
    %add3A_35 = arith.constant 128 : i32
    %add3A_36 = arith.addi %mul3A_34, %add3A_35 : i32
    "tpu.region"() ({
      %run_scoped3A = tpu.sem_alloc : memref<!tpu.dma_semaphore, #tpu.memory_space<semaphore_mem>>
      %dma_start3A = arith.constant 0 : i32
      %dma_start3A_49 = tpu.memref_slice %arg10[%add3A_36, %dma_start3A] : memref<10240x128xf32, #tpu.memory_space<vmem_shared>> -> memref<128x128xf32, #tpu.memory_space<vmem_shared>>
      %dma_start3A_50 = arith.constant 0 : i32
      %dma_start3A_51 = tpu.memref_slice %arg10[%add3A_36, %dma_start3A_50] : memref<10240x128xf32, #tpu.memory_space<vmem_shared>> -> memref<128x128xf32, #tpu.memory_space<vmem_shared>>
      tpu.enqueue_dma source(%dma_start3A_51 : memref<128x128xf32, #tpu.memory_space<vmem_shared>>) target(%arg9 : memref<128x128xf32, #tpu.memory_space<vmem>>) target_semaphore(%run_scoped3A : memref<!tpu.dma_semaphore, #tpu.memory_space<semaphore_mem>>)
      %dma_wait3A = arith.constant 0 : i32
      %dma_wait3A_52 = tpu.memref_slice %arg10[%add3A_36, %dma_wait3A] : memref<10240x128xf32, #tpu.memory_space<vmem_shared>> -> memref<128x128xf32, #tpu.memory_space<vmem_shared>>
      %dma_wait3A_53 = arith.constant 0 : i32
      %dma_wait3A_54 = tpu.memref_slice %arg10[%add3A_36, %dma_wait3A_53] : memref<10240x128xf32, #tpu.memory_space<vmem_shared>> -> memref<128x128xf32, #tpu.memory_space<vmem_shared>>
      tpu.wait_dma2 semaphore(%run_scoped3A : memref<!tpu.dma_semaphore, #tpu.memory_space<semaphore_mem>>) src(%dma_wait3A_54 : memref<128x128xf32, #tpu.memory_space<vmem_shared>>) dst(%arg9 : memref<128x128xf32, #tpu.memory_space<vmem>>)
      tpu.yield
    }) : () -> ()
    "tpu.region"() ({
      %run_scoped3A = tpu.sem_alloc : memref<!tpu.dma_semaphore, #tpu.memory_space<semaphore_mem>>
      %dma_start3A = arith.constant 0 : i32
      %dma_start3A_49 = tpu.memref_slice %arg6[%arg0, %add3A_36, %dma_start3A] : memref<2x10240x128xf32, #tpu.memory_space<hbm>> -> memref<1x128x128xf32, #tpu.memory_space<hbm>>
      %dma_start3A_50 = tpu.memref_squeeze %dma_start3A_49 : memref<1x128x128xf32, #tpu.memory_space<hbm>> -> memref<128x128xf32, #tpu.memory_space<hbm>>
      %dma_start3A_51 = arith.constant 0 : i32
      %dma_start3A_52 = tpu.memref_slice %arg6[%arg0, %add3A_36, %dma_start3A_51] : memref<2x10240x128xf32, #tpu.memory_space<hbm>> -> memref<1x128x128xf32, #tpu.memory_space<hbm>>
      %dma_start3A_53 = tpu.memref_squeeze %dma_start3A_52 : memref<1x128x128xf32, #tpu.memory_space<hbm>> -> memref<128x128xf32, #tpu.memory_space<hbm>>
      tpu.enqueue_dma source(%arg9 : memref<128x128xf32, #tpu.memory_space<vmem>>) target(%dma_start3A_53 : memref<128x128xf32, #tpu.memory_space<hbm>>) target_semaphore(%run_scoped3A : memref<!tpu.dma_semaphore, #tpu.memory_space<semaphore_mem>>)
      %dma_wait3A = arith.constant 0 : i32
      %dma_wait3A_54 = tpu.memref_slice %arg6[%arg0, %add3A_36, %dma_wait3A] : memref<2x10240x128xf32, #tpu.memory_space<hbm>> -> memref<1x128x128xf32, #tpu.memory_space<hbm>>
      %dma_wait3A_55 = tpu.memref_squeeze %dma_wait3A_54 : memref<1x128x128xf32, #tpu.memory_space<hbm>> -> memref<128x128xf32, #tpu.memory_space<hbm>>
      %dma_wait3A_56 = arith.constant 0 : i32
      %dma_wait3A_57 = tpu.memref_slice %arg6[%arg0, %add3A_36, %dma_wait3A_56] : memref<2x10240x128xf32, #tpu.memory_space<hbm>> -> memref<1x128x128xf32, #tpu.memory_space<hbm>>
      %dma_wait3A_58 = tpu.memref_squeeze %dma_wait3A_57 : memref<1x128x128xf32, #tpu.memory_space<hbm>> -> memref<128x128xf32, #tpu.memory_space<hbm>>
      tpu.wait_dma2 semaphore(%run_scoped3A : memref<!tpu.dma_semaphore, #tpu.memory_space<semaphore_mem>>) src(%arg9 : memref<128x128xf32, #tpu.memory_space<vmem>>) dst(%dma_wait3A_58 : memref<128x128xf32, #tpu.memory_space<hbm>>)
      tpu.yield
    }) : () -> ()
    %mul3A_37 = arith.constant 640 : i32
    %mul3A_38 = arith.muli %arg1, %mul3A_37 : i32
    %add3A_39 = arith.constant 256 : i32
    %add3A_40 = arith.addi %mul3A_38, %add3A_39 : i32
    "tpu.region"() ({
      %run_scoped3A = tpu.sem_alloc : memref<!tpu.dma_semaphore, #tpu.memory_space<semaphore_mem>>
      %dma_start3A = arith.constant 0 : i32
      %dma_start3A_49 = tpu.memref_slice %arg10[%add3A_40, %dma_start3A] : memref<10240x128xf32, #tpu.memory_space<vmem_shared>> -> memref<128x128xf32, #tpu.memory_space<vmem_shared>>
      %dma_start3A_50 = arith.constant 0 : i32
      %dma_start3A_51 = tpu.memref_slice %arg10[%add3A_40, %dma_start3A_50] : memref<10240x128xf32, #tpu.memory_space<vmem_shared>> -> memref<128x128xf32, #tpu.memory_space<vmem_shared>>
      tpu.enqueue_dma source(%dma_start3A_51 : memref<128x128xf32, #tpu.memory_space<vmem_shared>>) target(%arg9 : memref<128x128xf32, #tpu.memory_space<vmem>>) target_semaphore(%run_scoped3A : memref<!tpu.dma_semaphore, #tpu.memory_space<semaphore_mem>>)
      %dma_wait3A = arith.constant 0 : i32
      %dma_wait3A_52 = tpu.memref_slice %arg10[%add3A_40, %dma_wait3A] : memref<10240x128xf32, #tpu.memory_space<vmem_shared>> -> memref<128x128xf32, #tpu.memory_space<vmem_shared>>
      %dma_wait3A_53 = arith.constant 0 : i32
      %dma_wait3A_54 = tpu.memref_slice %arg10[%add3A_40, %dma_wait3A_53] : memref<10240x128xf32, #tpu.memory_space<vmem_shared>> -> memref<128x128xf32, #tpu.memory_space<vmem_shared>>
      tpu.wait_dma2 semaphore(%run_scoped3A : memref<!tpu.dma_semaphore, #tpu.memory_space<semaphore_mem>>) src(%dma_wait3A_54 : memref<128x128xf32, #tpu.memory_space<vmem_shared>>) dst(%arg9 : memref<128x128xf32, #tpu.memory_space<vmem>>)
      tpu.yield
    }) : () -> ()
    "tpu.region"() ({
      %run_scoped3A = tpu.sem_alloc : memref<!tpu.dma_semaphore, #tpu.memory_space<semaphore_mem>>
      %dma_start3A = arith.constant 0 : i32
      %dma_start3A_49 = tpu.memref_slice %arg6[%arg0, %add3A_40, %dma_start3A] : memref<2x10240x128xf32, #tpu.memory_space<hbm>> -> memref<1x128x128xf32, #tpu.memory_space<hbm>>
      %dma_start3A_50 = tpu.memref_squeeze %dma_start3A_49 : memref<1x128x128xf32, #tpu.memory_space<hbm>> -> memref<128x128xf32, #tpu.memory_space<hbm>>
      %dma_start3A_51 = arith.constant 0 : i32
      %dma_start3A_52 = tpu.memref_slice %arg6[%arg0, %add3A_40, %dma_start3A_51] : memref<2x10240x128xf32, #tpu.memory_space<hbm>> -> memref<1x128x128xf32, #tpu.memory_space<hbm>>
      %dma_start3A_53 = tpu.memref_squeeze %dma_start3A_52 : memref<1x128x128xf32, #tpu.memory_space<hbm>> -> memref<128x128xf32, #tpu.memory_space<hbm>>
      tpu.enqueue_dma source(%arg9 : memref<128x128xf32, #tpu.memory_space<vmem>>) target(%dma_start3A_53 : memref<128x128xf32, #tpu.memory_space<hbm>>) target_semaphore(%run_scoped3A : memref<!tpu.dma_semaphore, #tpu.memory_space<semaphore_mem>>)
      %dma_wait3A = arith.constant 0 : i32
      %dma_wait3A_54 = tpu.memref_slice %arg6[%arg0, %add3A_40, %dma_wait3A] : memref<2x10240x128xf32, #tpu.memory_space<hbm>> -> memref<1x128x128xf32, #tpu.memory_space<hbm>>
      %dma_wait3A_55 = tpu.memref_squeeze %dma_wait3A_54 : memref<1x128x128xf32, #tpu.memory_space<hbm>> -> memref<128x128xf32, #tpu.memory_space<hbm>>
      %dma_wait3A_56 = arith.constant 0 : i32
      %dma_wait3A_57 = tpu.memref_slice %arg6[%arg0, %add3A_40, %dma_wait3A_56] : memref<2x10240x128xf32, #tpu.memory_space<hbm>> -> memref<1x128x128xf32, #tpu.memory_space<hbm>>
      %dma_wait3A_58 = tpu.memref_squeeze %dma_wait3A_57 : memref<1x128x128xf32, #tpu.memory_space<hbm>> -> memref<128x128xf32, #tpu.memory_space<hbm>>
      tpu.wait_dma2 semaphore(%run_scoped3A : memref<!tpu.dma_semaphore, #tpu.memory_space<semaphore_mem>>) src(%arg9 : memref<128x128xf32, #tpu.memory_space<vmem>>) dst(%dma_wait3A_58 : memref<128x128xf32, #tpu.memory_space<hbm>>)
      tpu.yield
    }) : () -> ()
    %mul3A_41 = arith.constant 640 : i32
    %mul3A_42 = arith.muli %arg1, %mul3A_41 : i32
    %add3A_43 = arith.constant 384 : i32
    %add3A_44 = arith.addi %mul3A_42, %add3A_43 : i32
    "tpu.region"() ({
      %run_scoped3A = tpu.sem_alloc : memref<!tpu.dma_semaphore, #tpu.memory_space<semaphore_mem>>
      %dma_start3A = arith.constant 0 : i32
      %dma_start3A_49 = tpu.memref_slice %arg10[%add3A_44, %dma_start3A] : memref<10240x128xf32, #tpu.memory_space<vmem_shared>> -> memref<128x128xf32, #tpu.memory_space<vmem_shared>>
      %dma_start3A_50 = arith.constant 0 : i32
      %dma_start3A_51 = tpu.memref_slice %arg10[%add3A_44, %dma_start3A_50] : memref<10240x128xf32, #tpu.memory_space<vmem_shared>> -> memref<128x128xf32, #tpu.memory_space<vmem_shared>>
      tpu.enqueue_dma source(%dma_start3A_51 : memref<128x128xf32, #tpu.memory_space<vmem_shared>>) target(%arg9 : memref<128x128xf32, #tpu.memory_space<vmem>>) target_semaphore(%run_scoped3A : memref<!tpu.dma_semaphore, #tpu.memory_space<semaphore_mem>>)
      %dma_wait3A = arith.constant 0 : i32
      %dma_wait3A_52 = tpu.memref_slice %arg10[%add3A_44, %dma_wait3A] : memref<10240x128xf32, #tpu.memory_space<vmem_shared>> -> memref<128x128xf32, #tpu.memory_space<vmem_shared>>
      %dma_wait3A_53 = arith.constant 0 : i32
      %dma_wait3A_54 = tpu.memref_slice %arg10[%add3A_44, %dma_wait3A_53] : memref<10240x128xf32, #tpu.memory_space<vmem_shared>> -> memref<128x128xf32, #tpu.memory_space<vmem_shared>>
      tpu.wait_dma2 semaphore(%run_scoped3A : memref<!tpu.dma_semaphore, #tpu.memory_space<semaphore_mem>>) src(%dma_wait3A_54 : memref<128x128xf32, #tpu.memory_space<vmem_shared>>) dst(%arg9 : memref<128x128xf32, #tpu.memory_space<vmem>>)
      tpu.yield
    }) : () -> ()
    "tpu.region"() ({
      %run_scoped3A = tpu.sem_alloc : memref<!tpu.dma_semaphore, #tpu.memory_space<semaphore_mem>>
      %dma_start3A = arith.constant 0 : i32
      %dma_start3A_49 = tpu.memref_slice %arg6[%arg0, %add3A_44, %dma_start3A] : memref<2x10240x128xf32, #tpu.memory_space<hbm>> -> memref<1x128x128xf32, #tpu.memory_space<hbm>>
      %dma_start3A_50 = tpu.memref_squeeze %dma_start3A_49 : memref<1x128x128xf32, #tpu.memory_space<hbm>> -> memref<128x128xf32, #tpu.memory_space<hbm>>
      %dma_start3A_51 = arith.constant 0 : i32
      %dma_start3A_52 = tpu.memref_slice %arg6[%arg0, %add3A_44, %dma_start3A_51] : memref<2x10240x128xf32, #tpu.memory_space<hbm>> -> memref<1x128x128xf32, #tpu.memory_space<hbm>>
      %dma_start3A_53 = tpu.memref_squeeze %dma_start3A_52 : memref<1x128x128xf32, #tpu.memory_space<hbm>> -> memref<128x128xf32, #tpu.memory_space<hbm>>
      tpu.enqueue_dma source(%arg9 : memref<128x128xf32, #tpu.memory_space<vmem>>) target(%dma_start3A_53 : memref<128x128xf32, #tpu.memory_space<hbm>>) target_semaphore(%run_scoped3A : memref<!tpu.dma_semaphore, #tpu.memory_space<semaphore_mem>>)
      %dma_wait3A = arith.constant 0 : i32
      %dma_wait3A_54 = tpu.memref_slice %arg6[%arg0, %add3A_44, %dma_wait3A] : memref<2x10240x128xf32, #tpu.memory_space<hbm>> -> memref<1x128x128xf32, #tpu.memory_space<hbm>>
      %dma_wait3A_55 = tpu.memref_squeeze %dma_wait3A_54 : memref<1x128x128xf32, #tpu.memory_space<hbm>> -> memref<128x128xf32, #tpu.memory_space<hbm>>
      %dma_wait3A_56 = arith.constant 0 : i32
      %dma_wait3A_57 = tpu.memref_slice %arg6[%arg0, %add3A_44, %dma_wait3A_56] : memref<2x10240x128xf32, #tpu.memory_space<hbm>> -> memref<1x128x128xf32, #tpu.memory_space<hbm>>
      %dma_wait3A_58 = tpu.memref_squeeze %dma_wait3A_57 : memref<1x128x128xf32, #tpu.memory_space<hbm>> -> memref<128x128xf32, #tpu.memory_space<hbm>>
      tpu.wait_dma2 semaphore(%run_scoped3A : memref<!tpu.dma_semaphore, #tpu.memory_space<semaphore_mem>>) src(%arg9 : memref<128x128xf32, #tpu.memory_space<vmem>>) dst(%dma_wait3A_58 : memref<128x128xf32, #tpu.memory_space<hbm>>)
      tpu.yield
    }) : () -> ()
    %mul3A_45 = arith.constant 640 : i32
    %mul3A_46 = arith.muli %arg1, %mul3A_45 : i32
    %add3A_47 = arith.constant 512 : i32
    %add3A_48 = arith.addi %mul3A_46, %add3A_47 : i32
    "tpu.region"() ({
      %run_scoped3A = tpu.sem_alloc : memref<!tpu.dma_semaphore, #tpu.memory_space<semaphore_mem>>
      %dma_start3A = arith.constant 0 : i32
      %dma_start3A_49 = tpu.memref_slice %arg10[%add3A_48, %dma_start3A] : memref<10240x128xf32, #tpu.memory_space<vmem_shared>> -> memref<128x128xf32, #tpu.memory_space<vmem_shared>>
      %dma_start3A_50 = arith.constant 0 : i32
      %dma_start3A_51 = tpu.memref_slice %arg10[%add3A_48, %dma_start3A_50] : memref<10240x128xf32, #tpu.memory_space<vmem_shared>> -> memref<128x128xf32, #tpu.memory_space<vmem_shared>>
      tpu.enqueue_dma source(%dma_start3A_51 : memref<128x128xf32, #tpu.memory_space<vmem_shared>>) target(%arg9 : memref<128x128xf32, #tpu.memory_space<vmem>>) target_semaphore(%run_scoped3A : memref<!tpu.dma_semaphore, #tpu.memory_space<semaphore_mem>>)
      %dma_wait3A = arith.constant 0 : i32
      %dma_wait3A_52 = tpu.memref_slice %arg10[%add3A_48, %dma_wait3A] : memref<10240x128xf32, #tpu.memory_space<vmem_shared>> -> memref<128x128xf32, #tpu.memory_space<vmem_shared>>
      %dma_wait3A_53 = arith.constant 0 : i32
      %dma_wait3A_54 = tpu.memref_slice %arg10[%add3A_48, %dma_wait3A_53] : memref<10240x128xf32, #tpu.memory_space<vmem_shared>> -> memref<128x128xf32, #tpu.memory_space<vmem_shared>>
      tpu.wait_dma2 semaphore(%run_scoped3A : memref<!tpu.dma_semaphore, #tpu.memory_space<semaphore_mem>>) src(%dma_wait3A_54 : memref<128x128xf32, #tpu.memory_space<vmem_shared>>) dst(%arg9 : memref<128x128xf32, #tpu.memory_space<vmem>>)
      tpu.yield
    }) : () -> ()
    "tpu.region"() ({
      %run_scoped3A = tpu.sem_alloc : memref<!tpu.dma_semaphore, #tpu.memory_space<semaphore_mem>>
      %dma_start3A = arith.constant 0 : i32
      %dma_start3A_49 = tpu.memref_slice %arg6[%arg0, %add3A_48, %dma_start3A] : memref<2x10240x128xf32, #tpu.memory_space<hbm>> -> memref<1x128x128xf32, #tpu.memory_space<hbm>>
      %dma_start3A_50 = tpu.memref_squeeze %dma_start3A_49 : memref<1x128x128xf32, #tpu.memory_space<hbm>> -> memref<128x128xf32, #tpu.memory_space<hbm>>
      %dma_start3A_51 = arith.constant 0 : i32
      %dma_start3A_52 = tpu.memref_slice %arg6[%arg0, %add3A_48, %dma_start3A_51] : memref<2x10240x128xf32, #tpu.memory_space<hbm>> -> memref<1x128x128xf32, #tpu.memory_space<hbm>>
      %dma_start3A_53 = tpu.memref_squeeze %dma_start3A_52 : memref<1x128x128xf32, #tpu.memory_space<hbm>> -> memref<128x128xf32, #tpu.memory_space<hbm>>
      tpu.enqueue_dma source(%arg9 : memref<128x128xf32, #tpu.memory_space<vmem>>) target(%dma_start3A_53 : memref<128x128xf32, #tpu.memory_space<hbm>>) target_semaphore(%run_scoped3A : memref<!tpu.dma_semaphore, #tpu.memory_space<semaphore_mem>>)
      %dma_wait3A = arith.constant 0 : i32
      %dma_wait3A_54 = tpu.memref_slice %arg6[%arg0, %add3A_48, %dma_wait3A] : memref<2x10240x128xf32, #tpu.memory_space<hbm>> -> memref<1x128x128xf32, #tpu.memory_space<hbm>>
      %dma_wait3A_55 = tpu.memref_squeeze %dma_wait3A_54 : memref<1x128x128xf32, #tpu.memory_space<hbm>> -> memref<128x128xf32, #tpu.memory_space<hbm>>
      %dma_wait3A_56 = arith.constant 0 : i32
      %dma_wait3A_57 = tpu.memref_slice %arg6[%arg0, %add3A_48, %dma_wait3A_56] : memref<2x10240x128xf32, #tpu.memory_space<hbm>> -> memref<1x128x128xf32, #tpu.memory_space<hbm>>
      %dma_wait3A_58 = tpu.memref_squeeze %dma_wait3A_57 : memref<1x128x128xf32, #tpu.memory_space<hbm>> -> memref<128x128xf32, #tpu.memory_space<hbm>>
      tpu.wait_dma2 semaphore(%run_scoped3A : memref<!tpu.dma_semaphore, #tpu.memory_space<semaphore_mem>>) src(%arg9 : memref<128x128xf32, #tpu.memory_space<vmem>>) dst(%dma_wait3A_58 : memref<128x128xf32, #tpu.memory_space<hbm>>)
      tpu.yield
    }) : () -> ()
    return
  }
}

module attributes {stable_mosaic.version = 14 : i64} {
  func.func @_gru_block(%arg0: i32, %arg1: memref<2x1000x128xf32, #tpu.memory_space<vmem>>, %arg2: memref<2x1000x16xf32, #tpu.memory_space<vmem>>, %arg3: memref<1000x128xf32, #tpu.memory_space<vmem>>, %arg4: memref<128x128xf32, #tpu.memory_space<vmem>>, %arg5: memref<128x384xf32, #tpu.memory_space<vmem>>, %arg6: memref<128x384xf32, #tpu.memory_space<vmem>>, %arg7: memref<1x128xf32, #tpu.memory_space<vmem>>, %arg8: memref<1x384xf32, #tpu.memory_space<vmem>>, %arg9: memref<1x384xf32, #tpu.memory_space<vmem>>, %arg10: memref<1000x128xf32, #tpu.memory_space<vmem>>) attributes {dimension_semantics = [#tpu.dimension_semantics<arbitrary>], iteration_bounds = array<i64: 10>, scalar_prefetch = 0 : i64, scratch_operands = 0 : i64, tpu.core_type = #tpu.core_type<tc>, window_params = [{transform_indices = @transform_0, window_bounds = array<i64: 2, 1000, 128>}, {transform_indices = @transform_1, window_bounds = array<i64: 2, 1000, 16>}, {transform_indices = @transform_2, window_bounds = array<i64: 1000, 128>}, {pipeline_mode = #tpu.pipeline_mode<synchronous>, transform_indices = @transform_3, window_bounds = array<i64: 128, 128>}, {pipeline_mode = #tpu.pipeline_mode<synchronous>, transform_indices = @transform_4, window_bounds = array<i64: 128, 384>}, {pipeline_mode = #tpu.pipeline_mode<synchronous>, transform_indices = @transform_5, window_bounds = array<i64: 128, 384>}, {pipeline_mode = #tpu.pipeline_mode<synchronous>, transform_indices = @transform_6, window_bounds = array<i64: 1, 128>}, {pipeline_mode = #tpu.pipeline_mode<synchronous>, transform_indices = @transform_7, window_bounds = array<i64: 1, 384>}, {pipeline_mode = #tpu.pipeline_mode<synchronous>, transform_indices = @transform_8, window_bounds = array<i64: 1, 384>}, {transform_indices = @transform_9, window_bounds = array<i64: 1000, 128>}]} {
    %get3A = arith.constant 0 : index
    %get3A_0 = arith.constant 0 : index
    %get3A_1 = arith.constant 0 : index
    %get3A_2 = vector.load %arg1[%get3A, %get3A_0, %get3A_1] : memref<2x1000x128xf32, #tpu.memory_space<vmem>>, vector<1x1000x128xf32>
    %get3A_3 = vector.shape_cast %get3A_2 : vector<1x1000x128xf32> to vector<1000x128xf32>
    %get3A_4 = arith.constant 1 : index
    %get3A_5 = arith.constant 0 : index
    %get3A_6 = arith.constant 0 : index
    %get3A_7 = vector.load %arg1[%get3A_4, %get3A_5, %get3A_6] : memref<2x1000x128xf32, #tpu.memory_space<vmem>>, vector<1x1000x128xf32>
    %get3A_8 = vector.shape_cast %get3A_7 : vector<1x1000x128xf32> to vector<1000x128xf32>
    %add3A = arith.addf %get3A_3, %get3A_8 : vector<1000x128xf32>
    %get3A_9 = arith.constant 0 : index
    %get3A_10 = arith.constant 0 : index
    %get3A_11 = arith.constant 0 : index
    %get3A_12 = vector.load %arg2[%get3A_9, %get3A_10, %get3A_11] : memref<2x1000x16xf32, #tpu.memory_space<vmem>>, vector<1x1000x1xf32>
    %get3A_13 = vector.shape_cast %get3A_12 : vector<1x1000x1xf32> to vector<1000x1xf32>
    %get3A_14 = arith.constant 1 : index
    %get3A_15 = arith.constant 0 : index
    %get3A_16 = arith.constant 0 : index
    %get3A_17 = vector.load %arg2[%get3A_14, %get3A_15, %get3A_16] : memref<2x1000x16xf32, #tpu.memory_space<vmem>>, vector<1x1000x1xf32>
    %get3A_18 = vector.shape_cast %get3A_17 : vector<1x1000x1xf32> to vector<1000x1xf32>
    %add3A_19 = arith.addf %get3A_13, %get3A_18 : vector<1000x1xf32>
    %get3A_20 = arith.constant 0 : index
    %get3A_21 = arith.constant 0 : index
    %get3A_22 = vector.load %arg3[%get3A_20, %get3A_21] : memref<1000x128xf32, #tpu.memory_space<vmem>>, vector<1000x128xf32>
    %get3A_23 = arith.constant 0 : index
    %get3A_24 = arith.constant 0 : index
    %get3A_25 = vector.load %arg4[%get3A_23, %get3A_24] : memref<128x128xf32, #tpu.memory_space<vmem>>, vector<128x128xf32>
    %dot_general3A = arith.constant dense<0.000000e+00> : vector<1000x128xf32>
    %dot_general3A_26 = tpu.matmul %add3A, %get3A_25, %dot_general3A {dimension_numbers = #tpu.dot_dimension_numbers<[1], [0], [0], [1], [0, 0, 1, 1], [], []>, transpose_lhs_hint = false} : vector<1000x128xf32>, vector<128x128xf32>, vector<1000x128xf32> -> vector<1000x128xf32>
    %get3A_27 = arith.constant 0 : index
    %get3A_28 = arith.constant 0 : index
    %get3A_29 = vector.load %arg7[%get3A_27, %get3A_28] : memref<1x128xf32, #tpu.memory_space<vmem>>, vector<1x128xf32>
    %mul3A = vector.broadcast %add3A_19 : vector<1000x1xf32> to vector<1000x128xf32>
    %mul3A_30 = vector.broadcast %get3A_29 : vector<1x128xf32> to vector<1000x128xf32>
    %mul3A_31 = arith.mulf %mul3A, %mul3A_30 : vector<1000x128xf32>
    %add3A_32 = arith.addf %dot_general3A_26, %mul3A_31 : vector<1000x128xf32>
    %get3A_33 = arith.constant 0 : index
    %get3A_34 = arith.constant 0 : index
    %get3A_35 = vector.load %arg5[%get3A_33, %get3A_34] : memref<128x384xf32, #tpu.memory_space<vmem>>, vector<128x384xf32>
    %dot_general3A_36 = arith.constant dense<0.000000e+00> : vector<1000x384xf32>
    %dot_general3A_37 = tpu.matmul %add3A_32, %get3A_35, %dot_general3A_36 {dimension_numbers = #tpu.dot_dimension_numbers<[1], [0], [0], [1], [0, 0, 1, 1], [], []>, transpose_lhs_hint = false} : vector<1000x128xf32>, vector<128x384xf32>, vector<1000x384xf32> -> vector<1000x384xf32>
    %get3A_38 = arith.constant 0 : index
    %get3A_39 = arith.constant 0 : index
    %get3A_40 = vector.load %arg8[%get3A_38, %get3A_39] : memref<1x384xf32, #tpu.memory_space<vmem>>, vector<1x384xf32>
    %add3A_41 = vector.broadcast %get3A_40 : vector<1x384xf32> to vector<1000x384xf32>
    %add3A_42 = arith.addf %dot_general3A_37, %add3A_41 : vector<1000x384xf32>
    %get3A_43 = arith.constant 0 : index
    %get3A_44 = arith.constant 0 : index
    %get3A_45 = vector.load %arg6[%get3A_43, %get3A_44] : memref<128x384xf32, #tpu.memory_space<vmem>>, vector<128x384xf32>
    %dot_general3A_46 = arith.constant dense<0.000000e+00> : vector<1000x384xf32>
    %dot_general3A_47 = tpu.matmul %get3A_22, %get3A_45, %dot_general3A_46 {dimension_numbers = #tpu.dot_dimension_numbers<[1], [0], [0], [1], [0, 0, 1, 1], [], []>, transpose_lhs_hint = false} : vector<1000x128xf32>, vector<128x384xf32>, vector<1000x384xf32> -> vector<1000x384xf32>
    %get3A_48 = arith.constant 0 : index
    %get3A_49 = arith.constant 0 : index
    %get3A_50 = vector.load %arg9[%get3A_48, %get3A_49] : memref<1x384xf32, #tpu.memory_space<vmem>>, vector<1x384xf32>
    %add3A_51 = vector.broadcast %get3A_50 : vector<1x384xf32> to vector<1000x384xf32>
    %add3A_52 = arith.addf %dot_general3A_47, %add3A_51 : vector<1000x384xf32>
    %slice3A = vector.extract_strided_slice %add3A_42 {offsets = [0, 0], sizes = [1000, 128], strides = [1, 1]} : vector<1000x384xf32> to vector<1000x128xf32>
    %slice3A_53 = vector.extract_strided_slice %add3A_52 {offsets = [0, 0], sizes = [1000, 128], strides = [1, 1]} : vector<1000x384xf32> to vector<1000x128xf32>
    %add3A_54 = arith.addf %slice3A, %slice3A_53 : vector<1000x128xf32>
    %logistic3A = arith.negf %add3A_54 : vector<1000x128xf32>
    %logistic3A_55 = math.exp %logistic3A : vector<1000x128xf32>
    %logistic3A_56 = arith.constant 1.000000e+00 : f32
    %logistic3A_57 = vector.broadcast %logistic3A_56 : f32 to vector<1000x128xf32>
    %logistic3A_58 = arith.addf %logistic3A_57, %logistic3A_55 : vector<1000x128xf32>
    %logistic3A_59 = arith.divf %logistic3A_57, %logistic3A_58 : vector<1000x128xf32>
    %slice3A_60 = vector.extract_strided_slice %add3A_42 {offsets = [0, 128], sizes = [1000, 128], strides = [1, 1]} : vector<1000x384xf32> to vector<1000x128xf32>
    %slice3A_61 = vector.extract_strided_slice %add3A_52 {offsets = [0, 128], sizes = [1000, 128], strides = [1, 1]} : vector<1000x384xf32> to vector<1000x128xf32>
    %add3A_62 = arith.addf %slice3A_60, %slice3A_61 : vector<1000x128xf32>
    %logistic3A_63 = arith.negf %add3A_62 : vector<1000x128xf32>
    %logistic3A_64 = math.exp %logistic3A_63 : vector<1000x128xf32>
    %logistic3A_65 = arith.constant 1.000000e+00 : f32
    %logistic3A_66 = vector.broadcast %logistic3A_65 : f32 to vector<1000x128xf32>
    %logistic3A_67 = arith.addf %logistic3A_66, %logistic3A_64 : vector<1000x128xf32>
    %logistic3A_68 = arith.divf %logistic3A_66, %logistic3A_67 : vector<1000x128xf32>
    %slice3A_69 = vector.extract_strided_slice %add3A_42 {offsets = [0, 256], sizes = [1000, 128], strides = [1, 1]} : vector<1000x384xf32> to vector<1000x128xf32>
    %slice3A_70 = vector.extract_strided_slice %add3A_52 {offsets = [0, 256], sizes = [1000, 128], strides = [1, 1]} : vector<1000x384xf32> to vector<1000x128xf32>
    %mul3A_71 = arith.mulf %logistic3A_59, %slice3A_70 : vector<1000x128xf32>
    %add3A_72 = arith.addf %slice3A_69, %mul3A_71 : vector<1000x128xf32>
    %tanh3A = math.tanh %add3A_72 : vector<1000x128xf32>
    %sub3A = arith.constant 1.000000e+00 : f32
    %sub3A_73 = vector.broadcast %sub3A : f32 to vector<1000x128xf32>
    %sub3A_74 = arith.subf %sub3A_73, %logistic3A_68 : vector<1000x128xf32>
    %mul3A_75 = arith.mulf %sub3A_74, %tanh3A : vector<1000x128xf32>
    %mul3A_76 = arith.mulf %logistic3A_68, %get3A_22 : vector<1000x128xf32>
    %add3A_77 = arith.addf %mul3A_75, %mul3A_76 : vector<1000x128xf32>
    %swap3A = arith.constant 0 : index
    %swap3A_78 = arith.constant 0 : index
    %swap3A_79 = vector.load %arg10[%swap3A, %swap3A_78] : memref<1000x128xf32, #tpu.memory_space<vmem>>, vector<1000x128xf32>
    tpu.vector_store %arg10[%swap3A, %swap3A_78], %add3A_77 {strides = array<i32>} : memref<1000x128xf32, #tpu.memory_space<vmem>>, vector<1000x128xf32>,
    return
  }
  func.func @transform_0(%arg0: i32) -> (i32, i32, i32) {
    %c0_i32 = arith.constant 0 : i32
    %c0_i32_0 = arith.constant 0 : i32
    %c0_i32_1 = arith.constant 0 : i32
    return %c0_i32, %arg0, %c0_i32_0 : i32, i32, i32
  }
  func.func @transform_1(%arg0: i32) -> (i32, i32, i32) {
    %c0_i32 = arith.constant 0 : i32
    %c0_i32_0 = arith.constant 0 : i32
    %c0_i32_1 = arith.constant 0 : i32
    return %c0_i32, %arg0, %c0_i32_0 : i32, i32, i32
  }
  func.func @transform_2(%arg0: i32) -> (i32, i32) {
    %c0_i32 = arith.constant 0 : i32
    %c0_i32_0 = arith.constant 0 : i32
    return %arg0, %c0_i32 : i32, i32
  }
  func.func @transform_3(%arg0: i32) -> (i32, i32) {
    %c0_i32 = arith.constant 0 : i32
    %c0_i32_0 = arith.constant 0 : i32
    %c0_i32_1 = arith.constant 0 : i32
    return %c0_i32, %c0_i32_0 : i32, i32
  }
  func.func @transform_4(%arg0: i32) -> (i32, i32) {
    %c0_i32 = arith.constant 0 : i32
    %c0_i32_0 = arith.constant 0 : i32
    %c0_i32_1 = arith.constant 0 : i32
    return %c0_i32, %c0_i32_0 : i32, i32
  }
  func.func @transform_5(%arg0: i32) -> (i32, i32) {
    %c0_i32 = arith.constant 0 : i32
    %c0_i32_0 = arith.constant 0 : i32
    %c0_i32_1 = arith.constant 0 : i32
    return %c0_i32, %c0_i32_0 : i32, i32
  }
  func.func @transform_6(%arg0: i32) -> (i32, i32) {
    %c0_i32 = arith.constant 0 : i32
    %c0_i32_0 = arith.constant 0 : i32
    %c0_i32_1 = arith.constant 0 : i32
    return %c0_i32, %c0_i32_0 : i32, i32
  }
  func.func @transform_7(%arg0: i32) -> (i32, i32) {
    %c0_i32 = arith.constant 0 : i32
    %c0_i32_0 = arith.constant 0 : i32
    %c0_i32_1 = arith.constant 0 : i32
    return %c0_i32, %c0_i32_0 : i32, i32
  }
  func.func @transform_8(%arg0: i32) -> (i32, i32) {
    %c0_i32 = arith.constant 0 : i32
    %c0_i32_0 = arith.constant 0 : i32
    %c0_i32_1 = arith.constant 0 : i32
    return %c0_i32, %c0_i32_0 : i32, i32
  }
  func.func @transform_9(%arg0: i32) -> (i32, i32) {
    %c0_i32 = arith.constant 0 : i32
    %c0_i32_0 = arith.constant 0 : i32
    return %arg0, %c0_i32 : i32, i32
  }
}

module attributes {stable_mosaic.version = 14 : i64} {
  func.func @_gru_block(%arg0: i32, %arg1: memref<2x1000x128xf32, #tpu.memory_space<vmem>>, %arg2: memref<2x1000x16xf32, #tpu.memory_space<vmem>>, %arg3: memref<1000x128xf32, #tpu.memory_space<vmem>>, %arg4: memref<128x128xf32, #tpu.memory_space<vmem>>, %arg5: memref<128x384xf32, #tpu.memory_space<vmem>>, %arg6: memref<128x384xf32, #tpu.memory_space<vmem>>, %arg7: memref<1x128xf32, #tpu.memory_space<vmem>>, %arg8: memref<1x384xf32, #tpu.memory_space<vmem>>, %arg9: memref<1x384xf32, #tpu.memory_space<vmem>>, %arg10: memref<1000x128xf32, #tpu.memory_space<vmem>>) attributes {dimension_semantics = [#tpu.dimension_semantics<arbitrary>], iteration_bounds = array<i64: 10>, scalar_prefetch = 0 : i64, scratch_operands = 0 : i64, tpu.core_type = #tpu.core_type<tc>, window_params = [{transform_indices = @transform_0, window_bounds = array<i64: 2, 1000, 128>}, {transform_indices = @transform_1, window_bounds = array<i64: 2, 1000, 16>}, {transform_indices = @transform_2, window_bounds = array<i64: 1000, 128>}, {pipeline_mode = #tpu.pipeline_mode<synchronous>, transform_indices = @transform_3, window_bounds = array<i64: 128, 128>}, {pipeline_mode = #tpu.pipeline_mode<synchronous>, transform_indices = @transform_4, window_bounds = array<i64: 128, 384>}, {pipeline_mode = #tpu.pipeline_mode<synchronous>, transform_indices = @transform_5, window_bounds = array<i64: 128, 384>}, {pipeline_mode = #tpu.pipeline_mode<synchronous>, transform_indices = @transform_6, window_bounds = array<i64: 1, 128>}, {pipeline_mode = #tpu.pipeline_mode<synchronous>, transform_indices = @transform_7, window_bounds = array<i64: 1, 384>}, {pipeline_mode = #tpu.pipeline_mode<synchronous>, transform_indices = @transform_8, window_bounds = array<i64: 1, 384>}, {transform_indices = @transform_9, window_bounds = array<i64: 1000, 128>}]} {
    %get3A = arith.constant 0 : index
    %get3A_0 = arith.constant 0 : index
    %get3A_1 = arith.constant 0 : index
    %get3A_2 = vector.load %arg1[%get3A, %get3A_0, %get3A_1] : memref<2x1000x128xf32, #tpu.memory_space<vmem>>, vector<1x1000x128xf32>
    %get3A_3 = vector.shape_cast %get3A_2 : vector<1x1000x128xf32> to vector<1000x128xf32>
    %get3A_4 = arith.constant 1 : index
    %get3A_5 = arith.constant 0 : index
    %get3A_6 = arith.constant 0 : index
    %get3A_7 = vector.load %arg1[%get3A_4, %get3A_5, %get3A_6] : memref<2x1000x128xf32, #tpu.memory_space<vmem>>, vector<1x1000x128xf32>
    %get3A_8 = vector.shape_cast %get3A_7 : vector<1x1000x128xf32> to vector<1000x128xf32>
    %add3A = arith.addf %get3A_3, %get3A_8 : vector<1000x128xf32>
    %get3A_9 = arith.constant 0 : index
    %get3A_10 = arith.constant 0 : index
    %get3A_11 = arith.constant 0 : index
    %get3A_12 = vector.load %arg2[%get3A_9, %get3A_10, %get3A_11] : memref<2x1000x16xf32, #tpu.memory_space<vmem>>, vector<1x1000x1xf32>
    %get3A_13 = vector.shape_cast %get3A_12 : vector<1x1000x1xf32> to vector<1000x1xf32>
    %get3A_14 = arith.constant 1 : index
    %get3A_15 = arith.constant 0 : index
    %get3A_16 = arith.constant 0 : index
    %get3A_17 = vector.load %arg2[%get3A_14, %get3A_15, %get3A_16] : memref<2x1000x16xf32, #tpu.memory_space<vmem>>, vector<1x1000x1xf32>
    %get3A_18 = vector.shape_cast %get3A_17 : vector<1x1000x1xf32> to vector<1000x1xf32>
    %add3A_19 = arith.addf %get3A_13, %get3A_18 : vector<1000x1xf32>
    %get3A_20 = arith.constant 0 : index
    %get3A_21 = arith.constant 0 : index
    %get3A_22 = vector.load %arg3[%get3A_20, %get3A_21] : memref<1000x128xf32, #tpu.memory_space<vmem>>, vector<1000x128xf32>
    %get3A_23 = arith.constant 0 : index
    %get3A_24 = arith.constant 0 : index
    %get3A_25 = vector.load %arg4[%get3A_23, %get3A_24] : memref<128x128xf32, #tpu.memory_space<vmem>>, vector<128x128xf32>
    %dot_general3A = arith.constant dense<0.000000e+00> : vector<1000x128xf32>
    %dot_general3A_26 = tpu.matmul %add3A, %get3A_25, %dot_general3A {dimension_numbers = #tpu.dot_dimension_numbers<[1], [0], [0], [1], [0, 0, 1, 1], [], []>, transpose_lhs_hint = false} : vector<1000x128xf32>, vector<128x128xf32>, vector<1000x128xf32> -> vector<1000x128xf32>
    %get3A_27 = arith.constant 0 : index
    %get3A_28 = arith.constant 0 : index
    %get3A_29 = vector.load %arg7[%get3A_27, %get3A_28] : memref<1x128xf32, #tpu.memory_space<vmem>>, vector<1x128xf32>
    %mul3A = vector.broadcast %add3A_19 : vector<1000x1xf32> to vector<1000x128xf32>
    %mul3A_30 = vector.broadcast %get3A_29 : vector<1x128xf32> to vector<1000x128xf32>
    %mul3A_31 = arith.mulf %mul3A, %mul3A_30 : vector<1000x128xf32>
    %add3A_32 = arith.addf %dot_general3A_26, %mul3A_31 : vector<1000x128xf32>
    %get3A_33 = arith.constant 0 : index
    %get3A_34 = arith.constant 0 : index
    %get3A_35 = vector.load %arg5[%get3A_33, %get3A_34] : memref<128x384xf32, #tpu.memory_space<vmem>>, vector<128x384xf32>
    %dot_general3A_36 = arith.constant dense<0.000000e+00> : vector<1000x384xf32>
    %dot_general3A_37 = tpu.matmul %add3A_32, %get3A_35, %dot_general3A_36 {dimension_numbers = #tpu.dot_dimension_numbers<[1], [0], [0], [1], [0, 0, 1, 1], [], []>, transpose_lhs_hint = false} : vector<1000x128xf32>, vector<128x384xf32>, vector<1000x384xf32> -> vector<1000x384xf32>
    %get3A_38 = arith.constant 0 : index
    %get3A_39 = arith.constant 0 : index
    %get3A_40 = vector.load %arg8[%get3A_38, %get3A_39] : memref<1x384xf32, #tpu.memory_space<vmem>>, vector<1x384xf32>
    %add3A_41 = vector.broadcast %get3A_40 : vector<1x384xf32> to vector<1000x384xf32>
    %add3A_42 = arith.addf %dot_general3A_37, %add3A_41 : vector<1000x384xf32>
    %get3A_43 = arith.constant 0 : index
    %get3A_44 = arith.constant 0 : index
    %get3A_45 = vector.load %arg6[%get3A_43, %get3A_44] : memref<128x384xf32, #tpu.memory_space<vmem>>, vector<128x384xf32>
    %dot_general3A_46 = arith.constant dense<0.000000e+00> : vector<1000x384xf32>
    %dot_general3A_47 = tpu.matmul %get3A_22, %get3A_45, %dot_general3A_46 {dimension_numbers = #tpu.dot_dimension_numbers<[1], [0], [0], [1], [0, 0, 1, 1], [], []>, transpose_lhs_hint = false} : vector<1000x128xf32>, vector<128x384xf32>, vector<1000x384xf32> -> vector<1000x384xf32>
    %get3A_48 = arith.constant 0 : index
    %get3A_49 = arith.constant 0 : index
    %get3A_50 = vector.load %arg9[%get3A_48, %get3A_49] : memref<1x384xf32, #tpu.memory_space<vmem>>, vector<1x384xf32>
    %add3A_51 = vector.broadcast %get3A_50 : vector<1x384xf32> to vector<1000x384xf32>
    %add3A_52 = arith.addf %dot_general3A_47, %add3A_51 : vector<1000x384xf32>
    %slice3A = vector.extract_strided_slice %add3A_42 {offsets = [0, 0], sizes = [1000, 128], strides = [1, 1]} : vector<1000x384xf32> to vector<1000x128xf32>
    %slice3A_53 = vector.extract_strided_slice %add3A_52 {offsets = [0, 0], sizes = [1000, 128], strides = [1, 1]} : vector<1000x384xf32> to vector<1000x128xf32>
    %add3A_54 = arith.addf %slice3A, %slice3A_53 : vector<1000x128xf32>
    %logistic3A = arith.negf %add3A_54 : vector<1000x128xf32>
    %logistic3A_55 = math.exp %logistic3A : vector<1000x128xf32>
    %logistic3A_56 = arith.constant 1.000000e+00 : f32
    %logistic3A_57 = vector.broadcast %logistic3A_56 : f32 to vector<1000x128xf32>
    %logistic3A_58 = arith.addf %logistic3A_57, %logistic3A_55 : vector<1000x128xf32>
    %logistic3A_59 = arith.divf %logistic3A_57, %logistic3A_58 : vector<1000x128xf32>
    %slice3A_60 = vector.extract_strided_slice %add3A_42 {offsets = [0, 128], sizes = [1000, 128], strides = [1, 1]} : vector<1000x384xf32> to vector<1000x128xf32>
    %slice3A_61 = vector.extract_strided_slice %add3A_52 {offsets = [0, 128], sizes = [1000, 128], strides = [1, 1]} : vector<1000x384xf32> to vector<1000x128xf32>
    %add3A_62 = arith.addf %slice3A_60, %slice3A_61 : vector<1000x128xf32>
    %logistic3A_63 = arith.negf %add3A_62 : vector<1000x128xf32>
    %logistic3A_64 = math.exp %logistic3A_63 : vector<1000x128xf32>
    %logistic3A_65 = arith.constant 1.000000e+00 : f32
    %logistic3A_66 = vector.broadcast %logistic3A_65 : f32 to vector<1000x128xf32>
    %logistic3A_67 = arith.addf %logistic3A_66, %logistic3A_64 : vector<1000x128xf32>
    %logistic3A_68 = arith.divf %logistic3A_66, %logistic3A_67 : vector<1000x128xf32>
    %slice3A_69 = vector.extract_strided_slice %add3A_42 {offsets = [0, 256], sizes = [1000, 128], strides = [1, 1]} : vector<1000x384xf32> to vector<1000x128xf32>
    %slice3A_70 = vector.extract_strided_slice %add3A_52 {offsets = [0, 256], sizes = [1000, 128], strides = [1, 1]} : vector<1000x384xf32> to vector<1000x128xf32>
    %mul3A_71 = arith.mulf %logistic3A_59, %slice3A_70 : vector<1000x128xf32>
    %add3A_72 = arith.addf %slice3A_69, %mul3A_71 : vector<1000x128xf32>
    %tanh3A = math.tanh %add3A_72 : vector<1000x128xf32>
    %sub3A = arith.constant 1.000000e+00 : f32
    %sub3A_73 = vector.broadcast %sub3A : f32 to vector<1000x128xf32>
    %sub3A_74 = arith.subf %sub3A_73, %logistic3A_68 : vector<1000x128xf32>
    %mul3A_75 = arith.mulf %sub3A_74, %tanh3A : vector<1000x128xf32>
    %mul3A_76 = arith.mulf %logistic3A_68, %get3A_22 : vector<1000x128xf32>
    %add3A_77 = arith.addf %mul3A_75, %mul3A_76 : vector<1000x128xf32>
    %swap3A = arith.constant 0 : index
    %swap3A_78 = arith.constant 0 : index
    %swap3A_79 = vector.load %arg10[%swap3A, %swap3A_78] : memref<1000x128xf32, #tpu.memory_space<vmem>>, vector<1000x128xf32>
    tpu.vector_store %arg10[%swap3A, %swap3A_78], %add3A_77 {strides = array<i32>} : memref<1000x128xf32, #tpu.memory_space<vmem>>, vector<1000x128xf32>,
    return
  }
  func.func @transform_0(%arg0: i32) -> (i32, i32, i32) {
    %c0_i32 = arith.constant 0 : i32
    %c0_i32_0 = arith.constant 0 : i32
    %c0_i32_1 = arith.constant 0 : i32
    return %c0_i32, %arg0, %c0_i32_0 : i32, i32, i32
  }
  func.func @transform_1(%arg0: i32) -> (i32, i32, i32) {
    %c0_i32 = arith.constant 0 : i32
    %c0_i32_0 = arith.constant 0 : i32
    %c0_i32_1 = arith.constant 0 : i32
    return %c0_i32, %arg0, %c0_i32_0 : i32, i32, i32
  }
  func.func @transform_2(%arg0: i32) -> (i32, i32) {
    %c0_i32 = arith.constant 0 : i32
    %c0_i32_0 = arith.constant 0 : i32
    return %arg0, %c0_i32 : i32, i32
  }
  func.func @transform_3(%arg0: i32) -> (i32, i32) {
    %c0_i32 = arith.constant 0 : i32
    %c0_i32_0 = arith.constant 0 : i32
    %c0_i32_1 = arith.constant 0 : i32
    return %c0_i32, %c0_i32_0 : i32, i32
  }
  func.func @transform_4(%arg0: i32) -> (i32, i32) {
    %c0_i32 = arith.constant 0 : i32
    %c0_i32_0 = arith.constant 0 : i32
    %c0_i32_1 = arith.constant 0 : i32
    return %c0_i32, %c0_i32_0 : i32, i32
  }
  func.func @transform_5(%arg0: i32) -> (i32, i32) {
    %c0_i32 = arith.constant 0 : i32
    %c0_i32_0 = arith.constant 0 : i32
    %c0_i32_1 = arith.constant 0 : i32
    return %c0_i32, %c0_i32_0 : i32, i32
  }
  func.func @transform_6(%arg0: i32) -> (i32, i32) {
    %c0_i32 = arith.constant 0 : i32
    %c0_i32_0 = arith.constant 0 : i32
    %c0_i32_1 = arith.constant 0 : i32
    return %c0_i32, %c0_i32_0 : i32, i32
  }
  func.func @transform_7(%arg0: i32) -> (i32, i32) {
    %c0_i32 = arith.constant 0 : i32
    %c0_i32_0 = arith.constant 0 : i32
    %c0_i32_1 = arith.constant 0 : i32
    return %c0_i32, %c0_i32_0 : i32, i32
  }
  func.func @transform_8(%arg0: i32) -> (i32, i32) {
    %c0_i32 = arith.constant 0 : i32
    %c0_i32_0 = arith.constant 0 : i32
    %c0_i32_1 = arith.constant 0 : i32
    return %c0_i32, %c0_i32_0 : i32, i32
  }
  func.func @transform_9(%arg0: i32) -> (i32, i32) {
    %c0_i32 = arith.constant 0 : i32
    %c0_i32_0 = arith.constant 0 : i32
    return %arg0, %c0_i32 : i32, i32
  }
}

</mosaic_0001>

<sc_bundles>
// kernel: kernel.13.cloned.1.call-start
scs
__scs_entry_jumppad:
0x0: {  	(pc) =	sbr.rel $0x88, $3  }
0x1: {  	(tag) =	ssettag $0x0;
	lr =	simm.s32 $0x1  }
0x2: {  	[smem:$0x3F99] =	sst lr;
	_ =	strace $0xD0000000  }
0x3: {  	_ = 	snop  }
0x4: {  	_ = 	snop  }
0x5: {  	_ = 	snop  }
0x6: {  	_ = 	snop  }
0x7: {  	_ = 	snop  }
__scs_overlays_trampoline_lowered:
0x8: {  	[smem:$0x3FA8] =	sst s0  }
0x9: {  	[smem:$0x3FA9] =	sst s1  }
0xa: {  	[smem:$0x3FAA] =	sst s2  }
0xb: {  	[smem:$0x3FAB] =	sst s3  }
0xc: {  	[smem:$0x3FAC] =	sst s4  }
0xd: {  	[smem:$0x3FAD] =	sst s5  }
0xe: {  	[smem:$0x3FAE] =	sst s6  }
0xf: {  	[smem:$0x3FAF] =	sst s7  }
0x10: {  	[smem:$0x3FB0] =	sst s8  }
0x11: {  	[smem:$0x3FB1] =	sst s9;
	s0 =	simm.s32 @!p0 $0x0  }
0x12: {  	s1 =	sld [smem:$0x3F97];
	s0 =	simm.s32 @p0 $0x1  }
0x13: {  	[smem:$0x3FB2] =	sst s0;
	s0 =	simm.s32 @!p1 $0x0  }
0x14: {  	s2 =	sld [smem:$0x3F96];
	s0 =	simm.s32 @p1 $0x1  }
0x15: {  	[smem:$0x3FB3] =	sst s0;
	s0 =	simm.s32 @!p2 $0x0  }
0x16: {  	s3 =	sld [smem:$0x3FDB];
	s0 =	simm.s32 @p2 $0x1  }
0x17: {  	s4 =	simm.s32 $0x1BF5;
	[smem:$0x3FB5] =	sst s0  }
0x18: {  	s0 =	sld [smem:$0x3F98];
	_ =	swait.ge [sflag:s4], $0x0  }
0x19: {  	s7 =	sld [smem:$0x3F99]  }
0x1a: {  	s8 =	sadd.s32 $0xFFFFE003, lr  }
0x1b: {  	s9 =	sadd.s32 $0xFFFFFEF7, lr;
	s5 =	simm.s32 $0xFFFFFFFF;
	p2 =	slt.u32 s8, $0xFFFFF086  }
0x1c: {  	p1 =	slt.u32 s9, $0xF7A;
	s5 =	simm.s32 @!p2 $0x0  }
0x1d: {  	s5 =	simm.s32 @p1 $0x1;
	p0 =	seq.s32 s7, s2  }
0x1e: {  	s7 =	smul.u32 @!p0 $0xF7A, s2;
	p2 =	seq.s32 @!p0 s5, $0x0  }
0x1f: {  	s9 =	smul.u32 $0xF7A, s1;
	s8 =	simm.s32 @!p0 $0x1BF5;
	p2 =	por !p2, p0  }
0x20: {  	[sflag:s8] =	ssyncset.s32 @!p0 $0xFFFFF086;
	s6 =	sadd.s32 @!p0 s3, s7;
	s7 =	simm.s32 @!p0 $0x108  }
0x21: {  	s3 =	sadd.s32 s3, s9;
	s6 =	sadd.s32 @!p0 $0x88, s6;
	s7 =	simm.s32 @p2 $0x1082  }
0x22: {  	[simem:s7], [sflag:s8] =	dma.local @!p0 [hbm:s6], $0xF7A  }
0x23: {  	s9 =	sor.u32 $0xD0000000, s2;
	s6 =	simm.s32 $0x108;
	_ =	swait.ge @!p0 [sflag:s8], $0x0  }
0x24: {  	s3 =	sadd.s32 $0x88, s3;
	s6 =	simm.s32 @!p1 $0x1082;
	[sflag:s4] =	ssyncset.s32 $0xFFFFF086  }
0x25: {  	[simem:s6], [sflag:s4] =	dma.local [hbm:s3], $0xF7A  }
0x26: {  	[smem:$0x3F99] =	sst s1;
	(tag) =	ssettag s2;
	_ =	strace s9  }
0x27: {  	s1 =	sld [smem:$0x3FA9]  }
0x28: {  	s2 =	sld [smem:$0x3FAA]  }
0x29: {  	s4 =	sld [smem:$0x3FAC]  }
0x2a: {  	p0 =	seq.s32 s5, $0x0;
	s5 =	sld [smem:$0x3FAD]  }
0x2b: {  	s6 =	sld [smem:$0x3FAE]  }
0x2c: {  	s7 =	sld [smem:$0x3FAF]  }
0x2d: {  	s3 =	simm.s32 $0x108;
	s8 =	sld [smem:$0x3FB0]  }
0x2e: {  	s3 =	simm.s32 @!p0 $0x1082;
	s9 =	sld [smem:$0x3FB1]  }
0x2f: {  	lr =	sadd.s32 s0, s3;
	s0 =	sld [smem:$0x3FA8]  }
0x30: {  	s3 =	sld [smem:$0x3FAB]  }
0x31: {  	[smem:$0x3FB4] =	sst s10  }
0x32: {  	s10 =	sld [smem:$0x3FB2];
	_ =	sdelay $0x3  }
0x33: {  	p0 =	seq.s32 s10, $0x1;
	s10 =	sld [smem:$0x3FB4];
	_ =	sdelay $0x3  }
0x34: {  	[smem:$0x3FB4] =	sst s10  }
0x35: {  	s10 =	sld [smem:$0x3FB3];
	_ =	sdelay $0x3  }
0x36: {  	p1 =	seq.s32 s10, $0x1;
	s10 =	sld [smem:$0x3FB4];
	_ =	sdelay $0x3  }
0x37: {  	[smem:$0x3FB4] =	sst s10  }
0x38: {  	s10 =	sld [smem:$0x3FB5]  }
0x39: {  	_ = 	snop;
	(pc) =	sbr.ind lr, $3  }
0x3a: {  	_ = 	snop  }
0x3b: {  	_ = 	snop  }
0x3c: {  	p2 =	seq.s32 s10, $0x1;
	s10 =	sld [smem:$0x3FB4]  }
0x3d: {  	_ =	shalt  }
0x3e: {  	_ =	shalt  }
0x3f: {  	_ =	shalt  }
0x40: {  	_ =	shalt  }
0x41: {  	_ =	shalt  }
0x42: {  	_ =	shalt  }
0x43: {  	_ =	shalt  }
0x44: {  	_ =	shalt  }
0x45: {  	_ =	shalt  }
0x46: {  	_ =	shalt  }
0x47: {  	_ =	shalt  }
0x48: {  	_ =	shalt  }
0x49: {  	_ =	shalt  }
0x4a: {  	_ =	shalt  }
0x4b: {  	_ =	shalt  }
0x4c: {  	_ =	shalt  }
0x4d: {  	_ =	shalt  }
0x4e: {  	_ =	shalt  }
0x4f: {  	_ =	shalt  }
0x50: {  	_ =	shalt  }
0x51: {  	_ =	shalt  }
0x52: {  	_ =	shalt  }
0x53: {  	_ =	shalt  }
0x54: {  	_ =	shalt  }
0x55: {  	_ =	shalt  }
0x56: {  	_ =	shalt  }
0x57: {  	_ =	shalt  }
0x58: {  	_ =	shalt  }
0x59: {  	_ =	shalt  }
0x5a: {  	_ =	shalt  }
0x5b: {  	_ =	shalt  }
0x5c: {  	_ =	shalt  }
0x5d: {  	_ =	shalt  }
0x5e: {  	_ =	shalt  }
0x5f: {  	_ =	shalt  }
0x60: {  	_ =	shalt  }
0x61: {  	_ =	shalt  }
0x62: {  	_ =	shalt  }
0x63: {  	_ =	shalt  }
0x64: {  	_ =	shalt  }
0x65: {  	_ =	shalt  }
0x66: {  	_ =	shalt  }
0x67: {  	_ =	shalt  }
0x68: {  	_ =	shalt  }
0x69: {  	_ =	shalt  }
0x6a: {  	_ =	shalt  }
0x6b: {  	_ =	shalt  }
0x6c: {  	_ =	shalt  }
0x6d: {  	_ =	shalt  }
0x6e: {  	_ =	shalt  }
0x6f: {  	_ =	shalt  }
0x70: {  	_ =	shalt  }
0x71: {  	_ =	shalt  }
0x72: {  	_ =	shalt  }
0x73: {  	_ =	shalt  }
0x74: {  	_ =	shalt  }
0x75: {  	_ =	shalt  }
0x76: {  	_ =	shalt  }
0x77: {  	_ =	shalt  }
0x78: {  	_ =	shalt  }
0x79: {  	_ =	shalt  }
0x7a: {  	_ =	shalt  }
0x7b: {  	_ =	shalt  }
0x7c: {  	_ =	shalt  }
0x7d: {  	_ =	shalt  }
0x7e: {  	_ =	shalt  }
0x7f: {  	_ =	shalt  }
0x80: {  	_ =	shalt  }
0x81: {  	_ =	shalt  }
0x82: {  	_ =	shalt  }
0x83: {  	_ =	shalt  }
0x84: {  	_ =	shalt  }
0x85: {  	_ =	shalt  }
0x86: {  	_ =	shalt  }
0x87: {  	_ =	shalt  }
.Lfunc_end0:
.L_simem_size_0:
called_computation_lowered:
.L_overlay_start_0:
0x88: {  	s2 =	sld [smem:$0x3FD9]  }
0x89: {  	s3 =	sld [smem:$0x3FFE];
	_ =	sdelay $0x1  }
0x8a: {  	s1 =	srdreg.scid  }
0x8b: {  	s0 =	sand.u32 $0x1, s1  }
0x8c: {  	s17 =	sshll.u32 s0, $0xA;
	s2 =	sadd.s32 s3, s2  }
0x8d: {  	s2 =	sadd.s32 s2, s17  }
0x8e: {  	[smem:$0x3FC0] =	sst s2  }
0x8f: {  	_ = 	snop  }
0x90: {  	s2 =	sld [smem:$0x3FD0];
	(tm) =	ssettm $0x1  }
0x91: {  	s18 =	sld [smem:$0x3FFB];
	_ =	sdelay $0x3  }
0x92: {  	_ =	strace s18  }
0x93: {  	s3 =	sld [smem:$0x3FFC];
	_ =	sdelay $0x3  }
0x94: {  	_ =	strace s3  }
0x95: {  	s3 =	sld [smem:$0x3FFD];
	_ =	sdelay $0x3  }
0x96: {  	_ =	strace s3  }
0x97: {  	_ =	strace $0x8FFFFFFF  }
0x98: {  	s19 =	sld [smem:$0x3FDB];
	_ =	sdelay $0x1  }
0x99: {  	s4 =	simm.s32 $_scs_section_size  }
0x9a: {  	s5 =	simm.s32 $_size__tile_overlayer_lowered;
	s6 =	simm.s32 $_tile_overlayer_lowered  }
0x9b: {  	s22 =	simm.s32 $0x1BFF;
	s21 =	sshll.u32 s6, $0x1;
	s3 =	sadd.s32 s4, s19  }
0x9c: {  	s7 =	simm.s32 $0x0;
	s20 =	sshll.u32 s5, $0x1;
	s5 =	sadd.s32 s21, s3  }
0x9d: {  	[timem:s7], [sflag:s22] =	dma.local [hbm:s5], s20  }
0x9e: {  	_ =	swait.ge [sflag:s22], s20  }
0x9f: {  	s4 =	ssub.s32 $0x0, s20;
	[sflag:s22] =	ssyncset.done $0x0  }
0xa0: {  	[sflag:s22] =	ssyncadd.s32 s4;
	_ =	sdelay $0x1  }
0xa1: {  	s23 =	simm.s32 $0x1B8B  }
0xa2: {  	_ =	swait.ge [sflag:s23], $0x1  }
0xa3: {  	[sflag:s23] =	ssyncset.done $0x0  }
0xa4: {  	s25 =	simm.s32 $0x1B8E;
	s24 =	sld [smem:$0x3FFE];
	[sflag:s23] =	ssyncadd.s32 $0xFFFFFFFF  }
0xa5: {  	s26 =	simm.s32 $execute0_lowered;
	[smem:$0x3FD2] =	sst s25  }
0xa6: {  	s5 =	sshll.u32 s26, $0x1;
	_ =	strace $0x80000046;
	[dreg:$0x1] =	wrdreg $0xFFFFFFFF  }
0xa7: {  	s28 =	simm.s32 $_size_execute0_lowered;
	s3 =	sadd.s32 s3, s5;
	[dreg:$0x0] =	wrdreg $0x0  }
0xa8: {  	s5 =	sshll.u32 s28, $0x1;
	[dreg:$0x2] =	wrdreg s3  }
0xa9: {  	[dreg:$0x3] =	wrdreg s5  }
0xaa: {  	[dreg:$0x4] =	wrdreg $0xC0  }
0xab: {  	_ =	task [dreg:s7], $0x5FFFF  }
0xac: {  	[dreg:$0x1] =	wrdreg $0xFFFFFFFF  }
0xad: {  	[dreg:$0x0] =	wrdreg $0x60  }
0xae: {  	[dreg:$0x2] =	wrdreg s24  }
0xaf: {  	[dreg:$0x3] =	wrdreg s2  }
0xb0: {  	[dreg:$0x4] =	wrdreg $0x40800  }
0xb1: {  	[dreg:$0x5] =	wrdreg $0x9  }
0xb2: {  	_ =	task.clear_ibuf [dreg:s7], $0x6FFFF;
	_ =	strace $0x90000046  }
0xb3: {  	s29 =	simm.s32 $0x9;
	_ =	strace $0x80000048  }
0xb4: {  	_ =	swait.ge [sflag:s29], $0x1  }
0xb5: {  	[sflag:s29] =	ssyncadd.s32 $0xFFFFFFFF  }
0xb6: {  	_ =	strace $0x90000048  }
0xb7: {  	_ =	sfence  }
0xb8: {  	s30 =	sld [smem:$0x0];
	_ =	sdelay $0x2  }
0xb9: {  	s31 =	sshll.u32 s1, $0xD;
	s1 =	sshrl.u32 s1, $0x2  }
0xba: {  	s3 =	sand.u32 $0x4000, s31;
	s1 =	sadd.s32 s1, s30  }
0xbb: {  	s0 =	sor.u32 s3, s0;
	s1 =	sshll.u32 s1, $0x11  }
0xbc: {  	s0 =	sor.u32 s1, s0  }
0xbd: {  	s0 =	sadd.s32 $0x8F2B, s0  }
0xbe: {  	[sflag:s0] =	ssyncadd.remote.s32 $0x1  }
0xbf: {  	_ =	sfence.sel $0xFFFF  }
0xc0: {  	[dreg:$0x0] =	wrdreg $0xFFFFFFFF;
	(pc) =	sbr.abs _section_cstart, $3  }
0xc1: {  	[dreg:$0x1] =	wrdreg $0xFFFFFFFF  }
0xc2: {  	_ =	task.clear_ibuf [dreg:s7], $0x2FFFF;
	_ =	strace $0x9FFFFFFF  }
0xc3: {  	(tm) =	ssettm $0x7FFFFFFF  }
tec
execute0_lowered:
.L_overlay_start_1:
0x0: {  	(tag) =	ssettag $0x1  }
0x1: {  	s5 =	rddreg [dreg:$0x0]  }
0x2: {  	s1 =	rddreg [dreg:$0x1];
	s3 =	srdreg.scid  }
0x3: {  	s2 =	rddreg [dreg:$0x2];
	s7 =	sand.u32 $0x1, s3  }
0x4: {  	s3 =	stileid.u32;
	s6 =	smul.u32 $0x4F00, s7  }
0x5: {  	s0 =	rddreg [dreg:$0x3];
	s4 =	simm.s32 $0x0;
	s8 =	smul.u32 $0x50000, s3  }
0x6: {  	[smem:$0x7FF] =	sst s4;
	s16 =	sadd.s32 $0xDE00, s5;
	s10 =	smul.u32 $0x14000, s3  }
0x7: {  	_ =	strace $0x80000047;
	s28 =	ssub.s32 $0x2, s7;
	s18 =	smul.u32 $0x140000, s7  }
0x8: {  	s30 =	smul.u32 $0x4F0, s3;
	s29 =	sshrl.u32 s28, $0x1;
	s15 =	sadd.s32 s6, s5  }
0x9: {  	s8 =	sshrl.u32 s8, $0x2;
	s11 =	sadd.s32 $0x4000, s10;
	s17 =	ssub.s32 s28, s29  }
0xa: {  	s13 =	sadd.s32 $0x8000, s10;
	s14 =	sadd.s32 $0xC000, s10;
	s19 =	sadd.s32 $0x10000, s10  }
0xb: {  	s12 =	sadd.s32 s10, s18;
	s10 =	sadd.s32 $0x800, s1;
	s5 =	sadd.s32 s8, s2  }
0xc: {  	s6 =	sadd.s32 s11, s2;
	s7 =	sadd.s32 s13, s2;
	s8 =	sadd.s32 s14, s2  }
0xd: {  	s9 =	sadd.s32 s19, s2;
	s11 =	sadd.s32 s18, s11;
	s12 =	sshrl.u32 s12, $0x3  }
0xe: {  	s13 =	sadd.s32 s18, s13;
	s14 =	sadd.s32 s18, s14;
	s18 =	sadd.s32 s18, s19  }
0xf: {  	s31 =	sadd.s32 s30, s15;
	s19 =	simm.s32 $0x1;
	s20 =	sshrl.u32 s11, $0x3  }
0x10: {  	s11 =	sadd.s32 s16, s12;
	s13 =	sshrl.u32 s13, $0x3;
	s14 =	sshrl.u32 s14, $0x3  }
0x11: {  	s18 =	sshrl.u32 s18, $0x3;
	s12 =	sadd.s32 s16, s20;
	s13 =	sadd.s32 s16, s13  }
0x12: {  	s14 =	sadd.s32 s16, s14;
	s15 =	sadd.s32 s16, s18;
	s16 =	smax.u32 s17, $0x1  }
0x13: {  	s17 =	sadd.s32 $0x4000, s31;
	s18 =	simm.s32 $0x80;
	s20 =	simm.s32 $0x0  }
.LBB2_1:
0x14: {  	[tilespmem:s18], [sflag:$0x1] =	stream.linear.gather [hbm4b:s1+s4], $0x4000, $0x38;
	[tilespmem:$0x6880] =	vst v63  }
0x15: {  	_ =	swait.ge [sflag:s19], $0x4000  }
0x16: {  	[sflag:s19] =	ssyncset.done $0x0  }
0x17: {  	[sflag:s19] =	ssyncadd.s32 $0xFFFFC000  }
0x18: {  	[spmem:s5] =	stream.linear.scatter [tilespmem:s18], [sflag:$0x1], $0x4000, $0x38;
	[tilespmem:$0x6880] =	vst v63  }
0x19: {  	_ =	swait.ge [sflag:s19], $0x4000  }
0x1a: {  	[sflag:s19] =	ssyncset.done $0x0  }
0x1b: {  	[sflag:s19] =	ssyncadd.s32 $0xFFFFC000  }
0x1c: {  	[spmem:s6] =	stream.linear.scatter [tilespmem:s18], [sflag:$0x1], $0x4000, $0x38;
	[tilespmem:$0x6880] =	vst v63  }
0x1d: {  	_ =	swait.ge [sflag:s19], $0x4000  }
0x1e: {  	[sflag:s19] =	ssyncset.done $0x0  }
0x1f: {  	[sflag:s19] =	ssyncadd.s32 $0xFFFFC000  }
0x20: {  	[spmem:s7] =	stream.linear.scatter [tilespmem:s18], [sflag:$0x1], $0x4000, $0x38;
	[tilespmem:$0x6880] =	vst v63  }
0x21: {  	_ =	swait.ge [sflag:s19], $0x4000  }
0x22: {  	[sflag:s19] =	ssyncset.done $0x0  }
0x23: {  	[sflag:s19] =	ssyncadd.s32 $0xFFFFC000  }
0x24: {  	[spmem:s8] =	stream.linear.scatter [tilespmem:s18], [sflag:$0x1], $0x4000, $0x38;
	[tilespmem:$0x6880] =	vst v63  }
0x25: {  	_ =	swait.ge [sflag:s19], $0x4000  }
0x26: {  	[sflag:s19] =	ssyncset.done $0x0  }
0x27: {  	[sflag:s19] =	ssyncadd.s32 $0xFFFFC000  }
0x28: {  	[spmem:s9] =	stream.linear.scatter [tilespmem:s18], [sflag:$0x1], $0x4000, $0x38;
	[tilespmem:$0x6880] =	vst v63  }
0x29: {  	_ =	swait.ge [sflag:s19], $0x4000  }
0x2a: {  	[sflag:s19] =	ssyncset.done $0x0  }
0x2b: {  	[sflag:s19] =	ssyncadd.s32 $0xFFFFC000  }
0x2c: {  	[tilespmem:s18], [sflag:$0x1] =	stream.linear.gather [hbm4b:s10+s4], $0x4000, $0x38;
	[tilespmem:$0x6880] =	vst v63  }
0x2d: {  	_ =	swait.ge [sflag:s19], $0x4000  }
0x2e: {  	[sflag:s19] =	ssyncset.done $0x0  }
0x2f: {  	[sflag:s19] =	ssyncadd.s32 $0xFFFFC000  }
0x30: {  	s21 =	sadd.s32 $0x0, s17;
	[bflag:$0x0] =	sbarrier.arrive $0xFFFF  }
0x31: {  	[tilespmem:s4], [sflag:$0x1] =	stream.linear.gather [hbm4b:s21+s4], $0x80, $0x38;
	[tilespmem:$0x6880] =	vst v63  }
0x32: {  	_ =	swait.ge [sflag:s19], $0x80  }
0x33: {  	[sflag:s19] =	ssyncset.done $0x0  }
0x34: {  	[sflag:s19] =	ssyncadd.s32 $0xFFFFFF80  }
0x35: {  	[spmem:s2] =	stream.indirect.scatter.add.f32 [tilespmem:s18], [sflag:$0x1], $0x10, s4, s18, $0xb8;
	[tilespmem:$0x6880] =	vst v63  }
0x36: {  	_ =	swait.ge [sflag:s19], $0x800  }
0x37: {  	s22 =	simm.s32 $0x20;
	s21 =	simm.s32 $0x10;
	[sflag:s19] =	ssyncset.done $0x0  }
.LBB2_2:
0x38: {  	s23 =	sadd.s32 s21, s17  }
0x39: {  	[sflag:s19] =	ssyncadd.s32 $0xFFFFF800;
	s21 =	smov.u32 s22;
	s24 =	sadd.s32 $0x10, s22  }
0x3a: {  	[tilespmem:s4], [sflag:$0x1] =	stream.linear.gather [hbm4b:s23+s4], $0x80, $0x38;
	[tilespmem:$0x6880] =	vst v63  }
0x3b: {  	p0 =	sne.s32 s22, $0x4E0;
	_ =	swait.ge [sflag:s19], $0x80  }
.Ltmp0:
0x3c: {  	[sflag:s19] =	ssyncset.done $0x0;
	(pc) =	sbr.rel @p0 .LBB2_2-.Ltmp0, $4  }
0x3d: {  	[sflag:s19] =	ssyncadd.s32 $0xFFFFFF80  }
0x3e: {  	[spmem:s2] =	stream.indirect.scatter.add.f32 [tilespmem:s18], [sflag:$0x1], $0x10, s4, s18, $0xb8;
	[tilespmem:$0x6880] =	vst v63  }
0x3f: {  	_ =	swait.ge [sflag:s19], $0x800  }
0x40: {  	s22 =	smov.u32 s24;
	[sflag:s19] =	ssyncset.done $0x0  }
0x41: {  	s21 =	sadd.s32 s21, s17;
	[sflag:s19] =	ssyncadd.s32 $0xFFFFF800  }
0x42: {  	[tilespmem:s4], [sflag:$0x1] =	stream.linear.gather [hbm4b:s21+s4], $0x80, $0x38;
	[tilespmem:$0x6880] =	vst v63  }
0x43: {  	_ =	swait.ge [sflag:s19], $0x80  }
0x44: {  	[sflag:s19] =	ssyncset.done $0x0  }
0x45: {  	[sflag:s19] =	ssyncadd.s32 $0xFFFFFF80  }
0x46: {  	[spmem:s2] =	stream.indirect.scatter.add.f32 [tilespmem:s18], [sflag:$0x1], $0x10, s4, s18, $0xb8;
	[tilespmem:$0x6880] =	vst v63  }
0x47: {  	_ =	swait.ge [sflag:s19], $0x800  }
0x48: {  	[sflag:s19] =	ssyncset.done $0x0  }
0x49: {  	[sflag:s19] =	ssyncadd.s32 $0xFFFFF800  }
0x4a: {  	[bflag:$0x0] =	sbarrier.arrive $0xFFFF  }
0x4b: {  	[tilespmem:s18], [sflag:$0x1] =	stream.linear.gather [spmem:s5], $0x4000, $0x38;
	[tilespmem:$0x6880] =	vst v63  }
0x4c: {  	_ =	swait.ge [sflag:s19], $0x4000  }
0x4d: {  	[sflag:s19] =	ssyncset.done $0x0  }
0x4e: {  	[sflag:s19] =	ssyncadd.s32 $0xFFFFC000  }
0x4f: {  	[hbm4b:s11+s4] =	stream.linear.scatter [tilespmem:s18], [sflag:$0x1], $0x4000, $0x38;
	[tilespmem:$0x6880] =	vst v63  }
0x50: {  	_ =	swait.ge [sflag:s19], $0x4000  }
0x51: {  	[sflag:s19] =	ssyncset.done $0x0  }
0x52: {  	[sflag:s19] =	ssyncadd.s32 $0xFFFFC000  }
0x53: {  	[tilespmem:s18], [sflag:$0x1] =	stream.linear.gather [spmem:s6], $0x4000, $0x38;
	[tilespmem:$0x6880] =	vst v63  }
0x54: {  	_ =	swait.ge [sflag:s19], $0x4000  }
0x55: {  	[sflag:s19] =	ssyncset.done $0x0  }
0x56: {  	[sflag:s19] =	ssyncadd.s32 $0xFFFFC000  }
0x57: {  	[hbm4b:s12+s4] =	stream.linear.scatter [tilespmem:s18], [sflag:$0x1], $0x4000, $0x38;
	[tilespmem:$0x6880] =	vst v63  }
0x58: {  	_ =	swait.ge [sflag:s19], $0x4000  }
0x59: {  	[sflag:s19] =	ssyncset.done $0x0  }
0x5a: {  	[sflag:s19] =	ssyncadd.s32 $0xFFFFC000  }
0x5b: {  	[tilespmem:s18], [sflag:$0x1] =	stream.linear.gather [spmem:s7], $0x4000, $0x38;
	[tilespmem:$0x6880] =	vst v63  }
0x5c: {  	_ =	swait.ge [sflag:s19], $0x4000  }
0x5d: {  	[sflag:s19] =	ssyncset.done $0x0  }
0x5e: {  	[sflag:s19] =	ssyncadd.s32 $0xFFFFC000  }
0x5f: {  	[hbm4b:s13+s4] =	stream.linear.scatter [tilespmem:s18], [sflag:$0x1], $0x4000, $0x38;
	[tilespmem:$0x6880] =	vst v63  }
0x60: {  	_ =	swait.ge [sflag:s19], $0x4000  }
0x61: {  	[sflag:s19] =	ssyncset.done $0x0  }
0x62: {  	[sflag:s19] =	ssyncadd.s32 $0xFFFFC000  }
0x63: {  	[tilespmem:s18], [sflag:$0x1] =	stream.linear.gather [spmem:s8], $0x4000, $0x38;
	[tilespmem:$0x6880] =	vst v63  }
0x64: {  	_ =	swait.ge [sflag:s19], $0x4000  }
0x65: {  	[sflag:s19] =	ssyncset.done $0x0  }
0x66: {  	[sflag:s19] =	ssyncadd.s32 $0xFFFFC000  }
0x67: {  	[hbm4b:s14+s4] =	stream.linear.scatter [tilespmem:s18], [sflag:$0x1], $0x4000, $0x38;
	[tilespmem:$0x6880] =	vst v63  }
0x68: {  	_ =	swait.ge [sflag:s19], $0x4000  }
0x69: {  	[sflag:s19] =	ssyncset.done $0x0  }
0x6a: {  	[sflag:s19] =	ssyncadd.s32 $0xFFFFC000  }
0x6b: {  	[tilespmem:s18], [sflag:$0x1] =	stream.linear.gather [spmem:s9], $0x4000, $0x38;
	[tilespmem:$0x6880] =	vst v63  }
0x6c: {  	s20 =	sadd.s32 $0x1, s20;
	_ =	swait.ge [sflag:s19], $0x4000  }
0x6d: {  	p0 =	sne.s32 s20, s16;
	[sflag:s19] =	ssyncset.done $0x0  }
.Ltmp1:
0x6e: {  	[sflag:s19] =	ssyncadd.s32 $0xFFFFC000;
	(pc) =	sbr.rel @p0 .LBB2_1-.Ltmp1, $4  }
0x6f: {  	[hbm4b:s15+s4] =	stream.linear.scatter [tilespmem:s18], [sflag:$0x1], $0x4000, $0x38;
	[tilespmem:$0x6880] =	vst v63  }
0x70: {  	_ =	swait.ge [sflag:s19], $0x4000  }
0x71: {  	[sflag:s19] =	ssyncset.done $0x0  }
0x72: {  	[sflag:s19] =	ssyncadd.s32 $0xFFFFC000  }
0x73: {  	_ =	sfence.sel $0x180000  }
0x74: {  	[bflag:$0x0] =	sbarrier.arrive $0xFFFF  }
0x75: {  	p0 =	sne.s32 s3, $0x0;
	_ =	strace $0x90000047  }
0x76: {  	s0 =	sadd.s32 @!p0 $0x100000, s0;
	[bflag:$0x2] =	sbarrier.arrive $0xFFFF  }
0x77: {  	[sflag:s0] =	ssyncadd.tile.s32 @!p0 $0x1;
	_ =	shalt  }
.Lfunc_end2:
_tile_overlayer_lowered:
.L_overlay_start_2:
0x78: {  	(tag) =	ssettag $0x2  }
0x79: {  	s0 =	rddreg [dreg:$0x0];
	s2 =	stileid.u32  }
0x7a: {  	s1 =	rddreg [dreg:$0x1];
	p0 =	sne.s32 s2, $0x0  }
0x7b: {  	s3 =	rddreg [dreg:$0x2];
	[bflag:$0x3] =	sbarrier.arrive $0xFFFF;
	s2 =	simm.s32 @!p0 $0x1C01  }
0x7c: {  	[timem:s3], [sflag:s2] =	dma.local @!p0 [hbm:s0], s1  }
0x7d: {  	s0 =	simm.s32 @!p0 $0x1  }
0x7e: {  	_ =	swait.ge @!p0 [sflag:s0], s1  }
0x7f: {  	s1 =	ssub.s32 @!p0 $0x0, s1;
	[sflag:s0] =	ssyncset.done @!p0 $0x0  }
0x80: {  	[sflag:s0] =	ssyncadd.s32 @!p0 s1  }
0x81: {  	[bflag:$0x3] =	sbarrier.arrive $0xFFFF  }
0x82: {  	_ =	shalt  }

// kernel: kernel.16.cloned.1.call-start
scs
__scs_entry_jumppad:
0x0: {  	(pc) =	sbr.rel $0x88, $3  }
0x1: {  	(tag) =	ssettag $0x0;
	lr =	simm.s32 $0x1  }
0x2: {  	[smem:$0x3F99] =	sst lr;
	_ =	strace $0xD0000000  }
0x3: {  	_ = 	snop  }
0x4: {  	_ = 	snop  }
0x5: {  	_ = 	snop  }
0x6: {  	_ = 	snop  }
0x7: {  	_ = 	snop  }
__scs_overlays_trampoline_lowered:
0x8: {  	[smem:$0x3FA8] =	sst s0  }
0x9: {  	[smem:$0x3FA9] =	sst s1  }
0xa: {  	[smem:$0x3FAA] =	sst s2  }
0xb: {  	[smem:$0x3FAB] =	sst s3  }
0xc: {  	[smem:$0x3FAC] =	sst s4  }
0xd: {  	[smem:$0x3FAD] =	sst s5  }
0xe: {  	[smem:$0x3FAE] =	sst s6  }
0xf: {  	[smem:$0x3FAF] =	sst s7  }
0x10: {  	[smem:$0x3FB0] =	sst s8  }
0x11: {  	[smem:$0x3FB1] =	sst s9;
	s0 =	simm.s32 @!p0 $0x0  }
0x12: {  	s1 =	sld [smem:$0x3F97];
	s0 =	simm.s32 @p0 $0x1  }
0x13: {  	[smem:$0x3FB2] =	sst s0;
	s0 =	simm.s32 @!p1 $0x0  }
0x14: {  	s2 =	sld [smem:$0x3F96];
	s0 =	simm.s32 @p1 $0x1  }
0x15: {  	[smem:$0x3FB3] =	sst s0;
	s0 =	simm.s32 @!p2 $0x0  }
0x16: {  	s3 =	sld [smem:$0x3FDB];
	s0 =	simm.s32 @p2 $0x1  }
0x17: {  	s4 =	simm.s32 $0x1BF5;
	[smem:$0x3FB5] =	sst s0  }
0x18: {  	s0 =	sld [smem:$0x3F98];
	_ =	swait.ge [sflag:s4], $0x0  }
0x19: {  	s7 =	sld [smem:$0x3F99]  }
0x1a: {  	s8 =	sadd.s32 $0xFFFFE003, lr  }
0x1b: {  	s9 =	sadd.s32 $0xFFFFFEF7, lr;
	s5 =	simm.s32 $0xFFFFFFFF;
	p2 =	slt.u32 s8, $0xFFFFF086  }
0x1c: {  	p1 =	slt.u32 s9, $0xF7A;
	s5 =	simm.s32 @!p2 $0x0  }
0x1d: {  	s5 =	simm.s32 @p1 $0x1;
	p0 =	seq.s32 s7, s2  }
0x1e: {  	s7 =	smul.u32 @!p0 $0xF7A, s2;
	p2 =	seq.s32 @!p0 s5, $0x0  }
0x1f: {  	s9 =	smul.u32 $0xF7A, s1;
	s8 =	simm.s32 @!p0 $0x1BF5;
	p2 =	por !p2, p0  }
0x20: {  	[sflag:s8] =	ssyncset.s32 @!p0 $0xFFFFF086;
	s6 =	sadd.s32 @!p0 s3, s7;
	s7 =	simm.s32 @!p0 $0x108  }
0x21: {  	s3 =	sadd.s32 s3, s9;
	s6 =	sadd.s32 @!p0 $0x88, s6;
	s7 =	simm.s32 @p2 $0x1082  }
0x22: {  	[simem:s7], [sflag:s8] =	dma.local @!p0 [hbm:s6], $0xF7A  }
0x23: {  	s9 =	sor.u32 $0xD0000000, s2;
	s6 =	simm.s32 $0x108;
	_ =	swait.ge @!p0 [sflag:s8], $0x0  }
0x24: {  	s3 =	sadd.s32 $0x88, s3;
	s6 =	simm.s32 @!p1 $0x1082;
	[sflag:s4] =	ssyncset.s32 $0xFFFFF086  }
0x25: {  	[simem:s6], [sflag:s4] =	dma.local [hbm:s3], $0xF7A  }
0x26: {  	[smem:$0x3F99] =	sst s1;
	(tag) =	ssettag s2;
	_ =	strace s9  }
0x27: {  	s1 =	sld [smem:$0x3FA9]  }
0x28: {  	s2 =	sld [smem:$0x3FAA]  }
0x29: {  	s4 =	sld [smem:$0x3FAC]  }
0x2a: {  	p0 =	seq.s32 s5, $0x0;
	s5 =	sld [smem:$0x3FAD]  }
0x2b: {  	s6 =	sld [smem:$0x3FAE]  }
0x2c: {  	s7 =	sld [smem:$0x3FAF]  }
0x2d: {  	s3 =	simm.s32 $0x108;
	s8 =	sld [smem:$0x3FB0]  }
0x2e: {  	s3 =	simm.s32 @!p0 $0x1082;
	s9 =	sld [smem:$0x3FB1]  }
0x2f: {  	lr =	sadd.s32 s0, s3;
	s0 =	sld [smem:$0x3FA8]  }
0x30: {  	s3 =	sld [smem:$0x3FAB]  }
0x31: {  	[smem:$0x3FB4] =	sst s10  }
0x32: {  	s10 =	sld [smem:$0x3FB2];
	_ =	sdelay $0x3  }
0x33: {  	p0 =	seq.s32 s10, $0x1;
	s10 =	sld [smem:$0x3FB4];
	_ =	sdelay $0x3  }
0x34: {  	[smem:$0x3FB4] =	sst s10  }
0x35: {  	s10 =	sld [smem:$0x3FB3];
	_ =	sdelay $0x3  }
0x36: {  	p1 =	seq.s32 s10, $0x1;
	s10 =	sld [smem:$0x3FB4];
	_ =	sdelay $0x3  }
0x37: {  	[smem:$0x3FB4] =	sst s10  }
0x38: {  	s10 =	sld [smem:$0x3FB5]  }
0x39: {  	_ = 	snop;
	(pc) =	sbr.ind lr, $3  }
0x3a: {  	_ = 	snop  }
0x3b: {  	_ = 	snop  }
0x3c: {  	p2 =	seq.s32 s10, $0x1;
	s10 =	sld [smem:$0x3FB4]  }
0x3d: {  	_ =	shalt  }
0x3e: {  	_ =	shalt  }
0x3f: {  	_ =	shalt  }
0x40: {  	_ =	shalt  }
0x41: {  	_ =	shalt  }
0x42: {  	_ =	shalt  }
0x43: {  	_ =	shalt  }
0x44: {  	_ =	shalt  }
0x45: {  	_ =	shalt  }
0x46: {  	_ =	shalt  }
0x47: {  	_ =	shalt  }
0x48: {  	_ =	shalt  }
0x49: {  	_ =	shalt  }
0x4a: {  	_ =	shalt  }
0x4b: {  	_ =	shalt  }
0x4c: {  	_ =	shalt  }
0x4d: {  	_ =	shalt  }
0x4e: {  	_ =	shalt  }
0x4f: {  	_ =	shalt  }
0x50: {  	_ =	shalt  }
0x51: {  	_ =	shalt  }
0x52: {  	_ =	shalt  }
0x53: {  	_ =	shalt  }
0x54: {  	_ =	shalt  }
0x55: {  	_ =	shalt  }
0x56: {  	_ =	shalt  }
0x57: {  	_ =	shalt  }
0x58: {  	_ =	shalt  }
0x59: {  	_ =	shalt  }
0x5a: {  	_ =	shalt  }
0x5b: {  	_ =	shalt  }
0x5c: {  	_ =	shalt  }
0x5d: {  	_ =	shalt  }
0x5e: {  	_ =	shalt  }
0x5f: {  	_ =	shalt  }
0x60: {  	_ =	shalt  }
0x61: {  	_ =	shalt  }
0x62: {  	_ =	shalt  }
0x63: {  	_ =	shalt  }
0x64: {  	_ =	shalt  }
0x65: {  	_ =	shalt  }
0x66: {  	_ =	shalt  }
0x67: {  	_ =	shalt  }
0x68: {  	_ =	shalt  }
0x69: {  	_ =	shalt  }
0x6a: {  	_ =	shalt  }
0x6b: {  	_ =	shalt  }
0x6c: {  	_ =	shalt  }
0x6d: {  	_ =	shalt  }
0x6e: {  	_ =	shalt  }
0x6f: {  	_ =	shalt  }
0x70: {  	_ =	shalt  }
0x71: {  	_ =	shalt  }
0x72: {  	_ =	shalt  }
0x73: {  	_ =	shalt  }
0x74: {  	_ =	shalt  }
0x75: {  	_ =	shalt  }
0x76: {  	_ =	shalt  }
0x77: {  	_ =	shalt  }
0x78: {  	_ =	shalt  }
0x79: {  	_ =	shalt  }
0x7a: {  	_ =	shalt  }
0x7b: {  	_ =	shalt  }
0x7c: {  	_ =	shalt  }
0x7d: {  	_ =	shalt  }
0x7e: {  	_ =	shalt  }
0x7f: {  	_ =	shalt  }
0x80: {  	_ =	shalt  }
0x81: {  	_ =	shalt  }
0x82: {  	_ =	shalt  }
0x83: {  	_ =	shalt  }
0x84: {  	_ =	shalt  }
0x85: {  	_ =	shalt  }
0x86: {  	_ =	shalt  }
0x87: {  	_ =	shalt  }
.Lfunc_end0:
.L_simem_size_0:
called_computation.1_lowered:
.L_overlay_start_0:
0x88: {  	s2 =	sld [smem:$0x3FD9]  }
0x89: {  	s3 =	sld [smem:$0x3FFE];
	_ =	sdelay $0x1  }
0x8a: {  	s1 =	srdreg.scid  }
0x8b: {  	s0 =	sand.u32 $0x1, s1  }
0x8c: {  	s17 =	sshll.u32 s0, $0xA;
	s2 =	sadd.s32 s3, s2  }
0x8d: {  	s2 =	sadd.s32 s2, s17  }
0x8e: {  	[smem:$0x3FC0] =	sst s2  }
0x8f: {  	_ = 	snop  }
0x90: {  	s18 =	sld [smem:$0x3FC9];
	(tm) =	ssettm $0x1  }
0x91: {  	s19 =	sld [smem:$0x3FFB];
	_ =	sdelay $0x3  }
0x92: {  	_ =	strace s19  }
0x93: {  	s2 =	sld [smem:$0x3FFC];
	_ =	sdelay $0x3  }
0x94: {  	_ =	strace s2  }
0x95: {  	s2 =	sld [smem:$0x3FFD];
	_ =	sdelay $0x3  }
0x96: {  	_ =	strace s2  }
0x97: {  	_ =	strace $0x8FFFFFFF  }
0x98: {  	s20 =	sld [smem:$0x3FDB];
	_ =	sdelay $0x1  }
0x99: {  	s4 =	simm.s32 $_scs_section_size  }
0x9a: {  	s5 =	simm.s32 $_size__tile_overlayer_lowered;
	s6 =	simm.s32 $_tile_overlayer_lowered  }
0x9b: {  	s7 =	simm.s32 $0x1BFF;
	s21 =	sshll.u32 s6, $0x1;
	s4 =	sadd.s32 s4, s20  }
0x9c: {  	s22 =	simm.s32 $0x0;
	s5 =	sshll.u32 s5, $0x1;
	s6 =	sadd.s32 s21, s4  }
0x9d: {  	[timem:s22], [sflag:s7] =	dma.local [hbm:s6], s5  }
0x9e: {  	_ =	swait.ge [sflag:s7], s5  }
0x9f: {  	s5 =	ssub.s32 $0x0, s5;
	[sflag:s7] =	ssyncset.done $0x0  }
0xa0: {  	[sflag:s7] =	ssyncadd.s32 s5;
	_ =	sdelay $0x1  }
0xa1: {  	s23 =	simm.s32 $0x1B8B  }
0xa2: {  	_ =	swait.ge [sflag:s23], $0x1  }
0xa3: {  	[sflag:s23] =	ssyncset.done $0x0  }
0xa4: {  	[sflag:s23] =	ssyncadd.s32 $0xFFFFFFFF  }
0xa5: {  	s5 =	sld [smem:$0x0]  }
0xa6: {  	s6 =	sand.u32 $0xFFFFFFFE, s1  }
0xa7: {  	p0 =	sne.s32 s1, s6  }
0xa8: {  	s6 =	sshll.u32 @p0 s6, $0xE  }
0xa9: {  	s6 =	sadd.s32 @p0 $0x11B8D, s6;
	s7 =	sshll.u32 @p0 s5, $0x11  }
0xaa: {  	s6 =	sor.u32 @p0 s7, s6  }
0xab: {  	[sflag:s6] =	ssyncadd.remote.s32 @p0 $0x1;
	_ =	sdelay $0x1  }
0xac: {  	s6 =	simm.s32 @p0 $0x1B8D  }
0xad: {  	_ =	swait.eq @p0 [sflag:s6], $0x1  }
0xae: {  	[sflag:s6] =	ssyncadd.s32 @p0 $0xFFFFFFFF  }
0xaf: {  	s7 =	sshll.u32 @!p0 s1, $0xE  }
0xb0: {  	s7 =	sor.u32 @!p0 $0x4000, s7;
	s6 =	simm.s32 @!p0 $0x1B8D  }
0xb1: {  	s5 =	sshll.u32 @!p0 s5, $0x11;
	s7 =	sadd.s32 @!p0 $0x11B8D, s7;
	_ =	swait.eq @!p0 [sflag:s6], $0x1  }
0xb2: {  	s5 =	sor.u32 @!p0 s5, s7;
	[sflag:s6] =	ssyncadd.s32 @!p0 $0xFFFFFFFF  }
0xb3: {  	s25 =	simm.s32 $0x1B8E;
	s24 =	sld [smem:$0x3FFE];
	[sflag:s5] =	ssyncadd.remote.s32 @!p0 $0x1  }
0xb4: {  	s26 =	simm.s32 $execute0_lowered;
	[smem:$0x3FD2] =	sst s25  }
0xb5: {  	s6 =	sshll.u32 s26, $0x1;
	_ =	strace $0x80000049;
	[dreg:$0x1] =	wrdreg $0xFFFFFFFF  }
0xb6: {  	s28 =	simm.s32 $_size_execute0_lowered;
	s4 =	sadd.s32 s4, s6;
	[dreg:$0x0] =	wrdreg $0x0  }
0xb7: {  	s6 =	sshll.u32 s28, $0x1;
	[dreg:$0x2] =	wrdreg s4  }
0xb8: {  	[dreg:$0x3] =	wrdreg s6  }
0xb9: {  	[dreg:$0x4] =	wrdreg $0xC0  }
0xba: {  	_ =	task [dreg:s22], $0x5FFFF  }
0xbb: {  	[dreg:$0x1] =	wrdreg $0xFFFFFFFF  }
0xbc: {  	[dreg:$0x0] =	wrdreg $0x60  }
0xbd: {  	[dreg:$0x2] =	wrdreg s24  }
0xbe: {  	[dreg:$0x3] =	wrdreg s18  }
0xbf: {  	[dreg:$0x4] =	wrdreg $0x41000  }
0xc0: {  	[dreg:$0x5] =	wrdreg $0xA  }
0xc1: {  	_ =	task.clear_ibuf [dreg:s22], $0x6FFFF;
	_ =	strace $0x90000049  }
0xc2: {  	s29 =	simm.s32 $0xA;
	_ =	strace $0x8000004B  }
0xc3: {  	_ =	swait.ge [sflag:s29], $0x1  }
0xc4: {  	[sflag:s29] =	ssyncadd.s32 $0xFFFFFFFF  }
0xc5: {  	_ =	strace $0x9000004B  }
0xc6: {  	_ =	sfence  }
0xc7: {  	s30 =	sld [smem:$0x0];
	_ =	sdelay $0x2  }
0xc8: {  	s31 =	sshll.u32 s1, $0xD;
	s1 =	sshrl.u32 s1, $0x2  }
0xc9: {  	s4 =	sand.u32 $0x4000, s31;
	s1 =	sadd.s32 s1, s30  }
0xca: {  	s0 =	sor.u32 s4, s0;
	s1 =	sshll.u32 s1, $0x11  }
0xcb: {  	s0 =	sor.u32 s1, s0  }
0xcc: {  	s0 =	sadd.s32 $0x8F2B, s0  }
0xcd: {  	[sflag:s0] =	ssyncadd.remote.s32 $0x1  }
0xce: {  	_ =	sfence.sel $0xFFFF  }
0xcf: {  	[dreg:$0x0] =	wrdreg $0xFFFFFFFF;
	(pc) =	sbr.abs _section_cstart, $3  }
0xd0: {  	[dreg:$0x1] =	wrdreg $0xFFFFFFFF  }
0xd1: {  	_ =	task.clear_ibuf [dreg:s22], $0x2FFFF;
	_ =	strace $0x9FFFFFFF  }
0xd2: {  	(tm) =	ssettm $0x7FFFFFFF  }
0xd3: {  	_ =	shalt  }
tec
execute0_lowered:
.L_overlay_start_1:
0x0: {  	(tag) =	ssettag $0x1  }
0x1: {  	s6 =	rddreg [dreg:$0x0]  }
0x2: {  	s1 =	rddreg [dreg:$0x1]  }
0x3: {  	s0 =	srdreg.scid;
	s2 =	rddreg [dreg:$0x2]  }
0x4: {  	s4 =	simm.s32 $0x0;
	s3 =	stileid.u32;
	s21 =	simm.s32 $0x80  }
0x5: {  	s22 =	simm.s32 $0x1;
	s23 =	simm.s32 $0x0;
	s8 =	smul.u32 $0x50000, s3  }
0x6: {  	s7 =	sand.u32 $0x1, s0;
	s0 =	rddreg [dreg:$0x3];
	s10 =	smul.u32 $0x14000, s3  }
0x7: {  	[smem:$0x7FF] =	sst s4;
	s16 =	sadd.s32 $0x68400, s6;
	s30 =	smul.u32 $0x4F0, s3  }
0x8: {  	s5 =	smul.u32 $0x4F00, s7;
	_ =	strace $0x8000004A;
	s9 =	ssub.s32 $0x2, s7  }
0x9: {  	s18 =	smul.u32 $0x140000, s7;
	s29 =	sshrl.u32 s9, $0x1;
	s8 =	sshrl.u32 s8, $0x2  }
0xa: {  	s11 =	sadd.s32 $0x4000, s10;
	s13 =	sadd.s32 $0x8000, s10;
	s14 =	sadd.s32 $0xC000, s10  }
0xb: {  	s19 =	sadd.s32 $0x10000, s10;
	s15 =	sadd.s32 s5, s6;
	s5 =	sadd.s32 $0x67C00, s6  }
0xc: {  	s17 =	ssub.s32 s9, s29;
	s6 =	sadd.s32 s8, s2;
	s7 =	sadd.s32 s11, s2  }
0xd: {  	s8 =	sadd.s32 s13, s2;
	s9 =	sadd.s32 s14, s2;
	s12 =	sadd.s32 s10, s18  }
0xe: {  	s11 =	sadd.s32 s18, s11;
	s10 =	sadd.s32 s19, s2;
	s13 =	sadd.s32 s18, s13  }
0xf: {  	s14 =	sadd.s32 s18, s14;
	s18 =	sadd.s32 s18, s19;
	s19 =	simm.s32 $0x100  }
0x10: {  	s12 =	sshrl.u32 s12, $0x3;
	s20 =	sshrl.u32 s11, $0x3;
	s13 =	sshrl.u32 s13, $0x3  }
0x11: {  	s14 =	sshrl.u32 s14, $0x3;
	s18 =	sshrl.u32 s18, $0x3;
	s31 =	sadd.s32 s30, s15  }
0x12: {  	s11 =	sadd.s32 s16, s12;
	s12 =	sadd.s32 s16, s20;
	s13 =	sadd.s32 s16, s13  }
0x13: {  	s14 =	sadd.s32 s16, s14;
	s15 =	sadd.s32 s16, s18;
	s16 =	smax.u32 s17, $0x1  }
0x14: {  	s17 =	sadd.s32 $0x4000, s31;
	s18 =	sadd.s32 $0x5DE00, s31;
	s20 =	simm.s32 $0x2  }
.LBB2_1:
0x15: {  	[tilespmem:s19], [sflag:$0x2] =	stream.linear.gather [hbm4b:s5+s4], $0x4000, $0x38;
	[tilespmem:$0x18100] =	vst v63  }
0x16: {  	_ =	swait.ge [sflag:s20], $0x4000  }
0x17: {  	[sflag:s20] =	ssyncset.done $0x0  }
0x18: {  	[sflag:s20] =	ssyncadd.s32 $0xFFFFC000  }
0x19: {  	[spmem:s6] =	stream.linear.scatter [tilespmem:s19], [sflag:$0x2], $0x4000, $0x38;
	[tilespmem:$0x18100] =	vst v63  }
0x1a: {  	_ =	swait.ge [sflag:s20], $0x4000  }
0x1b: {  	[sflag:s20] =	ssyncset.done $0x0  }
0x1c: {  	[sflag:s20] =	ssyncadd.s32 $0xFFFFC000  }
0x1d: {  	[spmem:s7] =	stream.linear.scatter [tilespmem:s19], [sflag:$0x2], $0x4000, $0x38;
	[tilespmem:$0x18100] =	vst v63  }
0x1e: {  	_ =	swait.ge [sflag:s20], $0x4000  }
0x1f: {  	[sflag:s20] =	ssyncset.done $0x0  }
0x20: {  	[sflag:s20] =	ssyncadd.s32 $0xFFFFC000  }
0x21: {  	[spmem:s8] =	stream.linear.scatter [tilespmem:s19], [sflag:$0x2], $0x4000, $0x38;
	[tilespmem:$0x18100] =	vst v63  }
0x22: {  	_ =	swait.ge [sflag:s20], $0x4000  }
0x23: {  	[sflag:s20] =	ssyncset.done $0x0  }
0x24: {  	[sflag:s20] =	ssyncadd.s32 $0xFFFFC000  }
0x25: {  	[spmem:s9] =	stream.linear.scatter [tilespmem:s19], [sflag:$0x2], $0x4000, $0x38;
	[tilespmem:$0x18100] =	vst v63  }
0x26: {  	_ =	swait.ge [sflag:s20], $0x4000  }
0x27: {  	[sflag:s20] =	ssyncset.done $0x0  }
0x28: {  	[sflag:s20] =	ssyncadd.s32 $0xFFFFC000  }
0x29: {  	[spmem:s10] =	stream.linear.scatter [tilespmem:s19], [sflag:$0x2], $0x4000, $0x38;
	[tilespmem:$0x18100] =	vst v63  }
0x2a: {  	_ =	swait.ge [sflag:s20], $0x4000  }
0x2b: {  	[sflag:s20] =	ssyncset.done $0x0  }
0x2c: {  	[sflag:s20] =	ssyncadd.s32 $0xFFFFC000  }
0x2d: {  	s24 =	sadd.s32 $0x0, s18;
	[bflag:$0x0] =	sbarrier.arrive $0xFFFF  }
0x2e: {  	[tilespmem:s4], [sflag:$0x2] =	stream.linear.gather [hbm4b:s24+s4], $0x80, $0x38;
	[tilespmem:$0x18100] =	vst v63  }
0x2f: {  	_ =	swait.ge [sflag:s20], $0x80  }
0x30: {  	[sflag:s20] =	ssyncset.done $0x0  }
0x31: {  	s31 =	sadd.s32 $0x0, s17;
	[sflag:s20] =	ssyncadd.s32 $0xFFFFFF80  }
0x32: {  	[tilespmem:s21], [sflag:$0x2] =	stream.linear.gather [hbm4b:s31+s4], $0x80, $0x38;
	[tilespmem:$0x18100] =	vst v63  }
0x33: {  	_ =	swait.ge [sflag:s20], $0x80  }
0x34: {  	[sflag:s20] =	ssyncset.done $0x0  }
0x35: {  	[sflag:s20] =	ssyncadd.s32 $0xFFFFFF80  }
0x36: {  	[tilespmem:s19], [sflag:$0x1] =	stream.indirect.gather [hbm4b:s1+s21], $0x80, s4, s21, $0xb8;
	[tilespmem:$0x18100] =	vst v63  }
0x37: {  	_ =	swait.ge [sflag:s22], $0x4000  }
0x38: {  	[sflag:s22] =	ssyncset.done $0x0  }
0x39: {  	[sflag:s22] =	ssyncadd.s32 $0xFFFFC000  }
0x3a: {  	[spmem:s2] =	stream.indirect.scatter.add.f32 [tilespmem:s19], [sflag:$0x2], $0x80, s21, s21, $0xb8;
	[tilespmem:$0x18100] =	vst v63  }
0x3b: {  	_ =	swait.ge [sflag:s20], $0x4000  }
0x3c: {  	s25 =	simm.s32 $0x20;
	s24 =	simm.s32 $0x10;
	[sflag:s20] =	ssyncset.done $0x0  }
.LBB2_2:
0x3d: {  	s26 =	sadd.s32 s24, s18  }
0x3e: {  	[sflag:s20] =	ssyncadd.s32 $0xFFFFC000;
	s28 =	smov.u32 s25;
	s29 =	sadd.s32 $0x10, s25  }
0x3f: {  	[tilespmem:s4], [sflag:$0x2] =	stream.linear.gather [hbm4b:s26+s4], $0x80, $0x38;
	[tilespmem:$0x18100] =	vst v63  }
0x40: {  	p0 =	sne.s32 s25, $0x4E0;
	_ =	swait.ge [sflag:s20], $0x80  }
0x41: {  	[sflag:s20] =	ssyncset.done $0x0  }
0x42: {  	s25 =	sadd.s32 s24, s17;
	s24 =	smov.u32 s28;
	[sflag:s20] =	ssyncadd.s32 $0xFFFFFF80  }
0x43: {  	[tilespmem:s21], [sflag:$0x2] =	stream.linear.gather [hbm4b:s25+s4], $0x80, $0x38;
	[tilespmem:$0x18100] =	vst v63  }
0x44: {  	_ =	swait.ge [sflag:s20], $0x80  }
0x45: {  	[sflag:s20] =	ssyncset.done $0x0  }
0x46: {  	[sflag:s20] =	ssyncadd.s32 $0xFFFFFF80  }
0x47: {  	[tilespmem:s19], [sflag:$0x1] =	stream.indirect.gather [hbm4b:s1+s21], $0x80, s4, s21, $0xb8;
	[tilespmem:$0x18100] =	vst v63  }
0x48: {  	_ =	swait.ge [sflag:s22], $0x4000  }
.Ltmp0:
0x49: {  	[sflag:s22] =	ssyncset.done $0x0;
	(pc) =	sbr.rel @p0 .LBB2_2-.Ltmp0, $4  }
0x4a: {  	[sflag:s22] =	ssyncadd.s32 $0xFFFFC000  }
0x4b: {  	[spmem:s2] =	stream.indirect.scatter.add.f32 [tilespmem:s19], [sflag:$0x2], $0x80, s21, s21, $0xb8;
	[tilespmem:$0x18100] =	vst v63  }
0x4c: {  	_ =	swait.ge [sflag:s20], $0x4000  }
0x4d: {  	s25 =	smov.u32 s29;
	[sflag:s20] =	ssyncset.done $0x0  }
0x4e: {  	s25 =	sadd.s32 s24, s18;
	[sflag:s20] =	ssyncadd.s32 $0xFFFFC000  }
0x4f: {  	[tilespmem:s4], [sflag:$0x2] =	stream.linear.gather [hbm4b:s25+s4], $0x80, $0x38;
	[tilespmem:$0x18100] =	vst v63  }
0x50: {  	_ =	swait.ge [sflag:s20], $0x80  }
0x51: {  	[sflag:s20] =	ssyncset.done $0x0  }
0x52: {  	s31 =	sadd.s32 s24, s17;
	[sflag:s20] =	ssyncadd.s32 $0xFFFFFF80  }
0x53: {  	[tilespmem:s21], [sflag:$0x2] =	stream.linear.gather [hbm4b:s31+s4], $0x80, $0x38;
	[tilespmem:$0x18100] =	vst v63  }
0x54: {  	_ =	swait.ge [sflag:s20], $0x80  }
0x55: {  	[sflag:s20] =	ssyncset.done $0x0  }
0x56: {  	[sflag:s20] =	ssyncadd.s32 $0xFFFFFF80  }
0x57: {  	[tilespmem:s19], [sflag:$0x1] =	stream.indirect.gather [hbm4b:s1+s21], $0x80, s4, s21, $0xb8;
	[tilespmem:$0x18100] =	vst v63  }
0x58: {  	_ =	swait.ge [sflag:s22], $0x4000  }
0x59: {  	[sflag:s22] =	ssyncset.done $0x0  }
0x5a: {  	[sflag:s22] =	ssyncadd.s32 $0xFFFFC000  }
0x5b: {  	[spmem:s2] =	stream.indirect.scatter.add.f32 [tilespmem:s19], [sflag:$0x2], $0x80, s21, s21, $0xb8;
	[tilespmem:$0x18100] =	vst v63  }
0x5c: {  	_ =	swait.ge [sflag:s20], $0x4000  }
0x5d: {  	[sflag:s20] =	ssyncset.done $0x0  }
0x5e: {  	[sflag:s20] =	ssyncadd.s32 $0xFFFFC000  }
0x5f: {  	[bflag:$0x0] =	sbarrier.arrive $0xFFFF  }
0x60: {  	[tilespmem:s19], [sflag:$0x2] =	stream.linear.gather [spmem:s6], $0x4000, $0x38;
	[tilespmem:$0x18100] =	vst v63  }
0x61: {  	_ =	swait.ge [sflag:s20], $0x4000  }
0x62: {  	[sflag:s20] =	ssyncset.done $0x0  }
0x63: {  	[sflag:s20] =	ssyncadd.s32 $0xFFFFC000  }
0x64: {  	[hbm4b:s11+s4] =	stream.linear.scatter [tilespmem:s19], [sflag:$0x2], $0x4000, $0x38;
	[tilespmem:$0x18100] =	vst v63  }
0x65: {  	_ =	swait.ge [sflag:s20], $0x4000  }
0x66: {  	[sflag:s20] =	ssyncset.done $0x0  }
0x67: {  	[sflag:s20] =	ssyncadd.s32 $0xFFFFC000  }
0x68: {  	[tilespmem:s19], [sflag:$0x2] =	stream.linear.gather [spmem:s7], $0x4000, $0x38;
	[tilespmem:$0x18100] =	vst v63  }
0x69: {  	_ =	swait.ge [sflag:s20], $0x4000  }
0x6a: {  	[sflag:s20] =	ssyncset.done $0x0  }
0x6b: {  	[sflag:s20] =	ssyncadd.s32 $0xFFFFC000  }
0x6c: {  	[hbm4b:s12+s4] =	stream.linear.scatter [tilespmem:s19], [sflag:$0x2], $0x4000, $0x38;
	[tilespmem:$0x18100] =	vst v63  }
0x6d: {  	_ =	swait.ge [sflag:s20], $0x4000  }
0x6e: {  	[sflag:s20] =	ssyncset.done $0x0  }
0x6f: {  	[sflag:s20] =	ssyncadd.s32 $0xFFFFC000  }
0x70: {  	[tilespmem:s19], [sflag:$0x2] =	stream.linear.gather [spmem:s8], $0x4000, $0x38;
	[tilespmem:$0x18100] =	vst v63  }
0x71: {  	_ =	swait.ge [sflag:s20], $0x4000  }
0x72: {  	[sflag:s20] =	ssyncset.done $0x0  }
0x73: {  	[sflag:s20] =	ssyncadd.s32 $0xFFFFC000  }
0x74: {  	[hbm4b:s13+s4] =	stream.linear.scatter [tilespmem:s19], [sflag:$0x2], $0x4000, $0x38;
	[tilespmem:$0x18100] =	vst v63  }
0x75: {  	_ =	swait.ge [sflag:s20], $0x4000  }
0x76: {  	[sflag:s20] =	ssyncset.done $0x0  }
0x77: {  	[sflag:s20] =	ssyncadd.s32 $0xFFFFC000  }
0x78: {  	[tilespmem:s19], [sflag:$0x2] =	stream.linear.gather [spmem:s9], $0x4000, $0x38;
	[tilespmem:$0x18100] =	vst v63  }
0x79: {  	_ =	swait.ge [sflag:s20], $0x4000  }
0x7a: {  	[sflag:s20] =	ssyncset.done $0x0  }
0x7b: {  	[sflag:s20] =	ssyncadd.s32 $0xFFFFC000  }
0x7c: {  	[hbm4b:s14+s4] =	stream.linear.scatter [tilespmem:s19], [sflag:$0x2], $0x4000, $0x38;
	[tilespmem:$0x18100] =	vst v63  }
0x7d: {  	_ =	swait.ge [sflag:s20], $0x4000  }
0x7e: {  	[sflag:s20] =	ssyncset.done $0x0  }
0x7f: {  	[sflag:s20] =	ssyncadd.s32 $0xFFFFC000  }
0x80: {  	[tilespmem:s19], [sflag:$0x2] =	stream.linear.gather [spmem:s10], $0x4000, $0x38;
	[tilespmem:$0x18100] =	vst v63  }
0x81: {  	s23 =	sadd.s32 $0x1, s23;
	_ =	swait.ge [sflag:s20], $0x4000  }
0x82: {  	p0 =	sne.s32 s23, s16;
	[sflag:s20] =	ssyncset.done $0x0  }
.Ltmp1:
0x83: {  	[sflag:s20] =	ssyncadd.s32 $0xFFFFC000;
	(pc) =	sbr.rel @p0 .LBB2_1-.Ltmp1, $4  }
0x84: {  	[hbm4b:s15+s4] =	stream.linear.scatter [tilespmem:s19], [sflag:$0x2], $0x4000, $0x38;
	[tilespmem:$0x18100] =	vst v63  }
0x85: {  	_ =	swait.ge [sflag:s20], $0x4000  }
0x86: {  	[sflag:s20] =	ssyncset.done $0x0  }
0x87: {  	[sflag:s20] =	ssyncadd.s32 $0xFFFFC000  }
0x88: {  	_ =	sfence.sel $0x180000  }
0x89: {  	[bflag:$0x0] =	sbarrier.arrive $0xFFFF  }
0x8a: {  	p0 =	sne.s32 s3, $0x0;
	_ =	strace $0x9000004A  }
0x8b: {  	s0 =	sadd.s32 @!p0 $0x100000, s0;
	[bflag:$0x2] =	sbarrier.arrive $0xFFFF  }
0x8c: {  	[sflag:s0] =	ssyncadd.tile.s32 @!p0 $0x1;
	_ =	shalt  }
.Lfunc_end2:
_tile_overlayer_lowered:
.L_overlay_start_2:
0x8d: {  	(tag) =	ssettag $0x2  }
0x8e: {  	s0 =	rddreg [dreg:$0x0];
	s2 =	stileid.u32  }
0x8f: {  	s1 =	rddreg [dreg:$0x1];
	p0 =	sne.s32 s2, $0x0  }
0x90: {  	s3 =	rddreg [dreg:$0x2];
	[bflag:$0x3] =	sbarrier.arrive $0xFFFF;
	s2 =	simm.s32 @!p0 $0x1C02  }
0x91: {  	[timem:s3], [sflag:s2] =	dma.local @!p0 [hbm:s0], s1  }
0x92: {  	s0 =	simm.s32 @!p0 $0x2  }
0x93: {  	_ =	swait.ge @!p0 [sflag:s0], s1  }
0x94: {  	s1 =	ssub.s32 @!p0 $0x0, s1;
	[sflag:s0] =	ssyncset.done @!p0 $0x0  }
0x95: {  	[sflag:s0] =	ssyncadd.s32 @!p0 s1  }
0x96: {  	[bflag:$0x3] =	sbarrier.arrive $0xFFFF  }
0x97: {  	_ =	shalt  }

// kernel: kernel.19.cloned.1.call-start
scs
__scs_entry_jumppad:
0x0: {  	(pc) =	sbr.rel $0x88, $3  }
0x1: {  	(tag) =	ssettag $0x0;
	lr =	simm.s32 $0x1  }
0x2: {  	[smem:$0x3F99] =	sst lr;
	_ =	strace $0xD0000000  }
0x3: {  	_ = 	snop  }
0x4: {  	_ = 	snop  }
0x5: {  	_ = 	snop  }
0x6: {  	_ = 	snop  }
0x7: {  	_ = 	snop  }
__scs_overlays_trampoline_lowered:
0x8: {  	[smem:$0x3FA8] =	sst s0  }
0x9: {  	[smem:$0x3FA9] =	sst s1  }
0xa: {  	[smem:$0x3FAA] =	sst s2  }
0xb: {  	[smem:$0x3FAB] =	sst s3  }
0xc: {  	[smem:$0x3FAC] =	sst s4  }
0xd: {  	[smem:$0x3FAD] =	sst s5  }
0xe: {  	[smem:$0x3FAE] =	sst s6  }
0xf: {  	[smem:$0x3FAF] =	sst s7  }
0x10: {  	[smem:$0x3FB0] =	sst s8  }
0x11: {  	[smem:$0x3FB1] =	sst s9;
	s0 =	simm.s32 @!p0 $0x0  }
0x12: {  	s1 =	sld [smem:$0x3F97];
	s0 =	simm.s32 @p0 $0x1  }
0x13: {  	[smem:$0x3FB2] =	sst s0;
	s0 =	simm.s32 @!p1 $0x0  }
0x14: {  	s2 =	sld [smem:$0x3F96];
	s0 =	simm.s32 @p1 $0x1  }
0x15: {  	[smem:$0x3FB3] =	sst s0;
	s0 =	simm.s32 @!p2 $0x0  }
0x16: {  	s3 =	sld [smem:$0x3FDB];
	s0 =	simm.s32 @p2 $0x1  }
0x17: {  	s4 =	simm.s32 $0x1BF5;
	[smem:$0x3FB5] =	sst s0  }
0x18: {  	s0 =	sld [smem:$0x3F98];
	_ =	swait.ge [sflag:s4], $0x0  }
0x19: {  	s7 =	sld [smem:$0x3F99]  }
0x1a: {  	s8 =	sadd.s32 $0xFFFFE003, lr  }
0x1b: {  	s9 =	sadd.s32 $0xFFFFFEF7, lr;
	s5 =	simm.s32 $0xFFFFFFFF;
	p2 =	slt.u32 s8, $0xFFFFF086  }
0x1c: {  	p1 =	slt.u32 s9, $0xF7A;
	s5 =	simm.s32 @!p2 $0x0  }
0x1d: {  	s5 =	simm.s32 @p1 $0x1;
	p0 =	seq.s32 s7, s2  }
0x1e: {  	s7 =	smul.u32 @!p0 $0xF7A, s2;
	p2 =	seq.s32 @!p0 s5, $0x0  }
0x1f: {  	s9 =	smul.u32 $0xF7A, s1;
	s8 =	simm.s32 @!p0 $0x1BF5;
	p2 =	por !p2, p0  }
0x20: {  	[sflag:s8] =	ssyncset.s32 @!p0 $0xFFFFF086;
	s6 =	sadd.s32 @!p0 s3, s7;
	s7 =	simm.s32 @!p0 $0x108  }
0x21: {  	s3 =	sadd.s32 s3, s9;
	s6 =	sadd.s32 @!p0 $0x88, s6;
	s7 =	simm.s32 @p2 $0x1082  }
0x22: {  	[simem:s7], [sflag:s8] =	dma.local @!p0 [hbm:s6], $0xF7A  }
0x23: {  	s9 =	sor.u32 $0xD0000000, s2;
	s6 =	simm.s32 $0x108;
	_ =	swait.ge @!p0 [sflag:s8], $0x0  }
0x24: {  	s3 =	sadd.s32 $0x88, s3;
	s6 =	simm.s32 @!p1 $0x1082;
	[sflag:s4] =	ssyncset.s32 $0xFFFFF086  }
0x25: {  	[simem:s6], [sflag:s4] =	dma.local [hbm:s3], $0xF7A  }
0x26: {  	[smem:$0x3F99] =	sst s1;
	(tag) =	ssettag s2;
	_ =	strace s9  }
0x27: {  	s1 =	sld [smem:$0x3FA9]  }
0x28: {  	s2 =	sld [smem:$0x3FAA]  }
0x29: {  	s4 =	sld [smem:$0x3FAC]  }
0x2a: {  	p0 =	seq.s32 s5, $0x0;
	s5 =	sld [smem:$0x3FAD]  }
0x2b: {  	s6 =	sld [smem:$0x3FAE]  }
0x2c: {  	s7 =	sld [smem:$0x3FAF]  }
0x2d: {  	s3 =	simm.s32 $0x108;
	s8 =	sld [smem:$0x3FB0]  }
0x2e: {  	s3 =	simm.s32 @!p0 $0x1082;
	s9 =	sld [smem:$0x3FB1]  }
0x2f: {  	lr =	sadd.s32 s0, s3;
	s0 =	sld [smem:$0x3FA8]  }
0x30: {  	s3 =	sld [smem:$0x3FAB]  }
0x31: {  	[smem:$0x3FB4] =	sst s10  }
0x32: {  	s10 =	sld [smem:$0x3FB2];
	_ =	sdelay $0x3  }
0x33: {  	p0 =	seq.s32 s10, $0x1;
	s10 =	sld [smem:$0x3FB4];
	_ =	sdelay $0x3  }
0x34: {  	[smem:$0x3FB4] =	sst s10  }
0x35: {  	s10 =	sld [smem:$0x3FB3];
	_ =	sdelay $0x3  }
0x36: {  	p1 =	seq.s32 s10, $0x1;
	s10 =	sld [smem:$0x3FB4];
	_ =	sdelay $0x3  }
0x37: {  	[smem:$0x3FB4] =	sst s10  }
0x38: {  	s10 =	sld [smem:$0x3FB5]  }
0x39: {  	_ = 	snop;
	(pc) =	sbr.ind lr, $3  }
0x3a: {  	_ = 	snop  }
0x3b: {  	_ = 	snop  }
0x3c: {  	p2 =	seq.s32 s10, $0x1;
	s10 =	sld [smem:$0x3FB4]  }
0x3d: {  	_ =	shalt  }
0x3e: {  	_ =	shalt  }
0x3f: {  	_ =	shalt  }
0x40: {  	_ =	shalt  }
0x41: {  	_ =	shalt  }
0x42: {  	_ =	shalt  }
0x43: {  	_ =	shalt  }
0x44: {  	_ =	shalt  }
0x45: {  	_ =	shalt  }
0x46: {  	_ =	shalt  }
0x47: {  	_ =	shalt  }
0x48: {  	_ =	shalt  }
0x49: {  	_ =	shalt  }
0x4a: {  	_ =	shalt  }
0x4b: {  	_ =	shalt  }
0x4c: {  	_ =	shalt  }
0x4d: {  	_ =	shalt  }
0x4e: {  	_ =	shalt  }
0x4f: {  	_ =	shalt  }
0x50: {  	_ =	shalt  }
0x51: {  	_ =	shalt  }
0x52: {  	_ =	shalt  }
0x53: {  	_ =	shalt  }
0x54: {  	_ =	shalt  }
0x55: {  	_ =	shalt  }
0x56: {  	_ =	shalt  }
0x57: {  	_ =	shalt  }
0x58: {  	_ =	shalt  }
0x59: {  	_ =	shalt  }
0x5a: {  	_ =	shalt  }
0x5b: {  	_ =	shalt  }
0x5c: {  	_ =	shalt  }
0x5d: {  	_ =	shalt  }
0x5e: {  	_ =	shalt  }
0x5f: {  	_ =	shalt  }
0x60: {  	_ =	shalt  }
0x61: {  	_ =	shalt  }
0x62: {  	_ =	shalt  }
0x63: {  	_ =	shalt  }
0x64: {  	_ =	shalt  }
0x65: {  	_ =	shalt  }
0x66: {  	_ =	shalt  }
0x67: {  	_ =	shalt  }
0x68: {  	_ =	shalt  }
0x69: {  	_ =	shalt  }
0x6a: {  	_ =	shalt  }
0x6b: {  	_ =	shalt  }
0x6c: {  	_ =	shalt  }
0x6d: {  	_ =	shalt  }
0x6e: {  	_ =	shalt  }
0x6f: {  	_ =	shalt  }
0x70: {  	_ =	shalt  }
0x71: {  	_ =	shalt  }
0x72: {  	_ =	shalt  }
0x73: {  	_ =	shalt  }
0x74: {  	_ =	shalt  }
0x75: {  	_ =	shalt  }
0x76: {  	_ =	shalt  }
0x77: {  	_ =	shalt  }
0x78: {  	_ =	shalt  }
0x79: {  	_ =	shalt  }
0x7a: {  	_ =	shalt  }
0x7b: {  	_ =	shalt  }
0x7c: {  	_ =	shalt  }
0x7d: {  	_ =	shalt  }
0x7e: {  	_ =	shalt  }
0x7f: {  	_ =	shalt  }
0x80: {  	_ =	shalt  }
0x81: {  	_ =	shalt  }
0x82: {  	_ =	shalt  }
0x83: {  	_ =	shalt  }
0x84: {  	_ =	shalt  }
0x85: {  	_ =	shalt  }
0x86: {  	_ =	shalt  }
0x87: {  	_ =	shalt  }
.Lfunc_end0:
.L_simem_size_0:
called_computation.2_lowered:
.L_overlay_start_0:
0x88: {  	s2 =	sld [smem:$0x3FD9]  }
0x89: {  	s3 =	sld [smem:$0x3FFE];
	_ =	sdelay $0x1  }
0x8a: {  	s1 =	srdreg.scid  }
0x8b: {  	s0 =	sand.u32 $0x1, s1  }
0x8c: {  	s17 =	sshll.u32 s0, $0xA;
	s2 =	sadd.s32 s3, s2  }
0x8d: {  	s2 =	sadd.s32 s2, s17  }
0x8e: {  	[smem:$0x3FC0] =	sst s2  }
0x8f: {  	_ = 	snop  }
0x90: {  	s2 =	sld [smem:$0x3FD0];
	(tm) =	ssettm $0x1  }
0x91: {  	s18 =	sld [smem:$0x3FFB];
	_ =	sdelay $0x3  }
0x92: {  	_ =	strace s18  }
0x93: {  	s3 =	sld [smem:$0x3FFC];
	_ =	sdelay $0x3  }
0x94: {  	_ =	strace s3  }
0x95: {  	s3 =	sld [smem:$0x3FFD];
	_ =	sdelay $0x3  }
0x96: {  	_ =	strace s3  }
0x97: {  	_ =	strace $0x8FFFFFFF  }
0x98: {  	s19 =	sld [smem:$0x3FDB];
	_ =	sdelay $0x1  }
0x99: {  	s4 =	simm.s32 $_scs_section_size  }
0x9a: {  	s5 =	simm.s32 $_size__tile_overlayer_lowered;
	s6 =	simm.s32 $_tile_overlayer_lowered  }
0x9b: {  	s22 =	simm.s32 $0x1BFF;
	s21 =	sshll.u32 s6, $0x1;
	s3 =	sadd.s32 s4, s19  }
0x9c: {  	s7 =	simm.s32 $0x0;
	s20 =	sshll.u32 s5, $0x1;
	s5 =	sadd.s32 s21, s3  }
0x9d: {  	[timem:s7], [sflag:s22] =	dma.local [hbm:s5], s20  }
0x9e: {  	_ =	swait.ge [sflag:s22], s20  }
0x9f: {  	s4 =	ssub.s32 $0x0, s20;
	[sflag:s22] =	ssyncset.done $0x0  }
0xa0: {  	[sflag:s22] =	ssyncadd.s32 s4;
	_ =	sdelay $0x1  }
0xa1: {  	s23 =	simm.s32 $0x1B8B  }
0xa2: {  	_ =	swait.ge [sflag:s23], $0x1  }
0xa3: {  	[sflag:s23] =	ssyncset.done $0x0  }
0xa4: {  	s25 =	simm.s32 $0x1B8E;
	s24 =	sld [smem:$0x3FFE];
	[sflag:s23] =	ssyncadd.s32 $0xFFFFFFFF  }
0xa5: {  	s26 =	simm.s32 $execute0_lowered;
	[smem:$0x3FD2] =	sst s25  }
0xa6: {  	s5 =	sshll.u32 s26, $0x1;
	_ =	strace $0x8000004C;
	[dreg:$0x1] =	wrdreg $0xFFFFFFFF  }
0xa7: {  	s28 =	simm.s32 $_size_execute0_lowered;
	s3 =	sadd.s32 s3, s5;
	[dreg:$0x0] =	wrdreg $0x0  }
0xa8: {  	s5 =	sshll.u32 s28, $0x1;
	[dreg:$0x2] =	wrdreg s3  }
0xa9: {  	[dreg:$0x3] =	wrdreg s5  }
0xaa: {  	[dreg:$0x4] =	wrdreg $0xC0  }
0xab: {  	_ =	task [dreg:s7], $0x5FFFF  }
0xac: {  	[dreg:$0x1] =	wrdreg $0xFFFFFFFF  }
0xad: {  	[dreg:$0x0] =	wrdreg $0x60  }
0xae: {  	[dreg:$0x2] =	wrdreg s24  }
0xaf: {  	[dreg:$0x3] =	wrdreg s2  }
0xb0: {  	[dreg:$0x4] =	wrdreg $0x41000  }
0xb1: {  	[dreg:$0x5] =	wrdreg $0x9  }
0xb2: {  	_ =	task.clear_ibuf [dreg:s7], $0x6FFFF;
	_ =	strace $0x9000004C  }
0xb3: {  	s29 =	simm.s32 $0x9;
	_ =	strace $0x8000004E  }
0xb4: {  	_ =	swait.ge [sflag:s29], $0x1  }
0xb5: {  	[sflag:s29] =	ssyncadd.s32 $0xFFFFFFFF  }
0xb6: {  	_ =	strace $0x9000004E  }
0xb7: {  	_ =	sfence  }
0xb8: {  	s30 =	sld [smem:$0x0];
	_ =	sdelay $0x2  }
0xb9: {  	s31 =	sshll.u32 s1, $0xD;
	s1 =	sshrl.u32 s1, $0x2  }
0xba: {  	s3 =	sand.u32 $0x4000, s31;
	s1 =	sadd.s32 s1, s30  }
0xbb: {  	s0 =	sor.u32 s3, s0;
	s1 =	sshll.u32 s1, $0x11  }
0xbc: {  	s0 =	sor.u32 s1, s0  }
0xbd: {  	s0 =	sadd.s32 $0x8F2B, s0  }
0xbe: {  	[sflag:s0] =	ssyncadd.remote.s32 $0x1  }
0xbf: {  	_ =	sfence.sel $0xFFFF  }
0xc0: {  	[dreg:$0x0] =	wrdreg $0xFFFFFFFF;
	(pc) =	sbr.abs _section_cstart, $3  }
0xc1: {  	[dreg:$0x1] =	wrdreg $0xFFFFFFFF  }
0xc2: {  	_ =	task.clear_ibuf [dreg:s7], $0x2FFFF;
	_ =	strace $0x9FFFFFFF  }
0xc3: {  	(tm) =	ssettm $0x7FFFFFFF  }
tec
execute0_lowered:
.L_overlay_start_1:
0x0: {  	(tag) =	ssettag $0x1  }
0x1: {  	s6 =	rddreg [dreg:$0x0]  }
0x2: {  	s1 =	rddreg [dreg:$0x1]  }
0x3: {  	s0 =	srdreg.scid;
	s2 =	rddreg [dreg:$0x2]  }
0x4: {  	s4 =	simm.s32 $0x0;
	s3 =	stileid.u32;
	s21 =	simm.s32 $0x80  }
0x5: {  	s22 =	simm.s32 $0x1;
	s23 =	simm.s32 $0x0;
	s8 =	smul.u32 $0x50000, s3  }
0x6: {  	s7 =	sand.u32 $0x1, s0;
	s0 =	rddreg [dreg:$0x3];
	s10 =	smul.u32 $0x14000, s3  }
0x7: {  	[smem:$0x7FF] =	sst s4;
	s16 =	sadd.s32 $0x68400, s6;
	s30 =	smul.u32 $0x4F0, s3  }
0x8: {  	s5 =	smul.u32 $0x4F00, s7;
	_ =	strace $0x8000004D;
	s9 =	ssub.s32 $0x2, s7  }
0x9: {  	s18 =	smul.u32 $0x140000, s7;
	s29 =	sshrl.u32 s9, $0x1;
	s8 =	sshrl.u32 s8, $0x2  }
0xa: {  	s11 =	sadd.s32 $0x4000, s10;
	s13 =	sadd.s32 $0x8000, s10;
	s14 =	sadd.s32 $0xC000, s10  }
0xb: {  	s19 =	sadd.s32 $0x10000, s10;
	s15 =	sadd.s32 s5, s6;
	s5 =	sadd.s32 $0x67C00, s6  }
0xc: {  	s17 =	ssub.s32 s9, s29;
	s6 =	sadd.s32 s8, s2;
	s7 =	sadd.s32 s11, s2  }
0xd: {  	s8 =	sadd.s32 s13, s2;
	s9 =	sadd.s32 s14, s2;
	s12 =	sadd.s32 s10, s18  }
0xe: {  	s11 =	sadd.s32 s18, s11;
	s10 =	sadd.s32 s19, s2;
	s13 =	sadd.s32 s18, s13  }
0xf: {  	s14 =	sadd.s32 s18, s14;
	s18 =	sadd.s32 s18, s19;
	s19 =	simm.s32 $0x100  }
0x10: {  	s12 =	sshrl.u32 s12, $0x3;
	s20 =	sshrl.u32 s11, $0x3;
	s13 =	sshrl.u32 s13, $0x3  }
0x11: {  	s14 =	sshrl.u32 s14, $0x3;
	s18 =	sshrl.u32 s18, $0x3;
	s31 =	sadd.s32 s30, s15  }
0x12: {  	s11 =	sadd.s32 s16, s12;
	s12 =	sadd.s32 s16, s20;
	s13 =	sadd.s32 s16, s13  }
0x13: {  	s14 =	sadd.s32 s16, s14;
	s15 =	sadd.s32 s16, s18;
	s16 =	smax.u32 s17, $0x1  }
0x14: {  	s17 =	sadd.s32 $0x4000, s31;
	s18 =	sadd.s32 $0x5DE00, s31;
	s20 =	simm.s32 $0x2  }
.LBB2_1:
0x15: {  	[tilespmem:s19], [sflag:$0x2] =	stream.linear.gather [hbm4b:s5+s4], $0x4000, $0x38;
	[tilespmem:$0x18100] =	vst v63  }
0x16: {  	_ =	swait.ge [sflag:s20], $0x4000  }
0x17: {  	[sflag:s20] =	ssyncset.done $0x0  }
0x18: {  	[sflag:s20] =	ssyncadd.s32 $0xFFFFC000  }
0x19: {  	[spmem:s6] =	stream.linear.scatter [tilespmem:s19], [sflag:$0x2], $0x4000, $0x38;
	[tilespmem:$0x18100] =	vst v63  }
0x1a: {  	_ =	swait.ge [sflag:s20], $0x4000  }
0x1b: {  	[sflag:s20] =	ssyncset.done $0x0  }
0x1c: {  	[sflag:s20] =	ssyncadd.s32 $0xFFFFC000  }
0x1d: {  	[spmem:s7] =	stream.linear.scatter [tilespmem:s19], [sflag:$0x2], $0x4000, $0x38;
	[tilespmem:$0x18100] =	vst v63  }
0x1e: {  	_ =	swait.ge [sflag:s20], $0x4000  }
0x1f: {  	[sflag:s20] =	ssyncset.done $0x0  }
0x20: {  	[sflag:s20] =	ssyncadd.s32 $0xFFFFC000  }
0x21: {  	[spmem:s8] =	stream.linear.scatter [tilespmem:s19], [sflag:$0x2], $0x4000, $0x38;
	[tilespmem:$0x18100] =	vst v63  }
0x22: {  	_ =	swait.ge [sflag:s20], $0x4000  }
0x23: {  	[sflag:s20] =	ssyncset.done $0x0  }
0x24: {  	[sflag:s20] =	ssyncadd.s32 $0xFFFFC000  }
0x25: {  	[spmem:s9] =	stream.linear.scatter [tilespmem:s19], [sflag:$0x2], $0x4000, $0x38;
	[tilespmem:$0x18100] =	vst v63  }
0x26: {  	_ =	swait.ge [sflag:s20], $0x4000  }
0x27: {  	[sflag:s20] =	ssyncset.done $0x0  }
0x28: {  	[sflag:s20] =	ssyncadd.s32 $0xFFFFC000  }
0x29: {  	[spmem:s10] =	stream.linear.scatter [tilespmem:s19], [sflag:$0x2], $0x4000, $0x38;
	[tilespmem:$0x18100] =	vst v63  }
0x2a: {  	_ =	swait.ge [sflag:s20], $0x4000  }
0x2b: {  	[sflag:s20] =	ssyncset.done $0x0  }
0x2c: {  	[sflag:s20] =	ssyncadd.s32 $0xFFFFC000  }
0x2d: {  	s24 =	sadd.s32 $0x0, s18;
	[bflag:$0x0] =	sbarrier.arrive $0xFFFF  }
0x2e: {  	[tilespmem:s4], [sflag:$0x2] =	stream.linear.gather [hbm4b:s24+s4], $0x80, $0x38;
	[tilespmem:$0x18100] =	vst v63  }
0x2f: {  	_ =	swait.ge [sflag:s20], $0x80  }
0x30: {  	[sflag:s20] =	ssyncset.done $0x0  }
0x31: {  	s31 =	sadd.s32 $0x0, s17;
	[sflag:s20] =	ssyncadd.s32 $0xFFFFFF80  }
0x32: {  	[tilespmem:s21], [sflag:$0x2] =	stream.linear.gather [hbm4b:s31+s4], $0x80, $0x38;
	[tilespmem:$0x18100] =	vst v63  }
0x33: {  	_ =	swait.ge [sflag:s20], $0x80  }
0x34: {  	[sflag:s20] =	ssyncset.done $0x0  }
0x35: {  	[sflag:s20] =	ssyncadd.s32 $0xFFFFFF80  }
0x36: {  	[tilespmem:s19], [sflag:$0x1] =	stream.indirect.gather [hbm4b:s1+s21], $0x80, s4, s21, $0xb8;
	[tilespmem:$0x18100] =	vst v63  }
0x37: {  	_ =	swait.ge [sflag:s22], $0x4000  }
0x38: {  	[sflag:s22] =	ssyncset.done $0x0  }
0x39: {  	[sflag:s22] =	ssyncadd.s32 $0xFFFFC000  }
0x3a: {  	[spmem:s2] =	stream.indirect.scatter.add.f32 [tilespmem:s19], [sflag:$0x2], $0x80, s21, s21, $0xb8;
	[tilespmem:$0x18100] =	vst v63  }
0x3b: {  	_ =	swait.ge [sflag:s20], $0x4000  }
0x3c: {  	s25 =	simm.s32 $0x20;
	s24 =	simm.s32 $0x10;
	[sflag:s20] =	ssyncset.done $0x0  }
.LBB2_2:
0x3d: {  	s26 =	sadd.s32 s24, s18  }
0x3e: {  	[sflag:s20] =	ssyncadd.s32 $0xFFFFC000;
	s28 =	smov.u32 s25;
	s29 =	sadd.s32 $0x10, s25  }
0x3f: {  	[tilespmem:s4], [sflag:$0x2] =	stream.linear.gather [hbm4b:s26+s4], $0x80, $0x38;
	[tilespmem:$0x18100] =	vst v63  }
0x40: {  	p0 =	sne.s32 s25, $0x4E0;
	_ =	swait.ge [sflag:s20], $0x80  }
0x41: {  	[sflag:s20] =	ssyncset.done $0x0  }
0x42: {  	s25 =	sadd.s32 s24, s17;
	s24 =	smov.u32 s28;
	[sflag:s20] =	ssyncadd.s32 $0xFFFFFF80  }
0x43: {  	[tilespmem:s21], [sflag:$0x2] =	stream.linear.gather [hbm4b:s25+s4], $0x80, $0x38;
	[tilespmem:$0x18100] =	vst v63  }
0x44: {  	_ =	swait.ge [sflag:s20], $0x80  }
0x45: {  	[sflag:s20] =	ssyncset.done $0x0  }
0x46: {  	[sflag:s20] =	ssyncadd.s32 $0xFFFFFF80  }
0x47: {  	[tilespmem:s19], [sflag:$0x1] =	stream.indirect.gather [hbm4b:s1+s21], $0x80, s4, s21, $0xb8;
	[tilespmem:$0x18100] =	vst v63  }
0x48: {  	_ =	swait.ge [sflag:s22], $0x4000  }
.Ltmp0:
0x49: {  	[sflag:s22] =	ssyncset.done $0x0;
	(pc) =	sbr.rel @p0 .LBB2_2-.Ltmp0, $4  }
0x4a: {  	[sflag:s22] =	ssyncadd.s32 $0xFFFFC000  }
0x4b: {  	[spmem:s2] =	stream.indirect.scatter.add.f32 [tilespmem:s19], [sflag:$0x2], $0x80, s21, s21, $0xb8;
	[tilespmem:$0x18100] =	vst v63  }
0x4c: {  	_ =	swait.ge [sflag:s20], $0x4000  }
0x4d: {  	s25 =	smov.u32 s29;
	[sflag:s20] =	ssyncset.done $0x0  }
0x4e: {  	s25 =	sadd.s32 s24, s18;
	[sflag:s20] =	ssyncadd.s32 $0xFFFFC000  }
0x4f: {  	[tilespmem:s4], [sflag:$0x2] =	stream.linear.gather [hbm4b:s25+s4], $0x80, $0x38;
	[tilespmem:$0x18100] =	vst v63  }
0x50: {  	_ =	swait.ge [sflag:s20], $0x80  }
0x51: {  	[sflag:s20] =	ssyncset.done $0x0  }
0x52: {  	s31 =	sadd.s32 s24, s17;
	[sflag:s20] =	ssyncadd.s32 $0xFFFFFF80  }
0x53: {  	[tilespmem:s21], [sflag:$0x2] =	stream.linear.gather [hbm4b:s31+s4], $0x80, $0x38;
	[tilespmem:$0x18100] =	vst v63  }
0x54: {  	_ =	swait.ge [sflag:s20], $0x80  }
0x55: {  	[sflag:s20] =	ssyncset.done $0x0  }
0x56: {  	[sflag:s20] =	ssyncadd.s32 $0xFFFFFF80  }
0x57: {  	[tilespmem:s19], [sflag:$0x1] =	stream.indirect.gather [hbm4b:s1+s21], $0x80, s4, s21, $0xb8;
	[tilespmem:$0x18100] =	vst v63  }
0x58: {  	_ =	swait.ge [sflag:s22], $0x4000  }
0x59: {  	[sflag:s22] =	ssyncset.done $0x0  }
0x5a: {  	[sflag:s22] =	ssyncadd.s32 $0xFFFFC000  }
0x5b: {  	[spmem:s2] =	stream.indirect.scatter.add.f32 [tilespmem:s19], [sflag:$0x2], $0x80, s21, s21, $0xb8;
	[tilespmem:$0x18100] =	vst v63  }
0x5c: {  	_ =	swait.ge [sflag:s20], $0x4000  }
0x5d: {  	[sflag:s20] =	ssyncset.done $0x0  }
0x5e: {  	[sflag:s20] =	ssyncadd.s32 $0xFFFFC000  }
0x5f: {  	[bflag:$0x0] =	sbarrier.arrive $0xFFFF  }
0x60: {  	[tilespmem:s19], [sflag:$0x2] =	stream.linear.gather [spmem:s6], $0x4000, $0x38;
	[tilespmem:$0x18100] =	vst v63  }
0x61: {  	_ =	swait.ge [sflag:s20], $0x4000  }
0x62: {  	[sflag:s20] =	ssyncset.done $0x0  }
0x63: {  	[sflag:s20] =	ssyncadd.s32 $0xFFFFC000  }
0x64: {  	[hbm4b:s11+s4] =	stream.linear.scatter [tilespmem:s19], [sflag:$0x2], $0x4000, $0x38;
	[tilespmem:$0x18100] =	vst v63  }
0x65: {  	_ =	swait.ge [sflag:s20], $0x4000  }
0x66: {  	[sflag:s20] =	ssyncset.done $0x0  }
0x67: {  	[sflag:s20] =	ssyncadd.s32 $0xFFFFC000  }
0x68: {  	[tilespmem:s19], [sflag:$0x2] =	stream.linear.gather [spmem:s7], $0x4000, $0x38;
	[tilespmem:$0x18100] =	vst v63  }
0x69: {  	_ =	swait.ge [sflag:s20], $0x4000  }
0x6a: {  	[sflag:s20] =	ssyncset.done $0x0  }
0x6b: {  	[sflag:s20] =	ssyncadd.s32 $0xFFFFC000  }
0x6c: {  	[hbm4b:s12+s4] =	stream.linear.scatter [tilespmem:s19], [sflag:$0x2], $0x4000, $0x38;
	[tilespmem:$0x18100] =	vst v63  }
0x6d: {  	_ =	swait.ge [sflag:s20], $0x4000  }
0x6e: {  	[sflag:s20] =	ssyncset.done $0x0  }
0x6f: {  	[sflag:s20] =	ssyncadd.s32 $0xFFFFC000  }
0x70: {  	[tilespmem:s19], [sflag:$0x2] =	stream.linear.gather [spmem:s8], $0x4000, $0x38;
	[tilespmem:$0x18100] =	vst v63  }
0x71: {  	_ =	swait.ge [sflag:s20], $0x4000  }
0x72: {  	[sflag:s20] =	ssyncset.done $0x0  }
0x73: {  	[sflag:s20] =	ssyncadd.s32 $0xFFFFC000  }
0x74: {  	[hbm4b:s13+s4] =	stream.linear.scatter [tilespmem:s19], [sflag:$0x2], $0x4000, $0x38;
	[tilespmem:$0x18100] =	vst v63  }
0x75: {  	_ =	swait.ge [sflag:s20], $0x4000  }
0x76: {  	[sflag:s20] =	ssyncset.done $0x0  }
0x77: {  	[sflag:s20] =	ssyncadd.s32 $0xFFFFC000  }
0x78: {  	[tilespmem:s19], [sflag:$0x2] =	stream.linear.gather [spmem:s9], $0x4000, $0x38;
	[tilespmem:$0x18100] =	vst v63  }
0x79: {  	_ =	swait.ge [sflag:s20], $0x4000  }
0x7a: {  	[sflag:s20] =	ssyncset.done $0x0  }
0x7b: {  	[sflag:s20] =	ssyncadd.s32 $0xFFFFC000  }
0x7c: {  	[hbm4b:s14+s4] =	stream.linear.scatter [tilespmem:s19], [sflag:$0x2], $0x4000, $0x38;
	[tilespmem:$0x18100] =	vst v63  }
0x7d: {  	_ =	swait.ge [sflag:s20], $0x4000  }
0x7e: {  	[sflag:s20] =	ssyncset.done $0x0  }
0x7f: {  	[sflag:s20] =	ssyncadd.s32 $0xFFFFC000  }
0x80: {  	[tilespmem:s19], [sflag:$0x2] =	stream.linear.gather [spmem:s10], $0x4000, $0x38;
	[tilespmem:$0x18100] =	vst v63  }
0x81: {  	s23 =	sadd.s32 $0x1, s23;
	_ =	swait.ge [sflag:s20], $0x4000  }
0x82: {  	p0 =	sne.s32 s23, s16;
	[sflag:s20] =	ssyncset.done $0x0  }
.Ltmp1:
0x83: {  	[sflag:s20] =	ssyncadd.s32 $0xFFFFC000;
	(pc) =	sbr.rel @p0 .LBB2_1-.Ltmp1, $4  }
0x84: {  	[hbm4b:s15+s4] =	stream.linear.scatter [tilespmem:s19], [sflag:$0x2], $0x4000, $0x38;
	[tilespmem:$0x18100] =	vst v63  }
0x85: {  	_ =	swait.ge [sflag:s20], $0x4000  }
0x86: {  	[sflag:s20] =	ssyncset.done $0x0  }
0x87: {  	[sflag:s20] =	ssyncadd.s32 $0xFFFFC000  }
0x88: {  	_ =	sfence.sel $0x180000  }
0x89: {  	[bflag:$0x0] =	sbarrier.arrive $0xFFFF  }
0x8a: {  	p0 =	sne.s32 s3, $0x0;
	_ =	strace $0x9000004D  }
0x8b: {  	s0 =	sadd.s32 @!p0 $0x100000, s0;
	[bflag:$0x2] =	sbarrier.arrive $0xFFFF  }
0x8c: {  	[sflag:s0] =	ssyncadd.tile.s32 @!p0 $0x1;
	_ =	shalt  }
.Lfunc_end2:
_tile_overlayer_lowered:
.L_overlay_start_2:
0x8d: {  	(tag) =	ssettag $0x2  }
0x8e: {  	s0 =	rddreg [dreg:$0x0];
	s2 =	stileid.u32  }
0x8f: {  	s1 =	rddreg [dreg:$0x1];
	p0 =	sne.s32 s2, $0x0  }
0x90: {  	s3 =	rddreg [dreg:$0x2];
	[bflag:$0x3] =	sbarrier.arrive $0xFFFF;
	s2 =	simm.s32 @!p0 $0x1C02  }
0x91: {  	[timem:s3], [sflag:s2] =	dma.local @!p0 [hbm:s0], s1  }
0x92: {  	s0 =	simm.s32 @!p0 $0x2  }
0x93: {  	_ =	swait.ge @!p0 [sflag:s0], s1  }
0x94: {  	s1 =	ssub.s32 @!p0 $0x0, s1;
	[sflag:s0] =	ssyncset.done @!p0 $0x0  }
0x95: {  	[sflag:s0] =	ssyncadd.s32 @!p0 s1  }
0x96: {  	[bflag:$0x3] =	sbarrier.arrive $0xFFFF  }
0x97: {  	_ =	shalt  }

// kernel: kernel.22.cloned.1.call-start
scs
__scs_entry_jumppad:
0x0: {  	(pc) =	sbr.rel $0x88, $3  }
0x1: {  	(tag) =	ssettag $0x0;
	lr =	simm.s32 $0x1  }
0x2: {  	[smem:$0x3F99] =	sst lr;
	_ =	strace $0xD0000000  }
0x3: {  	_ = 	snop  }
0x4: {  	_ = 	snop  }
0x5: {  	_ = 	snop  }
0x6: {  	_ = 	snop  }
0x7: {  	_ = 	snop  }
__scs_overlays_trampoline_lowered:
0x8: {  	[smem:$0x3FA8] =	sst s0  }
0x9: {  	[smem:$0x3FA9] =	sst s1  }
0xa: {  	[smem:$0x3FAA] =	sst s2  }
0xb: {  	[smem:$0x3FAB] =	sst s3  }
0xc: {  	[smem:$0x3FAC] =	sst s4  }
0xd: {  	[smem:$0x3FAD] =	sst s5  }
0xe: {  	[smem:$0x3FAE] =	sst s6  }
0xf: {  	[smem:$0x3FAF] =	sst s7  }
0x10: {  	[smem:$0x3FB0] =	sst s8  }
0x11: {  	[smem:$0x3FB1] =	sst s9;
	s0 =	simm.s32 @!p0 $0x0  }
0x12: {  	s1 =	sld [smem:$0x3F97];
	s0 =	simm.s32 @p0 $0x1  }
0x13: {  	[smem:$0x3FB2] =	sst s0;
	s0 =	simm.s32 @!p1 $0x0  }
0x14: {  	s2 =	sld [smem:$0x3F96];
	s0 =	simm.s32 @p1 $0x1  }
0x15: {  	[smem:$0x3FB3] =	sst s0;
	s0 =	simm.s32 @!p2 $0x0  }
0x16: {  	s3 =	sld [smem:$0x3FDB];
	s0 =	simm.s32 @p2 $0x1  }
0x17: {  	s4 =	simm.s32 $0x1BF5;
	[smem:$0x3FB5] =	sst s0  }
0x18: {  	s0 =	sld [smem:$0x3F98];
	_ =	swait.ge [sflag:s4], $0x0  }
0x19: {  	s7 =	sld [smem:$0x3F99]  }
0x1a: {  	s8 =	sadd.s32 $0xFFFFE003, lr  }
0x1b: {  	s9 =	sadd.s32 $0xFFFFFEF7, lr;
	s5 =	simm.s32 $0xFFFFFFFF;
	p2 =	slt.u32 s8, $0xFFFFF086  }
0x1c: {  	p1 =	slt.u32 s9, $0xF7A;
	s5 =	simm.s32 @!p2 $0x0  }
0x1d: {  	s5 =	simm.s32 @p1 $0x1;
	p0 =	seq.s32 s7, s2  }
0x1e: {  	s7 =	smul.u32 @!p0 $0xF7A, s2;
	p2 =	seq.s32 @!p0 s5, $0x0  }
0x1f: {  	s9 =	smul.u32 $0xF7A, s1;
	s8 =	simm.s32 @!p0 $0x1BF5;
	p2 =	por !p2, p0  }
0x20: {  	[sflag:s8] =	ssyncset.s32 @!p0 $0xFFFFF086;
	s6 =	sadd.s32 @!p0 s3, s7;
	s7 =	simm.s32 @!p0 $0x108  }
0x21: {  	s3 =	sadd.s32 s3, s9;
	s6 =	sadd.s32 @!p0 $0x88, s6;
	s7 =	simm.s32 @p2 $0x1082  }
0x22: {  	[simem:s7], [sflag:s8] =	dma.local @!p0 [hbm:s6], $0xF7A  }
0x23: {  	s9 =	sor.u32 $0xD0000000, s2;
	s6 =	simm.s32 $0x108;
	_ =	swait.ge @!p0 [sflag:s8], $0x0  }
0x24: {  	s3 =	sadd.s32 $0x88, s3;
	s6 =	simm.s32 @!p1 $0x1082;
	[sflag:s4] =	ssyncset.s32 $0xFFFFF086  }
0x25: {  	[simem:s6], [sflag:s4] =	dma.local [hbm:s3], $0xF7A  }
0x26: {  	[smem:$0x3F99] =	sst s1;
	(tag) =	ssettag s2;
	_ =	strace s9  }
0x27: {  	s1 =	sld [smem:$0x3FA9]  }
0x28: {  	s2 =	sld [smem:$0x3FAA]  }
0x29: {  	s4 =	sld [smem:$0x3FAC]  }
0x2a: {  	p0 =	seq.s32 s5, $0x0;
	s5 =	sld [smem:$0x3FAD]  }
0x2b: {  	s6 =	sld [smem:$0x3FAE]  }
0x2c: {  	s7 =	sld [smem:$0x3FAF]  }
0x2d: {  	s3 =	simm.s32 $0x108;
	s8 =	sld [smem:$0x3FB0]  }
0x2e: {  	s3 =	simm.s32 @!p0 $0x1082;
	s9 =	sld [smem:$0x3FB1]  }
0x2f: {  	lr =	sadd.s32 s0, s3;
	s0 =	sld [smem:$0x3FA8]  }
0x30: {  	s3 =	sld [smem:$0x3FAB]  }
0x31: {  	[smem:$0x3FB4] =	sst s10  }
0x32: {  	s10 =	sld [smem:$0x3FB2];
	_ =	sdelay $0x3  }
0x33: {  	p0 =	seq.s32 s10, $0x1;
	s10 =	sld [smem:$0x3FB4];
	_ =	sdelay $0x3  }
0x34: {  	[smem:$0x3FB4] =	sst s10  }
0x35: {  	s10 =	sld [smem:$0x3FB3];
	_ =	sdelay $0x3  }
0x36: {  	p1 =	seq.s32 s10, $0x1;
	s10 =	sld [smem:$0x3FB4];
	_ =	sdelay $0x3  }
0x37: {  	[smem:$0x3FB4] =	sst s10  }
0x38: {  	s10 =	sld [smem:$0x3FB5]  }
0x39: {  	_ = 	snop;
	(pc) =	sbr.ind lr, $3  }
0x3a: {  	_ = 	snop  }
0x3b: {  	_ = 	snop  }
0x3c: {  	p2 =	seq.s32 s10, $0x1;
	s10 =	sld [smem:$0x3FB4]  }
0x3d: {  	_ =	shalt  }
0x3e: {  	_ =	shalt  }
0x3f: {  	_ =	shalt  }
0x40: {  	_ =	shalt  }
0x41: {  	_ =	shalt  }
0x42: {  	_ =	shalt  }
0x43: {  	_ =	shalt  }
0x44: {  	_ =	shalt  }
0x45: {  	_ =	shalt  }
0x46: {  	_ =	shalt  }
0x47: {  	_ =	shalt  }
0x48: {  	_ =	shalt  }
0x49: {  	_ =	shalt  }
0x4a: {  	_ =	shalt  }
0x4b: {  	_ =	shalt  }
0x4c: {  	_ =	shalt  }
0x4d: {  	_ =	shalt  }
0x4e: {  	_ =	shalt  }
0x4f: {  	_ =	shalt  }
0x50: {  	_ =	shalt  }
0x51: {  	_ =	shalt  }
0x52: {  	_ =	shalt  }
0x53: {  	_ =	shalt  }
0x54: {  	_ =	shalt  }
0x55: {  	_ =	shalt  }
0x56: {  	_ =	shalt  }
0x57: {  	_ =	shalt  }
0x58: {  	_ =	shalt  }
0x59: {  	_ =	shalt  }
0x5a: {  	_ =	shalt  }
0x5b: {  	_ =	shalt  }
0x5c: {  	_ =	shalt  }
0x5d: {  	_ =	shalt  }
0x5e: {  	_ =	shalt  }
0x5f: {  	_ =	shalt  }
0x60: {  	_ =	shalt  }
0x61: {  	_ =	shalt  }
0x62: {  	_ =	shalt  }
0x63: {  	_ =	shalt  }
0x64: {  	_ =	shalt  }
0x65: {  	_ =	shalt  }
0x66: {  	_ =	shalt  }
0x67: {  	_ =	shalt  }
0x68: {  	_ =	shalt  }
0x69: {  	_ =	shalt  }
0x6a: {  	_ =	shalt  }
0x6b: {  	_ =	shalt  }
0x6c: {  	_ =	shalt  }
0x6d: {  	_ =	shalt  }
0x6e: {  	_ =	shalt  }
0x6f: {  	_ =	shalt  }
0x70: {  	_ =	shalt  }
0x71: {  	_ =	shalt  }
0x72: {  	_ =	shalt  }
0x73: {  	_ =	shalt  }
0x74: {  	_ =	shalt  }
0x75: {  	_ =	shalt  }
0x76: {  	_ =	shalt  }
0x77: {  	_ =	shalt  }
0x78: {  	_ =	shalt  }
0x79: {  	_ =	shalt  }
0x7a: {  	_ =	shalt  }
0x7b: {  	_ =	shalt  }
0x7c: {  	_ =	shalt  }
0x7d: {  	_ =	shalt  }
0x7e: {  	_ =	shalt  }
0x7f: {  	_ =	shalt  }
0x80: {  	_ =	shalt  }
0x81: {  	_ =	shalt  }
0x82: {  	_ =	shalt  }
0x83: {  	_ =	shalt  }
0x84: {  	_ =	shalt  }
0x85: {  	_ =	shalt  }
0x86: {  	_ =	shalt  }
0x87: {  	_ =	shalt  }
.Lfunc_end0:
.L_simem_size_0:
called_computation.3_lowered:
.L_overlay_start_0:
0x88: {  	s2 =	sld [smem:$0x3FD9]  }
0x89: {  	s3 =	sld [smem:$0x3FFE];
	_ =	sdelay $0x1  }
0x8a: {  	s1 =	srdreg.scid  }
0x8b: {  	s0 =	sand.u32 $0x1, s1  }
0x8c: {  	s17 =	sshll.u32 s0, $0xA;
	s2 =	sadd.s32 s3, s2  }
0x8d: {  	s2 =	sadd.s32 s2, s17  }
0x8e: {  	[smem:$0x3FC0] =	sst s2  }
0x8f: {  	_ = 	snop  }
0x90: {  	s2 =	sld [smem:$0x3FD0];
	(tm) =	ssettm $0x1  }
0x91: {  	s18 =	sld [smem:$0x3FFB];
	_ =	sdelay $0x3  }
0x92: {  	_ =	strace s18  }
0x93: {  	s3 =	sld [smem:$0x3FFC];
	_ =	sdelay $0x3  }
0x94: {  	_ =	strace s3  }
0x95: {  	s3 =	sld [smem:$0x3FFD];
	_ =	sdelay $0x3  }
0x96: {  	_ =	strace s3  }
0x97: {  	_ =	strace $0x8FFFFFFF  }
0x98: {  	s19 =	sld [smem:$0x3FDB];
	_ =	sdelay $0x1  }
0x99: {  	s4 =	simm.s32 $_scs_section_size  }
0x9a: {  	s5 =	simm.s32 $_size__tile_overlayer_lowered;
	s6 =	simm.s32 $_tile_overlayer_lowered  }
0x9b: {  	s22 =	simm.s32 $0x1BFF;
	s21 =	sshll.u32 s6, $0x1;
	s3 =	sadd.s32 s4, s19  }
0x9c: {  	s7 =	simm.s32 $0x0;
	s20 =	sshll.u32 s5, $0x1;
	s5 =	sadd.s32 s21, s3  }
0x9d: {  	[timem:s7], [sflag:s22] =	dma.local [hbm:s5], s20  }
0x9e: {  	_ =	swait.ge [sflag:s22], s20  }
0x9f: {  	s4 =	ssub.s32 $0x0, s20;
	[sflag:s22] =	ssyncset.done $0x0  }
0xa0: {  	[sflag:s22] =	ssyncadd.s32 s4;
	_ =	sdelay $0x1  }
0xa1: {  	s23 =	simm.s32 $0x1B8B  }
0xa2: {  	_ =	swait.ge [sflag:s23], $0x1  }
0xa3: {  	[sflag:s23] =	ssyncset.done $0x0  }
0xa4: {  	s25 =	simm.s32 $0x1B8E;
	s24 =	sld [smem:$0x3FFE];
	[sflag:s23] =	ssyncadd.s32 $0xFFFFFFFF  }
0xa5: {  	s26 =	simm.s32 $execute0_lowered;
	[smem:$0x3FD2] =	sst s25  }
0xa6: {  	s5 =	sshll.u32 s26, $0x1;
	_ =	strace $0x8000004F;
	[dreg:$0x1] =	wrdreg $0xFFFFFFFF  }
0xa7: {  	s28 =	simm.s32 $_size_execute0_lowered;
	s3 =	sadd.s32 s3, s5;
	[dreg:$0x0] =	wrdreg $0x0  }
0xa8: {  	s5 =	sshll.u32 s28, $0x1;
	[dreg:$0x2] =	wrdreg s3  }
0xa9: {  	[dreg:$0x3] =	wrdreg s5  }
0xaa: {  	[dreg:$0x4] =	wrdreg $0xC0  }
0xab: {  	_ =	task [dreg:s7], $0x5FFFF  }
0xac: {  	[dreg:$0x1] =	wrdreg $0xFFFFFFFF  }
0xad: {  	[dreg:$0x0] =	wrdreg $0x60  }
0xae: {  	[dreg:$0x2] =	wrdreg s24  }
0xaf: {  	[dreg:$0x3] =	wrdreg s2  }
0xb0: {  	[dreg:$0x4] =	wrdreg $0x41000  }
0xb1: {  	[dreg:$0x5] =	wrdreg $0x9  }
0xb2: {  	_ =	task.clear_ibuf [dreg:s7], $0x6FFFF;
	_ =	strace $0x9000004F  }
0xb3: {  	s29 =	simm.s32 $0x9;
	_ =	strace $0x80000051  }
0xb4: {  	_ =	swait.ge [sflag:s29], $0x1  }
0xb5: {  	[sflag:s29] =	ssyncadd.s32 $0xFFFFFFFF  }
0xb6: {  	_ =	strace $0x90000051  }
0xb7: {  	_ =	sfence  }
0xb8: {  	s30 =	sld [smem:$0x0];
	_ =	sdelay $0x2  }
0xb9: {  	s31 =	sshll.u32 s1, $0xD;
	s1 =	sshrl.u32 s1, $0x2  }
0xba: {  	s3 =	sand.u32 $0x4000, s31;
	s1 =	sadd.s32 s1, s30  }
0xbb: {  	s0 =	sor.u32 s3, s0;
	s1 =	sshll.u32 s1, $0x11  }
0xbc: {  	s0 =	sor.u32 s1, s0  }
0xbd: {  	s0 =	sadd.s32 $0x8F2B, s0  }
0xbe: {  	[sflag:s0] =	ssyncadd.remote.s32 $0x1  }
0xbf: {  	_ =	sfence.sel $0xFFFF  }
0xc0: {  	[dreg:$0x0] =	wrdreg $0xFFFFFFFF;
	(pc) =	sbr.abs _section_cstart, $3  }
0xc1: {  	[dreg:$0x1] =	wrdreg $0xFFFFFFFF  }
0xc2: {  	_ =	task.clear_ibuf [dreg:s7], $0x2FFFF;
	_ =	strace $0x9FFFFFFF  }
0xc3: {  	(tm) =	ssettm $0x7FFFFFFF  }
tec
execute0_lowered:
.L_overlay_start_1:
0x0: {  	(tag) =	ssettag $0x1  }
0x1: {  	s6 =	rddreg [dreg:$0x0]  }
0x2: {  	s1 =	rddreg [dreg:$0x1]  }
0x3: {  	s0 =	srdreg.scid;
	s2 =	rddreg [dreg:$0x2]  }
0x4: {  	s4 =	simm.s32 $0x0;
	s3 =	stileid.u32;
	s21 =	simm.s32 $0x80  }
0x5: {  	s22 =	simm.s32 $0x1;
	s23 =	simm.s32 $0x0;
	s8 =	smul.u32 $0x50000, s3  }
0x6: {  	s7 =	sand.u32 $0x1, s0;
	s0 =	rddreg [dreg:$0x3];
	s10 =	smul.u32 $0x14000, s3  }
0x7: {  	[smem:$0x7FF] =	sst s4;
	s16 =	sadd.s32 $0x68400, s6;
	s30 =	smul.u32 $0x4F0, s3  }
0x8: {  	s5 =	smul.u32 $0x4F00, s7;
	_ =	strace $0x80000050;
	s9 =	ssub.s32 $0x2, s7  }
0x9: {  	s18 =	smul.u32 $0x140000, s7;
	s29 =	sshrl.u32 s9, $0x1;
	s8 =	sshrl.u32 s8, $0x2  }
0xa: {  	s11 =	sadd.s32 $0x4000, s10;
	s13 =	sadd.s32 $0x8000, s10;
	s14 =	sadd.s32 $0xC000, s10  }
0xb: {  	s19 =	sadd.s32 $0x10000, s10;
	s15 =	sadd.s32 s5, s6;
	s5 =	sadd.s32 $0x67C00, s6  }
0xc: {  	s17 =	ssub.s32 s9, s29;
	s6 =	sadd.s32 s8, s2;
	s7 =	sadd.s32 s11, s2  }
0xd: {  	s8 =	sadd.s32 s13, s2;
	s9 =	sadd.s32 s14, s2;
	s12 =	sadd.s32 s10, s18  }
0xe: {  	s11 =	sadd.s32 s18, s11;
	s10 =	sadd.s32 s19, s2;
	s13 =	sadd.s32 s18, s13  }
0xf: {  	s14 =	sadd.s32 s18, s14;
	s18 =	sadd.s32 s18, s19;
	s19 =	simm.s32 $0x100  }
0x10: {  	s12 =	sshrl.u32 s12, $0x3;
	s20 =	sshrl.u32 s11, $0x3;
	s13 =	sshrl.u32 s13, $0x3  }
0x11: {  	s14 =	sshrl.u32 s14, $0x3;
	s18 =	sshrl.u32 s18, $0x3;
	s31 =	sadd.s32 s30, s15  }
0x12: {  	s11 =	sadd.s32 s16, s12;
	s12 =	sadd.s32 s16, s20;
	s13 =	sadd.s32 s16, s13  }
0x13: {  	s14 =	sadd.s32 s16, s14;
	s15 =	sadd.s32 s16, s18;
	s16 =	smax.u32 s17, $0x1  }
0x14: {  	s17 =	sadd.s32 $0x4000, s31;
	s18 =	sadd.s32 $0x5DE00, s31;
	s20 =	simm.s32 $0x2  }
.LBB2_1:
0x15: {  	[tilespmem:s19], [sflag:$0x2] =	stream.linear.gather [hbm4b:s5+s4], $0x4000, $0x38;
	[tilespmem:$0x18100] =	vst v63  }
0x16: {  	_ =	swait.ge [sflag:s20], $0x4000  }
0x17: {  	[sflag:s20] =	ssyncset.done $0x0  }
0x18: {  	[sflag:s20] =	ssyncadd.s32 $0xFFFFC000  }
0x19: {  	[spmem:s6] =	stream.linear.scatter [tilespmem:s19], [sflag:$0x2], $0x4000, $0x38;
	[tilespmem:$0x18100] =	vst v63  }
0x1a: {  	_ =	swait.ge [sflag:s20], $0x4000  }
0x1b: {  	[sflag:s20] =	ssyncset.done $0x0  }
0x1c: {  	[sflag:s20] =	ssyncadd.s32 $0xFFFFC000  }
0x1d: {  	[spmem:s7] =	stream.linear.scatter [tilespmem:s19], [sflag:$0x2], $0x4000, $0x38;
	[tilespmem:$0x18100] =	vst v63  }
0x1e: {  	_ =	swait.ge [sflag:s20], $0x4000  }
0x1f: {  	[sflag:s20] =	ssyncset.done $0x0  }
0x20: {  	[sflag:s20] =	ssyncadd.s32 $0xFFFFC000  }
0x21: {  	[spmem:s8] =	stream.linear.scatter [tilespmem:s19], [sflag:$0x2], $0x4000, $0x38;
	[tilespmem:$0x18100] =	vst v63  }
0x22: {  	_ =	swait.ge [sflag:s20], $0x4000  }
0x23: {  	[sflag:s20] =	ssyncset.done $0x0  }
0x24: {  	[sflag:s20] =	ssyncadd.s32 $0xFFFFC000  }
0x25: {  	[spmem:s9] =	stream.linear.scatter [tilespmem:s19], [sflag:$0x2], $0x4000, $0x38;
	[tilespmem:$0x18100] =	vst v63  }
0x26: {  	_ =	swait.ge [sflag:s20], $0x4000  }
0x27: {  	[sflag:s20] =	ssyncset.done $0x0  }
0x28: {  	[sflag:s20] =	ssyncadd.s32 $0xFFFFC000  }
0x29: {  	[spmem:s10] =	stream.linear.scatter [tilespmem:s19], [sflag:$0x2], $0x4000, $0x38;
	[tilespmem:$0x18100] =	vst v63  }
0x2a: {  	_ =	swait.ge [sflag:s20], $0x4000  }
0x2b: {  	[sflag:s20] =	ssyncset.done $0x0  }
0x2c: {  	[sflag:s20] =	ssyncadd.s32 $0xFFFFC000  }
0x2d: {  	s24 =	sadd.s32 $0x0, s18;
	[bflag:$0x0] =	sbarrier.arrive $0xFFFF  }
0x2e: {  	[tilespmem:s4], [sflag:$0x2] =	stream.linear.gather [hbm4b:s24+s4], $0x80, $0x38;
	[tilespmem:$0x18100] =	vst v63  }
0x2f: {  	_ =	swait.ge [sflag:s20], $0x80  }
0x30: {  	[sflag:s20] =	ssyncset.done $0x0  }
0x31: {  	s31 =	sadd.s32 $0x0, s17;
	[sflag:s20] =	ssyncadd.s32 $0xFFFFFF80  }
0x32: {  	[tilespmem:s21], [sflag:$0x2] =	stream.linear.gather [hbm4b:s31+s4], $0x80, $0x38;
	[tilespmem:$0x18100] =	vst v63  }
0x33: {  	_ =	swait.ge [sflag:s20], $0x80  }
0x34: {  	[sflag:s20] =	ssyncset.done $0x0  }
0x35: {  	[sflag:s20] =	ssyncadd.s32 $0xFFFFFF80  }
0x36: {  	[tilespmem:s19], [sflag:$0x1] =	stream.indirect.gather [hbm4b:s1+s21], $0x80, s4, s21, $0xb8;
	[tilespmem:$0x18100] =	vst v63  }
0x37: {  	_ =	swait.ge [sflag:s22], $0x4000  }
0x38: {  	[sflag:s22] =	ssyncset.done $0x0  }
0x39: {  	[sflag:s22] =	ssyncadd.s32 $0xFFFFC000  }
0x3a: {  	[spmem:s2] =	stream.indirect.scatter.add.f32 [tilespmem:s19], [sflag:$0x2], $0x80, s21, s21, $0xb8;
	[tilespmem:$0x18100] =	vst v63  }
0x3b: {  	_ =	swait.ge [sflag:s20], $0x4000  }
0x3c: {  	s25 =	simm.s32 $0x20;
	s24 =	simm.s32 $0x10;
	[sflag:s20] =	ssyncset.done $0x0  }
.LBB2_2:
0x3d: {  	s26 =	sadd.s32 s24, s18  }
0x3e: {  	[sflag:s20] =	ssyncadd.s32 $0xFFFFC000;
	s28 =	smov.u32 s25;
	s29 =	sadd.s32 $0x10, s25  }
0x3f: {  	[tilespmem:s4], [sflag:$0x2] =	stream.linear.gather [hbm4b:s26+s4], $0x80, $0x38;
	[tilespmem:$0x18100] =	vst v63  }
0x40: {  	p0 =	sne.s32 s25, $0x4E0;
	_ =	swait.ge [sflag:s20], $0x80  }
0x41: {  	[sflag:s20] =	ssyncset.done $0x0  }
0x42: {  	s25 =	sadd.s32 s24, s17;
	s24 =	smov.u32 s28;
	[sflag:s20] =	ssyncadd.s32 $0xFFFFFF80  }
0x43: {  	[tilespmem:s21], [sflag:$0x2] =	stream.linear.gather [hbm4b:s25+s4], $0x80, $0x38;
	[tilespmem:$0x18100] =	vst v63  }
0x44: {  	_ =	swait.ge [sflag:s20], $0x80  }
0x45: {  	[sflag:s20] =	ssyncset.done $0x0  }
0x46: {  	[sflag:s20] =	ssyncadd.s32 $0xFFFFFF80  }
0x47: {  	[tilespmem:s19], [sflag:$0x1] =	stream.indirect.gather [hbm4b:s1+s21], $0x80, s4, s21, $0xb8;
	[tilespmem:$0x18100] =	vst v63  }
0x48: {  	_ =	swait.ge [sflag:s22], $0x4000  }
.Ltmp0:
0x49: {  	[sflag:s22] =	ssyncset.done $0x0;
	(pc) =	sbr.rel @p0 .LBB2_2-.Ltmp0, $4  }
0x4a: {  	[sflag:s22] =	ssyncadd.s32 $0xFFFFC000  }
0x4b: {  	[spmem:s2] =	stream.indirect.scatter.add.f32 [tilespmem:s19], [sflag:$0x2], $0x80, s21, s21, $0xb8;
	[tilespmem:$0x18100] =	vst v63  }
0x4c: {  	_ =	swait.ge [sflag:s20], $0x4000  }
0x4d: {  	s25 =	smov.u32 s29;
	[sflag:s20] =	ssyncset.done $0x0  }
0x4e: {  	s25 =	sadd.s32 s24, s18;
	[sflag:s20] =	ssyncadd.s32 $0xFFFFC000  }
0x4f: {  	[tilespmem:s4], [sflag:$0x2] =	stream.linear.gather [hbm4b:s25+s4], $0x80, $0x38;
	[tilespmem:$0x18100] =	vst v63  }
0x50: {  	_ =	swait.ge [sflag:s20], $0x80  }
0x51: {  	[sflag:s20] =	ssyncset.done $0x0  }
0x52: {  	s31 =	sadd.s32 s24, s17;
	[sflag:s20] =	ssyncadd.s32 $0xFFFFFF80  }
0x53: {  	[tilespmem:s21], [sflag:$0x2] =	stream.linear.gather [hbm4b:s31+s4], $0x80, $0x38;
	[tilespmem:$0x18100] =	vst v63  }
0x54: {  	_ =	swait.ge [sflag:s20], $0x80  }
0x55: {  	[sflag:s20] =	ssyncset.done $0x0  }
0x56: {  	[sflag:s20] =	ssyncadd.s32 $0xFFFFFF80  }
0x57: {  	[tilespmem:s19], [sflag:$0x1] =	stream.indirect.gather [hbm4b:s1+s21], $0x80, s4, s21, $0xb8;
	[tilespmem:$0x18100] =	vst v63  }
0x58: {  	_ =	swait.ge [sflag:s22], $0x4000  }
0x59: {  	[sflag:s22] =	ssyncset.done $0x0  }
0x5a: {  	[sflag:s22] =	ssyncadd.s32 $0xFFFFC000  }
0x5b: {  	[spmem:s2] =	stream.indirect.scatter.add.f32 [tilespmem:s19], [sflag:$0x2], $0x80, s21, s21, $0xb8;
	[tilespmem:$0x18100] =	vst v63  }
0x5c: {  	_ =	swait.ge [sflag:s20], $0x4000  }
0x5d: {  	[sflag:s20] =	ssyncset.done $0x0  }
0x5e: {  	[sflag:s20] =	ssyncadd.s32 $0xFFFFC000  }
0x5f: {  	[bflag:$0x0] =	sbarrier.arrive $0xFFFF  }
0x60: {  	[tilespmem:s19], [sflag:$0x2] =	stream.linear.gather [spmem:s6], $0x4000, $0x38;
	[tilespmem:$0x18100] =	vst v63  }
0x61: {  	_ =	swait.ge [sflag:s20], $0x4000  }
0x62: {  	[sflag:s20] =	ssyncset.done $0x0  }
0x63: {  	[sflag:s20] =	ssyncadd.s32 $0xFFFFC000  }
0x64: {  	[hbm4b:s11+s4] =	stream.linear.scatter [tilespmem:s19], [sflag:$0x2], $0x4000, $0x38;
	[tilespmem:$0x18100] =	vst v63  }
0x65: {  	_ =	swait.ge [sflag:s20], $0x4000  }
0x66: {  	[sflag:s20] =	ssyncset.done $0x0  }
0x67: {  	[sflag:s20] =	ssyncadd.s32 $0xFFFFC000  }
0x68: {  	[tilespmem:s19], [sflag:$0x2] =	stream.linear.gather [spmem:s7], $0x4000, $0x38;
	[tilespmem:$0x18100] =	vst v63  }
0x69: {  	_ =	swait.ge [sflag:s20], $0x4000  }
0x6a: {  	[sflag:s20] =	ssyncset.done $0x0  }
0x6b: {  	[sflag:s20] =	ssyncadd.s32 $0xFFFFC000  }
0x6c: {  	[hbm4b:s12+s4] =	stream.linear.scatter [tilespmem:s19], [sflag:$0x2], $0x4000, $0x38;
	[tilespmem:$0x18100] =	vst v63  }
0x6d: {  	_ =	swait.ge [sflag:s20], $0x4000  }
0x6e: {  	[sflag:s20] =	ssyncset.done $0x0  }
0x6f: {  	[sflag:s20] =	ssyncadd.s32 $0xFFFFC000  }
0x70: {  	[tilespmem:s19], [sflag:$0x2] =	stream.linear.gather [spmem:s8], $0x4000, $0x38;
	[tilespmem:$0x18100] =	vst v63  }
0x71: {  	_ =	swait.ge [sflag:s20], $0x4000  }
0x72: {  	[sflag:s20] =	ssyncset.done $0x0  }
0x73: {  	[sflag:s20] =	ssyncadd.s32 $0xFFFFC000  }
0x74: {  	[hbm4b:s13+s4] =	stream.linear.scatter [tilespmem:s19], [sflag:$0x2], $0x4000, $0x38;
	[tilespmem:$0x18100] =	vst v63  }
0x75: {  	_ =	swait.ge [sflag:s20], $0x4000  }
0x76: {  	[sflag:s20] =	ssyncset.done $0x0  }
0x77: {  	[sflag:s20] =	ssyncadd.s32 $0xFFFFC000  }
0x78: {  	[tilespmem:s19], [sflag:$0x2] =	stream.linear.gather [spmem:s9], $0x4000, $0x38;
	[tilespmem:$0x18100] =	vst v63  }
0x79: {  	_ =	swait.ge [sflag:s20], $0x4000  }
0x7a: {  	[sflag:s20] =	ssyncset.done $0x0  }
0x7b: {  	[sflag:s20] =	ssyncadd.s32 $0xFFFFC000  }
0x7c: {  	[hbm4b:s14+s4] =	stream.linear.scatter [tilespmem:s19], [sflag:$0x2], $0x4000, $0x38;
	[tilespmem:$0x18100] =	vst v63  }
0x7d: {  	_ =	swait.ge [sflag:s20], $0x4000  }
0x7e: {  	[sflag:s20] =	ssyncset.done $0x0  }
0x7f: {  	[sflag:s20] =	ssyncadd.s32 $0xFFFFC000  }
0x80: {  	[tilespmem:s19], [sflag:$0x2] =	stream.linear.gather [spmem:s10], $0x4000, $0x38;
	[tilespmem:$0x18100] =	vst v63  }
0x81: {  	s23 =	sadd.s32 $0x1, s23;
	_ =	swait.ge [sflag:s20], $0x4000  }
0x82: {  	p0 =	sne.s32 s23, s16;
	[sflag:s20] =	ssyncset.done $0x0  }
.Ltmp1:
0x83: {  	[sflag:s20] =	ssyncadd.s32 $0xFFFFC000;
	(pc) =	sbr.rel @p0 .LBB2_1-.Ltmp1, $4  }
0x84: {  	[hbm4b:s15+s4] =	stream.linear.scatter [tilespmem:s19], [sflag:$0x2], $0x4000, $0x38;
	[tilespmem:$0x18100] =	vst v63  }
0x85: {  	_ =	swait.ge [sflag:s20], $0x4000  }
0x86: {  	[sflag:s20] =	ssyncset.done $0x0  }
0x87: {  	[sflag:s20] =	ssyncadd.s32 $0xFFFFC000  }
0x88: {  	_ =	sfence.sel $0x180000  }
0x89: {  	[bflag:$0x0] =	sbarrier.arrive $0xFFFF  }
0x8a: {  	p0 =	sne.s32 s3, $0x0;
	_ =	strace $0x90000050  }
0x8b: {  	s0 =	sadd.s32 @!p0 $0x100000, s0;
	[bflag:$0x2] =	sbarrier.arrive $0xFFFF  }
0x8c: {  	[sflag:s0] =	ssyncadd.tile.s32 @!p0 $0x1;
	_ =	shalt  }
.Lfunc_end2:
_tile_overlayer_lowered:
.L_overlay_start_2:
0x8d: {  	(tag) =	ssettag $0x2  }
0x8e: {  	s0 =	rddreg [dreg:$0x0];
	s2 =	stileid.u32  }
0x8f: {  	s1 =	rddreg [dreg:$0x1];
	p0 =	sne.s32 s2, $0x0  }
0x90: {  	s3 =	rddreg [dreg:$0x2];
	[bflag:$0x3] =	sbarrier.arrive $0xFFFF;
	s2 =	simm.s32 @!p0 $0x1C02  }
0x91: {  	[timem:s3], [sflag:s2] =	dma.local @!p0 [hbm:s0], s1  }
0x92: {  	s0 =	simm.s32 @!p0 $0x2  }
0x93: {  	_ =	swait.ge @!p0 [sflag:s0], s1  }
0x94: {  	s1 =	ssub.s32 @!p0 $0x0, s1;
	[sflag:s0] =	ssyncset.done @!p0 $0x0  }
0x95: {  	[sflag:s0] =	ssyncadd.s32 @!p0 s1  }
0x96: {  	[bflag:$0x3] =	sbarrier.arrive $0xFFFF  }
0x97: {  	_ =	shalt  }

// kernel: kernel.25.cloned.1.call-start
scs
__scs_entry_jumppad:
0x0: {  	(pc) =	sbr.rel $0x88, $3  }
0x1: {  	(tag) =	ssettag $0x0;
	lr =	simm.s32 $0x1  }
0x2: {  	[smem:$0x3F99] =	sst lr;
	_ =	strace $0xD0000000  }
0x3: {  	_ = 	snop  }
0x4: {  	_ = 	snop  }
0x5: {  	_ = 	snop  }
0x6: {  	_ = 	snop  }
0x7: {  	_ = 	snop  }
__scs_overlays_trampoline_lowered:
0x8: {  	[smem:$0x3FA8] =	sst s0  }
0x9: {  	[smem:$0x3FA9] =	sst s1  }
0xa: {  	[smem:$0x3FAA] =	sst s2  }
0xb: {  	[smem:$0x3FAB] =	sst s3  }
0xc: {  	[smem:$0x3FAC] =	sst s4  }
0xd: {  	[smem:$0x3FAD] =	sst s5  }
0xe: {  	[smem:$0x3FAE] =	sst s6  }
0xf: {  	[smem:$0x3FAF] =	sst s7  }
0x10: {  	[smem:$0x3FB0] =	sst s8  }
0x11: {  	[smem:$0x3FB1] =	sst s9;
	s0 =	simm.s32 @!p0 $0x0  }
0x12: {  	s1 =	sld [smem:$0x3F97];
	s0 =	simm.s32 @p0 $0x1  }
0x13: {  	[smem:$0x3FB2] =	sst s0;
	s0 =	simm.s32 @!p1 $0x0  }
0x14: {  	s2 =	sld [smem:$0x3F96];
	s0 =	simm.s32 @p1 $0x1  }
0x15: {  	[smem:$0x3FB3] =	sst s0;
	s0 =	simm.s32 @!p2 $0x0  }
0x16: {  	s3 =	sld [smem:$0x3FDB];
	s0 =	simm.s32 @p2 $0x1  }
0x17: {  	s4 =	simm.s32 $0x1BF5;
	[smem:$0x3FB5] =	sst s0  }
0x18: {  	s0 =	sld [smem:$0x3F98];
	_ =	swait.ge [sflag:s4], $0x0  }
0x19: {  	s7 =	sld [smem:$0x3F99]  }
0x1a: {  	s8 =	sadd.s32 $0xFFFFE003, lr  }
0x1b: {  	s9 =	sadd.s32 $0xFFFFFEF7, lr;
	s5 =	simm.s32 $0xFFFFFFFF;
	p2 =	slt.u32 s8, $0xFFFFF086  }
0x1c: {  	p1 =	slt.u32 s9, $0xF7A;
	s5 =	simm.s32 @!p2 $0x0  }
0x1d: {  	s5 =	simm.s32 @p1 $0x1;
	p0 =	seq.s32 s7, s2  }
0x1e: {  	s7 =	smul.u32 @!p0 $0xF7A, s2;
	p2 =	seq.s32 @!p0 s5, $0x0  }
0x1f: {  	s9 =	smul.u32 $0xF7A, s1;
	s8 =	simm.s32 @!p0 $0x1BF5;
	p2 =	por !p2, p0  }
0x20: {  	[sflag:s8] =	ssyncset.s32 @!p0 $0xFFFFF086;
	s6 =	sadd.s32 @!p0 s3, s7;
	s7 =	simm.s32 @!p0 $0x108  }
0x21: {  	s3 =	sadd.s32 s3, s9;
	s6 =	sadd.s32 @!p0 $0x88, s6;
	s7 =	simm.s32 @p2 $0x1082  }
0x22: {  	[simem:s7], [sflag:s8] =	dma.local @!p0 [hbm:s6], $0xF7A  }
0x23: {  	s9 =	sor.u32 $0xD0000000, s2;
	s6 =	simm.s32 $0x108;
	_ =	swait.ge @!p0 [sflag:s8], $0x0  }
0x24: {  	s3 =	sadd.s32 $0x88, s3;
	s6 =	simm.s32 @!p1 $0x1082;
	[sflag:s4] =	ssyncset.s32 $0xFFFFF086  }
0x25: {  	[simem:s6], [sflag:s4] =	dma.local [hbm:s3], $0xF7A  }
0x26: {  	[smem:$0x3F99] =	sst s1;
	(tag) =	ssettag s2;
	_ =	strace s9  }
0x27: {  	s1 =	sld [smem:$0x3FA9]  }
0x28: {  	s2 =	sld [smem:$0x3FAA]  }
0x29: {  	s4 =	sld [smem:$0x3FAC]  }
0x2a: {  	p0 =	seq.s32 s5, $0x0;
	s5 =	sld [smem:$0x3FAD]  }
0x2b: {  	s6 =	sld [smem:$0x3FAE]  }
0x2c: {  	s7 =	sld [smem:$0x3FAF]  }
0x2d: {  	s3 =	simm.s32 $0x108;
	s8 =	sld [smem:$0x3FB0]  }
0x2e: {  	s3 =	simm.s32 @!p0 $0x1082;
	s9 =	sld [smem:$0x3FB1]  }
0x2f: {  	lr =	sadd.s32 s0, s3;
	s0 =	sld [smem:$0x3FA8]  }
0x30: {  	s3 =	sld [smem:$0x3FAB]  }
0x31: {  	[smem:$0x3FB4] =	sst s10  }
0x32: {  	s10 =	sld [smem:$0x3FB2];
	_ =	sdelay $0x3  }
0x33: {  	p0 =	seq.s32 s10, $0x1;
	s10 =	sld [smem:$0x3FB4];
	_ =	sdelay $0x3  }
0x34: {  	[smem:$0x3FB4] =	sst s10  }
0x35: {  	s10 =	sld [smem:$0x3FB3];
	_ =	sdelay $0x3  }
0x36: {  	p1 =	seq.s32 s10, $0x1;
	s10 =	sld [smem:$0x3FB4];
	_ =	sdelay $0x3  }
0x37: {  	[smem:$0x3FB4] =	sst s10  }
0x38: {  	s10 =	sld [smem:$0x3FB5]  }
0x39: {  	_ = 	snop;
	(pc) =	sbr.ind lr, $3  }
0x3a: {  	_ = 	snop  }
0x3b: {  	_ = 	snop  }
0x3c: {  	p2 =	seq.s32 s10, $0x1;
	s10 =	sld [smem:$0x3FB4]  }
0x3d: {  	_ =	shalt  }
0x3e: {  	_ =	shalt  }
0x3f: {  	_ =	shalt  }
0x40: {  	_ =	shalt  }
0x41: {  	_ =	shalt  }
0x42: {  	_ =	shalt  }
0x43: {  	_ =	shalt  }
0x44: {  	_ =	shalt  }
0x45: {  	_ =	shalt  }
0x46: {  	_ =	shalt  }
0x47: {  	_ =	shalt  }
0x48: {  	_ =	shalt  }
0x49: {  	_ =	shalt  }
0x4a: {  	_ =	shalt  }
0x4b: {  	_ =	shalt  }
0x4c: {  	_ =	shalt  }
0x4d: {  	_ =	shalt  }
0x4e: {  	_ =	shalt  }
0x4f: {  	_ =	shalt  }
0x50: {  	_ =	shalt  }
0x51: {  	_ =	shalt  }
0x52: {  	_ =	shalt  }
0x53: {  	_ =	shalt  }
0x54: {  	_ =	shalt  }
0x55: {  	_ =	shalt  }
0x56: {  	_ =	shalt  }
0x57: {  	_ =	shalt  }
0x58: {  	_ =	shalt  }
0x59: {  	_ =	shalt  }
0x5a: {  	_ =	shalt  }
0x5b: {  	_ =	shalt  }
0x5c: {  	_ =	shalt  }
0x5d: {  	_ =	shalt  }
0x5e: {  	_ =	shalt  }
0x5f: {  	_ =	shalt  }
0x60: {  	_ =	shalt  }
0x61: {  	_ =	shalt  }
0x62: {  	_ =	shalt  }
0x63: {  	_ =	shalt  }
0x64: {  	_ =	shalt  }
0x65: {  	_ =	shalt  }
0x66: {  	_ =	shalt  }
0x67: {  	_ =	shalt  }
0x68: {  	_ =	shalt  }
0x69: {  	_ =	shalt  }
0x6a: {  	_ =	shalt  }
0x6b: {  	_ =	shalt  }
0x6c: {  	_ =	shalt  }
0x6d: {  	_ =	shalt  }
0x6e: {  	_ =	shalt  }
0x6f: {  	_ =	shalt  }
0x70: {  	_ =	shalt  }
0x71: {  	_ =	shalt  }
0x72: {  	_ =	shalt  }
0x73: {  	_ =	shalt  }
0x74: {  	_ =	shalt  }
0x75: {  	_ =	shalt  }
0x76: {  	_ =	shalt  }
0x77: {  	_ =	shalt  }
0x78: {  	_ =	shalt  }
0x79: {  	_ =	shalt  }
0x7a: {  	_ =	shalt  }
0x7b: {  	_ =	shalt  }
0x7c: {  	_ =	shalt  }
0x7d: {  	_ =	shalt  }
0x7e: {  	_ =	shalt  }
0x7f: {  	_ =	shalt  }
0x80: {  	_ =	shalt  }
0x81: {  	_ =	shalt  }
0x82: {  	_ =	shalt  }
0x83: {  	_ =	shalt  }
0x84: {  	_ =	shalt  }
0x85: {  	_ =	shalt  }
0x86: {  	_ =	shalt  }
0x87: {  	_ =	shalt  }
.Lfunc_end0:
.L_simem_size_0:
called_computation.4_lowered:
.L_overlay_start_0:
0x88: {  	s2 =	sld [smem:$0x3FD9]  }
0x89: {  	s3 =	sld [smem:$0x3FFE];
	_ =	sdelay $0x1  }
0x8a: {  	s1 =	srdreg.scid  }
0x8b: {  	s0 =	sand.u32 $0x1, s1  }
0x8c: {  	s17 =	sshll.u32 s0, $0xA;
	s2 =	sadd.s32 s3, s2  }
0x8d: {  	s2 =	sadd.s32 s2, s17  }
0x8e: {  	[smem:$0x3FC0] =	sst s2  }
0x8f: {  	_ = 	snop  }
0x90: {  	s2 =	sld [smem:$0x3FD0];
	(tm) =	ssettm $0x1  }
0x91: {  	s18 =	sld [smem:$0x3FFB];
	_ =	sdelay $0x3  }
0x92: {  	_ =	strace s18  }
0x93: {  	s3 =	sld [smem:$0x3FFC];
	_ =	sdelay $0x3  }
0x94: {  	_ =	strace s3  }
0x95: {  	s3 =	sld [smem:$0x3FFD];
	_ =	sdelay $0x3  }
0x96: {  	_ =	strace s3  }
0x97: {  	_ =	strace $0x8FFFFFFF  }
0x98: {  	s19 =	sld [smem:$0x3FDB];
	_ =	sdelay $0x1  }
0x99: {  	s4 =	simm.s32 $_scs_section_size  }
0x9a: {  	s5 =	simm.s32 $_size__tile_overlayer_lowered;
	s6 =	simm.s32 $_tile_overlayer_lowered  }
0x9b: {  	s22 =	simm.s32 $0x1BFF;
	s21 =	sshll.u32 s6, $0x1;
	s3 =	sadd.s32 s4, s19  }
0x9c: {  	s7 =	simm.s32 $0x0;
	s20 =	sshll.u32 s5, $0x1;
	s5 =	sadd.s32 s21, s3  }
0x9d: {  	[timem:s7], [sflag:s22] =	dma.local [hbm:s5], s20  }
0x9e: {  	_ =	swait.ge [sflag:s22], s20  }
0x9f: {  	s4 =	ssub.s32 $0x0, s20;
	[sflag:s22] =	ssyncset.done $0x0  }
0xa0: {  	[sflag:s22] =	ssyncadd.s32 s4;
	_ =	sdelay $0x1  }
0xa1: {  	s23 =	simm.s32 $0x1B8B  }
0xa2: {  	_ =	swait.ge [sflag:s23], $0x1  }
0xa3: {  	[sflag:s23] =	ssyncset.done $0x0  }
0xa4: {  	s25 =	simm.s32 $0x1B8E;
	s24 =	sld [smem:$0x3FFE];
	[sflag:s23] =	ssyncadd.s32 $0xFFFFFFFF  }
0xa5: {  	s26 =	simm.s32 $execute0_lowered;
	[smem:$0x3FD2] =	sst s25  }
0xa6: {  	s5 =	sshll.u32 s26, $0x1;
	_ =	strace $0x80000052;
	[dreg:$0x1] =	wrdreg $0xFFFFFFFF  }
0xa7: {  	s28 =	simm.s32 $_size_execute0_lowered;
	s3 =	sadd.s32 s3, s5;
	[dreg:$0x0] =	wrdreg $0x0  }
0xa8: {  	s5 =	sshll.u32 s28, $0x1;
	[dreg:$0x2] =	wrdreg s3  }
0xa9: {  	[dreg:$0x3] =	wrdreg s5  }
0xaa: {  	[dreg:$0x4] =	wrdreg $0xC0  }
0xab: {  	_ =	task [dreg:s7], $0x5FFFF  }
0xac: {  	[dreg:$0x1] =	wrdreg $0xFFFFFFFF  }
0xad: {  	[dreg:$0x0] =	wrdreg $0x60  }
0xae: {  	[dreg:$0x2] =	wrdreg s24  }
0xaf: {  	[dreg:$0x3] =	wrdreg s2  }
0xb0: {  	[dreg:$0x4] =	wrdreg $0x41000  }
0xb1: {  	[dreg:$0x5] =	wrdreg $0x9  }
0xb2: {  	_ =	task.clear_ibuf [dreg:s7], $0x6FFFF;
	_ =	strace $0x90000052  }
0xb3: {  	s29 =	simm.s32 $0x9;
	_ =	strace $0x80000054  }
0xb4: {  	_ =	swait.ge [sflag:s29], $0x1  }
0xb5: {  	[sflag:s29] =	ssyncadd.s32 $0xFFFFFFFF  }
0xb6: {  	_ =	strace $0x90000054  }
0xb7: {  	_ =	sfence  }
0xb8: {  	s30 =	sld [smem:$0x0];
	_ =	sdelay $0x2  }
0xb9: {  	s31 =	sshll.u32 s1, $0xD;
	s1 =	sshrl.u32 s1, $0x2  }
0xba: {  	s3 =	sand.u32 $0x4000, s31;
	s1 =	sadd.s32 s1, s30  }
0xbb: {  	s0 =	sor.u32 s3, s0;
	s1 =	sshll.u32 s1, $0x11  }
0xbc: {  	s0 =	sor.u32 s1, s0  }
0xbd: {  	s0 =	sadd.s32 $0x8F2B, s0  }
0xbe: {  	[sflag:s0] =	ssyncadd.remote.s32 $0x1  }
0xbf: {  	_ =	sfence.sel $0xFFFF  }
0xc0: {  	[dreg:$0x0] =	wrdreg $0xFFFFFFFF;
	(pc) =	sbr.abs _section_cstart, $3  }
0xc1: {  	[dreg:$0x1] =	wrdreg $0xFFFFFFFF  }
0xc2: {  	_ =	task.clear_ibuf [dreg:s7], $0x2FFFF;
	_ =	strace $0x9FFFFFFF  }
0xc3: {  	(tm) =	ssettm $0x7FFFFFFF  }
tec
execute0_lowered:
.L_overlay_start_1:
0x0: {  	(tag) =	ssettag $0x1  }
0x1: {  	s6 =	rddreg [dreg:$0x0]  }
0x2: {  	s1 =	rddreg [dreg:$0x1]  }
0x3: {  	s0 =	srdreg.scid;
	s2 =	rddreg [dreg:$0x2]  }
0x4: {  	s4 =	simm.s32 $0x0;
	s3 =	stileid.u32;
	s21 =	simm.s32 $0x80  }
0x5: {  	s22 =	simm.s32 $0x1;
	s23 =	simm.s32 $0x0;
	s8 =	smul.u32 $0x50000, s3  }
0x6: {  	s7 =	sand.u32 $0x1, s0;
	s0 =	rddreg [dreg:$0x3];
	s10 =	smul.u32 $0x14000, s3  }
0x7: {  	[smem:$0x7FF] =	sst s4;
	s16 =	sadd.s32 $0x68400, s6;
	s30 =	smul.u32 $0x4F0, s3  }
0x8: {  	s5 =	smul.u32 $0x4F00, s7;
	_ =	strace $0x80000053;
	s9 =	ssub.s32 $0x2, s7  }
0x9: {  	s18 =	smul.u32 $0x140000, s7;
	s29 =	sshrl.u32 s9, $0x1;
	s8 =	sshrl.u32 s8, $0x2  }
0xa: {  	s11 =	sadd.s32 $0x4000, s10;
	s13 =	sadd.s32 $0x8000, s10;
	s14 =	sadd.s32 $0xC000, s10  }
0xb: {  	s19 =	sadd.s32 $0x10000, s10;
	s15 =	sadd.s32 s5, s6;
	s5 =	sadd.s32 $0x67C00, s6  }
0xc: {  	s17 =	ssub.s32 s9, s29;
	s6 =	sadd.s32 s8, s2;
	s7 =	sadd.s32 s11, s2  }
0xd: {  	s8 =	sadd.s32 s13, s2;
	s9 =	sadd.s32 s14, s2;
	s12 =	sadd.s32 s10, s18  }
0xe: {  	s11 =	sadd.s32 s18, s11;
	s10 =	sadd.s32 s19, s2;
	s13 =	sadd.s32 s18, s13  }
0xf: {  	s14 =	sadd.s32 s18, s14;
	s18 =	sadd.s32 s18, s19;
	s19 =	simm.s32 $0x100  }
0x10: {  	s12 =	sshrl.u32 s12, $0x3;
	s20 =	sshrl.u32 s11, $0x3;
	s13 =	sshrl.u32 s13, $0x3  }
0x11: {  	s14 =	sshrl.u32 s14, $0x3;
	s18 =	sshrl.u32 s18, $0x3;
	s31 =	sadd.s32 s30, s15  }
0x12: {  	s11 =	sadd.s32 s16, s12;
	s12 =	sadd.s32 s16, s20;
	s13 =	sadd.s32 s16, s13  }
0x13: {  	s14 =	sadd.s32 s16, s14;
	s15 =	sadd.s32 s16, s18;
	s16 =	smax.u32 s17, $0x1  }
0x14: {  	s17 =	sadd.s32 $0x4000, s31;
	s18 =	sadd.s32 $0x5DE00, s31;
	s20 =	simm.s32 $0x2  }
.LBB2_1:
0x15: {  	[tilespmem:s19], [sflag:$0x2] =	stream.linear.gather [hbm4b:s5+s4], $0x4000, $0x38;
	[tilespmem:$0x18100] =	vst v63  }
0x16: {  	_ =	swait.ge [sflag:s20], $0x4000  }
0x17: {  	[sflag:s20] =	ssyncset.done $0x0  }
0x18: {  	[sflag:s20] =	ssyncadd.s32 $0xFFFFC000  }
0x19: {  	[spmem:s6] =	stream.linear.scatter [tilespmem:s19], [sflag:$0x2], $0x4000, $0x38;
	[tilespmem:$0x18100] =	vst v63  }
0x1a: {  	_ =	swait.ge [sflag:s20], $0x4000  }
0x1b: {  	[sflag:s20] =	ssyncset.done $0x0  }
0x1c: {  	[sflag:s20] =	ssyncadd.s32 $0xFFFFC000  }
0x1d: {  	[spmem:s7] =	stream.linear.scatter [tilespmem:s19], [sflag:$0x2], $0x4000, $0x38;
	[tilespmem:$0x18100] =	vst v63  }
0x1e: {  	_ =	swait.ge [sflag:s20], $0x4000  }
0x1f: {  	[sflag:s20] =	ssyncset.done $0x0  }
0x20: {  	[sflag:s20] =	ssyncadd.s32 $0xFFFFC000  }
0x21: {  	[spmem:s8] =	stream.linear.scatter [tilespmem:s19], [sflag:$0x2], $0x4000, $0x38;
	[tilespmem:$0x18100] =	vst v63  }
0x22: {  	_ =	swait.ge [sflag:s20], $0x4000  }
0x23: {  	[sflag:s20] =	ssyncset.done $0x0  }
0x24: {  	[sflag:s20] =	ssyncadd.s32 $0xFFFFC000  }
0x25: {  	[spmem:s9] =	stream.linear.scatter [tilespmem:s19], [sflag:$0x2], $0x4000, $0x38;
	[tilespmem:$0x18100] =	vst v63  }
0x26: {  	_ =	swait.ge [sflag:s20], $0x4000  }
0x27: {  	[sflag:s20] =	ssyncset.done $0x0  }
0x28: {  	[sflag:s20] =	ssyncadd.s32 $0xFFFFC000  }
0x29: {  	[spmem:s10] =	stream.linear.scatter [tilespmem:s19], [sflag:$0x2], $0x4000, $0x38;
	[tilespmem:$0x18100] =	vst v63  }
0x2a: {  	_ =	swait.ge [sflag:s20], $0x4000  }
0x2b: {  	[sflag:s20] =	ssyncset.done $0x0  }
0x2c: {  	[sflag:s20] =	ssyncadd.s32 $0xFFFFC000  }
0x2d: {  	s24 =	sadd.s32 $0x0, s18;
	[bflag:$0x0] =	sbarrier.arrive $0xFFFF  }
0x2e: {  	[tilespmem:s4], [sflag:$0x2] =	stream.linear.gather [hbm4b:s24+s4], $0x80, $0x38;
	[tilespmem:$0x18100] =	vst v63  }
0x2f: {  	_ =	swait.ge [sflag:s20], $0x80  }
0x30: {  	[sflag:s20] =	ssyncset.done $0x0  }
0x31: {  	s31 =	sadd.s32 $0x0, s17;
	[sflag:s20] =	ssyncadd.s32 $0xFFFFFF80  }
0x32: {  	[tilespmem:s21], [sflag:$0x2] =	stream.linear.gather [hbm4b:s31+s4], $0x80, $0x38;
	[tilespmem:$0x18100] =	vst v63  }
0x33: {  	_ =	swait.ge [sflag:s20], $0x80  }
0x34: {  	[sflag:s20] =	ssyncset.done $0x0  }
0x35: {  	[sflag:s20] =	ssyncadd.s32 $0xFFFFFF80  }
0x36: {  	[tilespmem:s19], [sflag:$0x1] =	stream.indirect.gather [hbm4b:s1+s21], $0x80, s4, s21, $0xb8;
	[tilespmem:$0x18100] =	vst v63  }
0x37: {  	_ =	swait.ge [sflag:s22], $0x4000  }
0x38: {  	[sflag:s22] =	ssyncset.done $0x0  }
0x39: {  	[sflag:s22] =	ssyncadd.s32 $0xFFFFC000  }
0x3a: {  	[spmem:s2] =	stream.indirect.scatter.add.f32 [tilespmem:s19], [sflag:$0x2], $0x80, s21, s21, $0xb8;
	[tilespmem:$0x18100] =	vst v63  }
0x3b: {  	_ =	swait.ge [sflag:s20], $0x4000  }
0x3c: {  	s25 =	simm.s32 $0x20;
	s24 =	simm.s32 $0x10;
	[sflag:s20] =	ssyncset.done $0x0  }
.LBB2_2:
0x3d: {  	s26 =	sadd.s32 s24, s18  }
0x3e: {  	[sflag:s20] =	ssyncadd.s32 $0xFFFFC000;
	s28 =	smov.u32 s25;
	s29 =	sadd.s32 $0x10, s25  }
0x3f: {  	[tilespmem:s4], [sflag:$0x2] =	stream.linear.gather [hbm4b:s26+s4], $0x80, $0x38;
	[tilespmem:$0x18100] =	vst v63  }
0x40: {  	p0 =	sne.s32 s25, $0x4E0;
	_ =	swait.ge [sflag:s20], $0x80  }
0x41: {  	[sflag:s20] =	ssyncset.done $0x0  }
0x42: {  	s25 =	sadd.s32 s24, s17;
	s24 =	smov.u32 s28;
	[sflag:s20] =	ssyncadd.s32 $0xFFFFFF80  }
0x43: {  	[tilespmem:s21], [sflag:$0x2] =	stream.linear.gather [hbm4b:s25+s4], $0x80, $0x38;
	[tilespmem:$0x18100] =	vst v63  }
0x44: {  	_ =	swait.ge [sflag:s20], $0x80  }
0x45: {  	[sflag:s20] =	ssyncset.done $0x0  }
0x46: {  	[sflag:s20] =	ssyncadd.s32 $0xFFFFFF80  }
0x47: {  	[tilespmem:s19], [sflag:$0x1] =	stream.indirect.gather [hbm4b:s1+s21], $0x80, s4, s21, $0xb8;
	[tilespmem:$0x18100] =	vst v63  }
0x48: {  	_ =	swait.ge [sflag:s22], $0x4000  }
.Ltmp0:
0x49: {  	[sflag:s22] =	ssyncset.done $0x0;
	(pc) =	sbr.rel @p0 .LBB2_2-.Ltmp0, $4  }
0x4a: {  	[sflag:s22] =	ssyncadd.s32 $0xFFFFC000  }
0x4b: {  	[spmem:s2] =	stream.indirect.scatter.add.f32 [tilespmem:s19], [sflag:$0x2], $0x80, s21, s21, $0xb8;
	[tilespmem:$0x18100] =	vst v63  }
0x4c: {  	_ =	swait.ge [sflag:s20], $0x4000  }
0x4d: {  	s25 =	smov.u32 s29;
	[sflag:s20] =	ssyncset.done $0x0  }
0x4e: {  	s25 =	sadd.s32 s24, s18;
	[sflag:s20] =	ssyncadd.s32 $0xFFFFC000  }
0x4f: {  	[tilespmem:s4], [sflag:$0x2] =	stream.linear.gather [hbm4b:s25+s4], $0x80, $0x38;
	[tilespmem:$0x18100] =	vst v63  }
0x50: {  	_ =	swait.ge [sflag:s20], $0x80  }
0x51: {  	[sflag:s20] =	ssyncset.done $0x0  }
0x52: {  	s31 =	sadd.s32 s24, s17;
	[sflag:s20] =	ssyncadd.s32 $0xFFFFFF80  }
0x53: {  	[tilespmem:s21], [sflag:$0x2] =	stream.linear.gather [hbm4b:s31+s4], $0x80, $0x38;
	[tilespmem:$0x18100] =	vst v63  }
0x54: {  	_ =	swait.ge [sflag:s20], $0x80  }
0x55: {  	[sflag:s20] =	ssyncset.done $0x0  }
0x56: {  	[sflag:s20] =	ssyncadd.s32 $0xFFFFFF80  }
0x57: {  	[tilespmem:s19], [sflag:$0x1] =	stream.indirect.gather [hbm4b:s1+s21], $0x80, s4, s21, $0xb8;
	[tilespmem:$0x18100] =	vst v63  }
0x58: {  	_ =	swait.ge [sflag:s22], $0x4000  }
0x59: {  	[sflag:s22] =	ssyncset.done $0x0  }
0x5a: {  	[sflag:s22] =	ssyncadd.s32 $0xFFFFC000  }
0x5b: {  	[spmem:s2] =	stream.indirect.scatter.add.f32 [tilespmem:s19], [sflag:$0x2], $0x80, s21, s21, $0xb8;
	[tilespmem:$0x18100] =	vst v63  }
0x5c: {  	_ =	swait.ge [sflag:s20], $0x4000  }
0x5d: {  	[sflag:s20] =	ssyncset.done $0x0  }
0x5e: {  	[sflag:s20] =	ssyncadd.s32 $0xFFFFC000  }
0x5f: {  	[bflag:$0x0] =	sbarrier.arrive $0xFFFF  }
0x60: {  	[tilespmem:s19], [sflag:$0x2] =	stream.linear.gather [spmem:s6], $0x4000, $0x38;
	[tilespmem:$0x18100] =	vst v63  }
0x61: {  	_ =	swait.ge [sflag:s20], $0x4000  }
0x62: {  	[sflag:s20] =	ssyncset.done $0x0  }
0x63: {  	[sflag:s20] =	ssyncadd.s32 $0xFFFFC000  }
0x64: {  	[hbm4b:s11+s4] =	stream.linear.scatter [tilespmem:s19], [sflag:$0x2], $0x4000, $0x38;
	[tilespmem:$0x18100] =	vst v63  }
0x65: {  	_ =	swait.ge [sflag:s20], $0x4000  }
0x66: {  	[sflag:s20] =	ssyncset.done $0x0  }
0x67: {  	[sflag:s20] =	ssyncadd.s32 $0xFFFFC000  }
0x68: {  	[tilespmem:s19], [sflag:$0x2] =	stream.linear.gather [spmem:s7], $0x4000, $0x38;
	[tilespmem:$0x18100] =	vst v63  }
0x69: {  	_ =	swait.ge [sflag:s20], $0x4000  }
0x6a: {  	[sflag:s20] =	ssyncset.done $0x0  }
0x6b: {  	[sflag:s20] =	ssyncadd.s32 $0xFFFFC000  }
0x6c: {  	[hbm4b:s12+s4] =	stream.linear.scatter [tilespmem:s19], [sflag:$0x2], $0x4000, $0x38;
	[tilespmem:$0x18100] =	vst v63  }
0x6d: {  	_ =	swait.ge [sflag:s20], $0x4000  }
0x6e: {  	[sflag:s20] =	ssyncset.done $0x0  }
0x6f: {  	[sflag:s20] =	ssyncadd.s32 $0xFFFFC000  }
0x70: {  	[tilespmem:s19], [sflag:$0x2] =	stream.linear.gather [spmem:s8], $0x4000, $0x38;
	[tilespmem:$0x18100] =	vst v63  }
0x71: {  	_ =	swait.ge [sflag:s20], $0x4000  }
0x72: {  	[sflag:s20] =	ssyncset.done $0x0  }
0x73: {  	[sflag:s20] =	ssyncadd.s32 $0xFFFFC000  }
0x74: {  	[hbm4b:s13+s4] =	stream.linear.scatter [tilespmem:s19], [sflag:$0x2], $0x4000, $0x38;
	[tilespmem:$0x18100] =	vst v63  }
0x75: {  	_ =	swait.ge [sflag:s20], $0x4000  }
0x76: {  	[sflag:s20] =	ssyncset.done $0x0  }
0x77: {  	[sflag:s20] =	ssyncadd.s32 $0xFFFFC000  }
0x78: {  	[tilespmem:s19], [sflag:$0x2] =	stream.linear.gather [spmem:s9], $0x4000, $0x38;
	[tilespmem:$0x18100] =	vst v63  }
0x79: {  	_ =	swait.ge [sflag:s20], $0x4000  }
0x7a: {  	[sflag:s20] =	ssyncset.done $0x0  }
0x7b: {  	[sflag:s20] =	ssyncadd.s32 $0xFFFFC000  }
0x7c: {  	[hbm4b:s14+s4] =	stream.linear.scatter [tilespmem:s19], [sflag:$0x2], $0x4000, $0x38;
	[tilespmem:$0x18100] =	vst v63  }
0x7d: {  	_ =	swait.ge [sflag:s20], $0x4000  }
0x7e: {  	[sflag:s20] =	ssyncset.done $0x0  }
0x7f: {  	[sflag:s20] =	ssyncadd.s32 $0xFFFFC000  }
0x80: {  	[tilespmem:s19], [sflag:$0x2] =	stream.linear.gather [spmem:s10], $0x4000, $0x38;
	[tilespmem:$0x18100] =	vst v63  }
0x81: {  	s23 =	sadd.s32 $0x1, s23;
	_ =	swait.ge [sflag:s20], $0x4000  }
0x82: {  	p0 =	sne.s32 s23, s16;
	[sflag:s20] =	ssyncset.done $0x0  }
.Ltmp1:
0x83: {  	[sflag:s20] =	ssyncadd.s32 $0xFFFFC000;
	(pc) =	sbr.rel @p0 .LBB2_1-.Ltmp1, $4  }
0x84: {  	[hbm4b:s15+s4] =	stream.linear.scatter [tilespmem:s19], [sflag:$0x2], $0x4000, $0x38;
	[tilespmem:$0x18100] =	vst v63  }
0x85: {  	_ =	swait.ge [sflag:s20], $0x4000  }
0x86: {  	[sflag:s20] =	ssyncset.done $0x0  }
0x87: {  	[sflag:s20] =	ssyncadd.s32 $0xFFFFC000  }
0x88: {  	_ =	sfence.sel $0x180000  }
0x89: {  	[bflag:$0x0] =	sbarrier.arrive $0xFFFF  }
0x8a: {  	p0 =	sne.s32 s3, $0x0;
	_ =	strace $0x90000053  }
0x8b: {  	s0 =	sadd.s32 @!p0 $0x100000, s0;
	[bflag:$0x2] =	sbarrier.arrive $0xFFFF  }
0x8c: {  	[sflag:s0] =	ssyncadd.tile.s32 @!p0 $0x1;
	_ =	shalt  }
.Lfunc_end2:
_tile_overlayer_lowered:
.L_overlay_start_2:
0x8d: {  	(tag) =	ssettag $0x2  }
0x8e: {  	s0 =	rddreg [dreg:$0x0];
	s2 =	stileid.u32  }
0x8f: {  	s1 =	rddreg [dreg:$0x1];
	p0 =	sne.s32 s2, $0x0  }
0x90: {  	s3 =	rddreg [dreg:$0x2];
	[bflag:$0x3] =	sbarrier.arrive $0xFFFF;
	s2 =	simm.s32 @!p0 $0x1C02  }
0x91: {  	[timem:s3], [sflag:s2] =	dma.local @!p0 [hbm:s0], s1  }
0x92: {  	s0 =	simm.s32 @!p0 $0x2  }
0x93: {  	_ =	swait.ge @!p0 [sflag:s0], s1  }
0x94: {  	s1 =	ssub.s32 @!p0 $0x0, s1;
	[sflag:s0] =	ssyncset.done @!p0 $0x0  }
0x95: {  	[sflag:s0] =	ssyncadd.s32 @!p0 s1  }
0x96: {  	[bflag:$0x3] =	sbarrier.arrive $0xFFFF  }
0x97: {  	_ =	shalt  }

// kernel: kernel.28.cloned.1.call-start
scs
__scs_entry_jumppad:
0x0: {  	(pc) =	sbr.rel $0x88, $3  }
0x1: {  	(tag) =	ssettag $0x0;
	lr =	simm.s32 $0x1  }
0x2: {  	[smem:$0x3F99] =	sst lr;
	_ =	strace $0xD0000000  }
0x3: {  	_ = 	snop  }
0x4: {  	_ = 	snop  }
0x5: {  	_ = 	snop  }
0x6: {  	_ = 	snop  }
0x7: {  	_ = 	snop  }
__scs_overlays_trampoline_lowered:
0x8: {  	[smem:$0x3FA8] =	sst s0  }
0x9: {  	[smem:$0x3FA9] =	sst s1  }
0xa: {  	[smem:$0x3FAA] =	sst s2  }
0xb: {  	[smem:$0x3FAB] =	sst s3  }
0xc: {  	[smem:$0x3FAC] =	sst s4  }
0xd: {  	[smem:$0x3FAD] =	sst s5  }
0xe: {  	[smem:$0x3FAE] =	sst s6  }
0xf: {  	[smem:$0x3FAF] =	sst s7  }
0x10: {  	[smem:$0x3FB0] =	sst s8  }
0x11: {  	[smem:$0x3FB1] =	sst s9;
	s0 =	simm.s32 @!p0 $0x0  }
0x12: {  	s1 =	sld [smem:$0x3F97];
	s0 =	simm.s32 @p0 $0x1  }
0x13: {  	[smem:$0x3FB2] =	sst s0;
	s0 =	simm.s32 @!p1 $0x0  }
0x14: {  	s2 =	sld [smem:$0x3F96];
	s0 =	simm.s32 @p1 $0x1  }
0x15: {  	[smem:$0x3FB3] =	sst s0;
	s0 =	simm.s32 @!p2 $0x0  }
0x16: {  	s3 =	sld [smem:$0x3FDB];
	s0 =	simm.s32 @p2 $0x1  }
0x17: {  	s4 =	simm.s32 $0x1BF5;
	[smem:$0x3FB5] =	sst s0  }
0x18: {  	s0 =	sld [smem:$0x3F98];
	_ =	swait.ge [sflag:s4], $0x0  }
0x19: {  	s7 =	sld [smem:$0x3F99]  }
0x1a: {  	s8 =	sadd.s32 $0xFFFFE003, lr  }
0x1b: {  	s9 =	sadd.s32 $0xFFFFFEF7, lr;
	s5 =	simm.s32 $0xFFFFFFFF;
	p2 =	slt.u32 s8, $0xFFFFF086  }
0x1c: {  	p1 =	slt.u32 s9, $0xF7A;
	s5 =	simm.s32 @!p2 $0x0  }
0x1d: {  	s5 =	simm.s32 @p1 $0x1;
	p0 =	seq.s32 s7, s2  }
0x1e: {  	s7 =	smul.u32 @!p0 $0xF7A, s2;
	p2 =	seq.s32 @!p0 s5, $0x0  }
0x1f: {  	s9 =	smul.u32 $0xF7A, s1;
	s8 =	simm.s32 @!p0 $0x1BF5;
	p2 =	por !p2, p0  }
0x20: {  	[sflag:s8] =	ssyncset.s32 @!p0 $0xFFFFF086;
	s6 =	sadd.s32 @!p0 s3, s7;
	s7 =	simm.s32 @!p0 $0x108  }
0x21: {  	s3 =	sadd.s32 s3, s9;
	s6 =	sadd.s32 @!p0 $0x88, s6;
	s7 =	simm.s32 @p2 $0x1082  }
0x22: {  	[simem:s7], [sflag:s8] =	dma.local @!p0 [hbm:s6], $0xF7A  }
0x23: {  	s9 =	sor.u32 $0xD0000000, s2;
	s6 =	simm.s32 $0x108;
	_ =	swait.ge @!p0 [sflag:s8], $0x0  }
0x24: {  	s3 =	sadd.s32 $0x88, s3;
	s6 =	simm.s32 @!p1 $0x1082;
	[sflag:s4] =	ssyncset.s32 $0xFFFFF086  }
0x25: {  	[simem:s6], [sflag:s4] =	dma.local [hbm:s3], $0xF7A  }
0x26: {  	[smem:$0x3F99] =	sst s1;
	(tag) =	ssettag s2;
	_ =	strace s9  }
0x27: {  	s1 =	sld [smem:$0x3FA9]  }
0x28: {  	s2 =	sld [smem:$0x3FAA]  }
0x29: {  	s4 =	sld [smem:$0x3FAC]  }
0x2a: {  	p0 =	seq.s32 s5, $0x0;
	s5 =	sld [smem:$0x3FAD]  }
0x2b: {  	s6 =	sld [smem:$0x3FAE]  }
0x2c: {  	s7 =	sld [smem:$0x3FAF]  }
0x2d: {  	s3 =	simm.s32 $0x108;
	s8 =	sld [smem:$0x3FB0]  }
0x2e: {  	s3 =	simm.s32 @!p0 $0x1082;
	s9 =	sld [smem:$0x3FB1]  }
0x2f: {  	lr =	sadd.s32 s0, s3;
	s0 =	sld [smem:$0x3FA8]  }
0x30: {  	s3 =	sld [smem:$0x3FAB]  }
0x31: {  	[smem:$0x3FB4] =	sst s10  }
0x32: {  	s10 =	sld [smem:$0x3FB2];
	_ =	sdelay $0x3  }
0x33: {  	p0 =	seq.s32 s10, $0x1;
	s10 =	sld [smem:$0x3FB4];
	_ =	sdelay $0x3  }
0x34: {  	[smem:$0x3FB4] =	sst s10  }
0x35: {  	s10 =	sld [smem:$0x3FB3];
	_ =	sdelay $0x3  }
0x36: {  	p1 =	seq.s32 s10, $0x1;
	s10 =	sld [smem:$0x3FB4];
	_ =	sdelay $0x3  }
0x37: {  	[smem:$0x3FB4] =	sst s10  }
0x38: {  	s10 =	sld [smem:$0x3FB5]  }
0x39: {  	_ = 	snop;
	(pc) =	sbr.ind lr, $3  }
0x3a: {  	_ = 	snop  }
0x3b: {  	_ = 	snop  }
0x3c: {  	p2 =	seq.s32 s10, $0x1;
	s10 =	sld [smem:$0x3FB4]  }
0x3d: {  	_ =	shalt  }
0x3e: {  	_ =	shalt  }
0x3f: {  	_ =	shalt  }
0x40: {  	_ =	shalt  }
0x41: {  	_ =	shalt  }
0x42: {  	_ =	shalt  }
0x43: {  	_ =	shalt  }
0x44: {  	_ =	shalt  }
0x45: {  	_ =	shalt  }
0x46: {  	_ =	shalt  }
0x47: {  	_ =	shalt  }
0x48: {  	_ =	shalt  }
0x49: {  	_ =	shalt  }
0x4a: {  	_ =	shalt  }
0x4b: {  	_ =	shalt  }
0x4c: {  	_ =	shalt  }
0x4d: {  	_ =	shalt  }
0x4e: {  	_ =	shalt  }
0x4f: {  	_ =	shalt  }
0x50: {  	_ =	shalt  }
0x51: {  	_ =	shalt  }
0x52: {  	_ =	shalt  }
0x53: {  	_ =	shalt  }
0x54: {  	_ =	shalt  }
0x55: {  	_ =	shalt  }
0x56: {  	_ =	shalt  }
0x57: {  	_ =	shalt  }
0x58: {  	_ =	shalt  }
0x59: {  	_ =	shalt  }
0x5a: {  	_ =	shalt  }
0x5b: {  	_ =	shalt  }
0x5c: {  	_ =	shalt  }
0x5d: {  	_ =	shalt  }
0x5e: {  	_ =	shalt  }
0x5f: {  	_ =	shalt  }
0x60: {  	_ =	shalt  }
0x61: {  	_ =	shalt  }
0x62: {  	_ =	shalt  }
0x63: {  	_ =	shalt  }
0x64: {  	_ =	shalt  }
0x65: {  	_ =	shalt  }
0x66: {  	_ =	shalt  }
0x67: {  	_ =	shalt  }
0x68: {  	_ =	shalt  }
0x69: {  	_ =	shalt  }
0x6a: {  	_ =	shalt  }
0x6b: {  	_ =	shalt  }
0x6c: {  	_ =	shalt  }
0x6d: {  	_ =	shalt  }
0x6e: {  	_ =	shalt  }
0x6f: {  	_ =	shalt  }
0x70: {  	_ =	shalt  }
0x71: {  	_ =	shalt  }
0x72: {  	_ =	shalt  }
0x73: {  	_ =	shalt  }
0x74: {  	_ =	shalt  }
0x75: {  	_ =	shalt  }
0x76: {  	_ =	shalt  }
0x77: {  	_ =	shalt  }
0x78: {  	_ =	shalt  }
0x79: {  	_ =	shalt  }
0x7a: {  	_ =	shalt  }
0x7b: {  	_ =	shalt  }
0x7c: {  	_ =	shalt  }
0x7d: {  	_ =	shalt  }
0x7e: {  	_ =	shalt  }
0x7f: {  	_ =	shalt  }
0x80: {  	_ =	shalt  }
0x81: {  	_ =	shalt  }
0x82: {  	_ =	shalt  }
0x83: {  	_ =	shalt  }
0x84: {  	_ =	shalt  }
0x85: {  	_ =	shalt  }
0x86: {  	_ =	shalt  }
0x87: {  	_ =	shalt  }
.Lfunc_end0:
.L_simem_size_0:
called_computation.5_lowered:
.L_overlay_start_0:
0x88: {  	s2 =	sld [smem:$0x3FD9]  }
0x89: {  	s3 =	sld [smem:$0x3FFE];
	_ =	sdelay $0x1  }
0x8a: {  	s1 =	srdreg.scid  }
0x8b: {  	s0 =	sand.u32 $0x1, s1  }
0x8c: {  	s17 =	sshll.u32 s0, $0xA;
	s2 =	sadd.s32 s3, s2  }
0x8d: {  	s2 =	sadd.s32 s2, s17  }
0x8e: {  	[smem:$0x3FC0] =	sst s2  }
0x8f: {  	_ = 	snop  }
0x90: {  	s2 =	sld [smem:$0x3FD0];
	(tm) =	ssettm $0x1  }
0x91: {  	s18 =	sld [smem:$0x3FFB];
	_ =	sdelay $0x3  }
0x92: {  	_ =	strace s18  }
0x93: {  	s3 =	sld [smem:$0x3FFC];
	_ =	sdelay $0x3  }
0x94: {  	_ =	strace s3  }
0x95: {  	s3 =	sld [smem:$0x3FFD];
	_ =	sdelay $0x3  }
0x96: {  	_ =	strace s3  }
0x97: {  	_ =	strace $0x8FFFFFFF  }
0x98: {  	s19 =	sld [smem:$0x3FDB];
	_ =	sdelay $0x1  }
0x99: {  	s4 =	simm.s32 $_scs_section_size  }
0x9a: {  	s5 =	simm.s32 $_size__tile_overlayer_lowered;
	s6 =	simm.s32 $_tile_overlayer_lowered  }
0x9b: {  	s22 =	simm.s32 $0x1BFF;
	s21 =	sshll.u32 s6, $0x1;
	s3 =	sadd.s32 s4, s19  }
0x9c: {  	s7 =	simm.s32 $0x0;
	s20 =	sshll.u32 s5, $0x1;
	s5 =	sadd.s32 s21, s3  }
0x9d: {  	[timem:s7], [sflag:s22] =	dma.local [hbm:s5], s20  }
0x9e: {  	_ =	swait.ge [sflag:s22], s20  }
0x9f: {  	s4 =	ssub.s32 $0x0, s20;
	[sflag:s22] =	ssyncset.done $0x0  }
0xa0: {  	[sflag:s22] =	ssyncadd.s32 s4;
	_ =	sdelay $0x1  }
0xa1: {  	s23 =	simm.s32 $0x1B8B  }
0xa2: {  	_ =	swait.ge [sflag:s23], $0x1  }
0xa3: {  	[sflag:s23] =	ssyncset.done $0x0  }
0xa4: {  	s25 =	simm.s32 $0x1B8E;
	s24 =	sld [smem:$0x3FFE];
	[sflag:s23] =	ssyncadd.s32 $0xFFFFFFFF  }
0xa5: {  	s26 =	simm.s32 $execute0_lowered;
	[smem:$0x3FD2] =	sst s25  }
0xa6: {  	s5 =	sshll.u32 s26, $0x1;
	_ =	strace $0x80000055;
	[dreg:$0x1] =	wrdreg $0xFFFFFFFF  }
0xa7: {  	s28 =	simm.s32 $_size_execute0_lowered;
	s3 =	sadd.s32 s3, s5;
	[dreg:$0x0] =	wrdreg $0x0  }
0xa8: {  	s5 =	sshll.u32 s28, $0x1;
	[dreg:$0x2] =	wrdreg s3  }
0xa9: {  	[dreg:$0x3] =	wrdreg s5  }
0xaa: {  	[dreg:$0x4] =	wrdreg $0xC0  }
0xab: {  	_ =	task [dreg:s7], $0x5FFFF  }
0xac: {  	[dreg:$0x1] =	wrdreg $0xFFFFFFFF  }
0xad: {  	[dreg:$0x0] =	wrdreg $0x60  }
0xae: {  	[dreg:$0x2] =	wrdreg s24  }
0xaf: {  	[dreg:$0x3] =	wrdreg s2  }
0xb0: {  	[dreg:$0x4] =	wrdreg $0x41000  }
0xb1: {  	[dreg:$0x5] =	wrdreg $0x9  }
0xb2: {  	_ =	task.clear_ibuf [dreg:s7], $0x6FFFF;
	_ =	strace $0x90000055  }
0xb3: {  	s29 =	simm.s32 $0x9;
	_ =	strace $0x80000057  }
0xb4: {  	_ =	swait.ge [sflag:s29], $0x1  }
0xb5: {  	[sflag:s29] =	ssyncadd.s32 $0xFFFFFFFF  }
0xb6: {  	_ =	strace $0x90000057  }
0xb7: {  	_ =	sfence  }
0xb8: {  	s30 =	sld [smem:$0x0];
	_ =	sdelay $0x2  }
0xb9: {  	s31 =	sshll.u32 s1, $0xD;
	s1 =	sshrl.u32 s1, $0x2  }
0xba: {  	s3 =	sand.u32 $0x4000, s31;
	s1 =	sadd.s32 s1, s30  }
0xbb: {  	s0 =	sor.u32 s3, s0;
	s1 =	sshll.u32 s1, $0x11  }
0xbc: {  	s0 =	sor.u32 s1, s0  }
0xbd: {  	s0 =	sadd.s32 $0x8F2B, s0  }
0xbe: {  	[sflag:s0] =	ssyncadd.remote.s32 $0x1  }
0xbf: {  	_ =	sfence.sel $0xFFFF  }
0xc0: {  	[dreg:$0x0] =	wrdreg $0xFFFFFFFF;
	(pc) =	sbr.abs _section_cstart, $3  }
0xc1: {  	[dreg:$0x1] =	wrdreg $0xFFFFFFFF  }
0xc2: {  	_ =	task.clear_ibuf [dreg:s7], $0x2FFFF;
	_ =	strace $0x9FFFFFFF  }
0xc3: {  	(tm) =	ssettm $0x7FFFFFFF  }
tec
execute0_lowered:
.L_overlay_start_1:
0x0: {  	(tag) =	ssettag $0x1  }
0x1: {  	s6 =	rddreg [dreg:$0x0]  }
0x2: {  	s1 =	rddreg [dreg:$0x1]  }
0x3: {  	s0 =	srdreg.scid;
	s2 =	rddreg [dreg:$0x2]  }
0x4: {  	s4 =	simm.s32 $0x0;
	s3 =	stileid.u32;
	s21 =	simm.s32 $0x80  }
0x5: {  	s22 =	simm.s32 $0x1;
	s23 =	simm.s32 $0x0;
	s8 =	smul.u32 $0x50000, s3  }
0x6: {  	s7 =	sand.u32 $0x1, s0;
	s0 =	rddreg [dreg:$0x3];
	s10 =	smul.u32 $0x14000, s3  }
0x7: {  	[smem:$0x7FF] =	sst s4;
	s16 =	sadd.s32 $0x68400, s6;
	s30 =	smul.u32 $0x4F0, s3  }
0x8: {  	s5 =	smul.u32 $0x4F00, s7;
	_ =	strace $0x80000056;
	s9 =	ssub.s32 $0x2, s7  }
0x9: {  	s18 =	smul.u32 $0x140000, s7;
	s29 =	sshrl.u32 s9, $0x1;
	s8 =	sshrl.u32 s8, $0x2  }
0xa: {  	s11 =	sadd.s32 $0x4000, s10;
	s13 =	sadd.s32 $0x8000, s10;
	s14 =	sadd.s32 $0xC000, s10  }
0xb: {  	s19 =	sadd.s32 $0x10000, s10;
	s15 =	sadd.s32 s5, s6;
	s5 =	sadd.s32 $0x67C00, s6  }
0xc: {  	s17 =	ssub.s32 s9, s29;
	s6 =	sadd.s32 s8, s2;
	s7 =	sadd.s32 s11, s2  }
0xd: {  	s8 =	sadd.s32 s13, s2;
	s9 =	sadd.s32 s14, s2;
	s12 =	sadd.s32 s10, s18  }
0xe: {  	s11 =	sadd.s32 s18, s11;
	s10 =	sadd.s32 s19, s2;
	s13 =	sadd.s32 s18, s13  }
0xf: {  	s14 =	sadd.s32 s18, s14;
	s18 =	sadd.s32 s18, s19;
	s19 =	simm.s32 $0x100  }
0x10: {  	s12 =	sshrl.u32 s12, $0x3;
	s20 =	sshrl.u32 s11, $0x3;
	s13 =	sshrl.u32 s13, $0x3  }
0x11: {  	s14 =	sshrl.u32 s14, $0x3;
	s18 =	sshrl.u32 s18, $0x3;
	s31 =	sadd.s32 s30, s15  }
0x12: {  	s11 =	sadd.s32 s16, s12;
	s12 =	sadd.s32 s16, s20;
	s13 =	sadd.s32 s16, s13  }
0x13: {  	s14 =	sadd.s32 s16, s14;
	s15 =	sadd.s32 s16, s18;
	s16 =	smax.u32 s17, $0x1  }
0x14: {  	s17 =	sadd.s32 $0x4000, s31;
	s18 =	sadd.s32 $0x5DE00, s31;
	s20 =	simm.s32 $0x2  }
.LBB2_1:
0x15: {  	[tilespmem:s19], [sflag:$0x2] =	stream.linear.gather [hbm4b:s5+s4], $0x4000, $0x38;
	[tilespmem:$0x18100] =	vst v63  }
0x16: {  	_ =	swait.ge [sflag:s20], $0x4000  }
0x17: {  	[sflag:s20] =	ssyncset.done $0x0  }
0x18: {  	[sflag:s20] =	ssyncadd.s32 $0xFFFFC000  }
0x19: {  	[spmem:s6] =	stream.linear.scatter [tilespmem:s19], [sflag:$0x2], $0x4000, $0x38;
	[tilespmem:$0x18100] =	vst v63  }
0x1a: {  	_ =	swait.ge [sflag:s20], $0x4000  }
0x1b: {  	[sflag:s20] =	ssyncset.done $0x0  }
0x1c: {  	[sflag:s20] =	ssyncadd.s32 $0xFFFFC000  }
0x1d: {  	[spmem:s7] =	stream.linear.scatter [tilespmem:s19], [sflag:$0x2], $0x4000, $0x38;
	[tilespmem:$0x18100] =	vst v63  }
0x1e: {  	_ =	swait.ge [sflag:s20], $0x4000  }
0x1f: {  	[sflag:s20] =	ssyncset.done $0x0  }
0x20: {  	[sflag:s20] =	ssyncadd.s32 $0xFFFFC000  }
0x21: {  	[spmem:s8] =	stream.linear.scatter [tilespmem:s19], [sflag:$0x2], $0x4000, $0x38;
	[tilespmem:$0x18100] =	vst v63  }
0x22: {  	_ =	swait.ge [sflag:s20], $0x4000  }
0x23: {  	[sflag:s20] =	ssyncset.done $0x0  }
0x24: {  	[sflag:s20] =	ssyncadd.s32 $0xFFFFC000  }
0x25: {  	[spmem:s9] =	stream.linear.scatter [tilespmem:s19], [sflag:$0x2], $0x4000, $0x38;
	[tilespmem:$0x18100] =	vst v63  }
0x26: {  	_ =	swait.ge [sflag:s20], $0x4000  }
0x27: {  	[sflag:s20] =	ssyncset.done $0x0  }
0x28: {  	[sflag:s20] =	ssyncadd.s32 $0xFFFFC000  }
0x29: {  	[spmem:s10] =	stream.linear.scatter [tilespmem:s19], [sflag:$0x2], $0x4000, $0x38;
	[tilespmem:$0x18100] =	vst v63  }
0x2a: {  	_ =	swait.ge [sflag:s20], $0x4000  }
0x2b: {  	[sflag:s20] =	ssyncset.done $0x0  }
0x2c: {  	[sflag:s20] =	ssyncadd.s32 $0xFFFFC000  }
0x2d: {  	s24 =	sadd.s32 $0x0, s18;
	[bflag:$0x0] =	sbarrier.arrive $0xFFFF  }
0x2e: {  	[tilespmem:s4], [sflag:$0x2] =	stream.linear.gather [hbm4b:s24+s4], $0x80, $0x38;
	[tilespmem:$0x18100] =	vst v63  }
0x2f: {  	_ =	swait.ge [sflag:s20], $0x80  }
0x30: {  	[sflag:s20] =	ssyncset.done $0x0  }
0x31: {  	s31 =	sadd.s32 $0x0, s17;
	[sflag:s20] =	ssyncadd.s32 $0xFFFFFF80  }
0x32: {  	[tilespmem:s21], [sflag:$0x2] =	stream.linear.gather [hbm4b:s31+s4], $0x80, $0x38;
	[tilespmem:$0x18100] =	vst v63  }
0x33: {  	_ =	swait.ge [sflag:s20], $0x80  }
0x34: {  	[sflag:s20] =	ssyncset.done $0x0  }
0x35: {  	[sflag:s20] =	ssyncadd.s32 $0xFFFFFF80  }
0x36: {  	[tilespmem:s19], [sflag:$0x1] =	stream.indirect.gather [hbm4b:s1+s21], $0x80, s4, s21, $0xb8;
	[tilespmem:$0x18100] =	vst v63  }
0x37: {  	_ =	swait.ge [sflag:s22], $0x4000  }
0x38: {  	[sflag:s22] =	ssyncset.done $0x0  }
0x39: {  	[sflag:s22] =	ssyncadd.s32 $0xFFFFC000  }
0x3a: {  	[spmem:s2] =	stream.indirect.scatter.add.f32 [tilespmem:s19], [sflag:$0x2], $0x80, s21, s21, $0xb8;
	[tilespmem:$0x18100] =	vst v63  }
0x3b: {  	_ =	swait.ge [sflag:s20], $0x4000  }
0x3c: {  	s25 =	simm.s32 $0x20;
	s24 =	simm.s32 $0x10;
	[sflag:s20] =	ssyncset.done $0x0  }
.LBB2_2:
0x3d: {  	s26 =	sadd.s32 s24, s18  }
0x3e: {  	[sflag:s20] =	ssyncadd.s32 $0xFFFFC000;
	s28 =	smov.u32 s25;
	s29 =	sadd.s32 $0x10, s25  }
0x3f: {  	[tilespmem:s4], [sflag:$0x2] =	stream.linear.gather [hbm4b:s26+s4], $0x80, $0x38;
	[tilespmem:$0x18100] =	vst v63  }
0x40: {  	p0 =	sne.s32 s25, $0x4E0;
	_ =	swait.ge [sflag:s20], $0x80  }
0x41: {  	[sflag:s20] =	ssyncset.done $0x0  }
0x42: {  	s25 =	sadd.s32 s24, s17;
	s24 =	smov.u32 s28;
	[sflag:s20] =	ssyncadd.s32 $0xFFFFFF80  }
0x43: {  	[tilespmem:s21], [sflag:$0x2] =	stream.linear.gather [hbm4b:s25+s4], $0x80, $0x38;
	[tilespmem:$0x18100] =	vst v63  }
0x44: {  	_ =	swait.ge [sflag:s20], $0x80  }
0x45: {  	[sflag:s20] =	ssyncset.done $0x0  }
0x46: {  	[sflag:s20] =	ssyncadd.s32 $0xFFFFFF80  }
0x47: {  	[tilespmem:s19], [sflag:$0x1] =	stream.indirect.gather [hbm4b:s1+s21], $0x80, s4, s21, $0xb8;
	[tilespmem:$0x18100] =	vst v63  }
0x48: {  	_ =	swait.ge [sflag:s22], $0x4000  }
.Ltmp0:
0x49: {  	[sflag:s22] =	ssyncset.done $0x0;
	(pc) =	sbr.rel @p0 .LBB2_2-.Ltmp0, $4  }
0x4a: {  	[sflag:s22] =	ssyncadd.s32 $0xFFFFC000  }
0x4b: {  	[spmem:s2] =	stream.indirect.scatter.add.f32 [tilespmem:s19], [sflag:$0x2], $0x80, s21, s21, $0xb8;
	[tilespmem:$0x18100] =	vst v63  }
0x4c: {  	_ =	swait.ge [sflag:s20], $0x4000  }
0x4d: {  	s25 =	smov.u32 s29;
	[sflag:s20] =	ssyncset.done $0x0  }
0x4e: {  	s25 =	sadd.s32 s24, s18;
	[sflag:s20] =	ssyncadd.s32 $0xFFFFC000  }
0x4f: {  	[tilespmem:s4], [sflag:$0x2] =	stream.linear.gather [hbm4b:s25+s4], $0x80, $0x38;
	[tilespmem:$0x18100] =	vst v63  }
0x50: {  	_ =	swait.ge [sflag:s20], $0x80  }
0x51: {  	[sflag:s20] =	ssyncset.done $0x0  }
0x52: {  	s31 =	sadd.s32 s24, s17;
	[sflag:s20] =	ssyncadd.s32 $0xFFFFFF80  }
0x53: {  	[tilespmem:s21], [sflag:$0x2] =	stream.linear.gather [hbm4b:s31+s4], $0x80, $0x38;
	[tilespmem:$0x18100] =	vst v63  }
0x54: {  	_ =	swait.ge [sflag:s20], $0x80  }
0x55: {  	[sflag:s20] =	ssyncset.done $0x0  }
0x56: {  	[sflag:s20] =	ssyncadd.s32 $0xFFFFFF80  }
0x57: {  	[tilespmem:s19], [sflag:$0x1] =	stream.indirect.gather [hbm4b:s1+s21], $0x80, s4, s21, $0xb8;
	[tilespmem:$0x18100] =	vst v63  }
0x58: {  	_ =	swait.ge [sflag:s22], $0x4000  }
0x59: {  	[sflag:s22] =	ssyncset.done $0x0  }
0x5a: {  	[sflag:s22] =	ssyncadd.s32 $0xFFFFC000  }
0x5b: {  	[spmem:s2] =	stream.indirect.scatter.add.f32 [tilespmem:s19], [sflag:$0x2], $0x80, s21, s21, $0xb8;
	[tilespmem:$0x18100] =	vst v63  }
0x5c: {  	_ =	swait.ge [sflag:s20], $0x4000  }
0x5d: {  	[sflag:s20] =	ssyncset.done $0x0  }
0x5e: {  	[sflag:s20] =	ssyncadd.s32 $0xFFFFC000  }
0x5f: {  	[bflag:$0x0] =	sbarrier.arrive $0xFFFF  }
0x60: {  	[tilespmem:s19], [sflag:$0x2] =	stream.linear.gather [spmem:s6], $0x4000, $0x38;
	[tilespmem:$0x18100] =	vst v63  }
0x61: {  	_ =	swait.ge [sflag:s20], $0x4000  }
0x62: {  	[sflag:s20] =	ssyncset.done $0x0  }
0x63: {  	[sflag:s20] =	ssyncadd.s32 $0xFFFFC000  }
0x64: {  	[hbm4b:s11+s4] =	stream.linear.scatter [tilespmem:s19], [sflag:$0x2], $0x4000, $0x38;
	[tilespmem:$0x18100] =	vst v63  }
0x65: {  	_ =	swait.ge [sflag:s20], $0x4000  }
0x66: {  	[sflag:s20] =	ssyncset.done $0x0  }
0x67: {  	[sflag:s20] =	ssyncadd.s32 $0xFFFFC000  }
0x68: {  	[tilespmem:s19], [sflag:$0x2] =	stream.linear.gather [spmem:s7], $0x4000, $0x38;
	[tilespmem:$0x18100] =	vst v63  }
0x69: {  	_ =	swait.ge [sflag:s20], $0x4000  }
0x6a: {  	[sflag:s20] =	ssyncset.done $0x0  }
0x6b: {  	[sflag:s20] =	ssyncadd.s32 $0xFFFFC000  }
0x6c: {  	[hbm4b:s12+s4] =	stream.linear.scatter [tilespmem:s19], [sflag:$0x2], $0x4000, $0x38;
	[tilespmem:$0x18100] =	vst v63  }
0x6d: {  	_ =	swait.ge [sflag:s20], $0x4000  }
0x6e: {  	[sflag:s20] =	ssyncset.done $0x0  }
0x6f: {  	[sflag:s20] =	ssyncadd.s32 $0xFFFFC000  }
0x70: {  	[tilespmem:s19], [sflag:$0x2] =	stream.linear.gather [spmem:s8], $0x4000, $0x38;
	[tilespmem:$0x18100] =	vst v63  }
0x71: {  	_ =	swait.ge [sflag:s20], $0x4000  }
0x72: {  	[sflag:s20] =	ssyncset.done $0x0  }
0x73: {  	[sflag:s20] =	ssyncadd.s32 $0xFFFFC000  }
0x74: {  	[hbm4b:s13+s4] =	stream.linear.scatter [tilespmem:s19], [sflag:$0x2], $0x4000, $0x38;
	[tilespmem:$0x18100] =	vst v63  }
0x75: {  	_ =	swait.ge [sflag:s20], $0x4000  }
0x76: {  	[sflag:s20] =	ssyncset.done $0x0  }
0x77: {  	[sflag:s20] =	ssyncadd.s32 $0xFFFFC000  }
0x78: {  	[tilespmem:s19], [sflag:$0x2] =	stream.linear.gather [spmem:s9], $0x4000, $0x38;
	[tilespmem:$0x18100] =	vst v63  }
0x79: {  	_ =	swait.ge [sflag:s20], $0x4000  }
0x7a: {  	[sflag:s20] =	ssyncset.done $0x0  }
0x7b: {  	[sflag:s20] =	ssyncadd.s32 $0xFFFFC000  }
0x7c: {  	[hbm4b:s14+s4] =	stream.linear.scatter [tilespmem:s19], [sflag:$0x2], $0x4000, $0x38;
	[tilespmem:$0x18100] =	vst v63  }
0x7d: {  	_ =	swait.ge [sflag:s20], $0x4000  }
0x7e: {  	[sflag:s20] =	ssyncset.done $0x0  }
0x7f: {  	[sflag:s20] =	ssyncadd.s32 $0xFFFFC000  }
0x80: {  	[tilespmem:s19], [sflag:$0x2] =	stream.linear.gather [spmem:s10], $0x4000, $0x38;
	[tilespmem:$0x18100] =	vst v63  }
0x81: {  	s23 =	sadd.s32 $0x1, s23;
	_ =	swait.ge [sflag:s20], $0x4000  }
0x82: {  	p0 =	sne.s32 s23, s16;
	[sflag:s20] =	ssyncset.done $0x0  }
.Ltmp1:
0x83: {  	[sflag:s20] =	ssyncadd.s32 $0xFFFFC000;
	(pc) =	sbr.rel @p0 .LBB2_1-.Ltmp1, $4  }
0x84: {  	[hbm4b:s15+s4] =	stream.linear.scatter [tilespmem:s19], [sflag:$0x2], $0x4000, $0x38;
	[tilespmem:$0x18100] =	vst v63  }
0x85: {  	_ =	swait.ge [sflag:s20], $0x4000  }
0x86: {  	[sflag:s20] =	ssyncset.done $0x0  }
0x87: {  	[sflag:s20] =	ssyncadd.s32 $0xFFFFC000  }
0x88: {  	_ =	sfence.sel $0x180000  }
0x89: {  	[bflag:$0x0] =	sbarrier.arrive $0xFFFF  }
0x8a: {  	p0 =	sne.s32 s3, $0x0;
	_ =	strace $0x90000056  }
0x8b: {  	s0 =	sadd.s32 @!p0 $0x100000, s0;
	[bflag:$0x2] =	sbarrier.arrive $0xFFFF  }
0x8c: {  	[sflag:s0] =	ssyncadd.tile.s32 @!p0 $0x1;
	_ =	shalt  }
.Lfunc_end2:
_tile_overlayer_lowered:
.L_overlay_start_2:
0x8d: {  	(tag) =	ssettag $0x2  }
0x8e: {  	s0 =	rddreg [dreg:$0x0];
	s2 =	stileid.u32  }
0x8f: {  	s1 =	rddreg [dreg:$0x1];
	p0 =	sne.s32 s2, $0x0  }
0x90: {  	s3 =	rddreg [dreg:$0x2];
	[bflag:$0x3] =	sbarrier.arrive $0xFFFF;
	s2 =	simm.s32 @!p0 $0x1C02  }
0x91: {  	[timem:s3], [sflag:s2] =	dma.local @!p0 [hbm:s0], s1  }
0x92: {  	s0 =	simm.s32 @!p0 $0x2  }
0x93: {  	_ =	swait.ge @!p0 [sflag:s0], s1  }
0x94: {  	s1 =	ssub.s32 @!p0 $0x0, s1;
	[sflag:s0] =	ssyncset.done @!p0 $0x0  }
0x95: {  	[sflag:s0] =	ssyncadd.s32 @!p0 s1  }
0x96: {  	[bflag:$0x3] =	sbarrier.arrive $0xFFFF  }
0x97: {  	_ =	shalt  }

</sc_bundles>
